<compile_context>
chip_gen: v7x
topology: tpu7x:2x2x1
jax: 0.10.2.dev20260603
libtpu: 0.0.44.dev20260713+nightly
codegen_flags: <defaults>
</compile_context>

<pallas_src>
import functools

import jax
import jax.numpy as jnp
from jax.experimental import pallas as pl
from jax.experimental.pallas import tpu as pltpu
from jax.experimental.pallas import tpu_sc as plsc

_TEMP = 0.1
_TOPK = 32
_N = 4096
_D = 256
_BLK = 256
_NW = 32
_RPW = _N // _NW
_LANES = 16
_GROW = 8
_NGRP = _RPW // _GROW
_HALF = _N // 2
_SLOTS = 96
_LSTRIDE = 97
_CWORDS = _LANES * _LSTRIDE + _LANES
_NEG = float("-inf")


def _sim_kernel(xb_ref, xf_ref, sim_ref, lb_ref):
    raw = jax.lax.dot_general(
        xb_ref[...], xf_ref[...],
        dimension_numbers=(((1,), (1,)), ((), ())),
        preferred_element_type=jnp.float32,
    )
    sim_ref[...] = raw

    m = raw[:, 0:128]
    for c in range(1, 32):
        m = jnp.maximum(m, raw[:, c * 128:(c + 1) * 128])

    def knock_out(_, s):
        mx = jnp.max(s, axis=1, keepdims=True)
        return jnp.where(s >= mx, -jnp.inf, s)

    m = jax.lax.fori_loop(0, _TOPK - 1, knock_out, m)
    lb_ref[...] = jnp.max(m, axis=1, keepdims=True)


def _adj_kernel(sim_ref, tcol_ref, trow_ref, out_ref):
    raw = sim_ref[...]
    in_row = (raw >= tcol_ref[...]).astype(jnp.float32)
    in_col = (raw >= trow_ref[...]).astype(jnp.float32)
    out_ref[...] = (raw / jnp.float32(_TEMP)) * ((in_row + in_col) * 0.5)


def _u32_key(v):
    bu = plsc.bitcast(v, jnp.uint32)
    flip = jnp.where(bu >= jnp.uint32(0x80000000),
                     jnp.uint32(0xFFFFFFFF), jnp.uint32(0x80000000))
    return bu ^ flip


def _inv_key(k):
    flip = jnp.where(k >= jnp.uint32(0x80000000),
                     jnp.uint32(0x80000000), jnp.uint32(0xFFFFFFFF))
    return plsc.bitcast(k ^ flip, jnp.float32)


def _thr_sc_impl(rpw, ngrp, sim_hbm, lb_hbm, thr_hbm, buf0, buf1, cand_v,
                 key_v, lb_v, thr_v, sem0, sem1):
    wid = jax.lax.axis_index("s") * 2 + jax.lax.axis_index("c")
    base = wid * rpw

    iota = jax.lax.iota(jnp.int32, _LANES)
    rowsel = jnp.where(iota < _GROW, iota, 15 - iota)
    colaux = (iota >> 3) * _HALF
    lanebase = iota * _LSTRIDE
    neg16 = jnp.full((_LANES,), _NEG, jnp.float32)
    ones = jnp.full((_LANES,), 1, jnp.int32)
    zero16 = jnp.full((_LANES,), 0, jnp.int32)

    pltpu.async_copy(lb_hbm.at[pl.ds(base, rpw)], lb_v, sem0).wait()
    pltpu.async_copy(sim_hbm.at[pl.ds(base, _GROW)], buf0, sem0)

    def do_group(g, _):
        even = jax.lax.rem(g, 2) == 0

        @pl.when(g + 1 < ngrp)
        def _():
            nxt = pl.ds(base + (g + 1) * _GROW, _GROW)

            @pl.when(even)
            def _():
                pltpu.async_copy(sim_hbm.at[nxt], buf1, sem1)

            @pl.when(jnp.logical_not(even))
            def _():
                pltpu.async_copy(sim_hbm.at[nxt], buf0, sem0)

        def run(buf, sem):
            pltpu.make_async_copy(
                sim_hbm.at[pl.ds(base + g * _GROW, _GROW)], buf, sem).wait()
            L16 = plsc.load_gather(lb_v, [g * _GROW + rowsel])

            @plsc.parallel_loop(0, _CWORDS // _LANES, unroll=8)
            def _(p):
                cand_v[pl.ds(p * _LANES, _LANES)] = neg16

            _SUB = _SLOTS // 2

            @plsc.parallel_loop(0, _HALF // 2, unroll=4,
                                carry=(zero16, zero16))
            def _cidx2(j, carry):
                ca, cb = carry
                for (jj, cx, off) in ((2 * j, ca, 0), (2 * j + 1, cb, _SUB)):
                    col = jnp.bitwise_and(iota + jj, jnp.int32(_HALF - 1))
                    v = plsc.load_gather(buf, [rowsel, colaux + col])
                    m = v >= L16
                    addr = (lanebase + off
                            + jnp.minimum(cx, jnp.int32(_SUB - 1)))
                    plsc.store_scatter(cand_v, [addr], v, mask=m)
                    cx = cx + jnp.where(m, ones, zero16)
                    if off == 0:
                        ca = cx
                    else:
                        cb = cx
                return (ca, cb)

            cidxa, cidxb = _cidx2

            @plsc.parallel_loop(0, _CWORDS // _LANES, unroll=8)
            def _(q):
                s = pl.ds(q * _LANES, _LANES)
                key_v[s] = plsc.bitcast(_u32_key(cand_v[s]), jnp.int32)

            maxc = jnp.maximum(jnp.max(cidxa), jnp.max(cidxb))
            lo0 = _u32_key(L16)
            hi0 = jnp.full((_LANES,), jnp.uint32(0xFF7FFFFF))

            def bisect_cand(_b, lohi):
                lo, hi = lohi
                mid = lo + ((hi - lo + jnp.uint32(1)) >> 1)

                @plsc.parallel_loop(0, maxc, unroll=4, carry=zero16)
                def c(k, c):
                    ka = plsc.bitcast(
                        plsc.load_gather(key_v, [lanebase + k]), jnp.uint32)
                    kb = plsc.bitcast(
                        plsc.load_gather(key_v, [lanebase + _SUB + k]),
                        jnp.uint32)
                    return (c + jnp.where(ka >= mid, ones, zero16)
                            + jnp.where(kb >= mid, ones, zero16))
                c = c + jax.lax.rev(c, dimensions=(0,))
                good = c >= jnp.int32(_TOPK)
                return (jnp.where(good, mid, lo),
                        jnp.where(good, hi, mid - jnp.uint32(1)))

            def bisect_full(_b, lohi):
                lo, hi = lohi
                mid = lo + ((hi - lo + jnp.uint32(1)) >> 1)

                @plsc.parallel_loop(0, _HALF, unroll=4, carry=zero16)
                def c(j, c):
                    col = jnp.bitwise_and(iota + j, jnp.int32(_HALF - 1))
                    kv = _u32_key(
                        plsc.load_gather(buf, [rowsel, colaux + col]))
                    return c + jnp.where(kv >= mid, ones, zero16)
                c = c + jax.lax.rev(c, dimensions=(0,))
                good = c >= jnp.int32(_TOPK)
                return (jnp.where(good, mid, lo),
                        jnp.where(good, hi, mid - jnp.uint32(1)))

            def from_cand():
                lo, _hi = jax.lax.fori_loop(0, 32, bisect_cand, (lo0, hi0))
                return _inv_key(lo)

            def from_full():
                lo, _hi = jax.lax.fori_loop(0, 32, bisect_full, (lo0, hi0))
                return _inv_key(lo)

            return jax.lax.cond(maxc <= jnp.int32(_SUB),
                                from_cand, from_full)

        t16 = jax.lax.cond(even, lambda: run(buf0, sem0),
                           lambda: run(buf1, sem1))
        plsc.store_compressed(thr_v.at[pl.ds(g * _GROW, _LANES)], t16,
                              mask=iota < _GROW)
        return 0

    jax.lax.fori_loop(0, ngrp, do_group, 0)
    pltpu.sync_copy(thr_v.at[pl.ds(0, rpw)], thr_hbm.at[pl.ds(base, rpw)])


def _make_thr_sc(rows):
    rpw = rows // _NW
    ngrp = rpw // _GROW

    def body(sim_hbm, lb_hbm, thr_hbm, buf0, buf1, cand_v, key_v, lb_v,
             thr_v, sem0, sem1):
        _thr_sc_impl(rpw, ngrp, sim_hbm, lb_hbm, thr_hbm, buf0, buf1,
                     cand_v, key_v, lb_v, thr_v, sem0, sem1)

    return functools.partial(
        pl.kernel,
        out_type=jax.ShapeDtypeStruct((rows,), jnp.float32),
        mesh=plsc.VectorSubcoreMesh(core_axis_name="c",
                                    subcore_axis_name="s"),
        compiler_params=pltpu.CompilerParams(needs_layout_passes=False),
        scratch_types=[
            pltpu.VMEM((_GROW, _N), jnp.float32),
            pltpu.VMEM((_GROW, _N), jnp.float32),
            pltpu.VMEM((_CWORDS,), jnp.float32),
            pltpu.VMEM((_CWORDS,), jnp.int32),
            pltpu.VMEM((rpw,), jnp.float32),
            pltpu.VMEM((rpw + _LANES,), jnp.float32),
            pltpu.SemaphoreType.DMA,
            pltpu.SemaphoreType.DMA,
        ],
    )(body)


_thr_sc_half = _make_thr_sc(_N // 2)


def _adj_kernel2(sim_ref, tcol_ref, trow_ref, dummy_ref, out_ref):
    del dummy_ref
    _adj_kernel(sim_ref, tcol_ref, trow_ref, out_ref)


def kernel(x):
    half = _N // 2
    hblk = half // _BLK

    def sim_half(xh):
        return pl.pallas_call(
            _sim_kernel,
            grid=(hblk,),
            in_specs=[
                pl.BlockSpec((_BLK, _D), lambda i: (i, 0)),
                pl.BlockSpec((_N, _D), lambda i: (0, 0)),
            ],
            out_specs=[
                pl.BlockSpec((_BLK, _N), lambda i: (i, 0)),
                pl.BlockSpec((_BLK, 1), lambda i: (i, 0)),
            ],
            out_shape=[
                jax.ShapeDtypeStruct((half, _N), jnp.float32),
                jax.ShapeDtypeStruct((half, 1), jnp.float32),
            ],
        )(xh, x)

    sim0, lb0 = sim_half(x[:half])
    thr0 = _thr_sc_half(sim0, lb0.reshape(half))
    sim1, lb1 = sim_half(x[half:])
    thr1 = _thr_sc_half(sim1, lb1.reshape(half))

    trow = jnp.concatenate([thr0, thr1]).reshape(1, _N)

    adj0 = pl.pallas_call(
        _adj_kernel,
        grid=(hblk,),
        in_specs=[
            pl.BlockSpec((_BLK, _N), lambda i: (i, 0)),
            pl.BlockSpec((_BLK, 1), lambda i: (i, 0)),
            pl.BlockSpec((1, _N), lambda i: (0, 0)),
        ],
        out_specs=pl.BlockSpec((_BLK, _N), lambda i: (i, 0)),
        out_shape=jax.ShapeDtypeStruct((_N, _N), jnp.float32),
    )(sim0, thr0.reshape(half, 1), trow)

    adj = pl.pallas_call(
        _adj_kernel2,
        grid=(hblk,),
        in_specs=[
            pl.BlockSpec((_BLK, _N), lambda i: (i, 0)),
            pl.BlockSpec((_BLK, 1), lambda i: (i, 0)),
            pl.BlockSpec((1, _N), lambda i: (0, 0)),
            pl.BlockSpec(memory_space=pl.ANY),
        ],
        out_specs=pl.BlockSpec((_BLK, _N), lambda i: (i + hblk, 0)),
        out_shape=jax.ShapeDtypeStruct((_N, _N), jnp.float32),
        input_output_aliases={3: 0},
    )(sim1, thr1.reshape(half, 1), trow, adj0)
    return adj

# --- scband reference (transcript-rebuilt; emitter-appended) ---
"""Pipeline reference for scband-adaptive-graph-learner-790273982617 (READ-ONLY COPY).

The authoritative reference and input builder live on the scoring server;
editing this copy changes nothing except your own understanding.
"""

import jax, jax.numpy as jnp
import numpy as np

K = 32
TEMP = 0.1

def setup_inputs(seed: int = 0) -> dict:
    key = jax.random.key(seed)
    x = jax.random.normal(key, (4096, 256), dtype=jnp.float32)
    return {"x": x}

def reference(x):
    sim = jnp.matmul(x, x.T)
    sim = sim / TEMP
    values, indices = jax.lax.top_k(sim, K)
    n = sim.shape[0]
    row_ids = jnp.arange(n)[:, None]
    mask = jnp.zeros_like(sim).at[row_ids, indices].set(1.0)
    adj = sim * mask
    adj = (adj + adj.T) / 2.0
    return adj

if __name__ == "__main__":
    import jax
    _d = setup_inputs()
    print(jax.jit(kernel)(*tuple(_d.values())))

</pallas_src>

<mosaic_0001>
#map = affine_map<(d0, d1) -> (0, 0)>
#map1 = affine_map<(d0, d1) -> (0)>
module attributes {stable_mosaic.version = 14 : i64} {
  func.func @body(%arg0: i32, %arg1: i32, %arg2: memref<2048x4096xf32, #tpu.memory_space<hbm>>, %arg3: memref<2048xf32, #tpu.memory_space<hbm>>, %arg4: memref<2048xf32, #tpu.memory_space<hbm>>, %arg5: memref<8x4096xf32, #tpu.memory_space<vmem>>, %arg6: memref<8x4096xf32, #tpu.memory_space<vmem>>, %arg7: memref<1568xf32, #tpu.memory_space<vmem>>, %arg8: memref<1568xi32, #tpu.memory_space<vmem>>, %arg9: memref<64xf32, #tpu.memory_space<vmem>>, %arg10: memref<80xf32, #tpu.memory_space<vmem>>, %arg11: memref<!tpu.dma_semaphore, #tpu.memory_space<semaphore_mem>>, %arg12: memref<!tpu.dma_semaphore, #tpu.memory_space<semaphore_mem>>) attributes {dimension_semantics = [#tpu.dimension_semantics<core_parallel>, #tpu.dimension_semantics<subcore_parallel>], iteration_bounds = array<i64: 2, 16>, scalar_prefetch = 0 : i64, scratch_operands = 8 : i64, tpu.core_type = #tpu.core_type<sc_vector_subcore>, window_params = [{transform_indices = #map}, {transform_indices = #map1}, {transform_indices = #map1}]} {
    %mul3A = arith.constant 2 : i32
    %mul3A_0 = arith.muli %arg1, %mul3A : i32
    %add3A = arith.addi %mul3A_0, %arg0 : i32
    %mul3A_1 = arith.constant 64 : i32
    %mul3A_2 = arith.muli %add3A, %mul3A_1 : i32
    %iota3A = tpu.iota {dimensions = array<i32: 0>} : vector<16xi32>
    %lt3A = arith.constant 8 : i32
    %lt3A_3 = vector.broadcast %lt3A : i32 to vector<16xi32>
    %lt3A_4 = arith.cmpi slt, %iota3A, %lt3A_3 : vector<16xi32>
    %sub3A = arith.constant 15 : i32
    %sub3A_5 = vector.broadcast %sub3A : i32 to vector<16xi32>
    %sub3A_6 = arith.subi %sub3A_5, %iota3A : vector<16xi32>
    %select_n3A = arith.select %lt3A_4, %iota3A, %sub3A_6 : vector<16xi1>, vector<16xi32>
    %shift_right_arithmetic3A = arith.constant 3 : i32
    %shift_right_arithmetic3A_7 = vector.broadcast %shift_right_arithmetic3A : i32 to vector<16xi32>
    %shift_right_arithmetic3A_8 = arith.shrsi %iota3A, %shift_right_arithmetic3A_7 : vector<16xi32>
    %mul3A_9 = arith.constant 2048 : i32
    %mul3A_10 = vector.broadcast %mul3A_9 : i32 to vector<16xi32>
    %mul3A_11 = arith.muli %shift_right_arithmetic3A_8, %mul3A_10 : vector<16xi32>
    %mul3A_12 = arith.constant 97 : i32
    %mul3A_13 = vector.broadcast %mul3A_12 : i32 to vector<16xi32>
    %mul3A_14 = arith.muli %iota3A, %mul3A_13 : vector<16xi32>
    %broadcast_in_dim3A = arith.constant 0xFF800000 : f32
    %broadcast_in_dim3A_15 = vector.broadcast %broadcast_in_dim3A : f32 to vector<16xf32>
    %broadcast_in_dim3A_16 = arith.constant 1 : i32
    %broadcast_in_dim3A_17 = vector.broadcast %broadcast_in_dim3A_16 : i32 to vector<16xi32>
    %broadcast_in_dim3A_18 = arith.constant 0 : i32
    %broadcast_in_dim3A_19 = vector.broadcast %broadcast_in_dim3A_18 : i32 to vector<16xi32>
    %dma_start3A = tpu.memref_slice %arg3[%mul3A_2] : memref<2048xf32, #tpu.memory_space<hbm>> -> memref<64xf32, #tpu.memory_space<hbm>>
    %dma_start3A_20 = tpu.memref_slice %arg3[%mul3A_2] : memref<2048xf32, #tpu.memory_space<hbm>> -> memref<64xf32, #tpu.memory_space<hbm>>
    tpu.enqueue_dma source(%dma_start3A_20 : memref<64xf32, #tpu.memory_space<hbm>>) target(%arg9 : memref<64xf32, #tpu.memory_space<vmem>>) target_semaphore(%arg11 : memref<!tpu.dma_semaphore, #tpu.memory_space<semaphore_mem>>)
    %dma_wait3A = tpu.memref_slice %arg3[%mul3A_2] : memref<2048xf32, #tpu.memory_space<hbm>> -> memref<64xf32, #tpu.memory_space<hbm>>
    %dma_wait3A_21 = tpu.memref_slice %arg3[%mul3A_2] : memref<2048xf32, #tpu.memory_space<hbm>> -> memref<64xf32, #tpu.memory_space<hbm>>
    tpu.wait_dma2 semaphore(%arg11 : memref<!tpu.dma_semaphore, #tpu.memory_space<semaphore_mem>>) src(%dma_wait3A_21 : memref<64xf32, #tpu.memory_space<hbm>>) dst(%arg9 : memref<64xf32, #tpu.memory_space<vmem>>)
    %dma_start3A_22 = arith.constant 0 : i32
    %dma_start3A_23 = tpu.memref_slice %arg2[%mul3A_2, %dma_start3A_22] : memref<2048x4096xf32, #tpu.memory_space<hbm>> -> memref<8x4096xf32, #tpu.memory_space<hbm>>
    %dma_start3A_24 = arith.constant 0 : i32
    %dma_start3A_25 = tpu.memref_slice %arg2[%mul3A_2, %dma_start3A_24] : memref<2048x4096xf32, #tpu.memory_space<hbm>> -> memref<8x4096xf32, #tpu.memory_space<hbm>>
    tpu.enqueue_dma source(%dma_start3A_25 : memref<8x4096xf32, #tpu.memory_space<hbm>>) target(%arg5 : memref<8x4096xf32, #tpu.memory_space<vmem>>) target_semaphore(%arg11 : memref<!tpu.dma_semaphore, #tpu.memory_space<semaphore_mem>>)
    %scan3A = arith.constant 0 : i32
    %scan3A_26 = arith.constant 0 : i32
    %scan3A_27 = arith.constant 8 : i32
    %scan3A_28 = arith.addi %scan3A_26, %scan3A_27 : i32
    %scan3A_29 = arith.constant 1 : i32
    %scan3A_30 = scf.for %scan3A_32 = %scan3A_26 to %scan3A_28 step %scan3A_29 iter_args(%scan3A_33 = %scan3A) -> (i32)  : i32 {
      %rem3A = arith.constant 2 : i32
      %rem3A_34 = arith.remsi %scan3A_32, %rem3A : i32
      %eq3A = arith.constant 0 : i32
      %eq3A_35 = arith.cmpi eq, %rem3A_34, %eq3A : i32
      %add3A_36 = arith.constant 1 : i32
      %add3A_37 = arith.addi %scan3A_32, %add3A_36 : i32
      %lt3A_38 = arith.constant 8 : i32
      %lt3A_39 = arith.cmpi slt, %add3A_37, %lt3A_38 : i32
      %convert_element_type3A = arith.extui %lt3A_39 : i1 to i32
      %cond3A = arith.constant 0 : i32
      %cond3A_40 = arith.cmpi ne, %convert_element_type3A, %cond3A : i32
      scf.if %cond3A_40 {
        %add3A_52 = arith.constant 1 : i32
        %add3A_53 = arith.addi %scan3A_32, %add3A_52 : i32
        %mul3A_54 = arith.constant 8 : i32
        %mul3A_55 = arith.muli %add3A_53, %mul3A_54 : i32
        %add3A_56 = arith.addi %mul3A_2, %mul3A_55 : i32
        %convert_element_type3A_57 = arith.extui %eq3A_35 : i1 to i32
        %cond3A_58 = arith.constant 0 : i32
        %cond3A_59 = arith.cmpi ne, %convert_element_type3A_57, %cond3A_58 : i32
        scf.if %cond3A_59 {
          %dma_start3A_64 = arith.constant 0 : i32
          %dma_start3A_65 = tpu.memref_slice %arg2[%add3A_56, %dma_start3A_64] : memref<2048x4096xf32, #tpu.memory_space<hbm>> -> memref<8x4096xf32, #tpu.memory_space<hbm>>
          %dma_start3A_66 = arith.constant 0 : i32
          %dma_start3A_67 = tpu.memref_slice %arg2[%add3A_56, %dma_start3A_66] : memref<2048x4096xf32, #tpu.memory_space<hbm>> -> memref<8x4096xf32, #tpu.memory_space<hbm>>
          tpu.enqueue_dma source(%dma_start3A_67 : memref<8x4096xf32, #tpu.memory_space<hbm>>) target(%arg6 : memref<8x4096xf32, #tpu.memory_space<vmem>>) target_semaphore(%arg12 : memref<!tpu.dma_semaphore, #tpu.memory_space<semaphore_mem>>)
        } else {
        }
        %not3A = arith.constant true
        %not3A_60 = arith.xori %eq3A_35, %not3A : i1
        %convert_element_type3A_61 = arith.extui %not3A_60 : i1 to i32
        %cond3A_62 = arith.constant 0 : i32
        %cond3A_63 = arith.cmpi ne, %convert_element_type3A_61, %cond3A_62 : i32
        scf.if %cond3A_63 {
          %dma_start3A_64 = arith.constant 0 : i32
          %dma_start3A_65 = tpu.memref_slice %arg2[%add3A_56, %dma_start3A_64] : memref<2048x4096xf32, #tpu.memory_space<hbm>> -> memref<8x4096xf32, #tpu.memory_space<hbm>>
          %dma_start3A_66 = arith.constant 0 : i32
          %dma_start3A_67 = tpu.memref_slice %arg2[%add3A_56, %dma_start3A_66] : memref<2048x4096xf32, #tpu.memory_space<hbm>> -> memref<8x4096xf32, #tpu.memory_space<hbm>>
          tpu.enqueue_dma source(%dma_start3A_67 : memref<8x4096xf32, #tpu.memory_space<hbm>>) target(%arg5 : memref<8x4096xf32, #tpu.memory_space<vmem>>) target_semaphore(%arg11 : memref<!tpu.dma_semaphore, #tpu.memory_space<semaphore_mem>>)
        } else {
        }
      } else {
      }
      %convert_element_type3A_41 = arith.extui %eq3A_35 : i1 to i32
      %cond3A_42 = arith.constant 0 : i32
      %cond3A_43 = arith.cmpi ne, %convert_element_type3A_41, %cond3A_42 : i32
      %cond3A_44 = scf.if %cond3A_43 -> (vector<16xf32>) {
        %mul3A_52 = arith.constant 8 : i32
        %mul3A_53 = arith.muli %scan3A_32, %mul3A_52 : i32
        %add3A_54 = arith.addi %mul3A_2, %mul3A_53 : i32
        %dma_wait3A_55 = arith.constant 0 : i32
        %dma_wait3A_56 = tpu.memref_slice %arg2[%add3A_54, %dma_wait3A_55] : memref<2048x4096xf32, #tpu.memory_space<hbm>> -> memref<8x4096xf32, #tpu.memory_space<hbm>>
        %dma_wait3A_57 = arith.constant 0 : i32
        %dma_wait3A_58 = tpu.memref_slice %arg2[%add3A_54, %dma_wait3A_57] : memref<2048x4096xf32, #tpu.memory_space<hbm>> -> memref<8x4096xf32, #tpu.memory_space<hbm>>
        tpu.wait_dma2 semaphore(%arg11 : memref<!tpu.dma_semaphore, #tpu.memory_space<semaphore_mem>>) src(%dma_wait3A_58 : memref<8x4096xf32, #tpu.memory_space<hbm>>) dst(%arg5 : memref<8x4096xf32, #tpu.memory_space<vmem>>)
        %mul3A_59 = arith.constant 8 : i32
        %mul3A_60 = arith.muli %scan3A_32, %mul3A_59 : i32
        %add3A_61 = vector.broadcast %mul3A_60 : i32 to vector<16xi32>
        %add3A_62 = arith.addi %add3A_61, %select_n3A : vector<16xi32>
        %gather3A = tpu.vector_load_idx %arg9[%add3A_62] : memref<64xf32, #tpu.memory_space<vmem>>[vector<16xi32>], vector<16xf32>,
        %parallel_loop3A = arith.constant 0 : i32
        %parallel_loop3A_63 = arith.constant 98 : i32
        %parallel_loop3A_64 = arith.constant 1 : i32
        scf.for %parallel_loop3A_100 = %parallel_loop3A to %parallel_loop3A_63 step %parallel_loop3A_64  : i32 {
          %parallel_loop3A_101 = arith.constant 16 : i32
          %parallel_loop3A_102 = arith.muli %parallel_loop3A_100, %parallel_loop3A_101 : i32
          %parallel_loop3A_103 = arith.index_cast %parallel_loop3A_102 : i32 to index
          %parallel_loop3A_104 = tpu.vector_load %arg7[%parallel_loop3A_103] {strides = array<i32>} : memref<1568xf32, #tpu.memory_space<vmem>>, vector<16xf32>,
          tpu.vector_store %arg7[%parallel_loop3A_103], %broadcast_in_dim3A_15 {strides = array<i32>} : memref<1568xf32, #tpu.memory_space<vmem>>, vector<16xf32>,
        } {sc.loop_unroll_factor = 8 : i64, sc.parallel_access}
        %parallel_loop3A_65 = arith.constant 0 : i32
        %parallel_loop3A_66 = arith.constant 1024 : i32
        %parallel_loop3A_67 = arith.constant 1 : i32
        %parallel_loop3A_68:2 = scf.for %parallel_loop3A_100 = %parallel_loop3A_65 to %parallel_loop3A_66 step %parallel_loop3A_67 iter_args(%parallel_loop3A_101 = %broadcast_in_dim3A_19, %parallel_loop3A_102 = %broadcast_in_dim3A_19) -> (vector<16xi32>, vector<16xi32>)  : i32 {
          %parallel_loop3A_103 = arith.constant 2 : i32
          %parallel_loop3A_104 = arith.muli %parallel_loop3A_103, %parallel_loop3A_100 : i32
          %parallel_loop3A_105 = arith.constant 2 : i32
          %parallel_loop3A_106 = arith.muli %parallel_loop3A_105, %parallel_loop3A_100 : i32
          %parallel_loop3A_107 = arith.constant 1 : i32
          %parallel_loop3A_108 = arith.addi %parallel_loop3A_106, %parallel_loop3A_107 : i32
          %parallel_loop3A_109 = vector.broadcast %parallel_loop3A_104 : i32 to vector<16xi32>
          %parallel_loop3A_110 = arith.addi %iota3A, %parallel_loop3A_109 : vector<16xi32>
          %parallel_loop3A_111 = arith.constant 2047 : i32
          %parallel_loop3A_112 = vector.broadcast %parallel_loop3A_111 : i32 to vector<16xi32>
          %parallel_loop3A_113 = arith.andi %parallel_loop3A_110, %parallel_loop3A_112 : vector<16xi32>
          %parallel_loop3A_114 = arith.addi %mul3A_11, %parallel_loop3A_113 : vector<16xi32>
          %parallel_loop3A_115 = tpu.vector_load_idx %arg5[%select_n3A, %parallel_loop3A_114] : memref<8x4096xf32, #tpu.memory_space<vmem>>[vector<16xi32>, vector<16xi32>], vector<16xf32>,
          %parallel_loop3A_116 = arith.cmpf oge, %parallel_loop3A_115, %gather3A : vector<16xf32>
          %parallel_loop3A_117 = arith.constant 0 : i32
          %parallel_loop3A_118 = vector.broadcast %parallel_loop3A_117 : i32 to vector<16xi32>
          %parallel_loop3A_119 = arith.addi %mul3A_14, %parallel_loop3A_118 : vector<16xi32>
          %parallel_loop3A_120 = arith.constant 47 : i32
          %parallel_loop3A_121 = vector.broadcast %parallel_loop3A_120 : i32 to vector<16xi32>
          %parallel_loop3A_122 = arith.minsi %parallel_loop3A_101, %parallel_loop3A_121 : vector<16xi32>
          %parallel_loop3A_123 = arith.addi %parallel_loop3A_119, %parallel_loop3A_122 : vector<16xi32>
          tpu.vector_store_idx %arg7[%parallel_loop3A_123], %parallel_loop3A_115 masked %parallel_loop3A_116 : memref<1568xf32, #tpu.memory_space<vmem>>[vector<16xi32>], vector<16xf32>, vector<16xi1>
          %parallel_loop3A_124 = arith.select %parallel_loop3A_116, %broadcast_in_dim3A_17, %broadcast_in_dim3A_19 : vector<16xi1>, vector<16xi32>
          %parallel_loop3A_125 = arith.addi %parallel_loop3A_101, %parallel_loop3A_124 : vector<16xi32>
          %parallel_loop3A_126 = vector.broadcast %parallel_loop3A_108 : i32 to vector<16xi32>
          %parallel_loop3A_127 = arith.addi %iota3A, %parallel_loop3A_126 : vector<16xi32>
          %parallel_loop3A_128 = arith.constant 2047 : i32
          %parallel_loop3A_129 = vector.broadcast %parallel_loop3A_128 : i32 to vector<16xi32>
          %parallel_loop3A_130 = arith.andi %parallel_loop3A_127, %parallel_loop3A_129 : vector<16xi32>
          %parallel_loop3A_131 = arith.addi %mul3A_11, %parallel_loop3A_130 : vector<16xi32>
          %parallel_loop3A_132 = tpu.vector_load_idx %arg5[%select_n3A, %parallel_loop3A_131] : memref<8x4096xf32, #tpu.memory_space<vmem>>[vector<16xi32>, vector<16xi32>], vector<16xf32>,
          %parallel_loop3A_133 = arith.cmpf oge, %parallel_loop3A_132, %gather3A : vector<16xf32>
          %parallel_loop3A_134 = arith.constant 48 : i32
          %parallel_loop3A_135 = vector.broadcast %parallel_loop3A_134 : i32 to vector<16xi32>
          %parallel_loop3A_136 = arith.addi %mul3A_14, %parallel_loop3A_135 : vector<16xi32>
          %parallel_loop3A_137 = arith.constant 47 : i32
          %parallel_loop3A_138 = vector.broadcast %parallel_loop3A_137 : i32 to vector<16xi32>
          %parallel_loop3A_139 = arith.minsi %parallel_loop3A_102, %parallel_loop3A_138 : vector<16xi32>
          %parallel_loop3A_140 = arith.addi %parallel_loop3A_136, %parallel_loop3A_139 : vector<16xi32>
          tpu.vector_store_idx %arg7[%parallel_loop3A_140], %parallel_loop3A_132 masked %parallel_loop3A_133 : memref<1568xf32, #tpu.memory_space<vmem>>[vector<16xi32>], vector<16xf32>, vector<16xi1>
          %parallel_loop3A_141 = arith.select %parallel_loop3A_133, %broadcast_in_dim3A_17, %broadcast_in_dim3A_19 : vector<16xi1>, vector<16xi32>
          %parallel_loop3A_142 = arith.addi %parallel_loop3A_102, %parallel_loop3A_141 : vector<16xi32>
          scf.yield %parallel_loop3A_125, %parallel_loop3A_142 : vector<16xi32>, vector<16xi32>
        } {sc.loop_unroll_factor = 4 : i64, sc.parallel_access}
        %parallel_loop3A_69 = arith.constant 0 : i32
        %parallel_loop3A_70 = arith.constant 98 : i32
        %parallel_loop3A_71 = arith.constant 1 : i32
        scf.for %parallel_loop3A_100 = %parallel_loop3A_69 to %parallel_loop3A_70 step %parallel_loop3A_71  : i32 {
          %parallel_loop3A_101 = arith.constant 16 : i32
          %parallel_loop3A_102 = arith.muli %parallel_loop3A_100, %parallel_loop3A_101 : i32
          %parallel_loop3A_103 = arith.index_cast %parallel_loop3A_102 : i32 to index
          %parallel_loop3A_104 = tpu.vector_load %arg7[%parallel_loop3A_103] {strides = array<i32>} : memref<1568xf32, #tpu.memory_space<vmem>>, vector<16xf32>,
          %parallel_loop3A_105 = vector.bitcast %parallel_loop3A_104 : vector<16xf32> to vector<16xi32>
          %parallel_loop3A_106 = arith.constant -2147483648 : i32
          %parallel_loop3A_107 = vector.broadcast %parallel_loop3A_106 : i32 to vector<16xi32>
          %parallel_loop3A_108 = arith.cmpi uge, %parallel_loop3A_105, %parallel_loop3A_107 : vector<16xi32>
          %parallel_loop3A_109 = arith.constant -1 : i32
          %parallel_loop3A_110 = arith.constant -2147483648 : i32
          %parallel_loop3A_111 = vector.broadcast %parallel_loop3A_109 : i32 to vector<16xi32>
          %parallel_loop3A_112 = vector.broadcast %parallel_loop3A_110 : i32 to vector<16xi32>
          %parallel_loop3A_113 = arith.select %parallel_loop3A_108, %parallel_loop3A_111, %parallel_loop3A_112 : vector<16xi1>, vector<16xi32>
          %parallel_loop3A_114 = arith.xori %parallel_loop3A_105, %parallel_loop3A_113 : vector<16xi32>
          %parallel_loop3A_115 = vector.bitcast %parallel_loop3A_114 : vector<16xi32> to vector<16xi32>
          %parallel_loop3A_116 = arith.index_cast %parallel_loop3A_102 : i32 to index
          %parallel_loop3A_117 = tpu.vector_load %arg8[%parallel_loop3A_116] {strides = array<i32>} : memref<1568xi32, #tpu.memory_space<vmem>>, vector<16xi32>,
          tpu.vector_store %arg8[%parallel_loop3A_116], %parallel_loop3A_115 {strides = array<i32>} : memref<1568xi32, #tpu.memory_space<vmem>>, vector<16xi32>,
        } {sc.loop_unroll_factor = 8 : i64, sc.parallel_access}
        %reduce_max3A = arith.constant true
        %reduce_max3A_72 = vector.broadcast %reduce_max3A : i1 to vector<16xi1>
        %reduce_max3A_73 = arith.constant -2147483648 : i32
        %reduce_max3A_74 = vector.broadcast %reduce_max3A_73 : i32 to vector<16xi32>
        %reduce_max3A_75 = arith.xori %parallel_loop3A_68#0, %reduce_max3A_74 : vector<16xi32>
        %reduce_max3A_76 = tpu.scan <max>, %reduce_max3A_75 masked %reduce_max3A_72 : vector<16xi32>, vector<16xi1> -> vector<16xi32>
        %reduce_max3A_77 = arith.xori %reduce_max3A_76, %reduce_max3A_74 : vector<16xi32>
        %reduce_max3A_78 = vector.extract %reduce_max3A_77[15] : i32 from vector<16xi32>
        %reduce_max3A_79 = arith.constant true
        %reduce_max3A_80 = vector.broadcast %reduce_max3A_79 : i1 to vector<16xi1>
        %reduce_max3A_81 = arith.constant -2147483648 : i32
        %reduce_max3A_82 = vector.broadcast %reduce_max3A_81 : i32 to vector<16xi32>
        %reduce_max3A_83 = arith.xori %parallel_loop3A_68#1, %reduce_max3A_82 : vector<16xi32>
        %reduce_max3A_84 = tpu.scan <max>, %reduce_max3A_83 masked %reduce_max3A_80 : vector<16xi32>, vector<16xi1> -> vector<16xi32>
        %reduce_max3A_85 = arith.xori %reduce_max3A_84, %reduce_max3A_82 : vector<16xi32>
        %reduce_max3A_86 = vector.extract %reduce_max3A_85[15] : i32 from vector<16xi32>
        %max3A = arith.maxsi %reduce_max3A_78, %reduce_max3A_86 : i32
        %bitcast3A = vector.bitcast %gather3A : vector<16xf32> to vector<16xi32>
        %ge3A = arith.constant -2147483648 : i32
        %ge3A_87 = vector.broadcast %ge3A : i32 to vector<16xi32>
        %ge3A_88 = arith.cmpi uge, %bitcast3A, %ge3A_87 : vector<16xi32>
        %jit3A = arith.constant -1 : i32
        %jit3A_89 = arith.constant -2147483648 : i32
        %broadcast_in_dim3A_90 = vector.broadcast %jit3A : i32 to vector<16xi32>
        %broadcast_in_dim3A_91 = vector.broadcast %jit3A_89 : i32 to vector<16xi32>
        %select_n3A_92 = arith.select %ge3A_88, %broadcast_in_dim3A_90, %broadcast_in_dim3A_91 : vector<16xi1>, vector<16xi32>
        %xor3A = arith.xori %bitcast3A, %select_n3A_92 : vector<16xi32>
        %broadcast_in_dim3A_93 = arith.constant -8388609 : i32
        %broadcast_in_dim3A_94 = vector.broadcast %broadcast_in_dim3A_93 : i32 to vector<16xi32>
        %le3A = arith.constant 48 : i32
        %le3A_95 = arith.cmpi sle, %max3A, %le3A : i32
        %convert_element_type3A_96 = arith.extui %le3A_95 : i1 to i32
        %cond3A_97 = arith.constant 0 : i32
        %cond3A_98 = arith.cmpi ne, %convert_element_type3A_96, %cond3A_97 : i32
        %cond3A_99 = scf.if %cond3A_98 -> (vector<16xf32>) {
          %scan3A_100 = arith.constant 0 : i32
          %scan3A_101 = arith.constant 32 : i32
          %scan3A_102 = arith.addi %scan3A_100, %scan3A_101 : i32
          %scan3A_103 = arith.constant 1 : i32
          %scan3A_104:2 = scf.for %scan3A_116 = %scan3A_100 to %scan3A_102 step %scan3A_103 iter_args(%scan3A_117 = %xor3A, %scan3A_118 = %broadcast_in_dim3A_94) -> (vector<16xi32>, vector<16xi32>)  : i32 {
            %sub3A_119 = arith.subi %scan3A_118, %scan3A_117 : vector<16xi32>
            %add3A_120 = arith.constant 1 : i32
            %add3A_121 = vector.broadcast %add3A_120 : i32 to vector<16xi32>
            %add3A_122 = arith.addi %sub3A_119, %add3A_121 : vector<16xi32>
            %shift_right_logical3A = arith.constant 1 : i32
            %shift_right_logical3A_123 = vector.broadcast %shift_right_logical3A : i32 to vector<16xi32>
            %shift_right_logical3A_124 = arith.shrui %add3A_122, %shift_right_logical3A_123 : vector<16xi32>
            %add3A_125 = arith.addi %scan3A_117, %shift_right_logical3A_124 : vector<16xi32>
            %parallel_loop3A_126 = arith.constant 0 : i32
            %parallel_loop3A_127 = arith.constant 1 : i32
            %parallel_loop3A_128 = scf.for %parallel_loop3A_142 = %parallel_loop3A_126 to %max3A step %parallel_loop3A_127 iter_args(%parallel_loop3A_143 = %broadcast_in_dim3A_19) -> (vector<16xi32>)  : i32 {
              %parallel_loop3A_144 = vector.broadcast %parallel_loop3A_142 : i32 to vector<16xi32>
              %parallel_loop3A_145 = arith.addi %mul3A_14, %parallel_loop3A_144 : vector<16xi32>
              %parallel_loop3A_146 = tpu.vector_load_idx %arg8[%parallel_loop3A_145] : memref<1568xi32, #tpu.memory_space<vmem>>[vector<16xi32>], vector<16xi32>,
              %parallel_loop3A_147 = vector.bitcast %parallel_loop3A_146 : vector<16xi32> to vector<16xi32>
              %parallel_loop3A_148 = arith.constant 48 : i32
              %parallel_loop3A_149 = vector.broadcast %parallel_loop3A_148 : i32 to vector<16xi32>
              %parallel_loop3A_150 = arith.addi %mul3A_14, %parallel_loop3A_149 : vector<16xi32>
              %parallel_loop3A_151 = vector.broadcast %parallel_loop3A_142 : i32 to vector<16xi32>
              %parallel_loop3A_152 = arith.addi %parallel_loop3A_150, %parallel_loop3A_151 : vector<16xi32>
              %parallel_loop3A_153 = tpu.vector_load_idx %arg8[%parallel_loop3A_152] : memref<1568xi32, #tpu.memory_space<vmem>>[vector<16xi32>], vector<16xi32>,
              %parallel_loop3A_154 = vector.bitcast %parallel_loop3A_153 : vector<16xi32> to vector<16xi32>
              %parallel_loop3A_155 = arith.cmpi uge, %parallel_loop3A_147, %add3A_125 : vector<16xi32>
              %parallel_loop3A_156 = arith.select %parallel_loop3A_155, %broadcast_in_dim3A_17, %broadcast_in_dim3A_19 : vector<16xi1>, vector<16xi32>
              %parallel_loop3A_157 = arith.addi %parallel_loop3A_143, %parallel_loop3A_156 : vector<16xi32>
              %parallel_loop3A_158 = arith.cmpi uge, %parallel_loop3A_154, %add3A_125 : vector<16xi32>
              %parallel_loop3A_159 = arith.select %parallel_loop3A_158, %broadcast_in_dim3A_17, %broadcast_in_dim3A_19 : vector<16xi1>, vector<16xi32>
              %parallel_loop3A_160 = arith.addi %parallel_loop3A_157, %parallel_loop3A_159 : vector<16xi32>
              scf.yield %parallel_loop3A_160 : vector<16xi32>
            } {sc.loop_unroll_factor = 4 : i64, sc.parallel_access}
            %rev3A = arith.constant 15 : i32
            %rev3A_129 = vector.broadcast %rev3A : i32 to vector<16xi32>
            %rev3A_130 = tpu.iota {dimensions = array<i32: 0>} : vector<16xi32>
            %rev3A_131 = arith.subi %rev3A_129, %rev3A_130 : vector<16xi32>
            %rev3A_132 = tpu.dynamic_gather %parallel_loop3A_128[%rev3A_131] in [0] : vector<16xi32>, vector<16xi32> -> vector<16xi32>
            %add3A_133 = arith.addi %parallel_loop3A_128, %rev3A_132 : vector<16xi32>
            %ge3A_134 = arith.constant 32 : i32
            %ge3A_135 = vector.broadcast %ge3A_134 : i32 to vector<16xi32>
            %ge3A_136 = arith.cmpi sge, %add3A_133, %ge3A_135 : vector<16xi32>
            %select_n3A_137 = arith.select %ge3A_136, %add3A_125, %scan3A_117 : vector<16xi1>, vector<16xi32>
            %sub3A_138 = arith.constant 1 : i32
            %sub3A_139 = vector.broadcast %sub3A_138 : i32 to vector<16xi32>
            %sub3A_140 = arith.subi %add3A_125, %sub3A_139 : vector<16xi32>
            %select_n3A_141 = arith.select %ge3A_136, %scan3A_118, %sub3A_140 : vector<16xi1>, vector<16xi32>
            scf.yield %select_n3A_137, %select_n3A_141 : vector<16xi32>, vector<16xi32>
          }
          %scan3A_105 = arith.constant 32 : i32
          %ge3A_106 = arith.constant -2147483648 : i32
          %ge3A_107 = vector.broadcast %ge3A_106 : i32 to vector<16xi32>
          %ge3A_108 = arith.cmpi uge, %scan3A_104#0, %ge3A_107 : vector<16xi32>
          %jit3A_109 = arith.constant -2147483648 : i32
          %jit3A_110 = arith.constant -1 : i32
          %broadcast_in_dim3A_111 = vector.broadcast %jit3A_109 : i32 to vector<16xi32>
          %broadcast_in_dim3A_112 = vector.broadcast %jit3A_110 : i32 to vector<16xi32>
          %select_n3A_113 = arith.select %ge3A_108, %broadcast_in_dim3A_111, %broadcast_in_dim3A_112 : vector<16xi1>, vector<16xi32>
          %xor3A_114 = arith.xori %scan3A_104#0, %select_n3A_113 : vector<16xi32>
          %bitcast3A_115 = vector.bitcast %xor3A_114 : vector<16xi32> to vector<16xf32>
          scf.yield %bitcast3A_115 : vector<16xf32>
        } else {
          %scan3A_100 = arith.constant 0 : i32
          %scan3A_101 = arith.constant 32 : i32
          %scan3A_102 = arith.addi %scan3A_100, %scan3A_101 : i32
          %scan3A_103 = arith.constant 1 : i32
          %scan3A_104:2 = scf.for %scan3A_116 = %scan3A_100 to %scan3A_102 step %scan3A_103 iter_args(%scan3A_117 = %xor3A, %scan3A_118 = %broadcast_in_dim3A_94) -> (vector<16xi32>, vector<16xi32>)  : i32 {
            %sub3A_119 = arith.subi %scan3A_118, %scan3A_117 : vector<16xi32>
            %add3A_120 = arith.constant 1 : i32
            %add3A_121 = vector.broadcast %add3A_120 : i32 to vector<16xi32>
            %add3A_122 = arith.addi %sub3A_119, %add3A_121 : vector<16xi32>
            %shift_right_logical3A = arith.constant 1 : i32
            %shift_right_logical3A_123 = vector.broadcast %shift_right_logical3A : i32 to vector<16xi32>
            %shift_right_logical3A_124 = arith.shrui %add3A_122, %shift_right_logical3A_123 : vector<16xi32>
            %add3A_125 = arith.addi %scan3A_117, %shift_right_logical3A_124 : vector<16xi32>
            %parallel_loop3A_126 = arith.constant 0 : i32
            %parallel_loop3A_127 = arith.constant 2048 : i32
            %parallel_loop3A_128 = arith.constant 1 : i32
            %parallel_loop3A_129 = scf.for %parallel_loop3A_143 = %parallel_loop3A_126 to %parallel_loop3A_127 step %parallel_loop3A_128 iter_args(%parallel_loop3A_144 = %broadcast_in_dim3A_19) -> (vector<16xi32>)  : i32 {
              %parallel_loop3A_145 = vector.broadcast %parallel_loop3A_143 : i32 to vector<16xi32>
              %parallel_loop3A_146 = arith.addi %iota3A, %parallel_loop3A_145 : vector<16xi32>
              %parallel_loop3A_147 = arith.constant 2047 : i32
              %parallel_loop3A_148 = vector.broadcast %parallel_loop3A_147 : i32 to vector<16xi32>
              %parallel_loop3A_149 = arith.andi %parallel_loop3A_146, %parallel_loop3A_148 : vector<16xi32>
              %parallel_loop3A_150 = arith.addi %mul3A_11, %parallel_loop3A_149 : vector<16xi32>
              %parallel_loop3A_151 = tpu.vector_load_idx %arg5[%select_n3A, %parallel_loop3A_150] : memref<8x4096xf32, #tpu.memory_space<vmem>>[vector<16xi32>, vector<16xi32>], vector<16xf32>,
              %parallel_loop3A_152 = vector.bitcast %parallel_loop3A_151 : vector<16xf32> to vector<16xi32>
              %parallel_loop3A_153 = arith.constant -2147483648 : i32
              %parallel_loop3A_154 = vector.broadcast %parallel_loop3A_153 : i32 to vector<16xi32>
              %parallel_loop3A_155 = arith.cmpi uge, %parallel_loop3A_152, %parallel_loop3A_154 : vector<16xi32>
              %parallel_loop3A_156 = arith.constant -1 : i32
              %parallel_loop3A_157 = arith.constant -2147483648 : i32
              %parallel_loop3A_158 = vector.broadcast %parallel_loop3A_156 : i32 to vector<16xi32>
              %parallel_loop3A_159 = vector.broadcast %parallel_loop3A_157 : i32 to vector<16xi32>
              %parallel_loop3A_160 = arith.select %parallel_loop3A_155, %parallel_loop3A_158, %parallel_loop3A_159 : vector<16xi1>, vector<16xi32>
              %parallel_loop3A_161 = arith.xori %parallel_loop3A_152, %parallel_loop3A_160 : vector<16xi32>
              %parallel_loop3A_162 = arith.cmpi uge, %parallel_loop3A_161, %add3A_125 : vector<16xi32>
              %parallel_loop3A_163 = arith.select %parallel_loop3A_162, %broadcast_in_dim3A_17, %broadcast_in_dim3A_19 : vector<16xi1>, vector<16xi32>
              %parallel_loop3A_164 = arith.addi %parallel_loop3A_144, %parallel_loop3A_163 : vector<16xi32>
              scf.yield %parallel_loop3A_164 : vector<16xi32>
            } {sc.loop_unroll_factor = 4 : i64, sc.parallel_access}
            %rev3A = arith.constant 15 : i32
            %rev3A_130 = vector.broadcast %rev3A : i32 to vector<16xi32>
            %rev3A_131 = tpu.iota {dimensions = array<i32: 0>} : vector<16xi32>
            %rev3A_132 = arith.subi %rev3A_130, %rev3A_131 : vector<16xi32>
            %rev3A_133 = tpu.dynamic_gather %parallel_loop3A_129[%rev3A_132] in [0] : vector<16xi32>, vector<16xi32> -> vector<16xi32>
            %add3A_134 = arith.addi %parallel_loop3A_129, %rev3A_133 : vector<16xi32>
            %ge3A_135 = arith.constant 32 : i32
            %ge3A_136 = vector.broadcast %ge3A_135 : i32 to vector<16xi32>
            %ge3A_137 = arith.cmpi sge, %add3A_134, %ge3A_136 : vector<16xi32>
            %select_n3A_138 = arith.select %ge3A_137, %add3A_125, %scan3A_117 : vector<16xi1>, vector<16xi32>
            %sub3A_139 = arith.constant 1 : i32
            %sub3A_140 = vector.broadcast %sub3A_139 : i32 to vector<16xi32>
            %sub3A_141 = arith.subi %add3A_125, %sub3A_140 : vector<16xi32>
            %select_n3A_142 = arith.select %ge3A_137, %scan3A_118, %sub3A_141 : vector<16xi1>, vector<16xi32>
            scf.yield %select_n3A_138, %select_n3A_142 : vector<16xi32>, vector<16xi32>
          }
          %scan3A_105 = arith.constant 32 : i32
          %ge3A_106 = arith.constant -2147483648 : i32
          %ge3A_107 = vector.broadcast %ge3A_106 : i32 to vector<16xi32>
          %ge3A_108 = arith.cmpi uge, %scan3A_104#0, %ge3A_107 : vector<16xi32>
          %jit3A_109 = arith.constant -2147483648 : i32
          %jit3A_110 = arith.constant -1 : i32
          %broadcast_in_dim3A_111 = vector.broadcast %jit3A_109 : i32 to vector<16xi32>
          %broadcast_in_dim3A_112 = vector.broadcast %jit3A_110 : i32 to vector<16xi32>
          %select_n3A_113 = arith.select %ge3A_108, %broadcast_in_dim3A_111, %broadcast_in_dim3A_112 : vector<16xi1>, vector<16xi32>
          %xor3A_114 = arith.xori %scan3A_104#0, %select_n3A_113 : vector<16xi32>
          %bitcast3A_115 = vector.bitcast %xor3A_114 : vector<16xi32> to vector<16xf32>
          scf.yield %bitcast3A_115 : vector<16xf32>
        }
        scf.yield %cond3A_99 : vector<16xf32>
      } else {
        %mul3A_52 = arith.constant 8 : i32
        %mul3A_53 = arith.muli %scan3A_32, %mul3A_52 : i32
        %add3A_54 = arith.addi %mul3A_2, %mul3A_53 : i32
        %dma_wait3A_55 = arith.constant 0 : i32
        %dma_wait3A_56 = tpu.memref_slice %arg2[%add3A_54, %dma_wait3A_55] : memref<2048x4096xf32, #tpu.memory_space<hbm>> -> memref<8x4096xf32, #tpu.memory_space<hbm>>
        %dma_wait3A_57 = arith.constant 0 : i32
        %dma_wait3A_58 = tpu.memref_slice %arg2[%add3A_54, %dma_wait3A_57] : memref<2048x4096xf32, #tpu.memory_space<hbm>> -> memref<8x4096xf32, #tpu.memory_space<hbm>>
        tpu.wait_dma2 semaphore(%arg12 : memref<!tpu.dma_semaphore, #tpu.memory_space<semaphore_mem>>) src(%dma_wait3A_58 : memref<8x4096xf32, #tpu.memory_space<hbm>>) dst(%arg6 : memref<8x4096xf32, #tpu.memory_space<vmem>>)
        %mul3A_59 = arith.constant 8 : i32
        %mul3A_60 = arith.muli %scan3A_32, %mul3A_59 : i32
        %add3A_61 = vector.broadcast %mul3A_60 : i32 to vector<16xi32>
        %add3A_62 = arith.addi %add3A_61, %select_n3A : vector<16xi32>
        %gather3A = tpu.vector_load_idx %arg9[%add3A_62] : memref<64xf32, #tpu.memory_space<vmem>>[vector<16xi32>], vector<16xf32>,
        %parallel_loop3A = arith.constant 0 : i32
        %parallel_loop3A_63 = arith.constant 98 : i32
        %parallel_loop3A_64 = arith.constant 1 : i32
        scf.for %parallel_loop3A_100 = %parallel_loop3A to %parallel_loop3A_63 step %parallel_loop3A_64  : i32 {
          %parallel_loop3A_101 = arith.constant 16 : i32
          %parallel_loop3A_102 = arith.muli %parallel_loop3A_100, %parallel_loop3A_101 : i32
          %parallel_loop3A_103 = arith.index_cast %parallel_loop3A_102 : i32 to index
          %parallel_loop3A_104 = tpu.vector_load %arg7[%parallel_loop3A_103] {strides = array<i32>} : memref<1568xf32, #tpu.memory_space<vmem>>, vector<16xf32>,
          tpu.vector_store %arg7[%parallel_loop3A_103], %broadcast_in_dim3A_15 {strides = array<i32>} : memref<1568xf32, #tpu.memory_space<vmem>>, vector<16xf32>,
        } {sc.loop_unroll_factor = 8 : i64, sc.parallel_access}
        %parallel_loop3A_65 = arith.constant 0 : i32
        %parallel_loop3A_66 = arith.constant 1024 : i32
        %parallel_loop3A_67 = arith.constant 1 : i32
        %parallel_loop3A_68:2 = scf.for %parallel_loop3A_100 = %parallel_loop3A_65 to %parallel_loop3A_66 step %parallel_loop3A_67 iter_args(%parallel_loop3A_101 = %broadcast_in_dim3A_19, %parallel_loop3A_102 = %broadcast_in_dim3A_19) -> (vector<16xi32>, vector<16xi32>)  : i32 {
          %parallel_loop3A_103 = arith.constant 2 : i32
          %parallel_loop3A_104 = arith.muli %parallel_loop3A_103, %parallel_loop3A_100 : i32
          %parallel_loop3A_105 = arith.constant 2 : i32
          %parallel_loop3A_106 = arith.muli %parallel_loop3A_105, %parallel_loop3A_100 : i32
          %parallel_loop3A_107 = arith.constant 1 : i32
          %parallel_loop3A_108 = arith.addi %parallel_loop3A_106, %parallel_loop3A_107 : i32
          %parallel_loop3A_109 = vector.broadcast %parallel_loop3A_104 : i32 to vector<16xi32>
          %parallel_loop3A_110 = arith.addi %iota3A, %parallel_loop3A_109 : vector<16xi32>
          %parallel_loop3A_111 = arith.constant 2047 : i32
          %parallel_loop3A_112 = vector.broadcast %parallel_loop3A_111 : i32 to vector<16xi32>
          %parallel_loop3A_113 = arith.andi %parallel_loop3A_110, %parallel_loop3A_112 : vector<16xi32>
          %parallel_loop3A_114 = arith.addi %mul3A_11, %parallel_loop3A_113 : vector<16xi32>
          %parallel_loop3A_115 = tpu.vector_load_idx %arg6[%select_n3A, %parallel_loop3A_114] : memref<8x4096xf32, #tpu.memory_space<vmem>>[vector<16xi32>, vector<16xi32>], vector<16xf32>,
          %parallel_loop3A_116 = arith.cmpf oge, %parallel_loop3A_115, %gather3A : vector<16xf32>
          %parallel_loop3A_117 = arith.constant 0 : i32
          %parallel_loop3A_118 = vector.broadcast %parallel_loop3A_117 : i32 to vector<16xi32>
          %parallel_loop3A_119 = arith.addi %mul3A_14, %parallel_loop3A_118 : vector<16xi32>
          %parallel_loop3A_120 = arith.constant 47 : i32
          %parallel_loop3A_121 = vector.broadcast %parallel_loop3A_120 : i32 to vector<16xi32>
          %parallel_loop3A_122 = arith.minsi %parallel_loop3A_101, %parallel_loop3A_121 : vector<16xi32>
          %parallel_loop3A_123 = arith.addi %parallel_loop3A_119, %parallel_loop3A_122 : vector<16xi32>
          tpu.vector_store_idx %arg7[%parallel_loop3A_123], %parallel_loop3A_115 masked %parallel_loop3A_116 : memref<1568xf32, #tpu.memory_space<vmem>>[vector<16xi32>], vector<16xf32>, vector<16xi1>
          %parallel_loop3A_124 = arith.select %parallel_loop3A_116, %broadcast_in_dim3A_17, %broadcast_in_dim3A_19 : vector<16xi1>, vector<16xi32>
          %parallel_loop3A_125 = arith.addi %parallel_loop3A_101, %parallel_loop3A_124 : vector<16xi32>
          %parallel_loop3A_126 = vector.broadcast %parallel_loop3A_108 : i32 to vector<16xi32>
          %parallel_loop3A_127 = arith.addi %iota3A, %parallel_loop3A_126 : vector<16xi32>
          %parallel_loop3A_128 = arith.constant 2047 : i32
          %parallel_loop3A_129 = vector.broadcast %parallel_loop3A_128 : i32 to vector<16xi32>
          %parallel_loop3A_130 = arith.andi %parallel_loop3A_127, %parallel_loop3A_129 : vector<16xi32>
          %parallel_loop3A_131 = arith.addi %mul3A_11, %parallel_loop3A_130 : vector<16xi32>
          %parallel_loop3A_132 = tpu.vector_load_idx %arg6[%select_n3A, %parallel_loop3A_131] : memref<8x4096xf32, #tpu.memory_space<vmem>>[vector<16xi32>, vector<16xi32>], vector<16xf32>,
          %parallel_loop3A_133 = arith.cmpf oge, %parallel_loop3A_132, %gather3A : vector<16xf32>
          %parallel_loop3A_134 = arith.constant 48 : i32
          %parallel_loop3A_135 = vector.broadcast %parallel_loop3A_134 : i32 to vector<16xi32>
          %parallel_loop3A_136 = arith.addi %mul3A_14, %parallel_loop3A_135 : vector<16xi32>
          %parallel_loop3A_137 = arith.constant 47 : i32
          %parallel_loop3A_138 = vector.broadcast %parallel_loop3A_137 : i32 to vector<16xi32>
          %parallel_loop3A_139 = arith.minsi %parallel_loop3A_102, %parallel_loop3A_138 : vector<16xi32>
          %parallel_loop3A_140 = arith.addi %parallel_loop3A_136, %parallel_loop3A_139 : vector<16xi32>
          tpu.vector_store_idx %arg7[%parallel_loop3A_140], %parallel_loop3A_132 masked %parallel_loop3A_133 : memref<1568xf32, #tpu.memory_space<vmem>>[vector<16xi32>], vector<16xf32>, vector<16xi1>
          %parallel_loop3A_141 = arith.select %parallel_loop3A_133, %broadcast_in_dim3A_17, %broadcast_in_dim3A_19 : vector<16xi1>, vector<16xi32>
          %parallel_loop3A_142 = arith.addi %parallel_loop3A_102, %parallel_loop3A_141 : vector<16xi32>
          scf.yield %parallel_loop3A_125, %parallel_loop3A_142 : vector<16xi32>, vector<16xi32>
        } {sc.loop_unroll_factor = 4 : i64, sc.parallel_access}
        %parallel_loop3A_69 = arith.constant 0 : i32
        %parallel_loop3A_70 = arith.constant 98 : i32
        %parallel_loop3A_71 = arith.constant 1 : i32
        scf.for %parallel_loop3A_100 = %parallel_loop3A_69 to %parallel_loop3A_70 step %parallel_loop3A_71  : i32 {
          %parallel_loop3A_101 = arith.constant 16 : i32
          %parallel_loop3A_102 = arith.muli %parallel_loop3A_100, %parallel_loop3A_101 : i32
          %parallel_loop3A_103 = arith.index_cast %parallel_loop3A_102 : i32 to index
          %parallel_loop3A_104 = tpu.vector_load %arg7[%parallel_loop3A_103] {strides = array<i32>} : memref<1568xf32, #tpu.memory_space<vmem>>, vector<16xf32>,
          %parallel_loop3A_105 = vector.bitcast %parallel_loop3A_104 : vector<16xf32> to vector<16xi32>
          %parallel_loop3A_106 = arith.constant -2147483648 : i32
          %parallel_loop3A_107 = vector.broadcast %parallel_loop3A_106 : i32 to vector<16xi32>
          %parallel_loop3A_108 = arith.cmpi uge, %parallel_loop3A_105, %parallel_loop3A_107 : vector<16xi32>
          %parallel_loop3A_109 = arith.constant -1 : i32
          %parallel_loop3A_110 = arith.constant -2147483648 : i32
          %parallel_loop3A_111 = vector.broadcast %parallel_loop3A_109 : i32 to vector<16xi32>
          %parallel_loop3A_112 = vector.broadcast %parallel_loop3A_110 : i32 to vector<16xi32>
          %parallel_loop3A_113 = arith.select %parallel_loop3A_108, %parallel_loop3A_111, %parallel_loop3A_112 : vector<16xi1>, vector<16xi32>
          %parallel_loop3A_114 = arith.xori %parallel_loop3A_105, %parallel_loop3A_113 : vector<16xi32>
          %parallel_loop3A_115 = vector.bitcast %parallel_loop3A_114 : vector<16xi32> to vector<16xi32>
          %parallel_loop3A_116 = arith.index_cast %parallel_loop3A_102 : i32 to index
          %parallel_loop3A_117 = tpu.vector_load %arg8[%parallel_loop3A_116] {strides = array<i32>} : memref<1568xi32, #tpu.memory_space<vmem>>, vector<16xi32>,
          tpu.vector_store %arg8[%parallel_loop3A_116], %parallel_loop3A_115 {strides = array<i32>} : memref<1568xi32, #tpu.memory_space<vmem>>, vector<16xi32>,
        } {sc.loop_unroll_factor = 8 : i64, sc.parallel_access}
        %reduce_max3A = arith.constant true
        %reduce_max3A_72 = vector.broadcast %reduce_max3A : i1 to vector<16xi1>
        %reduce_max3A_73 = arith.constant -2147483648 : i32
        %reduce_max3A_74 = vector.broadcast %reduce_max3A_73 : i32 to vector<16xi32>
        %reduce_max3A_75 = arith.xori %parallel_loop3A_68#0, %reduce_max3A_74 : vector<16xi32>
        %reduce_max3A_76 = tpu.scan <max>, %reduce_max3A_75 masked %reduce_max3A_72 : vector<16xi32>, vector<16xi1> -> vector<16xi32>
        %reduce_max3A_77 = arith.xori %reduce_max3A_76, %reduce_max3A_74 : vector<16xi32>
        %reduce_max3A_78 = vector.extract %reduce_max3A_77[15] : i32 from vector<16xi32>
        %reduce_max3A_79 = arith.constant true
        %reduce_max3A_80 = vector.broadcast %reduce_max3A_79 : i1 to vector<16xi1>
        %reduce_max3A_81 = arith.constant -2147483648 : i32
        %reduce_max3A_82 = vector.broadcast %reduce_max3A_81 : i32 to vector<16xi32>
        %reduce_max3A_83 = arith.xori %parallel_loop3A_68#1, %reduce_max3A_82 : vector<16xi32>
        %reduce_max3A_84 = tpu.scan <max>, %reduce_max3A_83 masked %reduce_max3A_80 : vector<16xi32>, vector<16xi1> -> vector<16xi32>
        %reduce_max3A_85 = arith.xori %reduce_max3A_84, %reduce_max3A_82 : vector<16xi32>
        %reduce_max3A_86 = vector.extract %reduce_max3A_85[15] : i32 from vector<16xi32>
        %max3A = arith.maxsi %reduce_max3A_78, %reduce_max3A_86 : i32
        %bitcast3A = vector.bitcast %gather3A : vector<16xf32> to vector<16xi32>
        %ge3A = arith.constant -2147483648 : i32
        %ge3A_87 = vector.broadcast %ge3A : i32 to vector<16xi32>
        %ge3A_88 = arith.cmpi uge, %bitcast3A, %ge3A_87 : vector<16xi32>
        %jit3A = arith.constant -1 : i32
        %jit3A_89 = arith.constant -2147483648 : i32
        %broadcast_in_dim3A_90 = vector.broadcast %jit3A : i32 to vector<16xi32>
        %broadcast_in_dim3A_91 = vector.broadcast %jit3A_89 : i32 to vector<16xi32>
        %select_n3A_92 = arith.select %ge3A_88, %broadcast_in_dim3A_90, %broadcast_in_dim3A_91 : vector<16xi1>, vector<16xi32>
        %xor3A = arith.xori %bitcast3A, %select_n3A_92 : vector<16xi32>
        %broadcast_in_dim3A_93 = arith.constant -8388609 : i32
        %broadcast_in_dim3A_94 = vector.broadcast %broadcast_in_dim3A_93 : i32 to vector<16xi32>
        %le3A = arith.constant 48 : i32
        %le3A_95 = arith.cmpi sle, %max3A, %le3A : i32
        %convert_element_type3A_96 = arith.extui %le3A_95 : i1 to i32
        %cond3A_97 = arith.constant 0 : i32
        %cond3A_98 = arith.cmpi ne, %convert_element_type3A_96, %cond3A_97 : i32
        %cond3A_99 = scf.if %cond3A_98 -> (vector<16xf32>) {
          %scan3A_100 = arith.constant 0 : i32
          %scan3A_101 = arith.constant 32 : i32
          %scan3A_102 = arith.addi %scan3A_100, %scan3A_101 : i32
          %scan3A_103 = arith.constant 1 : i32
          %scan3A_104:2 = scf.for %scan3A_116 = %scan3A_100 to %scan3A_102 step %scan3A_103 iter_args(%scan3A_117 = %xor3A, %scan3A_118 = %broadcast_in_dim3A_94) -> (vector<16xi32>, vector<16xi32>)  : i32 {
            %sub3A_119 = arith.subi %scan3A_118, %scan3A_117 : vector<16xi32>
            %add3A_120 = arith.constant 1 : i32
            %add3A_121 = vector.broadcast %add3A_120 : i32 to vector<16xi32>
            %add3A_122 = arith.addi %sub3A_119, %add3A_121 : vector<16xi32>
            %shift_right_logical3A = arith.constant 1 : i32
            %shift_right_logical3A_123 = vector.broadcast %shift_right_logical3A : i32 to vector<16xi32>
            %shift_right_logical3A_124 = arith.shrui %add3A_122, %shift_right_logical3A_123 : vector<16xi32>
            %add3A_125 = arith.addi %scan3A_117, %shift_right_logical3A_124 : vector<16xi32>
            %parallel_loop3A_126 = arith.constant 0 : i32
            %parallel_loop3A_127 = arith.constant 1 : i32
            %parallel_loop3A_128 = scf.for %parallel_loop3A_142 = %parallel_loop3A_126 to %max3A step %parallel_loop3A_127 iter_args(%parallel_loop3A_143 = %broadcast_in_dim3A_19) -> (vector<16xi32>)  : i32 {
              %parallel_loop3A_144 = vector.broadcast %parallel_loop3A_142 : i32 to vector<16xi32>
              %parallel_loop3A_145 = arith.addi %mul3A_14, %parallel_loop3A_144 : vector<16xi32>
              %parallel_loop3A_146 = tpu.vector_load_idx %arg8[%parallel_loop3A_145] : memref<1568xi32, #tpu.memory_space<vmem>>[vector<16xi32>], vector<16xi32>,
              %parallel_loop3A_147 = vector.bitcast %parallel_loop3A_146 : vector<16xi32> to vector<16xi32>
              %parallel_loop3A_148 = arith.constant 48 : i32
              %parallel_loop3A_149 = vector.broadcast %parallel_loop3A_148 : i32 to vector<16xi32>
              %parallel_loop3A_150 = arith.addi %mul3A_14, %parallel_loop3A_149 : vector<16xi32>
              %parallel_loop3A_151 = vector.broadcast %parallel_loop3A_142 : i32 to vector<16xi32>
              %parallel_loop3A_152 = arith.addi %parallel_loop3A_150, %parallel_loop3A_151 : vector<16xi32>
              %parallel_loop3A_153 = tpu.vector_load_idx %arg8[%parallel_loop3A_152] : memref<1568xi32, #tpu.memory_space<vmem>>[vector<16xi32>], vector<16xi32>,
              %parallel_loop3A_154 = vector.bitcast %parallel_loop3A_153 : vector<16xi32> to vector<16xi32>
              %parallel_loop3A_155 = arith.cmpi uge, %parallel_loop3A_147, %add3A_125 : vector<16xi32>
              %parallel_loop3A_156 = arith.select %parallel_loop3A_155, %broadcast_in_dim3A_17, %broadcast_in_dim3A_19 : vector<16xi1>, vector<16xi32>
              %parallel_loop3A_157 = arith.addi %parallel_loop3A_143, %parallel_loop3A_156 : vector<16xi32>
              %parallel_loop3A_158 = arith.cmpi uge, %parallel_loop3A_154, %add3A_125 : vector<16xi32>
              %parallel_loop3A_159 = arith.select %parallel_loop3A_158, %broadcast_in_dim3A_17, %broadcast_in_dim3A_19 : vector<16xi1>, vector<16xi32>
              %parallel_loop3A_160 = arith.addi %parallel_loop3A_157, %parallel_loop3A_159 : vector<16xi32>
              scf.yield %parallel_loop3A_160 : vector<16xi32>
            } {sc.loop_unroll_factor = 4 : i64, sc.parallel_access}
            %rev3A = arith.constant 15 : i32
            %rev3A_129 = vector.broadcast %rev3A : i32 to vector<16xi32>
            %rev3A_130 = tpu.iota {dimensions = array<i32: 0>} : vector<16xi32>
            %rev3A_131 = arith.subi %rev3A_129, %rev3A_130 : vector<16xi32>
            %rev3A_132 = tpu.dynamic_gather %parallel_loop3A_128[%rev3A_131] in [0] : vector<16xi32>, vector<16xi32> -> vector<16xi32>
            %add3A_133 = arith.addi %parallel_loop3A_128, %rev3A_132 : vector<16xi32>
            %ge3A_134 = arith.constant 32 : i32
            %ge3A_135 = vector.broadcast %ge3A_134 : i32 to vector<16xi32>
            %ge3A_136 = arith.cmpi sge, %add3A_133, %ge3A_135 : vector<16xi32>
            %select_n3A_137 = arith.select %ge3A_136, %add3A_125, %scan3A_117 : vector<16xi1>, vector<16xi32>
            %sub3A_138 = arith.constant 1 : i32
            %sub3A_139 = vector.broadcast %sub3A_138 : i32 to vector<16xi32>
            %sub3A_140 = arith.subi %add3A_125, %sub3A_139 : vector<16xi32>
            %select_n3A_141 = arith.select %ge3A_136, %scan3A_118, %sub3A_140 : vector<16xi1>, vector<16xi32>
            scf.yield %select_n3A_137, %select_n3A_141 : vector<16xi32>, vector<16xi32>
          }
          %scan3A_105 = arith.constant 32 : i32
          %ge3A_106 = arith.constant -2147483648 : i32
          %ge3A_107 = vector.broadcast %ge3A_106 : i32 to vector<16xi32>
          %ge3A_108 = arith.cmpi uge, %scan3A_104#0, %ge3A_107 : vector<16xi32>
          %jit3A_109 = arith.constant -2147483648 : i32
          %jit3A_110 = arith.constant -1 : i32
          %broadcast_in_dim3A_111 = vector.broadcast %jit3A_109 : i32 to vector<16xi32>
          %broadcast_in_dim3A_112 = vector.broadcast %jit3A_110 : i32 to vector<16xi32>
          %select_n3A_113 = arith.select %ge3A_108, %broadcast_in_dim3A_111, %broadcast_in_dim3A_112 : vector<16xi1>, vector<16xi32>
          %xor3A_114 = arith.xori %scan3A_104#0, %select_n3A_113 : vector<16xi32>
          %bitcast3A_115 = vector.bitcast %xor3A_114 : vector<16xi32> to vector<16xf32>
          scf.yield %bitcast3A_115 : vector<16xf32>
        } else {
          %scan3A_100 = arith.constant 0 : i32
          %scan3A_101 = arith.constant 32 : i32
          %scan3A_102 = arith.addi %scan3A_100, %scan3A_101 : i32
          %scan3A_103 = arith.constant 1 : i32
          %scan3A_104:2 = scf.for %scan3A_116 = %scan3A_100 to %scan3A_102 step %scan3A_103 iter_args(%scan3A_117 = %xor3A, %scan3A_118 = %broadcast_in_dim3A_94) -> (vector<16xi32>, vector<16xi32>)  : i32 {
            %sub3A_119 = arith.subi %scan3A_118, %scan3A_117 : vector<16xi32>
            %add3A_120 = arith.constant 1 : i32
            %add3A_121 = vector.broadcast %add3A_120 : i32 to vector<16xi32>
            %add3A_122 = arith.addi %sub3A_119, %add3A_121 : vector<16xi32>
            %shift_right_logical3A = arith.constant 1 : i32
            %shift_right_logical3A_123 = vector.broadcast %shift_right_logical3A : i32 to vector<16xi32>
            %shift_right_logical3A_124 = arith.shrui %add3A_122, %shift_right_logical3A_123 : vector<16xi32>
            %add3A_125 = arith.addi %scan3A_117, %shift_right_logical3A_124 : vector<16xi32>
            %parallel_loop3A_126 = arith.constant 0 : i32
            %parallel_loop3A_127 = arith.constant 2048 : i32
            %parallel_loop3A_128 = arith.constant 1 : i32
            %parallel_loop3A_129 = scf.for %parallel_loop3A_143 = %parallel_loop3A_126 to %parallel_loop3A_127 step %parallel_loop3A_128 iter_args(%parallel_loop3A_144 = %broadcast_in_dim3A_19) -> (vector<16xi32>)  : i32 {
              %parallel_loop3A_145 = vector.broadcast %parallel_loop3A_143 : i32 to vector<16xi32>
              %parallel_loop3A_146 = arith.addi %iota3A, %parallel_loop3A_145 : vector<16xi32>
              %parallel_loop3A_147 = arith.constant 2047 : i32
              %parallel_loop3A_148 = vector.broadcast %parallel_loop3A_147 : i32 to vector<16xi32>
              %parallel_loop3A_149 = arith.andi %parallel_loop3A_146, %parallel_loop3A_148 : vector<16xi32>
              %parallel_loop3A_150 = arith.addi %mul3A_11, %parallel_loop3A_149 : vector<16xi32>
              %parallel_loop3A_151 = tpu.vector_load_idx %arg6[%select_n3A, %parallel_loop3A_150] : memref<8x4096xf32, #tpu.memory_space<vmem>>[vector<16xi32>, vector<16xi32>], vector<16xf32>,
              %parallel_loop3A_152 = vector.bitcast %parallel_loop3A_151 : vector<16xf32> to vector<16xi32>
              %parallel_loop3A_153 = arith.constant -2147483648 : i32
              %parallel_loop3A_154 = vector.broadcast %parallel_loop3A_153 : i32 to vector<16xi32>
              %parallel_loop3A_155 = arith.cmpi uge, %parallel_loop3A_152, %parallel_loop3A_154 : vector<16xi32>
              %parallel_loop3A_156 = arith.constant -1 : i32
              %parallel_loop3A_157 = arith.constant -2147483648 : i32
              %parallel_loop3A_158 = vector.broadcast %parallel_loop3A_156 : i32 to vector<16xi32>
              %parallel_loop3A_159 = vector.broadcast %parallel_loop3A_157 : i32 to vector<16xi32>
              %parallel_loop3A_160 = arith.select %parallel_loop3A_155, %parallel_loop3A_158, %parallel_loop3A_159 : vector<16xi1>, vector<16xi32>
              %parallel_loop3A_161 = arith.xori %parallel_loop3A_152, %parallel_loop3A_160 : vector<16xi32>
              %parallel_loop3A_162 = arith.cmpi uge, %parallel_loop3A_161, %add3A_125 : vector<16xi32>
              %parallel_loop3A_163 = arith.select %parallel_loop3A_162, %broadcast_in_dim3A_17, %broadcast_in_dim3A_19 : vector<16xi1>, vector<16xi32>
              %parallel_loop3A_164 = arith.addi %parallel_loop3A_144, %parallel_loop3A_163 : vector<16xi32>
              scf.yield %parallel_loop3A_164 : vector<16xi32>
            } {sc.loop_unroll_factor = 4 : i64, sc.parallel_access}
            %rev3A = arith.constant 15 : i32
            %rev3A_130 = vector.broadcast %rev3A : i32 to vector<16xi32>
            %rev3A_131 = tpu.iota {dimensions = array<i32: 0>} : vector<16xi32>
            %rev3A_132 = arith.subi %rev3A_130, %rev3A_131 : vector<16xi32>
            %rev3A_133 = tpu.dynamic_gather %parallel_loop3A_129[%rev3A_132] in [0] : vector<16xi32>, vector<16xi32> -> vector<16xi32>
            %add3A_134 = arith.addi %parallel_loop3A_129, %rev3A_133 : vector<16xi32>
            %ge3A_135 = arith.constant 32 : i32
            %ge3A_136 = vector.broadcast %ge3A_135 : i32 to vector<16xi32>
            %ge3A_137 = arith.cmpi sge, %add3A_134, %ge3A_136 : vector<16xi32>
            %select_n3A_138 = arith.select %ge3A_137, %add3A_125, %scan3A_117 : vector<16xi1>, vector<16xi32>
            %sub3A_139 = arith.constant 1 : i32
            %sub3A_140 = vector.broadcast %sub3A_139 : i32 to vector<16xi32>
            %sub3A_141 = arith.subi %add3A_125, %sub3A_140 : vector<16xi32>
            %select_n3A_142 = arith.select %ge3A_137, %scan3A_118, %sub3A_141 : vector<16xi1>, vector<16xi32>
            scf.yield %select_n3A_138, %select_n3A_142 : vector<16xi32>, vector<16xi32>
          }
          %scan3A_105 = arith.constant 32 : i32
          %ge3A_106 = arith.constant -2147483648 : i32
          %ge3A_107 = vector.broadcast %ge3A_106 : i32 to vector<16xi32>
          %ge3A_108 = arith.cmpi uge, %scan3A_104#0, %ge3A_107 : vector<16xi32>
          %jit3A_109 = arith.constant -2147483648 : i32
          %jit3A_110 = arith.constant -1 : i32
          %broadcast_in_dim3A_111 = vector.broadcast %jit3A_109 : i32 to vector<16xi32>
          %broadcast_in_dim3A_112 = vector.broadcast %jit3A_110 : i32 to vector<16xi32>
          %select_n3A_113 = arith.select %ge3A_108, %broadcast_in_dim3A_111, %broadcast_in_dim3A_112 : vector<16xi1>, vector<16xi32>
          %xor3A_114 = arith.xori %scan3A_104#0, %select_n3A_113 : vector<16xi32>
          %bitcast3A_115 = vector.bitcast %xor3A_114 : vector<16xi32> to vector<16xf32>
          scf.yield %bitcast3A_115 : vector<16xf32>
        }
        scf.yield %cond3A_99 : vector<16xf32>
      }
      %mul3A_45 = arith.constant 8 : i32
      %mul3A_46 = arith.muli %scan3A_32, %mul3A_45 : i32
      %lt3A_47 = arith.constant 8 : i32
      %lt3A_48 = vector.broadcast %lt3A_47 : i32 to vector<16xi32>
      %lt3A_49 = arith.cmpi slt, %iota3A, %lt3A_48 : vector<16xi32>
      %swap3A = arith.index_cast %mul3A_46 : i32 to index
      %swap3A_50 = tpu.vector_load %arg10[%swap3A] masked %lt3A_49 {strides = array<i32>} : memref<80xf32, #tpu.memory_space<vmem>>, vector<16xf32>, vector<16xi1>
      tpu.vector_store %arg10[%swap3A], %cond3A_44 masked %lt3A_49 {strides = array<i32>} : memref<80xf32, #tpu.memory_space<vmem>>, vector<16xf32>, vector<16xi1>
      %scan3A_51 = arith.constant 0 : i32
      scf.yield %scan3A_51 : i32
    }
    %scan3A_31 = arith.constant 8 : i32
    "tpu.region"() ({
      %run_scoped3A = tpu.sem_alloc : memref<!tpu.dma_semaphore, #tpu.memory_space<semaphore_mem>>
      %dma_start3A_32 = arith.constant 0 : i32
      %dma_start3A_33 = tpu.memref_slice %arg10[%dma_start3A_32] : memref<80xf32, #tpu.memory_space<vmem>> -> memref<64xf32, #tpu.memory_space<vmem>>
      %dma_start3A_34 = tpu.memref_slice %arg4[%mul3A_2] : memref<2048xf32, #tpu.memory_space<hbm>> -> memref<64xf32, #tpu.memory_space<hbm>>
      %dma_start3A_35 = tpu.memref_slice %arg4[%mul3A_2] : memref<2048xf32, #tpu.memory_space<hbm>> -> memref<64xf32, #tpu.memory_space<hbm>>
      %dma_start3A_36 = arith.constant 0 : i32
      %dma_start3A_37 = tpu.memref_slice %arg10[%dma_start3A_36] : memref<80xf32, #tpu.memory_space<vmem>> -> memref<64xf32, #tpu.memory_space<vmem>>
      tpu.enqueue_dma source(%dma_start3A_37 : memref<64xf32, #tpu.memory_space<vmem>>) target(%dma_start3A_35 : memref<64xf32, #tpu.memory_space<hbm>>) target_semaphore(%run_scoped3A : memref<!tpu.dma_semaphore, #tpu.memory_space<semaphore_mem>>)
      %dma_wait3A_38 = arith.constant 0 : i32
      %dma_wait3A_39 = tpu.memref_slice %arg10[%dma_wait3A_38] : memref<80xf32, #tpu.memory_space<vmem>> -> memref<64xf32, #tpu.memory_space<vmem>>
      %dma_wait3A_40 = tpu.memref_slice %arg4[%mul3A_2] : memref<2048xf32, #tpu.memory_space<hbm>> -> memref<64xf32, #tpu.memory_space<hbm>>
      %dma_wait3A_41 = tpu.memref_slice %arg4[%mul3A_2] : memref<2048xf32, #tpu.memory_space<hbm>> -> memref<64xf32, #tpu.memory_space<hbm>>
      %dma_wait3A_42 = arith.constant 0 : i32
      %dma_wait3A_43 = tpu.memref_slice %arg10[%dma_wait3A_42] : memref<80xf32, #tpu.memory_space<vmem>> -> memref<64xf32, #tpu.memory_space<vmem>>
      tpu.wait_dma2 semaphore(%run_scoped3A : memref<!tpu.dma_semaphore, #tpu.memory_space<semaphore_mem>>) src(%dma_wait3A_43 : memref<64xf32, #tpu.memory_space<vmem>>) dst(%dma_wait3A_41 : memref<64xf32, #tpu.memory_space<hbm>>)
      tpu.yield
    }) : () -> ()
    return
  }
}

#map = affine_map<(d0, d1) -> (0, 0)>
#map1 = affine_map<(d0, d1) -> (0)>
module attributes {stable_mosaic.version = 14 : i64} {
  func.func @body(%arg0: i32, %arg1: i32, %arg2: memref<2048x4096xf32, #tpu.memory_space<hbm>>, %arg3: memref<2048xf32, #tpu.memory_space<hbm>>, %arg4: memref<2048xf32, #tpu.memory_space<hbm>>, %arg5: memref<8x4096xf32, #tpu.memory_space<vmem>>, %arg6: memref<8x4096xf32, #tpu.memory_space<vmem>>, %arg7: memref<1568xf32, #tpu.memory_space<vmem>>, %arg8: memref<1568xi32, #tpu.memory_space<vmem>>, %arg9: memref<64xf32, #tpu.memory_space<vmem>>, %arg10: memref<80xf32, #tpu.memory_space<vmem>>, %arg11: memref<!tpu.dma_semaphore, #tpu.memory_space<semaphore_mem>>, %arg12: memref<!tpu.dma_semaphore, #tpu.memory_space<semaphore_mem>>) attributes {dimension_semantics = [#tpu.dimension_semantics<core_parallel>, #tpu.dimension_semantics<subcore_parallel>], iteration_bounds = array<i64: 2, 16>, scalar_prefetch = 0 : i64, scratch_operands = 8 : i64, tpu.core_type = #tpu.core_type<sc_vector_subcore>, window_params = [{transform_indices = #map}, {transform_indices = #map1}, {transform_indices = #map1}]} {
    %mul3A = arith.constant 2 : i32
    %mul3A_0 = arith.muli %arg1, %mul3A : i32
    %add3A = arith.addi %mul3A_0, %arg0 : i32
    %mul3A_1 = arith.constant 64 : i32
    %mul3A_2 = arith.muli %add3A, %mul3A_1 : i32
    %iota3A = tpu.iota {dimensions = array<i32: 0>} : vector<16xi32>
    %lt3A = arith.constant 8 : i32
    %lt3A_3 = vector.broadcast %lt3A : i32 to vector<16xi32>
    %lt3A_4 = arith.cmpi slt, %iota3A, %lt3A_3 : vector<16xi32>
    %sub3A = arith.constant 15 : i32
    %sub3A_5 = vector.broadcast %sub3A : i32 to vector<16xi32>
    %sub3A_6 = arith.subi %sub3A_5, %iota3A : vector<16xi32>
    %select_n3A = arith.select %lt3A_4, %iota3A, %sub3A_6 : vector<16xi1>, vector<16xi32>
    %shift_right_arithmetic3A = arith.constant 3 : i32
    %shift_right_arithmetic3A_7 = vector.broadcast %shift_right_arithmetic3A : i32 to vector<16xi32>
    %shift_right_arithmetic3A_8 = arith.shrsi %iota3A, %shift_right_arithmetic3A_7 : vector<16xi32>
    %mul3A_9 = arith.constant 2048 : i32
    %mul3A_10 = vector.broadcast %mul3A_9 : i32 to vector<16xi32>
    %mul3A_11 = arith.muli %shift_right_arithmetic3A_8, %mul3A_10 : vector<16xi32>
    %mul3A_12 = arith.constant 97 : i32
    %mul3A_13 = vector.broadcast %mul3A_12 : i32 to vector<16xi32>
    %mul3A_14 = arith.muli %iota3A, %mul3A_13 : vector<16xi32>
    %broadcast_in_dim3A = arith.constant 0xFF800000 : f32
    %broadcast_in_dim3A_15 = vector.broadcast %broadcast_in_dim3A : f32 to vector<16xf32>
    %broadcast_in_dim3A_16 = arith.constant 1 : i32
    %broadcast_in_dim3A_17 = vector.broadcast %broadcast_in_dim3A_16 : i32 to vector<16xi32>
    %broadcast_in_dim3A_18 = arith.constant 0 : i32
    %broadcast_in_dim3A_19 = vector.broadcast %broadcast_in_dim3A_18 : i32 to vector<16xi32>
    %dma_start3A = tpu.memref_slice %arg3[%mul3A_2] : memref<2048xf32, #tpu.memory_space<hbm>> -> memref<64xf32, #tpu.memory_space<hbm>>
    %dma_start3A_20 = tpu.memref_slice %arg3[%mul3A_2] : memref<2048xf32, #tpu.memory_space<hbm>> -> memref<64xf32, #tpu.memory_space<hbm>>
    tpu.enqueue_dma source(%dma_start3A_20 : memref<64xf32, #tpu.memory_space<hbm>>) target(%arg9 : memref<64xf32, #tpu.memory_space<vmem>>) target_semaphore(%arg11 : memref<!tpu.dma_semaphore, #tpu.memory_space<semaphore_mem>>)
    %dma_wait3A = tpu.memref_slice %arg3[%mul3A_2] : memref<2048xf32, #tpu.memory_space<hbm>> -> memref<64xf32, #tpu.memory_space<hbm>>
    %dma_wait3A_21 = tpu.memref_slice %arg3[%mul3A_2] : memref<2048xf32, #tpu.memory_space<hbm>> -> memref<64xf32, #tpu.memory_space<hbm>>
    tpu.wait_dma2 semaphore(%arg11 : memref<!tpu.dma_semaphore, #tpu.memory_space<semaphore_mem>>) src(%dma_wait3A_21 : memref<64xf32, #tpu.memory_space<hbm>>) dst(%arg9 : memref<64xf32, #tpu.memory_space<vmem>>)
    %dma_start3A_22 = arith.constant 0 : i32
    %dma_start3A_23 = tpu.memref_slice %arg2[%mul3A_2, %dma_start3A_22] : memref<2048x4096xf32, #tpu.memory_space<hbm>> -> memref<8x4096xf32, #tpu.memory_space<hbm>>
    %dma_start3A_24 = arith.constant 0 : i32
    %dma_start3A_25 = tpu.memref_slice %arg2[%mul3A_2, %dma_start3A_24] : memref<2048x4096xf32, #tpu.memory_space<hbm>> -> memref<8x4096xf32, #tpu.memory_space<hbm>>
    tpu.enqueue_dma source(%dma_start3A_25 : memref<8x4096xf32, #tpu.memory_space<hbm>>) target(%arg5 : memref<8x4096xf32, #tpu.memory_space<vmem>>) target_semaphore(%arg11 : memref<!tpu.dma_semaphore, #tpu.memory_space<semaphore_mem>>)
    %scan3A = arith.constant 0 : i32
    %scan3A_26 = arith.constant 0 : i32
    %scan3A_27 = arith.constant 8 : i32
    %scan3A_28 = arith.addi %scan3A_26, %scan3A_27 : i32
    %scan3A_29 = arith.constant 1 : i32
    %scan3A_30 = scf.for %scan3A_32 = %scan3A_26 to %scan3A_28 step %scan3A_29 iter_args(%scan3A_33 = %scan3A) -> (i32)  : i32 {
      %rem3A = arith.constant 2 : i32
      %rem3A_34 = arith.remsi %scan3A_32, %rem3A : i32
      %eq3A = arith.constant 0 : i32
      %eq3A_35 = arith.cmpi eq, %rem3A_34, %eq3A : i32
      %add3A_36 = arith.constant 1 : i32
      %add3A_37 = arith.addi %scan3A_32, %add3A_36 : i32
      %lt3A_38 = arith.constant 8 : i32
      %lt3A_39 = arith.cmpi slt, %add3A_37, %lt3A_38 : i32
      %convert_element_type3A = arith.extui %lt3A_39 : i1 to i32
      %cond3A = arith.constant 0 : i32
      %cond3A_40 = arith.cmpi ne, %convert_element_type3A, %cond3A : i32
      scf.if %cond3A_40 {
        %add3A_52 = arith.constant 1 : i32
        %add3A_53 = arith.addi %scan3A_32, %add3A_52 : i32
        %mul3A_54 = arith.constant 8 : i32
        %mul3A_55 = arith.muli %add3A_53, %mul3A_54 : i32
        %add3A_56 = arith.addi %mul3A_2, %mul3A_55 : i32
        %convert_element_type3A_57 = arith.extui %eq3A_35 : i1 to i32
        %cond3A_58 = arith.constant 0 : i32
        %cond3A_59 = arith.cmpi ne, %convert_element_type3A_57, %cond3A_58 : i32
        scf.if %cond3A_59 {
          %dma_start3A_64 = arith.constant 0 : i32
          %dma_start3A_65 = tpu.memref_slice %arg2[%add3A_56, %dma_start3A_64] : memref<2048x4096xf32, #tpu.memory_space<hbm>> -> memref<8x4096xf32, #tpu.memory_space<hbm>>
          %dma_start3A_66 = arith.constant 0 : i32
          %dma_start3A_67 = tpu.memref_slice %arg2[%add3A_56, %dma_start3A_66] : memref<2048x4096xf32, #tpu.memory_space<hbm>> -> memref<8x4096xf32, #tpu.memory_space<hbm>>
          tpu.enqueue_dma source(%dma_start3A_67 : memref<8x4096xf32, #tpu.memory_space<hbm>>) target(%arg6 : memref<8x4096xf32, #tpu.memory_space<vmem>>) target_semaphore(%arg12 : memref<!tpu.dma_semaphore, #tpu.memory_space<semaphore_mem>>)
        } else {
        }
        %not3A = arith.constant true
        %not3A_60 = arith.xori %eq3A_35, %not3A : i1
        %convert_element_type3A_61 = arith.extui %not3A_60 : i1 to i32
        %cond3A_62 = arith.constant 0 : i32
        %cond3A_63 = arith.cmpi ne, %convert_element_type3A_61, %cond3A_62 : i32
        scf.if %cond3A_63 {
          %dma_start3A_64 = arith.constant 0 : i32
          %dma_start3A_65 = tpu.memref_slice %arg2[%add3A_56, %dma_start3A_64] : memref<2048x4096xf32, #tpu.memory_space<hbm>> -> memref<8x4096xf32, #tpu.memory_space<hbm>>
          %dma_start3A_66 = arith.constant 0 : i32
          %dma_start3A_67 = tpu.memref_slice %arg2[%add3A_56, %dma_start3A_66] : memref<2048x4096xf32, #tpu.memory_space<hbm>> -> memref<8x4096xf32, #tpu.memory_space<hbm>>
          tpu.enqueue_dma source(%dma_start3A_67 : memref<8x4096xf32, #tpu.memory_space<hbm>>) target(%arg5 : memref<8x4096xf32, #tpu.memory_space<vmem>>) target_semaphore(%arg11 : memref<!tpu.dma_semaphore, #tpu.memory_space<semaphore_mem>>)
        } else {
        }
      } else {
      }
      %convert_element_type3A_41 = arith.extui %eq3A_35 : i1 to i32
      %cond3A_42 = arith.constant 0 : i32
      %cond3A_43 = arith.cmpi ne, %convert_element_type3A_41, %cond3A_42 : i32
      %cond3A_44 = scf.if %cond3A_43 -> (vector<16xf32>) {
        %mul3A_52 = arith.constant 8 : i32
        %mul3A_53 = arith.muli %scan3A_32, %mul3A_52 : i32
        %add3A_54 = arith.addi %mul3A_2, %mul3A_53 : i32
        %dma_wait3A_55 = arith.constant 0 : i32
        %dma_wait3A_56 = tpu.memref_slice %arg2[%add3A_54, %dma_wait3A_55] : memref<2048x4096xf32, #tpu.memory_space<hbm>> -> memref<8x4096xf32, #tpu.memory_space<hbm>>
        %dma_wait3A_57 = arith.constant 0 : i32
        %dma_wait3A_58 = tpu.memref_slice %arg2[%add3A_54, %dma_wait3A_57] : memref<2048x4096xf32, #tpu.memory_space<hbm>> -> memref<8x4096xf32, #tpu.memory_space<hbm>>
        tpu.wait_dma2 semaphore(%arg11 : memref<!tpu.dma_semaphore, #tpu.memory_space<semaphore_mem>>) src(%dma_wait3A_58 : memref<8x4096xf32, #tpu.memory_space<hbm>>) dst(%arg5 : memref<8x4096xf32, #tpu.memory_space<vmem>>)
        %mul3A_59 = arith.constant 8 : i32
        %mul3A_60 = arith.muli %scan3A_32, %mul3A_59 : i32
        %add3A_61 = vector.broadcast %mul3A_60 : i32 to vector<16xi32>
        %add3A_62 = arith.addi %add3A_61, %select_n3A : vector<16xi32>
        %gather3A = tpu.vector_load_idx %arg9[%add3A_62] : memref<64xf32, #tpu.memory_space<vmem>>[vector<16xi32>], vector<16xf32>,
        %parallel_loop3A = arith.constant 0 : i32
        %parallel_loop3A_63 = arith.constant 98 : i32
        %parallel_loop3A_64 = arith.constant 1 : i32
        scf.for %parallel_loop3A_100 = %parallel_loop3A to %parallel_loop3A_63 step %parallel_loop3A_64  : i32 {
          %parallel_loop3A_101 = arith.constant 16 : i32
          %parallel_loop3A_102 = arith.muli %parallel_loop3A_100, %parallel_loop3A_101 : i32
          %parallel_loop3A_103 = arith.index_cast %parallel_loop3A_102 : i32 to index
          %parallel_loop3A_104 = tpu.vector_load %arg7[%parallel_loop3A_103] {strides = array<i32>} : memref<1568xf32, #tpu.memory_space<vmem>>, vector<16xf32>,
          tpu.vector_store %arg7[%parallel_loop3A_103], %broadcast_in_dim3A_15 {strides = array<i32>} : memref<1568xf32, #tpu.memory_space<vmem>>, vector<16xf32>,
        } {sc.loop_unroll_factor = 8 : i64, sc.parallel_access}
        %parallel_loop3A_65 = arith.constant 0 : i32
        %parallel_loop3A_66 = arith.constant 1024 : i32
        %parallel_loop3A_67 = arith.constant 1 : i32
        %parallel_loop3A_68:2 = scf.for %parallel_loop3A_100 = %parallel_loop3A_65 to %parallel_loop3A_66 step %parallel_loop3A_67 iter_args(%parallel_loop3A_101 = %broadcast_in_dim3A_19, %parallel_loop3A_102 = %broadcast_in_dim3A_19) -> (vector<16xi32>, vector<16xi32>)  : i32 {
          %parallel_loop3A_103 = arith.constant 2 : i32
          %parallel_loop3A_104 = arith.muli %parallel_loop3A_103, %parallel_loop3A_100 : i32
          %parallel_loop3A_105 = arith.constant 2 : i32
          %parallel_loop3A_106 = arith.muli %parallel_loop3A_105, %parallel_loop3A_100 : i32
          %parallel_loop3A_107 = arith.constant 1 : i32
          %parallel_loop3A_108 = arith.addi %parallel_loop3A_106, %parallel_loop3A_107 : i32
          %parallel_loop3A_109 = vector.broadcast %parallel_loop3A_104 : i32 to vector<16xi32>
          %parallel_loop3A_110 = arith.addi %iota3A, %parallel_loop3A_109 : vector<16xi32>
          %parallel_loop3A_111 = arith.constant 2047 : i32
          %parallel_loop3A_112 = vector.broadcast %parallel_loop3A_111 : i32 to vector<16xi32>
          %parallel_loop3A_113 = arith.andi %parallel_loop3A_110, %parallel_loop3A_112 : vector<16xi32>
          %parallel_loop3A_114 = arith.addi %mul3A_11, %parallel_loop3A_113 : vector<16xi32>
          %parallel_loop3A_115 = tpu.vector_load_idx %arg5[%select_n3A, %parallel_loop3A_114] : memref<8x4096xf32, #tpu.memory_space<vmem>>[vector<16xi32>, vector<16xi32>], vector<16xf32>,
          %parallel_loop3A_116 = arith.cmpf oge, %parallel_loop3A_115, %gather3A : vector<16xf32>
          %parallel_loop3A_117 = arith.constant 0 : i32
          %parallel_loop3A_118 = vector.broadcast %parallel_loop3A_117 : i32 to vector<16xi32>
          %parallel_loop3A_119 = arith.addi %mul3A_14, %parallel_loop3A_118 : vector<16xi32>
          %parallel_loop3A_120 = arith.constant 47 : i32
          %parallel_loop3A_121 = vector.broadcast %parallel_loop3A_120 : i32 to vector<16xi32>
          %parallel_loop3A_122 = arith.minsi %parallel_loop3A_101, %parallel_loop3A_121 : vector<16xi32>
          %parallel_loop3A_123 = arith.addi %parallel_loop3A_119, %parallel_loop3A_122 : vector<16xi32>
          tpu.vector_store_idx %arg7[%parallel_loop3A_123], %parallel_loop3A_115 masked %parallel_loop3A_116 : memref<1568xf32, #tpu.memory_space<vmem>>[vector<16xi32>], vector<16xf32>, vector<16xi1>
          %parallel_loop3A_124 = arith.select %parallel_loop3A_116, %broadcast_in_dim3A_17, %broadcast_in_dim3A_19 : vector<16xi1>, vector<16xi32>
          %parallel_loop3A_125 = arith.addi %parallel_loop3A_101, %parallel_loop3A_124 : vector<16xi32>
          %parallel_loop3A_126 = vector.broadcast %parallel_loop3A_108 : i32 to vector<16xi32>
          %parallel_loop3A_127 = arith.addi %iota3A, %parallel_loop3A_126 : vector<16xi32>
          %parallel_loop3A_128 = arith.constant 2047 : i32
          %parallel_loop3A_129 = vector.broadcast %parallel_loop3A_128 : i32 to vector<16xi32>
          %parallel_loop3A_130 = arith.andi %parallel_loop3A_127, %parallel_loop3A_129 : vector<16xi32>
          %parallel_loop3A_131 = arith.addi %mul3A_11, %parallel_loop3A_130 : vector<16xi32>
          %parallel_loop3A_132 = tpu.vector_load_idx %arg5[%select_n3A, %parallel_loop3A_131] : memref<8x4096xf32, #tpu.memory_space<vmem>>[vector<16xi32>, vector<16xi32>], vector<16xf32>,
          %parallel_loop3A_133 = arith.cmpf oge, %parallel_loop3A_132, %gather3A : vector<16xf32>
          %parallel_loop3A_134 = arith.constant 48 : i32
          %parallel_loop3A_135 = vector.broadcast %parallel_loop3A_134 : i32 to vector<16xi32>
          %parallel_loop3A_136 = arith.addi %mul3A_14, %parallel_loop3A_135 : vector<16xi32>
          %parallel_loop3A_137 = arith.constant 47 : i32
          %parallel_loop3A_138 = vector.broadcast %parallel_loop3A_137 : i32 to vector<16xi32>
          %parallel_loop3A_139 = arith.minsi %parallel_loop3A_102, %parallel_loop3A_138 : vector<16xi32>
          %parallel_loop3A_140 = arith.addi %parallel_loop3A_136, %parallel_loop3A_139 : vector<16xi32>
          tpu.vector_store_idx %arg7[%parallel_loop3A_140], %parallel_loop3A_132 masked %parallel_loop3A_133 : memref<1568xf32, #tpu.memory_space<vmem>>[vector<16xi32>], vector<16xf32>, vector<16xi1>
          %parallel_loop3A_141 = arith.select %parallel_loop3A_133, %broadcast_in_dim3A_17, %broadcast_in_dim3A_19 : vector<16xi1>, vector<16xi32>
          %parallel_loop3A_142 = arith.addi %parallel_loop3A_102, %parallel_loop3A_141 : vector<16xi32>
          scf.yield %parallel_loop3A_125, %parallel_loop3A_142 : vector<16xi32>, vector<16xi32>
        } {sc.loop_unroll_factor = 4 : i64, sc.parallel_access}
        %parallel_loop3A_69 = arith.constant 0 : i32
        %parallel_loop3A_70 = arith.constant 98 : i32
        %parallel_loop3A_71 = arith.constant 1 : i32
        scf.for %parallel_loop3A_100 = %parallel_loop3A_69 to %parallel_loop3A_70 step %parallel_loop3A_71  : i32 {
          %parallel_loop3A_101 = arith.constant 16 : i32
          %parallel_loop3A_102 = arith.muli %parallel_loop3A_100, %parallel_loop3A_101 : i32
          %parallel_loop3A_103 = arith.index_cast %parallel_loop3A_102 : i32 to index
          %parallel_loop3A_104 = tpu.vector_load %arg7[%parallel_loop3A_103] {strides = array<i32>} : memref<1568xf32, #tpu.memory_space<vmem>>, vector<16xf32>,
          %parallel_loop3A_105 = vector.bitcast %parallel_loop3A_104 : vector<16xf32> to vector<16xi32>
          %parallel_loop3A_106 = arith.constant -2147483648 : i32
          %parallel_loop3A_107 = vector.broadcast %parallel_loop3A_106 : i32 to vector<16xi32>
          %parallel_loop3A_108 = arith.cmpi uge, %parallel_loop3A_105, %parallel_loop3A_107 : vector<16xi32>
          %parallel_loop3A_109 = arith.constant -1 : i32
          %parallel_loop3A_110 = arith.constant -2147483648 : i32
          %parallel_loop3A_111 = vector.broadcast %parallel_loop3A_109 : i32 to vector<16xi32>
          %parallel_loop3A_112 = vector.broadcast %parallel_loop3A_110 : i32 to vector<16xi32>
          %parallel_loop3A_113 = arith.select %parallel_loop3A_108, %parallel_loop3A_111, %parallel_loop3A_112 : vector<16xi1>, vector<16xi32>
          %parallel_loop3A_114 = arith.xori %parallel_loop3A_105, %parallel_loop3A_113 : vector<16xi32>
          %parallel_loop3A_115 = vector.bitcast %parallel_loop3A_114 : vector<16xi32> to vector<16xi32>
          %parallel_loop3A_116 = arith.index_cast %parallel_loop3A_102 : i32 to index
          %parallel_loop3A_117 = tpu.vector_load %arg8[%parallel_loop3A_116] {strides = array<i32>} : memref<1568xi32, #tpu.memory_space<vmem>>, vector<16xi32>,
          tpu.vector_store %arg8[%parallel_loop3A_116], %parallel_loop3A_115 {strides = array<i32>} : memref<1568xi32, #tpu.memory_space<vmem>>, vector<16xi32>,
        } {sc.loop_unroll_factor = 8 : i64, sc.parallel_access}
        %reduce_max3A = arith.constant true
        %reduce_max3A_72 = vector.broadcast %reduce_max3A : i1 to vector<16xi1>
        %reduce_max3A_73 = arith.constant -2147483648 : i32
        %reduce_max3A_74 = vector.broadcast %reduce_max3A_73 : i32 to vector<16xi32>
        %reduce_max3A_75 = arith.xori %parallel_loop3A_68#0, %reduce_max3A_74 : vector<16xi32>
        %reduce_max3A_76 = tpu.scan <max>, %reduce_max3A_75 masked %reduce_max3A_72 : vector<16xi32>, vector<16xi1> -> vector<16xi32>
        %reduce_max3A_77 = arith.xori %reduce_max3A_76, %reduce_max3A_74 : vector<16xi32>
        %reduce_max3A_78 = vector.extract %reduce_max3A_77[15] : i32 from vector<16xi32>
        %reduce_max3A_79 = arith.constant true
        %reduce_max3A_80 = vector.broadcast %reduce_max3A_79 : i1 to vector<16xi1>
        %reduce_max3A_81 = arith.constant -2147483648 : i32
        %reduce_max3A_82 = vector.broadcast %reduce_max3A_81 : i32 to vector<16xi32>
        %reduce_max3A_83 = arith.xori %parallel_loop3A_68#1, %reduce_max3A_82 : vector<16xi32>
        %reduce_max3A_84 = tpu.scan <max>, %reduce_max3A_83 masked %reduce_max3A_80 : vector<16xi32>, vector<16xi1> -> vector<16xi32>
        %reduce_max3A_85 = arith.xori %reduce_max3A_84, %reduce_max3A_82 : vector<16xi32>
        %reduce_max3A_86 = vector.extract %reduce_max3A_85[15] : i32 from vector<16xi32>
        %max3A = arith.maxsi %reduce_max3A_78, %reduce_max3A_86 : i32
        %bitcast3A = vector.bitcast %gather3A : vector<16xf32> to vector<16xi32>
        %ge3A = arith.constant -2147483648 : i32
        %ge3A_87 = vector.broadcast %ge3A : i32 to vector<16xi32>
        %ge3A_88 = arith.cmpi uge, %bitcast3A, %ge3A_87 : vector<16xi32>
        %jit3A = arith.constant -1 : i32
        %jit3A_89 = arith.constant -2147483648 : i32
        %broadcast_in_dim3A_90 = vector.broadcast %jit3A : i32 to vector<16xi32>
        %broadcast_in_dim3A_91 = vector.broadcast %jit3A_89 : i32 to vector<16xi32>
        %select_n3A_92 = arith.select %ge3A_88, %broadcast_in_dim3A_90, %broadcast_in_dim3A_91 : vector<16xi1>, vector<16xi32>
        %xor3A = arith.xori %bitcast3A, %select_n3A_92 : vector<16xi32>
        %broadcast_in_dim3A_93 = arith.constant -8388609 : i32
        %broadcast_in_dim3A_94 = vector.broadcast %broadcast_in_dim3A_93 : i32 to vector<16xi32>
        %le3A = arith.constant 48 : i32
        %le3A_95 = arith.cmpi sle, %max3A, %le3A : i32
        %convert_element_type3A_96 = arith.extui %le3A_95 : i1 to i32
        %cond3A_97 = arith.constant 0 : i32
        %cond3A_98 = arith.cmpi ne, %convert_element_type3A_96, %cond3A_97 : i32
        %cond3A_99 = scf.if %cond3A_98 -> (vector<16xf32>) {
          %scan3A_100 = arith.constant 0 : i32
          %scan3A_101 = arith.constant 32 : i32
          %scan3A_102 = arith.addi %scan3A_100, %scan3A_101 : i32
          %scan3A_103 = arith.constant 1 : i32
          %scan3A_104:2 = scf.for %scan3A_116 = %scan3A_100 to %scan3A_102 step %scan3A_103 iter_args(%scan3A_117 = %xor3A, %scan3A_118 = %broadcast_in_dim3A_94) -> (vector<16xi32>, vector<16xi32>)  : i32 {
            %sub3A_119 = arith.subi %scan3A_118, %scan3A_117 : vector<16xi32>
            %add3A_120 = arith.constant 1 : i32
            %add3A_121 = vector.broadcast %add3A_120 : i32 to vector<16xi32>
            %add3A_122 = arith.addi %sub3A_119, %add3A_121 : vector<16xi32>
            %shift_right_logical3A = arith.constant 1 : i32
            %shift_right_logical3A_123 = vector.broadcast %shift_right_logical3A : i32 to vector<16xi32>
            %shift_right_logical3A_124 = arith.shrui %add3A_122, %shift_right_logical3A_123 : vector<16xi32>
            %add3A_125 = arith.addi %scan3A_117, %shift_right_logical3A_124 : vector<16xi32>
            %parallel_loop3A_126 = arith.constant 0 : i32
            %parallel_loop3A_127 = arith.constant 1 : i32
            %parallel_loop3A_128 = scf.for %parallel_loop3A_142 = %parallel_loop3A_126 to %max3A step %parallel_loop3A_127 iter_args(%parallel_loop3A_143 = %broadcast_in_dim3A_19) -> (vector<16xi32>)  : i32 {
              %parallel_loop3A_144 = vector.broadcast %parallel_loop3A_142 : i32 to vector<16xi32>
              %parallel_loop3A_145 = arith.addi %mul3A_14, %parallel_loop3A_144 : vector<16xi32>
              %parallel_loop3A_146 = tpu.vector_load_idx %arg8[%parallel_loop3A_145] : memref<1568xi32, #tpu.memory_space<vmem>>[vector<16xi32>], vector<16xi32>,
              %parallel_loop3A_147 = vector.bitcast %parallel_loop3A_146 : vector<16xi32> to vector<16xi32>
              %parallel_loop3A_148 = arith.constant 48 : i32
              %parallel_loop3A_149 = vector.broadcast %parallel_loop3A_148 : i32 to vector<16xi32>
              %parallel_loop3A_150 = arith.addi %mul3A_14, %parallel_loop3A_149 : vector<16xi32>
              %parallel_loop3A_151 = vector.broadcast %parallel_loop3A_142 : i32 to vector<16xi32>
              %parallel_loop3A_152 = arith.addi %parallel_loop3A_150, %parallel_loop3A_151 : vector<16xi32>
              %parallel_loop3A_153 = tpu.vector_load_idx %arg8[%parallel_loop3A_152] : memref<1568xi32, #tpu.memory_space<vmem>>[vector<16xi32>], vector<16xi32>,
              %parallel_loop3A_154 = vector.bitcast %parallel_loop3A_153 : vector<16xi32> to vector<16xi32>
              %parallel_loop3A_155 = arith.cmpi uge, %parallel_loop3A_147, %add3A_125 : vector<16xi32>
              %parallel_loop3A_156 = arith.select %parallel_loop3A_155, %broadcast_in_dim3A_17, %broadcast_in_dim3A_19 : vector<16xi1>, vector<16xi32>
              %parallel_loop3A_157 = arith.addi %parallel_loop3A_143, %parallel_loop3A_156 : vector<16xi32>
              %parallel_loop3A_158 = arith.cmpi uge, %parallel_loop3A_154, %add3A_125 : vector<16xi32>
              %parallel_loop3A_159 = arith.select %parallel_loop3A_158, %broadcast_in_dim3A_17, %broadcast_in_dim3A_19 : vector<16xi1>, vector<16xi32>
              %parallel_loop3A_160 = arith.addi %parallel_loop3A_157, %parallel_loop3A_159 : vector<16xi32>
              scf.yield %parallel_loop3A_160 : vector<16xi32>
            } {sc.loop_unroll_factor = 4 : i64, sc.parallel_access}
            %rev3A = arith.constant 15 : i32
            %rev3A_129 = vector.broadcast %rev3A : i32 to vector<16xi32>
            %rev3A_130 = tpu.iota {dimensions = array<i32: 0>} : vector<16xi32>
            %rev3A_131 = arith.subi %rev3A_129, %rev3A_130 : vector<16xi32>
            %rev3A_132 = tpu.dynamic_gather %parallel_loop3A_128[%rev3A_131] in [0] : vector<16xi32>, vector<16xi32> -> vector<16xi32>
            %add3A_133 = arith.addi %parallel_loop3A_128, %rev3A_132 : vector<16xi32>
            %ge3A_134 = arith.constant 32 : i32
            %ge3A_135 = vector.broadcast %ge3A_134 : i32 to vector<16xi32>
            %ge3A_136 = arith.cmpi sge, %add3A_133, %ge3A_135 : vector<16xi32>
            %select_n3A_137 = arith.select %ge3A_136, %add3A_125, %scan3A_117 : vector<16xi1>, vector<16xi32>
            %sub3A_138 = arith.constant 1 : i32
            %sub3A_139 = vector.broadcast %sub3A_138 : i32 to vector<16xi32>
            %sub3A_140 = arith.subi %add3A_125, %sub3A_139 : vector<16xi32>
            %select_n3A_141 = arith.select %ge3A_136, %scan3A_118, %sub3A_140 : vector<16xi1>, vector<16xi32>
            scf.yield %select_n3A_137, %select_n3A_141 : vector<16xi32>, vector<16xi32>
          }
          %scan3A_105 = arith.constant 32 : i32
          %ge3A_106 = arith.constant -2147483648 : i32
          %ge3A_107 = vector.broadcast %ge3A_106 : i32 to vector<16xi32>
          %ge3A_108 = arith.cmpi uge, %scan3A_104#0, %ge3A_107 : vector<16xi32>
          %jit3A_109 = arith.constant -2147483648 : i32
          %jit3A_110 = arith.constant -1 : i32
          %broadcast_in_dim3A_111 = vector.broadcast %jit3A_109 : i32 to vector<16xi32>
          %broadcast_in_dim3A_112 = vector.broadcast %jit3A_110 : i32 to vector<16xi32>
          %select_n3A_113 = arith.select %ge3A_108, %broadcast_in_dim3A_111, %broadcast_in_dim3A_112 : vector<16xi1>, vector<16xi32>
          %xor3A_114 = arith.xori %scan3A_104#0, %select_n3A_113 : vector<16xi32>
          %bitcast3A_115 = vector.bitcast %xor3A_114 : vector<16xi32> to vector<16xf32>
          scf.yield %bitcast3A_115 : vector<16xf32>
        } else {
          %scan3A_100 = arith.constant 0 : i32
          %scan3A_101 = arith.constant 32 : i32
          %scan3A_102 = arith.addi %scan3A_100, %scan3A_101 : i32
          %scan3A_103 = arith.constant 1 : i32
          %scan3A_104:2 = scf.for %scan3A_116 = %scan3A_100 to %scan3A_102 step %scan3A_103 iter_args(%scan3A_117 = %xor3A, %scan3A_118 = %broadcast_in_dim3A_94) -> (vector<16xi32>, vector<16xi32>)  : i32 {
            %sub3A_119 = arith.subi %scan3A_118, %scan3A_117 : vector<16xi32>
            %add3A_120 = arith.constant 1 : i32
            %add3A_121 = vector.broadcast %add3A_120 : i32 to vector<16xi32>
            %add3A_122 = arith.addi %sub3A_119, %add3A_121 : vector<16xi32>
            %shift_right_logical3A = arith.constant 1 : i32
            %shift_right_logical3A_123 = vector.broadcast %shift_right_logical3A : i32 to vector<16xi32>
            %shift_right_logical3A_124 = arith.shrui %add3A_122, %shift_right_logical3A_123 : vector<16xi32>
            %add3A_125 = arith.addi %scan3A_117, %shift_right_logical3A_124 : vector<16xi32>
            %parallel_loop3A_126 = arith.constant 0 : i32
            %parallel_loop3A_127 = arith.constant 2048 : i32
            %parallel_loop3A_128 = arith.constant 1 : i32
            %parallel_loop3A_129 = scf.for %parallel_loop3A_143 = %parallel_loop3A_126 to %parallel_loop3A_127 step %parallel_loop3A_128 iter_args(%parallel_loop3A_144 = %broadcast_in_dim3A_19) -> (vector<16xi32>)  : i32 {
              %parallel_loop3A_145 = vector.broadcast %parallel_loop3A_143 : i32 to vector<16xi32>
              %parallel_loop3A_146 = arith.addi %iota3A, %parallel_loop3A_145 : vector<16xi32>
              %parallel_loop3A_147 = arith.constant 2047 : i32
              %parallel_loop3A_148 = vector.broadcast %parallel_loop3A_147 : i32 to vector<16xi32>
              %parallel_loop3A_149 = arith.andi %parallel_loop3A_146, %parallel_loop3A_148 : vector<16xi32>
              %parallel_loop3A_150 = arith.addi %mul3A_11, %parallel_loop3A_149 : vector<16xi32>
              %parallel_loop3A_151 = tpu.vector_load_idx %arg5[%select_n3A, %parallel_loop3A_150] : memref<8x4096xf32, #tpu.memory_space<vmem>>[vector<16xi32>, vector<16xi32>], vector<16xf32>,
              %parallel_loop3A_152 = vector.bitcast %parallel_loop3A_151 : vector<16xf32> to vector<16xi32>
              %parallel_loop3A_153 = arith.constant -2147483648 : i32
              %parallel_loop3A_154 = vector.broadcast %parallel_loop3A_153 : i32 to vector<16xi32>
              %parallel_loop3A_155 = arith.cmpi uge, %parallel_loop3A_152, %parallel_loop3A_154 : vector<16xi32>
              %parallel_loop3A_156 = arith.constant -1 : i32
              %parallel_loop3A_157 = arith.constant -2147483648 : i32
              %parallel_loop3A_158 = vector.broadcast %parallel_loop3A_156 : i32 to vector<16xi32>
              %parallel_loop3A_159 = vector.broadcast %parallel_loop3A_157 : i32 to vector<16xi32>
              %parallel_loop3A_160 = arith.select %parallel_loop3A_155, %parallel_loop3A_158, %parallel_loop3A_159 : vector<16xi1>, vector<16xi32>
              %parallel_loop3A_161 = arith.xori %parallel_loop3A_152, %parallel_loop3A_160 : vector<16xi32>
              %parallel_loop3A_162 = arith.cmpi uge, %parallel_loop3A_161, %add3A_125 : vector<16xi32>
              %parallel_loop3A_163 = arith.select %parallel_loop3A_162, %broadcast_in_dim3A_17, %broadcast_in_dim3A_19 : vector<16xi1>, vector<16xi32>
              %parallel_loop3A_164 = arith.addi %parallel_loop3A_144, %parallel_loop3A_163 : vector<16xi32>
              scf.yield %parallel_loop3A_164 : vector<16xi32>
            } {sc.loop_unroll_factor = 4 : i64, sc.parallel_access}
            %rev3A = arith.constant 15 : i32
            %rev3A_130 = vector.broadcast %rev3A : i32 to vector<16xi32>
            %rev3A_131 = tpu.iota {dimensions = array<i32: 0>} : vector<16xi32>
            %rev3A_132 = arith.subi %rev3A_130, %rev3A_131 : vector<16xi32>
            %rev3A_133 = tpu.dynamic_gather %parallel_loop3A_129[%rev3A_132] in [0] : vector<16xi32>, vector<16xi32> -> vector<16xi32>
            %add3A_134 = arith.addi %parallel_loop3A_129, %rev3A_133 : vector<16xi32>
            %ge3A_135 = arith.constant 32 : i32
            %ge3A_136 = vector.broadcast %ge3A_135 : i32 to vector<16xi32>
            %ge3A_137 = arith.cmpi sge, %add3A_134, %ge3A_136 : vector<16xi32>
            %select_n3A_138 = arith.select %ge3A_137, %add3A_125, %scan3A_117 : vector<16xi1>, vector<16xi32>
            %sub3A_139 = arith.constant 1 : i32
            %sub3A_140 = vector.broadcast %sub3A_139 : i32 to vector<16xi32>
            %sub3A_141 = arith.subi %add3A_125, %sub3A_140 : vector<16xi32>
            %select_n3A_142 = arith.select %ge3A_137, %scan3A_118, %sub3A_141 : vector<16xi1>, vector<16xi32>
            scf.yield %select_n3A_138, %select_n3A_142 : vector<16xi32>, vector<16xi32>
          }
          %scan3A_105 = arith.constant 32 : i32
          %ge3A_106 = arith.constant -2147483648 : i32
          %ge3A_107 = vector.broadcast %ge3A_106 : i32 to vector<16xi32>
          %ge3A_108 = arith.cmpi uge, %scan3A_104#0, %ge3A_107 : vector<16xi32>
          %jit3A_109 = arith.constant -2147483648 : i32
          %jit3A_110 = arith.constant -1 : i32
          %broadcast_in_dim3A_111 = vector.broadcast %jit3A_109 : i32 to vector<16xi32>
          %broadcast_in_dim3A_112 = vector.broadcast %jit3A_110 : i32 to vector<16xi32>
          %select_n3A_113 = arith.select %ge3A_108, %broadcast_in_dim3A_111, %broadcast_in_dim3A_112 : vector<16xi1>, vector<16xi32>
          %xor3A_114 = arith.xori %scan3A_104#0, %select_n3A_113 : vector<16xi32>
          %bitcast3A_115 = vector.bitcast %xor3A_114 : vector<16xi32> to vector<16xf32>
          scf.yield %bitcast3A_115 : vector<16xf32>
        }
        scf.yield %cond3A_99 : vector<16xf32>
      } else {
        %mul3A_52 = arith.constant 8 : i32
        %mul3A_53 = arith.muli %scan3A_32, %mul3A_52 : i32
        %add3A_54 = arith.addi %mul3A_2, %mul3A_53 : i32
        %dma_wait3A_55 = arith.constant 0 : i32
        %dma_wait3A_56 = tpu.memref_slice %arg2[%add3A_54, %dma_wait3A_55] : memref<2048x4096xf32, #tpu.memory_space<hbm>> -> memref<8x4096xf32, #tpu.memory_space<hbm>>
        %dma_wait3A_57 = arith.constant 0 : i32
        %dma_wait3A_58 = tpu.memref_slice %arg2[%add3A_54, %dma_wait3A_57] : memref<2048x4096xf32, #tpu.memory_space<hbm>> -> memref<8x4096xf32, #tpu.memory_space<hbm>>
        tpu.wait_dma2 semaphore(%arg12 : memref<!tpu.dma_semaphore, #tpu.memory_space<semaphore_mem>>) src(%dma_wait3A_58 : memref<8x4096xf32, #tpu.memory_space<hbm>>) dst(%arg6 : memref<8x4096xf32, #tpu.memory_space<vmem>>)
        %mul3A_59 = arith.constant 8 : i32
        %mul3A_60 = arith.muli %scan3A_32, %mul3A_59 : i32
        %add3A_61 = vector.broadcast %mul3A_60 : i32 to vector<16xi32>
        %add3A_62 = arith.addi %add3A_61, %select_n3A : vector<16xi32>
        %gather3A = tpu.vector_load_idx %arg9[%add3A_62] : memref<64xf32, #tpu.memory_space<vmem>>[vector<16xi32>], vector<16xf32>,
        %parallel_loop3A = arith.constant 0 : i32
        %parallel_loop3A_63 = arith.constant 98 : i32
        %parallel_loop3A_64 = arith.constant 1 : i32
        scf.for %parallel_loop3A_100 = %parallel_loop3A to %parallel_loop3A_63 step %parallel_loop3A_64  : i32 {
          %parallel_loop3A_101 = arith.constant 16 : i32
          %parallel_loop3A_102 = arith.muli %parallel_loop3A_100, %parallel_loop3A_101 : i32
          %parallel_loop3A_103 = arith.index_cast %parallel_loop3A_102 : i32 to index
          %parallel_loop3A_104 = tpu.vector_load %arg7[%parallel_loop3A_103] {strides = array<i32>} : memref<1568xf32, #tpu.memory_space<vmem>>, vector<16xf32>,
          tpu.vector_store %arg7[%parallel_loop3A_103], %broadcast_in_dim3A_15 {strides = array<i32>} : memref<1568xf32, #tpu.memory_space<vmem>>, vector<16xf32>,
        } {sc.loop_unroll_factor = 8 : i64, sc.parallel_access}
        %parallel_loop3A_65 = arith.constant 0 : i32
        %parallel_loop3A_66 = arith.constant 1024 : i32
        %parallel_loop3A_67 = arith.constant 1 : i32
        %parallel_loop3A_68:2 = scf.for %parallel_loop3A_100 = %parallel_loop3A_65 to %parallel_loop3A_66 step %parallel_loop3A_67 iter_args(%parallel_loop3A_101 = %broadcast_in_dim3A_19, %parallel_loop3A_102 = %broadcast_in_dim3A_19) -> (vector<16xi32>, vector<16xi32>)  : i32 {
          %parallel_loop3A_103 = arith.constant 2 : i32
          %parallel_loop3A_104 = arith.muli %parallel_loop3A_103, %parallel_loop3A_100 : i32
          %parallel_loop3A_105 = arith.constant 2 : i32
          %parallel_loop3A_106 = arith.muli %parallel_loop3A_105, %parallel_loop3A_100 : i32
          %parallel_loop3A_107 = arith.constant 1 : i32
          %parallel_loop3A_108 = arith.addi %parallel_loop3A_106, %parallel_loop3A_107 : i32
          %parallel_loop3A_109 = vector.broadcast %parallel_loop3A_104 : i32 to vector<16xi32>
          %parallel_loop3A_110 = arith.addi %iota3A, %parallel_loop3A_109 : vector<16xi32>
          %parallel_loop3A_111 = arith.constant 2047 : i32
          %parallel_loop3A_112 = vector.broadcast %parallel_loop3A_111 : i32 to vector<16xi32>
          %parallel_loop3A_113 = arith.andi %parallel_loop3A_110, %parallel_loop3A_112 : vector<16xi32>
          %parallel_loop3A_114 = arith.addi %mul3A_11, %parallel_loop3A_113 : vector<16xi32>
          %parallel_loop3A_115 = tpu.vector_load_idx %arg6[%select_n3A, %parallel_loop3A_114] : memref<8x4096xf32, #tpu.memory_space<vmem>>[vector<16xi32>, vector<16xi32>], vector<16xf32>,
          %parallel_loop3A_116 = arith.cmpf oge, %parallel_loop3A_115, %gather3A : vector<16xf32>
          %parallel_loop3A_117 = arith.constant 0 : i32
          %parallel_loop3A_118 = vector.broadcast %parallel_loop3A_117 : i32 to vector<16xi32>
          %parallel_loop3A_119 = arith.addi %mul3A_14, %parallel_loop3A_118 : vector<16xi32>
          %parallel_loop3A_120 = arith.constant 47 : i32
          %parallel_loop3A_121 = vector.broadcast %parallel_loop3A_120 : i32 to vector<16xi32>
          %parallel_loop3A_122 = arith.minsi %parallel_loop3A_101, %parallel_loop3A_121 : vector<16xi32>
          %parallel_loop3A_123 = arith.addi %parallel_loop3A_119, %parallel_loop3A_122 : vector<16xi32>
          tpu.vector_store_idx %arg7[%parallel_loop3A_123], %parallel_loop3A_115 masked %parallel_loop3A_116 : memref<1568xf32, #tpu.memory_space<vmem>>[vector<16xi32>], vector<16xf32>, vector<16xi1>
          %parallel_loop3A_124 = arith.select %parallel_loop3A_116, %broadcast_in_dim3A_17, %broadcast_in_dim3A_19 : vector<16xi1>, vector<16xi32>
          %parallel_loop3A_125 = arith.addi %parallel_loop3A_101, %parallel_loop3A_124 : vector<16xi32>
          %parallel_loop3A_126 = vector.broadcast %parallel_loop3A_108 : i32 to vector<16xi32>
          %parallel_loop3A_127 = arith.addi %iota3A, %parallel_loop3A_126 : vector<16xi32>
          %parallel_loop3A_128 = arith.constant 2047 : i32
          %parallel_loop3A_129 = vector.broadcast %parallel_loop3A_128 : i32 to vector<16xi32>
          %parallel_loop3A_130 = arith.andi %parallel_loop3A_127, %parallel_loop3A_129 : vector<16xi32>
          %parallel_loop3A_131 = arith.addi %mul3A_11, %parallel_loop3A_130 : vector<16xi32>
          %parallel_loop3A_132 = tpu.vector_load_idx %arg6[%select_n3A, %parallel_loop3A_131] : memref<8x4096xf32, #tpu.memory_space<vmem>>[vector<16xi32>, vector<16xi32>], vector<16xf32>,
          %parallel_loop3A_133 = arith.cmpf oge, %parallel_loop3A_132, %gather3A : vector<16xf32>
          %parallel_loop3A_134 = arith.constant 48 : i32
          %parallel_loop3A_135 = vector.broadcast %parallel_loop3A_134 : i32 to vector<16xi32>
          %parallel_loop3A_136 = arith.addi %mul3A_14, %parallel_loop3A_135 : vector<16xi32>
          %parallel_loop3A_137 = arith.constant 47 : i32
          %parallel_loop3A_138 = vector.broadcast %parallel_loop3A_137 : i32 to vector<16xi32>
          %parallel_loop3A_139 = arith.minsi %parallel_loop3A_102, %parallel_loop3A_138 : vector<16xi32>
          %parallel_loop3A_140 = arith.addi %parallel_loop3A_136, %parallel_loop3A_139 : vector<16xi32>
          tpu.vector_store_idx %arg7[%parallel_loop3A_140], %parallel_loop3A_132 masked %parallel_loop3A_133 : memref<1568xf32, #tpu.memory_space<vmem>>[vector<16xi32>], vector<16xf32>, vector<16xi1>
          %parallel_loop3A_141 = arith.select %parallel_loop3A_133, %broadcast_in_dim3A_17, %broadcast_in_dim3A_19 : vector<16xi1>, vector<16xi32>
          %parallel_loop3A_142 = arith.addi %parallel_loop3A_102, %parallel_loop3A_141 : vector<16xi32>
          scf.yield %parallel_loop3A_125, %parallel_loop3A_142 : vector<16xi32>, vector<16xi32>
        } {sc.loop_unroll_factor = 4 : i64, sc.parallel_access}
        %parallel_loop3A_69 = arith.constant 0 : i32
        %parallel_loop3A_70 = arith.constant 98 : i32
        %parallel_loop3A_71 = arith.constant 1 : i32
        scf.for %parallel_loop3A_100 = %parallel_loop3A_69 to %parallel_loop3A_70 step %parallel_loop3A_71  : i32 {
          %parallel_loop3A_101 = arith.constant 16 : i32
          %parallel_loop3A_102 = arith.muli %parallel_loop3A_100, %parallel_loop3A_101 : i32
          %parallel_loop3A_103 = arith.index_cast %parallel_loop3A_102 : i32 to index
          %parallel_loop3A_104 = tpu.vector_load %arg7[%parallel_loop3A_103] {strides = array<i32>} : memref<1568xf32, #tpu.memory_space<vmem>>, vector<16xf32>,
          %parallel_loop3A_105 = vector.bitcast %parallel_loop3A_104 : vector<16xf32> to vector<16xi32>
          %parallel_loop3A_106 = arith.constant -2147483648 : i32
          %parallel_loop3A_107 = vector.broadcast %parallel_loop3A_106 : i32 to vector<16xi32>
          %parallel_loop3A_108 = arith.cmpi uge, %parallel_loop3A_105, %parallel_loop3A_107 : vector<16xi32>
          %parallel_loop3A_109 = arith.constant -1 : i32
          %parallel_loop3A_110 = arith.constant -2147483648 : i32
          %parallel_loop3A_111 = vector.broadcast %parallel_loop3A_109 : i32 to vector<16xi32>
          %parallel_loop3A_112 = vector.broadcast %parallel_loop3A_110 : i32 to vector<16xi32>
          %parallel_loop3A_113 = arith.select %parallel_loop3A_108, %parallel_loop3A_111, %parallel_loop3A_112 : vector<16xi1>, vector<16xi32>
          %parallel_loop3A_114 = arith.xori %parallel_loop3A_105, %parallel_loop3A_113 : vector<16xi32>
          %parallel_loop3A_115 = vector.bitcast %parallel_loop3A_114 : vector<16xi32> to vector<16xi32>
          %parallel_loop3A_116 = arith.index_cast %parallel_loop3A_102 : i32 to index
          %parallel_loop3A_117 = tpu.vector_load %arg8[%parallel_loop3A_116] {strides = array<i32>} : memref<1568xi32, #tpu.memory_space<vmem>>, vector<16xi32>,
          tpu.vector_store %arg8[%parallel_loop3A_116], %parallel_loop3A_115 {strides = array<i32>} : memref<1568xi32, #tpu.memory_space<vmem>>, vector<16xi32>,
        } {sc.loop_unroll_factor = 8 : i64, sc.parallel_access}
        %reduce_max3A = arith.constant true
        %reduce_max3A_72 = vector.broadcast %reduce_max3A : i1 to vector<16xi1>
        %reduce_max3A_73 = arith.constant -2147483648 : i32
        %reduce_max3A_74 = vector.broadcast %reduce_max3A_73 : i32 to vector<16xi32>
        %reduce_max3A_75 = arith.xori %parallel_loop3A_68#0, %reduce_max3A_74 : vector<16xi32>
        %reduce_max3A_76 = tpu.scan <max>, %reduce_max3A_75 masked %reduce_max3A_72 : vector<16xi32>, vector<16xi1> -> vector<16xi32>
        %reduce_max3A_77 = arith.xori %reduce_max3A_76, %reduce_max3A_74 : vector<16xi32>
        %reduce_max3A_78 = vector.extract %reduce_max3A_77[15] : i32 from vector<16xi32>
        %reduce_max3A_79 = arith.constant true
        %reduce_max3A_80 = vector.broadcast %reduce_max3A_79 : i1 to vector<16xi1>
        %reduce_max3A_81 = arith.constant -2147483648 : i32
        %reduce_max3A_82 = vector.broadcast %reduce_max3A_81 : i32 to vector<16xi32>
        %reduce_max3A_83 = arith.xori %parallel_loop3A_68#1, %reduce_max3A_82 : vector<16xi32>
        %reduce_max3A_84 = tpu.scan <max>, %reduce_max3A_83 masked %reduce_max3A_80 : vector<16xi32>, vector<16xi1> -> vector<16xi32>
        %reduce_max3A_85 = arith.xori %reduce_max3A_84, %reduce_max3A_82 : vector<16xi32>
        %reduce_max3A_86 = vector.extract %reduce_max3A_85[15] : i32 from vector<16xi32>
        %max3A = arith.maxsi %reduce_max3A_78, %reduce_max3A_86 : i32
        %bitcast3A = vector.bitcast %gather3A : vector<16xf32> to vector<16xi32>
        %ge3A = arith.constant -2147483648 : i32
        %ge3A_87 = vector.broadcast %ge3A : i32 to vector<16xi32>
        %ge3A_88 = arith.cmpi uge, %bitcast3A, %ge3A_87 : vector<16xi32>
        %jit3A = arith.constant -1 : i32
        %jit3A_89 = arith.constant -2147483648 : i32
        %broadcast_in_dim3A_90 = vector.broadcast %jit3A : i32 to vector<16xi32>
        %broadcast_in_dim3A_91 = vector.broadcast %jit3A_89 : i32 to vector<16xi32>
        %select_n3A_92 = arith.select %ge3A_88, %broadcast_in_dim3A_90, %broadcast_in_dim3A_91 : vector<16xi1>, vector<16xi32>
        %xor3A = arith.xori %bitcast3A, %select_n3A_92 : vector<16xi32>
        %broadcast_in_dim3A_93 = arith.constant -8388609 : i32
        %broadcast_in_dim3A_94 = vector.broadcast %broadcast_in_dim3A_93 : i32 to vector<16xi32>
        %le3A = arith.constant 48 : i32
        %le3A_95 = arith.cmpi sle, %max3A, %le3A : i32
        %convert_element_type3A_96 = arith.extui %le3A_95 : i1 to i32
        %cond3A_97 = arith.constant 0 : i32
        %cond3A_98 = arith.cmpi ne, %convert_element_type3A_96, %cond3A_97 : i32
        %cond3A_99 = scf.if %cond3A_98 -> (vector<16xf32>) {
          %scan3A_100 = arith.constant 0 : i32
          %scan3A_101 = arith.constant 32 : i32
          %scan3A_102 = arith.addi %scan3A_100, %scan3A_101 : i32
          %scan3A_103 = arith.constant 1 : i32
          %scan3A_104:2 = scf.for %scan3A_116 = %scan3A_100 to %scan3A_102 step %scan3A_103 iter_args(%scan3A_117 = %xor3A, %scan3A_118 = %broadcast_in_dim3A_94) -> (vector<16xi32>, vector<16xi32>)  : i32 {
            %sub3A_119 = arith.subi %scan3A_118, %scan3A_117 : vector<16xi32>
            %add3A_120 = arith.constant 1 : i32
            %add3A_121 = vector.broadcast %add3A_120 : i32 to vector<16xi32>
            %add3A_122 = arith.addi %sub3A_119, %add3A_121 : vector<16xi32>
            %shift_right_logical3A = arith.constant 1 : i32
            %shift_right_logical3A_123 = vector.broadcast %shift_right_logical3A : i32 to vector<16xi32>
            %shift_right_logical3A_124 = arith.shrui %add3A_122, %shift_right_logical3A_123 : vector<16xi32>
            %add3A_125 = arith.addi %scan3A_117, %shift_right_logical3A_124 : vector<16xi32>
            %parallel_loop3A_126 = arith.constant 0 : i32
            %parallel_loop3A_127 = arith.constant 1 : i32
            %parallel_loop3A_128 = scf.for %parallel_loop3A_142 = %parallel_loop3A_126 to %max3A step %parallel_loop3A_127 iter_args(%parallel_loop3A_143 = %broadcast_in_dim3A_19) -> (vector<16xi32>)  : i32 {
              %parallel_loop3A_144 = vector.broadcast %parallel_loop3A_142 : i32 to vector<16xi32>
              %parallel_loop3A_145 = arith.addi %mul3A_14, %parallel_loop3A_144 : vector<16xi32>
              %parallel_loop3A_146 = tpu.vector_load_idx %arg8[%parallel_loop3A_145] : memref<1568xi32, #tpu.memory_space<vmem>>[vector<16xi32>], vector<16xi32>,
              %parallel_loop3A_147 = vector.bitcast %parallel_loop3A_146 : vector<16xi32> to vector<16xi32>
              %parallel_loop3A_148 = arith.constant 48 : i32
              %parallel_loop3A_149 = vector.broadcast %parallel_loop3A_148 : i32 to vector<16xi32>
              %parallel_loop3A_150 = arith.addi %mul3A_14, %parallel_loop3A_149 : vector<16xi32>
              %parallel_loop3A_151 = vector.broadcast %parallel_loop3A_142 : i32 to vector<16xi32>
              %parallel_loop3A_152 = arith.addi %parallel_loop3A_150, %parallel_loop3A_151 : vector<16xi32>
              %parallel_loop3A_153 = tpu.vector_load_idx %arg8[%parallel_loop3A_152] : memref<1568xi32, #tpu.memory_space<vmem>>[vector<16xi32>], vector<16xi32>,
              %parallel_loop3A_154 = vector.bitcast %parallel_loop3A_153 : vector<16xi32> to vector<16xi32>
              %parallel_loop3A_155 = arith.cmpi uge, %parallel_loop3A_147, %add3A_125 : vector<16xi32>
              %parallel_loop3A_156 = arith.select %parallel_loop3A_155, %broadcast_in_dim3A_17, %broadcast_in_dim3A_19 : vector<16xi1>, vector<16xi32>
              %parallel_loop3A_157 = arith.addi %parallel_loop3A_143, %parallel_loop3A_156 : vector<16xi32>
              %parallel_loop3A_158 = arith.cmpi uge, %parallel_loop3A_154, %add3A_125 : vector<16xi32>
              %parallel_loop3A_159 = arith.select %parallel_loop3A_158, %broadcast_in_dim3A_17, %broadcast_in_dim3A_19 : vector<16xi1>, vector<16xi32>
              %parallel_loop3A_160 = arith.addi %parallel_loop3A_157, %parallel_loop3A_159 : vector<16xi32>
              scf.yield %parallel_loop3A_160 : vector<16xi32>
            } {sc.loop_unroll_factor = 4 : i64, sc.parallel_access}
            %rev3A = arith.constant 15 : i32
            %rev3A_129 = vector.broadcast %rev3A : i32 to vector<16xi32>
            %rev3A_130 = tpu.iota {dimensions = array<i32: 0>} : vector<16xi32>
            %rev3A_131 = arith.subi %rev3A_129, %rev3A_130 : vector<16xi32>
            %rev3A_132 = tpu.dynamic_gather %parallel_loop3A_128[%rev3A_131] in [0] : vector<16xi32>, vector<16xi32> -> vector<16xi32>
            %add3A_133 = arith.addi %parallel_loop3A_128, %rev3A_132 : vector<16xi32>
            %ge3A_134 = arith.constant 32 : i32
            %ge3A_135 = vector.broadcast %ge3A_134 : i32 to vector<16xi32>
            %ge3A_136 = arith.cmpi sge, %add3A_133, %ge3A_135 : vector<16xi32>
            %select_n3A_137 = arith.select %ge3A_136, %add3A_125, %scan3A_117 : vector<16xi1>, vector<16xi32>
            %sub3A_138 = arith.constant 1 : i32
            %sub3A_139 = vector.broadcast %sub3A_138 : i32 to vector<16xi32>
            %sub3A_140 = arith.subi %add3A_125, %sub3A_139 : vector<16xi32>
            %select_n3A_141 = arith.select %ge3A_136, %scan3A_118, %sub3A_140 : vector<16xi1>, vector<16xi32>
            scf.yield %select_n3A_137, %select_n3A_141 : vector<16xi32>, vector<16xi32>
          }
          %scan3A_105 = arith.constant 32 : i32
          %ge3A_106 = arith.constant -2147483648 : i32
          %ge3A_107 = vector.broadcast %ge3A_106 : i32 to vector<16xi32>
          %ge3A_108 = arith.cmpi uge, %scan3A_104#0, %ge3A_107 : vector<16xi32>
          %jit3A_109 = arith.constant -2147483648 : i32
          %jit3A_110 = arith.constant -1 : i32
          %broadcast_in_dim3A_111 = vector.broadcast %jit3A_109 : i32 to vector<16xi32>
          %broadcast_in_dim3A_112 = vector.broadcast %jit3A_110 : i32 to vector<16xi32>
          %select_n3A_113 = arith.select %ge3A_108, %broadcast_in_dim3A_111, %broadcast_in_dim3A_112 : vector<16xi1>, vector<16xi32>
          %xor3A_114 = arith.xori %scan3A_104#0, %select_n3A_113 : vector<16xi32>
          %bitcast3A_115 = vector.bitcast %xor3A_114 : vector<16xi32> to vector<16xf32>
          scf.yield %bitcast3A_115 : vector<16xf32>
        } else {
          %scan3A_100 = arith.constant 0 : i32
          %scan3A_101 = arith.constant 32 : i32
          %scan3A_102 = arith.addi %scan3A_100, %scan3A_101 : i32
          %scan3A_103 = arith.constant 1 : i32
          %scan3A_104:2 = scf.for %scan3A_116 = %scan3A_100 to %scan3A_102 step %scan3A_103 iter_args(%scan3A_117 = %xor3A, %scan3A_118 = %broadcast_in_dim3A_94) -> (vector<16xi32>, vector<16xi32>)  : i32 {
            %sub3A_119 = arith.subi %scan3A_118, %scan3A_117 : vector<16xi32>
            %add3A_120 = arith.constant 1 : i32
            %add3A_121 = vector.broadcast %add3A_120 : i32 to vector<16xi32>
            %add3A_122 = arith.addi %sub3A_119, %add3A_121 : vector<16xi32>
            %shift_right_logical3A = arith.constant 1 : i32
            %shift_right_logical3A_123 = vector.broadcast %shift_right_logical3A : i32 to vector<16xi32>
            %shift_right_logical3A_124 = arith.shrui %add3A_122, %shift_right_logical3A_123 : vector<16xi32>
            %add3A_125 = arith.addi %scan3A_117, %shift_right_logical3A_124 : vector<16xi32>
            %parallel_loop3A_126 = arith.constant 0 : i32
            %parallel_loop3A_127 = arith.constant 2048 : i32
            %parallel_loop3A_128 = arith.constant 1 : i32
            %parallel_loop3A_129 = scf.for %parallel_loop3A_143 = %parallel_loop3A_126 to %parallel_loop3A_127 step %parallel_loop3A_128 iter_args(%parallel_loop3A_144 = %broadcast_in_dim3A_19) -> (vector<16xi32>)  : i32 {
              %parallel_loop3A_145 = vector.broadcast %parallel_loop3A_143 : i32 to vector<16xi32>
              %parallel_loop3A_146 = arith.addi %iota3A, %parallel_loop3A_145 : vector<16xi32>
              %parallel_loop3A_147 = arith.constant 2047 : i32
              %parallel_loop3A_148 = vector.broadcast %parallel_loop3A_147 : i32 to vector<16xi32>
              %parallel_loop3A_149 = arith.andi %parallel_loop3A_146, %parallel_loop3A_148 : vector<16xi32>
              %parallel_loop3A_150 = arith.addi %mul3A_11, %parallel_loop3A_149 : vector<16xi32>
              %parallel_loop3A_151 = tpu.vector_load_idx %arg6[%select_n3A, %parallel_loop3A_150] : memref<8x4096xf32, #tpu.memory_space<vmem>>[vector<16xi32>, vector<16xi32>], vector<16xf32>,
              %parallel_loop3A_152 = vector.bitcast %parallel_loop3A_151 : vector<16xf32> to vector<16xi32>
              %parallel_loop3A_153 = arith.constant -2147483648 : i32
              %parallel_loop3A_154 = vector.broadcast %parallel_loop3A_153 : i32 to vector<16xi32>
              %parallel_loop3A_155 = arith.cmpi uge, %parallel_loop3A_152, %parallel_loop3A_154 : vector<16xi32>
              %parallel_loop3A_156 = arith.constant -1 : i32
              %parallel_loop3A_157 = arith.constant -2147483648 : i32
              %parallel_loop3A_158 = vector.broadcast %parallel_loop3A_156 : i32 to vector<16xi32>
              %parallel_loop3A_159 = vector.broadcast %parallel_loop3A_157 : i32 to vector<16xi32>
              %parallel_loop3A_160 = arith.select %parallel_loop3A_155, %parallel_loop3A_158, %parallel_loop3A_159 : vector<16xi1>, vector<16xi32>
              %parallel_loop3A_161 = arith.xori %parallel_loop3A_152, %parallel_loop3A_160 : vector<16xi32>
              %parallel_loop3A_162 = arith.cmpi uge, %parallel_loop3A_161, %add3A_125 : vector<16xi32>
              %parallel_loop3A_163 = arith.select %parallel_loop3A_162, %broadcast_in_dim3A_17, %broadcast_in_dim3A_19 : vector<16xi1>, vector<16xi32>
              %parallel_loop3A_164 = arith.addi %parallel_loop3A_144, %parallel_loop3A_163 : vector<16xi32>
              scf.yield %parallel_loop3A_164 : vector<16xi32>
            } {sc.loop_unroll_factor = 4 : i64, sc.parallel_access}
            %rev3A = arith.constant 15 : i32
            %rev3A_130 = vector.broadcast %rev3A : i32 to vector<16xi32>
            %rev3A_131 = tpu.iota {dimensions = array<i32: 0>} : vector<16xi32>
            %rev3A_132 = arith.subi %rev3A_130, %rev3A_131 : vector<16xi32>
            %rev3A_133 = tpu.dynamic_gather %parallel_loop3A_129[%rev3A_132] in [0] : vector<16xi32>, vector<16xi32> -> vector<16xi32>
            %add3A_134 = arith.addi %parallel_loop3A_129, %rev3A_133 : vector<16xi32>
            %ge3A_135 = arith.constant 32 : i32
            %ge3A_136 = vector.broadcast %ge3A_135 : i32 to vector<16xi32>
            %ge3A_137 = arith.cmpi sge, %add3A_134, %ge3A_136 : vector<16xi32>
            %select_n3A_138 = arith.select %ge3A_137, %add3A_125, %scan3A_117 : vector<16xi1>, vector<16xi32>
            %sub3A_139 = arith.constant 1 : i32
            %sub3A_140 = vector.broadcast %sub3A_139 : i32 to vector<16xi32>
            %sub3A_141 = arith.subi %add3A_125, %sub3A_140 : vector<16xi32>
            %select_n3A_142 = arith.select %ge3A_137, %scan3A_118, %sub3A_141 : vector<16xi1>, vector<16xi32>
            scf.yield %select_n3A_138, %select_n3A_142 : vector<16xi32>, vector<16xi32>
          }
          %scan3A_105 = arith.constant 32 : i32
          %ge3A_106 = arith.constant -2147483648 : i32
          %ge3A_107 = vector.broadcast %ge3A_106 : i32 to vector<16xi32>
          %ge3A_108 = arith.cmpi uge, %scan3A_104#0, %ge3A_107 : vector<16xi32>
          %jit3A_109 = arith.constant -2147483648 : i32
          %jit3A_110 = arith.constant -1 : i32
          %broadcast_in_dim3A_111 = vector.broadcast %jit3A_109 : i32 to vector<16xi32>
          %broadcast_in_dim3A_112 = vector.broadcast %jit3A_110 : i32 to vector<16xi32>
          %select_n3A_113 = arith.select %ge3A_108, %broadcast_in_dim3A_111, %broadcast_in_dim3A_112 : vector<16xi1>, vector<16xi32>
          %xor3A_114 = arith.xori %scan3A_104#0, %select_n3A_113 : vector<16xi32>
          %bitcast3A_115 = vector.bitcast %xor3A_114 : vector<16xi32> to vector<16xf32>
          scf.yield %bitcast3A_115 : vector<16xf32>
        }
        scf.yield %cond3A_99 : vector<16xf32>
      }
      %mul3A_45 = arith.constant 8 : i32
      %mul3A_46 = arith.muli %scan3A_32, %mul3A_45 : i32
      %lt3A_47 = arith.constant 8 : i32
      %lt3A_48 = vector.broadcast %lt3A_47 : i32 to vector<16xi32>
      %lt3A_49 = arith.cmpi slt, %iota3A, %lt3A_48 : vector<16xi32>
      %swap3A = arith.index_cast %mul3A_46 : i32 to index
      %swap3A_50 = tpu.vector_load %arg10[%swap3A] masked %lt3A_49 {strides = array<i32>} : memref<80xf32, #tpu.memory_space<vmem>>, vector<16xf32>, vector<16xi1>
      tpu.vector_store %arg10[%swap3A], %cond3A_44 masked %lt3A_49 {strides = array<i32>} : memref<80xf32, #tpu.memory_space<vmem>>, vector<16xf32>, vector<16xi1>
      %scan3A_51 = arith.constant 0 : i32
      scf.yield %scan3A_51 : i32
    }
    %scan3A_31 = arith.constant 8 : i32
    "tpu.region"() ({
      %run_scoped3A = tpu.sem_alloc : memref<!tpu.dma_semaphore, #tpu.memory_space<semaphore_mem>>
      %dma_start3A_32 = arith.constant 0 : i32
      %dma_start3A_33 = tpu.memref_slice %arg10[%dma_start3A_32] : memref<80xf32, #tpu.memory_space<vmem>> -> memref<64xf32, #tpu.memory_space<vmem>>
      %dma_start3A_34 = tpu.memref_slice %arg4[%mul3A_2] : memref<2048xf32, #tpu.memory_space<hbm>> -> memref<64xf32, #tpu.memory_space<hbm>>
      %dma_start3A_35 = tpu.memref_slice %arg4[%mul3A_2] : memref<2048xf32, #tpu.memory_space<hbm>> -> memref<64xf32, #tpu.memory_space<hbm>>
      %dma_start3A_36 = arith.constant 0 : i32
      %dma_start3A_37 = tpu.memref_slice %arg10[%dma_start3A_36] : memref<80xf32, #tpu.memory_space<vmem>> -> memref<64xf32, #tpu.memory_space<vmem>>
      tpu.enqueue_dma source(%dma_start3A_37 : memref<64xf32, #tpu.memory_space<vmem>>) target(%dma_start3A_35 : memref<64xf32, #tpu.memory_space<hbm>>) target_semaphore(%run_scoped3A : memref<!tpu.dma_semaphore, #tpu.memory_space<semaphore_mem>>)
      %dma_wait3A_38 = arith.constant 0 : i32
      %dma_wait3A_39 = tpu.memref_slice %arg10[%dma_wait3A_38] : memref<80xf32, #tpu.memory_space<vmem>> -> memref<64xf32, #tpu.memory_space<vmem>>
      %dma_wait3A_40 = tpu.memref_slice %arg4[%mul3A_2] : memref<2048xf32, #tpu.memory_space<hbm>> -> memref<64xf32, #tpu.memory_space<hbm>>
      %dma_wait3A_41 = tpu.memref_slice %arg4[%mul3A_2] : memref<2048xf32, #tpu.memory_space<hbm>> -> memref<64xf32, #tpu.memory_space<hbm>>
      %dma_wait3A_42 = arith.constant 0 : i32
      %dma_wait3A_43 = tpu.memref_slice %arg10[%dma_wait3A_42] : memref<80xf32, #tpu.memory_space<vmem>> -> memref<64xf32, #tpu.memory_space<vmem>>
      tpu.wait_dma2 semaphore(%run_scoped3A : memref<!tpu.dma_semaphore, #tpu.memory_space<semaphore_mem>>) src(%dma_wait3A_43 : memref<64xf32, #tpu.memory_space<vmem>>) dst(%dma_wait3A_41 : memref<64xf32, #tpu.memory_space<hbm>>)
      tpu.yield
    }) : () -> ()
    return
  }
}

module attributes {stable_mosaic.version = 14 : i64} {
  func.func @_sim_kernel(%arg0: i32, %arg1: memref<256x256xf32, #tpu.memory_space<vmem>>, %arg2: memref<4096x256xf32, #tpu.memory_space<vmem>>, %arg3: memref<256x4096xf32, #tpu.memory_space<vmem>>, %arg4: memref<256x1xf32, #tpu.memory_space<vmem>>) attributes {dimension_semantics = [#tpu.dimension_semantics<arbitrary>], iteration_bounds = array<i64: 8>, scalar_prefetch = 0 : i64, scratch_operands = 0 : i64, tpu.core_type = #tpu.core_type<tc>, window_params = [{transform_indices = @transform_0, window_bounds = array<i64: 256, 256>}, {pipeline_mode = #tpu.pipeline_mode<synchronous>, transform_indices = @transform_1, window_bounds = array<i64: 4096, 256>}, {transform_indices = @transform_2, window_bounds = array<i64: 256, 4096>}, {transform_indices = @transform_3, window_bounds = array<i64: 256, 1>}]} {
    %get3A = arith.constant 0 : index
    %get3A_0 = arith.constant 0 : index
    %get3A_1 = vector.load %arg1[%get3A, %get3A_0] : memref<256x256xf32, #tpu.memory_space<vmem>>, vector<256x256xf32>
    %get3A_2 = arith.constant 0 : index
    %get3A_3 = arith.constant 0 : index
    %get3A_4 = vector.load %arg2[%get3A_2, %get3A_3] : memref<4096x256xf32, #tpu.memory_space<vmem>>, vector<4096x256xf32>
    %dot_general3A = arith.constant dense<0.000000e+00> : vector<256x4096xf32>
    %dot_general3A_5 = tpu.matmul %get3A_1, %get3A_4, %dot_general3A {dimension_numbers = #tpu.dot_dimension_numbers<[1], [1], [0], [0], [0, 0, 1, 0], [], []>, transpose_lhs_hint = false} : vector<256x256xf32>, vector<4096x256xf32>, vector<256x4096xf32> -> vector<256x4096xf32>
    %swap3A = arith.constant 0 : index
    %swap3A_6 = arith.constant 0 : index
    %swap3A_7 = vector.load %arg3[%swap3A, %swap3A_6] : memref<256x4096xf32, #tpu.memory_space<vmem>>, vector<256x4096xf32>
    tpu.vector_store %arg3[%swap3A, %swap3A_6], %dot_general3A_5 {strides = array<i32>} : memref<256x4096xf32, #tpu.memory_space<vmem>>, vector<256x4096xf32>,
    %slice3A = vector.extract_strided_slice %dot_general3A_5 {offsets = [0, 0], sizes = [256, 128], strides = [1, 1]} : vector<256x4096xf32> to vector<256x128xf32>
    %slice3A_8 = vector.extract_strided_slice %dot_general3A_5 {offsets = [0, 128], sizes = [256, 128], strides = [1, 1]} : vector<256x4096xf32> to vector<256x128xf32>
    %max3A = arith.maximumf %slice3A, %slice3A_8 : vector<256x128xf32>
    %slice3A_9 = vector.extract_strided_slice %dot_general3A_5 {offsets = [0, 256], sizes = [256, 128], strides = [1, 1]} : vector<256x4096xf32> to vector<256x128xf32>
    %max3A_10 = arith.maximumf %max3A, %slice3A_9 : vector<256x128xf32>
    %slice3A_11 = vector.extract_strided_slice %dot_general3A_5 {offsets = [0, 384], sizes = [256, 128], strides = [1, 1]} : vector<256x4096xf32> to vector<256x128xf32>
    %max3A_12 = arith.maximumf %max3A_10, %slice3A_11 : vector<256x128xf32>
    %slice3A_13 = vector.extract_strided_slice %dot_general3A_5 {offsets = [0, 512], sizes = [256, 128], strides = [1, 1]} : vector<256x4096xf32> to vector<256x128xf32>
    %max3A_14 = arith.maximumf %max3A_12, %slice3A_13 : vector<256x128xf32>
    %slice3A_15 = vector.extract_strided_slice %dot_general3A_5 {offsets = [0, 640], sizes = [256, 128], strides = [1, 1]} : vector<256x4096xf32> to vector<256x128xf32>
    %max3A_16 = arith.maximumf %max3A_14, %slice3A_15 : vector<256x128xf32>
    %slice3A_17 = vector.extract_strided_slice %dot_general3A_5 {offsets = [0, 768], sizes = [256, 128], strides = [1, 1]} : vector<256x4096xf32> to vector<256x128xf32>
    %max3A_18 = arith.maximumf %max3A_16, %slice3A_17 : vector<256x128xf32>
    %slice3A_19 = vector.extract_strided_slice %dot_general3A_5 {offsets = [0, 896], sizes = [256, 128], strides = [1, 1]} : vector<256x4096xf32> to vector<256x128xf32>
    %max3A_20 = arith.maximumf %max3A_18, %slice3A_19 : vector<256x128xf32>
    %slice3A_21 = vector.extract_strided_slice %dot_general3A_5 {offsets = [0, 1024], sizes = [256, 128], strides = [1, 1]} : vector<256x4096xf32> to vector<256x128xf32>
    %max3A_22 = arith.maximumf %max3A_20, %slice3A_21 : vector<256x128xf32>
    %slice3A_23 = vector.extract_strided_slice %dot_general3A_5 {offsets = [0, 1152], sizes = [256, 128], strides = [1, 1]} : vector<256x4096xf32> to vector<256x128xf32>
    %max3A_24 = arith.maximumf %max3A_22, %slice3A_23 : vector<256x128xf32>
    %slice3A_25 = vector.extract_strided_slice %dot_general3A_5 {offsets = [0, 1280], sizes = [256, 128], strides = [1, 1]} : vector<256x4096xf32> to vector<256x128xf32>
    %max3A_26 = arith.maximumf %max3A_24, %slice3A_25 : vector<256x128xf32>
    %slice3A_27 = vector.extract_strided_slice %dot_general3A_5 {offsets = [0, 1408], sizes = [256, 128], strides = [1, 1]} : vector<256x4096xf32> to vector<256x128xf32>
    %max3A_28 = arith.maximumf %max3A_26, %slice3A_27 : vector<256x128xf32>
    %slice3A_29 = vector.extract_strided_slice %dot_general3A_5 {offsets = [0, 1536], sizes = [256, 128], strides = [1, 1]} : vector<256x4096xf32> to vector<256x128xf32>
    %max3A_30 = arith.maximumf %max3A_28, %slice3A_29 : vector<256x128xf32>
    %slice3A_31 = vector.extract_strided_slice %dot_general3A_5 {offsets = [0, 1664], sizes = [256, 128], strides = [1, 1]} : vector<256x4096xf32> to vector<256x128xf32>
    %max3A_32 = arith.maximumf %max3A_30, %slice3A_31 : vector<256x128xf32>
    %slice3A_33 = vector.extract_strided_slice %dot_general3A_5 {offsets = [0, 1792], sizes = [256, 128], strides = [1, 1]} : vector<256x4096xf32> to vector<256x128xf32>
    %max3A_34 = arith.maximumf %max3A_32, %slice3A_33 : vector<256x128xf32>
    %slice3A_35 = vector.extract_strided_slice %dot_general3A_5 {offsets = [0, 1920], sizes = [256, 128], strides = [1, 1]} : vector<256x4096xf32> to vector<256x128xf32>
    %max3A_36 = arith.maximumf %max3A_34, %slice3A_35 : vector<256x128xf32>
    %slice3A_37 = vector.extract_strided_slice %dot_general3A_5 {offsets = [0, 2048], sizes = [256, 128], strides = [1, 1]} : vector<256x4096xf32> to vector<256x128xf32>
    %max3A_38 = arith.maximumf %max3A_36, %slice3A_37 : vector<256x128xf32>
    %slice3A_39 = vector.extract_strided_slice %dot_general3A_5 {offsets = [0, 2176], sizes = [256, 128], strides = [1, 1]} : vector<256x4096xf32> to vector<256x128xf32>
    %max3A_40 = arith.maximumf %max3A_38, %slice3A_39 : vector<256x128xf32>
    %slice3A_41 = vector.extract_strided_slice %dot_general3A_5 {offsets = [0, 2304], sizes = [256, 128], strides = [1, 1]} : vector<256x4096xf32> to vector<256x128xf32>
    %max3A_42 = arith.maximumf %max3A_40, %slice3A_41 : vector<256x128xf32>
    %slice3A_43 = vector.extract_strided_slice %dot_general3A_5 {offsets = [0, 2432], sizes = [256, 128], strides = [1, 1]} : vector<256x4096xf32> to vector<256x128xf32>
    %max3A_44 = arith.maximumf %max3A_42, %slice3A_43 : vector<256x128xf32>
    %slice3A_45 = vector.extract_strided_slice %dot_general3A_5 {offsets = [0, 2560], sizes = [256, 128], strides = [1, 1]} : vector<256x4096xf32> to vector<256x128xf32>
    %max3A_46 = arith.maximumf %max3A_44, %slice3A_45 : vector<256x128xf32>
    %slice3A_47 = vector.extract_strided_slice %dot_general3A_5 {offsets = [0, 2688], sizes = [256, 128], strides = [1, 1]} : vector<256x4096xf32> to vector<256x128xf32>
    %max3A_48 = arith.maximumf %max3A_46, %slice3A_47 : vector<256x128xf32>
    %slice3A_49 = vector.extract_strided_slice %dot_general3A_5 {offsets = [0, 2816], sizes = [256, 128], strides = [1, 1]} : vector<256x4096xf32> to vector<256x128xf32>
    %max3A_50 = arith.maximumf %max3A_48, %slice3A_49 : vector<256x128xf32>
    %slice3A_51 = vector.extract_strided_slice %dot_general3A_5 {offsets = [0, 2944], sizes = [256, 128], strides = [1, 1]} : vector<256x4096xf32> to vector<256x128xf32>
    %max3A_52 = arith.maximumf %max3A_50, %slice3A_51 : vector<256x128xf32>
    %slice3A_53 = vector.extract_strided_slice %dot_general3A_5 {offsets = [0, 3072], sizes = [256, 128], strides = [1, 1]} : vector<256x4096xf32> to vector<256x128xf32>
    %max3A_54 = arith.maximumf %max3A_52, %slice3A_53 : vector<256x128xf32>
    %slice3A_55 = vector.extract_strided_slice %dot_general3A_5 {offsets = [0, 3200], sizes = [256, 128], strides = [1, 1]} : vector<256x4096xf32> to vector<256x128xf32>
    %max3A_56 = arith.maximumf %max3A_54, %slice3A_55 : vector<256x128xf32>
    %slice3A_57 = vector.extract_strided_slice %dot_general3A_5 {offsets = [0, 3328], sizes = [256, 128], strides = [1, 1]} : vector<256x4096xf32> to vector<256x128xf32>
    %max3A_58 = arith.maximumf %max3A_56, %slice3A_57 : vector<256x128xf32>
    %slice3A_59 = vector.extract_strided_slice %dot_general3A_5 {offsets = [0, 3456], sizes = [256, 128], strides = [1, 1]} : vector<256x4096xf32> to vector<256x128xf32>
    %max3A_60 = arith.maximumf %max3A_58, %slice3A_59 : vector<256x128xf32>
    %slice3A_61 = vector.extract_strided_slice %dot_general3A_5 {offsets = [0, 3584], sizes = [256, 128], strides = [1, 1]} : vector<256x4096xf32> to vector<256x128xf32>
    %max3A_62 = arith.maximumf %max3A_60, %slice3A_61 : vector<256x128xf32>
    %slice3A_63 = vector.extract_strided_slice %dot_general3A_5 {offsets = [0, 3712], sizes = [256, 128], strides = [1, 1]} : vector<256x4096xf32> to vector<256x128xf32>
    %max3A_64 = arith.maximumf %max3A_62, %slice3A_63 : vector<256x128xf32>
    %slice3A_65 = vector.extract_strided_slice %dot_general3A_5 {offsets = [0, 3840], sizes = [256, 128], strides = [1, 1]} : vector<256x4096xf32> to vector<256x128xf32>
    %max3A_66 = arith.maximumf %max3A_64, %slice3A_65 : vector<256x128xf32>
    %slice3A_67 = vector.extract_strided_slice %dot_general3A_5 {offsets = [0, 3968], sizes = [256, 128], strides = [1, 1]} : vector<256x4096xf32> to vector<256x128xf32>
    %max3A_68 = arith.maximumf %max3A_66, %slice3A_67 : vector<256x128xf32>
    %scan3A = arith.constant 0 : i32
    %scan3A_69 = arith.constant 31 : i32
    %scan3A_70 = arith.addi %scan3A, %scan3A_69 : i32
    %scan3A_71 = arith.constant 1 : i32
    %scan3A_72 = scf.for %scan3A_77 = %scan3A to %scan3A_70 step %scan3A_71 iter_args(%scan3A_78 = %max3A_68) -> (vector<256x128xf32>)  : i32 {
      %reduce_max3A_79 = arith.constant dense<0xFF800000> : vector<256xf32>
      %reduce_max3A_80 = vector.multi_reduction <maximumf>, %scan3A_78, %reduce_max3A_79 [1] : vector<256x128xf32> to vector<256xf32>
      %broadcast_in_dim3A_81 = vector.shape_cast %reduce_max3A_80 : vector<256xf32> to vector<256x1xf32>
      %ge3A = vector.broadcast %broadcast_in_dim3A_81 : vector<256x1xf32> to vector<256x128xf32>
      %ge3A_82 = arith.cmpf oge, %scan3A_78, %ge3A : vector<256x128xf32>
      %jit3A = arith.constant 0xFF800000 : f32
      %broadcast_in_dim3A_83 = vector.broadcast %jit3A : f32 to vector<256x128xf32>
      %select_n3A = arith.select %ge3A_82, %broadcast_in_dim3A_83, %scan3A_78 : vector<256x128xi1>, vector<256x128xf32>
      scf.yield %select_n3A : vector<256x128xf32>
    }
    %reduce_max3A = arith.constant dense<0xFF800000> : vector<256xf32>
    %reduce_max3A_73 = vector.multi_reduction <maximumf>, %scan3A_72, %reduce_max3A [1] : vector<256x128xf32> to vector<256xf32>
    %broadcast_in_dim3A = vector.shape_cast %reduce_max3A_73 : vector<256xf32> to vector<256x1xf32>
    %swap3A_74 = arith.constant 0 : index
    %swap3A_75 = arith.constant 0 : index
    %swap3A_76 = vector.load %arg4[%swap3A_74, %swap3A_75] : memref<256x1xf32, #tpu.memory_space<vmem>>, vector<256x1xf32>
    tpu.vector_store %arg4[%swap3A_74, %swap3A_75], %broadcast_in_dim3A {strides = array<i32>} : memref<256x1xf32, #tpu.memory_space<vmem>>, vector<256x1xf32>,
    return
  }
  func.func @transform_0(%arg0: i32) -> (i32, i32) {
    %c0_i32 = arith.constant 0 : i32
    %c0_i32_0 = arith.constant 0 : i32
    return %arg0, %c0_i32 : i32, i32
  }
  func.func @transform_1(%arg0: i32) -> (i32, i32) {
    %c0_i32 = arith.constant 0 : i32
    %c0_i32_0 = arith.constant 0 : i32
    %c0_i32_1 = arith.constant 0 : i32
    return %c0_i32, %c0_i32_0 : i32, i32
  }
  func.func @transform_2(%arg0: i32) -> (i32, i32) {
    %c0_i32 = arith.constant 0 : i32
    %c0_i32_0 = arith.constant 0 : i32
    return %arg0, %c0_i32 : i32, i32
  }
  func.func @transform_3(%arg0: i32) -> (i32, i32) {
    %c0_i32 = arith.constant 0 : i32
    %c0_i32_0 = arith.constant 0 : i32
    return %arg0, %c0_i32 : i32, i32
  }
}

module attributes {stable_mosaic.version = 14 : i64} {
  func.func @_adj_kernel(%arg0: i32, %arg1: memref<256x4096xf32, #tpu.memory_space<vmem>>, %arg2: memref<256x1xf32, #tpu.memory_space<vmem>>, %arg3: memref<1x4096xf32, #tpu.memory_space<vmem>>, %arg4: memref<256x4096xf32, #tpu.memory_space<vmem>>) attributes {dimension_semantics = [#tpu.dimension_semantics<arbitrary>], iteration_bounds = array<i64: 8>, scalar_prefetch = 0 : i64, scratch_operands = 0 : i64, tpu.core_type = #tpu.core_type<tc>, window_params = [{transform_indices = @transform_0, window_bounds = array<i64: 256, 4096>}, {transform_indices = @transform_1, window_bounds = array<i64: 256, 1>}, {pipeline_mode = #tpu.pipeline_mode<synchronous>, transform_indices = @transform_2, window_bounds = array<i64: 1, 4096>}, {transform_indices = @transform_3, window_bounds = array<i64: 256, 4096>}]} {
    %get3A = arith.constant 0 : index
    %get3A_0 = arith.constant 0 : index
    %get3A_1 = vector.load %arg1[%get3A, %get3A_0] : memref<256x4096xf32, #tpu.memory_space<vmem>>, vector<256x4096xf32>
    %get3A_2 = arith.constant 0 : index
    %get3A_3 = arith.constant 0 : index
    %get3A_4 = vector.load %arg2[%get3A_2, %get3A_3] : memref<256x1xf32, #tpu.memory_space<vmem>>, vector<256x1xf32>
    %ge3A = vector.broadcast %get3A_4 : vector<256x1xf32> to vector<256x4096xf32>
    %ge3A_5 = arith.cmpf oge, %get3A_1, %ge3A : vector<256x4096xf32>
    %convert_element_type3A = arith.extui %ge3A_5 : vector<256x4096xi1> to vector<256x4096xi32>
    %convert_element_type3A_6 = arith.sitofp %convert_element_type3A : vector<256x4096xi32> to vector<256x4096xf32>
    %get3A_7 = arith.constant 0 : index
    %get3A_8 = arith.constant 0 : index
    %get3A_9 = vector.load %arg3[%get3A_7, %get3A_8] : memref<1x4096xf32, #tpu.memory_space<vmem>>, vector<1x4096xf32>
    %ge3A_10 = vector.broadcast %get3A_9 : vector<1x4096xf32> to vector<256x4096xf32>
    %ge3A_11 = arith.cmpf oge, %get3A_1, %ge3A_10 : vector<256x4096xf32>
    %convert_element_type3A_12 = arith.extui %ge3A_11 : vector<256x4096xi1> to vector<256x4096xi32>
    %convert_element_type3A_13 = arith.sitofp %convert_element_type3A_12 : vector<256x4096xi32> to vector<256x4096xf32>
    %div3A = arith.constant 1.000000e-01 : f32
    %div3A_14 = vector.broadcast %div3A : f32 to vector<256x4096xf32>
    %div3A_15 = arith.divf %get3A_1, %div3A_14 : vector<256x4096xf32>
    %add3A = arith.addf %convert_element_type3A_6, %convert_element_type3A_13 : vector<256x4096xf32>
    %mul3A = arith.constant 5.000000e-01 : f32
    %mul3A_16 = vector.broadcast %mul3A : f32 to vector<256x4096xf32>
    %mul3A_17 = arith.mulf %add3A, %mul3A_16 : vector<256x4096xf32>
    %mul3A_18 = arith.mulf %div3A_15, %mul3A_17 : vector<256x4096xf32>
    %swap3A = arith.constant 0 : index
    %swap3A_19 = arith.constant 0 : index
    %swap3A_20 = vector.load %arg4[%swap3A, %swap3A_19] : memref<256x4096xf32, #tpu.memory_space<vmem>>, vector<256x4096xf32>
    tpu.vector_store %arg4[%swap3A, %swap3A_19], %mul3A_18 {strides = array<i32>} : memref<256x4096xf32, #tpu.memory_space<vmem>>, vector<256x4096xf32>,
    return
  }
  func.func @transform_0(%arg0: i32) -> (i32, i32) {
    %c0_i32 = arith.constant 0 : i32
    %c0_i32_0 = arith.constant 0 : i32
    return %arg0, %c0_i32 : i32, i32
  }
  func.func @transform_1(%arg0: i32) -> (i32, i32) {
    %c0_i32 = arith.constant 0 : i32
    %c0_i32_0 = arith.constant 0 : i32
    return %arg0, %c0_i32 : i32, i32
  }
  func.func @transform_2(%arg0: i32) -> (i32, i32) {
    %c0_i32 = arith.constant 0 : i32
    %c0_i32_0 = arith.constant 0 : i32
    %c0_i32_1 = arith.constant 0 : i32
    return %c0_i32, %c0_i32_0 : i32, i32
  }
  func.func @transform_3(%arg0: i32) -> (i32, i32) {
    %c0_i32 = arith.constant 0 : i32
    %c0_i32_0 = arith.constant 0 : i32
    return %arg0, %c0_i32 : i32, i32
  }
}

module attributes {stable_mosaic.version = 14 : i64} {
  func.func @_adj_kernel2(%arg0: i32, %arg1: memref<256x4096xf32, #tpu.memory_space<vmem>>, %arg2: memref<256x1xf32, #tpu.memory_space<vmem>>, %arg3: memref<1x4096xf32, #tpu.memory_space<vmem>>, %arg4: memref<4096x4096xf32, #tpu.memory_space<any>>, %arg5: memref<256x4096xf32, #tpu.memory_space<vmem>>) attributes {dimension_semantics = [#tpu.dimension_semantics<arbitrary>], iteration_bounds = array<i64: 8>, scalar_prefetch = 0 : i64, scratch_operands = 0 : i64, tpu.core_type = #tpu.core_type<tc>, window_params = [{transform_indices = @transform_0, window_bounds = array<i64: 256, 4096>}, {transform_indices = @transform_1, window_bounds = array<i64: 256, 1>}, {pipeline_mode = #tpu.pipeline_mode<synchronous>, transform_indices = @transform_2, window_bounds = array<i64: 1, 4096>}, {}, {transform_indices = @transform_4, window_bounds = array<i64: 256, 4096>}]} {
    %get3A = arith.constant 0 : index
    %get3A_0 = arith.constant 0 : index
    %get3A_1 = vector.load %arg1[%get3A, %get3A_0] : memref<256x4096xf32, #tpu.memory_space<vmem>>, vector<256x4096xf32>
    %get3A_2 = arith.constant 0 : index
    %get3A_3 = arith.constant 0 : index
    %get3A_4 = vector.load %arg2[%get3A_2, %get3A_3] : memref<256x1xf32, #tpu.memory_space<vmem>>, vector<256x1xf32>
    %ge3A = vector.broadcast %get3A_4 : vector<256x1xf32> to vector<256x4096xf32>
    %ge3A_5 = arith.cmpf oge, %get3A_1, %ge3A : vector<256x4096xf32>
    %convert_element_type3A = arith.extui %ge3A_5 : vector<256x4096xi1> to vector<256x4096xi32>
    %convert_element_type3A_6 = arith.sitofp %convert_element_type3A : vector<256x4096xi32> to vector<256x4096xf32>
    %get3A_7 = arith.constant 0 : index
    %get3A_8 = arith.constant 0 : index
    %get3A_9 = vector.load %arg3[%get3A_7, %get3A_8] : memref<1x4096xf32, #tpu.memory_space<vmem>>, vector<1x4096xf32>
    %ge3A_10 = vector.broadcast %get3A_9 : vector<1x4096xf32> to vector<256x4096xf32>
    %ge3A_11 = arith.cmpf oge, %get3A_1, %ge3A_10 : vector<256x4096xf32>
    %convert_element_type3A_12 = arith.extui %ge3A_11 : vector<256x4096xi1> to vector<256x4096xi32>
    %convert_element_type3A_13 = arith.sitofp %convert_element_type3A_12 : vector<256x4096xi32> to vector<256x4096xf32>
    %div3A = arith.constant 1.000000e-01 : f32
    %div3A_14 = vector.broadcast %div3A : f32 to vector<256x4096xf32>
    %div3A_15 = arith.divf %get3A_1, %div3A_14 : vector<256x4096xf32>
    %add3A = arith.addf %convert_element_type3A_6, %convert_element_type3A_13 : vector<256x4096xf32>
    %mul3A = arith.constant 5.000000e-01 : f32
    %mul3A_16 = vector.broadcast %mul3A : f32 to vector<256x4096xf32>
    %mul3A_17 = arith.mulf %add3A, %mul3A_16 : vector<256x4096xf32>
    %mul3A_18 = arith.mulf %div3A_15, %mul3A_17 : vector<256x4096xf32>
    %swap3A = arith.constant 0 : index
    %swap3A_19 = arith.constant 0 : index
    %swap3A_20 = vector.load %arg5[%swap3A, %swap3A_19] : memref<256x4096xf32, #tpu.memory_space<vmem>>, vector<256x4096xf32>
    tpu.vector_store %arg5[%swap3A, %swap3A_19], %mul3A_18 {strides = array<i32>} : memref<256x4096xf32, #tpu.memory_space<vmem>>, vector<256x4096xf32>,
    return
  }
  func.func @transform_0(%arg0: i32) -> (i32, i32) {
    %c0_i32 = arith.constant 0 : i32
    %c0_i32_0 = arith.constant 0 : i32
    return %arg0, %c0_i32 : i32, i32
  }
  func.func @transform_1(%arg0: i32) -> (i32, i32) {
    %c0_i32 = arith.constant 0 : i32
    %c0_i32_0 = arith.constant 0 : i32
    return %arg0, %c0_i32 : i32, i32
  }
  func.func @transform_2(%arg0: i32) -> (i32, i32) {
    %c0_i32 = arith.constant 0 : i32
    %c0_i32_0 = arith.constant 0 : i32
    %c0_i32_1 = arith.constant 0 : i32
    return %c0_i32, %c0_i32_0 : i32, i32
  }
  func.func @transform_4(%arg0: i32) -> (i32, i32) {
    %add3A = arith.constant 8 : i32
    %add3A_0 = arith.addi %arg0, %add3A : i32
    %c0_i32 = arith.constant 0 : i32
    %c0_i32_1 = arith.constant 0 : i32
    return %add3A_0, %c0_i32 : i32, i32
  }
}

</mosaic_0001>

<sc_bundles>
// kernel: kernel.11.cloned.1.call-start
scs
__scs_entry_jumppad:
0x0: {  	(pc) =	sbr.rel $0x88, $3  }
0x1: {  	(tag) =	ssettag $0x0;
	lr =	simm.s32 $0x1  }
0x2: {  	[smem:$0x3FA0] =	sst lr;
	_ =	strace $0xD0000000  }
0x3: {  	_ = 	snop  }
0x4: {  	_ = 	snop  }
0x5: {  	_ = 	snop  }
0x6: {  	_ = 	snop  }
0x7: {  	_ = 	snop  }
__scs_overlays_trampoline_lowered:
0x8: {  	[smem:$0x3FAF] =	sst s0  }
0x9: {  	[smem:$0x3FB0] =	sst s1  }
0xa: {  	[smem:$0x3FB1] =	sst s2  }
0xb: {  	[smem:$0x3FB2] =	sst s3  }
0xc: {  	[smem:$0x3FB3] =	sst s4  }
0xd: {  	[smem:$0x3FB4] =	sst s5  }
0xe: {  	[smem:$0x3FB5] =	sst s6  }
0xf: {  	[smem:$0x3FB6] =	sst s7  }
0x10: {  	[smem:$0x3FB7] =	sst s8  }
0x11: {  	[smem:$0x3FB8] =	sst s9;
	s0 =	simm.s32 @!p0 $0x0  }
0x12: {  	s1 =	sld [smem:$0x3F9E];
	s0 =	simm.s32 @p0 $0x1  }
0x13: {  	[smem:$0x3FB9] =	sst s0;
	s0 =	simm.s32 @!p1 $0x0  }
0x14: {  	s2 =	sld [smem:$0x3F9D];
	s0 =	simm.s32 @p1 $0x1  }
0x15: {  	[smem:$0x3FBA] =	sst s0;
	s0 =	simm.s32 @!p2 $0x0  }
0x16: {  	s3 =	sld [smem:$0x3FDB];
	s0 =	simm.s32 @p2 $0x1  }
0x17: {  	s4 =	simm.s32 $0x1BF5;
	[smem:$0x3FBC] =	sst s0  }
0x18: {  	s0 =	sld [smem:$0x3F9F];
	_ =	swait.ge [sflag:s4], $0x0  }
0x19: {  	s7 =	sld [smem:$0x3FA0]  }
0x1a: {  	s8 =	sadd.s32 $0xFFFFE003, lr  }
0x1b: {  	s9 =	sadd.s32 $0xFFFFFEF7, lr;
	s5 =	simm.s32 $0xFFFFFFFF;
	p2 =	slt.u32 s8, $0xFFFFF086  }
0x1c: {  	p1 =	slt.u32 s9, $0xF7A;
	s5 =	simm.s32 @!p2 $0x0  }
0x1d: {  	s5 =	simm.s32 @p1 $0x1;
	p0 =	seq.s32 s7, s2  }
0x1e: {  	s7 =	smul.u32 @!p0 $0xF7A, s2;
	p2 =	seq.s32 @!p0 s5, $0x0  }
0x1f: {  	s9 =	smul.u32 $0xF7A, s1;
	s8 =	simm.s32 @!p0 $0x1BF5;
	p2 =	por !p2, p0  }
0x20: {  	[sflag:s8] =	ssyncset.s32 @!p0 $0xFFFFF086;
	s6 =	sadd.s32 @!p0 s3, s7;
	s7 =	simm.s32 @!p0 $0x108  }
0x21: {  	s3 =	sadd.s32 s3, s9;
	s6 =	sadd.s32 @!p0 $0x88, s6;
	s7 =	simm.s32 @p2 $0x1082  }
0x22: {  	[simem:s7], [sflag:s8] =	dma.local @!p0 [hbm:s6], $0xF7A  }
0x23: {  	s9 =	sor.u32 $0xD0000000, s2;
	s6 =	simm.s32 $0x108;
	_ =	swait.ge @!p0 [sflag:s8], $0x0  }
0x24: {  	s3 =	sadd.s32 $0x88, s3;
	s6 =	simm.s32 @!p1 $0x1082;
	[sflag:s4] =	ssyncset.s32 $0xFFFFF086  }
0x25: {  	[simem:s6], [sflag:s4] =	dma.local [hbm:s3], $0xF7A  }
0x26: {  	[smem:$0x3FA0] =	sst s1;
	(tag) =	ssettag s2;
	_ =	strace s9  }
0x27: {  	s1 =	sld [smem:$0x3FB0]  }
0x28: {  	s2 =	sld [smem:$0x3FB1]  }
0x29: {  	s4 =	sld [smem:$0x3FB3]  }
0x2a: {  	p0 =	seq.s32 s5, $0x0;
	s5 =	sld [smem:$0x3FB4]  }
0x2b: {  	s6 =	sld [smem:$0x3FB5]  }
0x2c: {  	s7 =	sld [smem:$0x3FB6]  }
0x2d: {  	s3 =	simm.s32 $0x108;
	s8 =	sld [smem:$0x3FB7]  }
0x2e: {  	s3 =	simm.s32 @!p0 $0x1082;
	s9 =	sld [smem:$0x3FB8]  }
0x2f: {  	lr =	sadd.s32 s0, s3;
	s0 =	sld [smem:$0x3FAF]  }
0x30: {  	s3 =	sld [smem:$0x3FB2]  }
0x31: {  	[smem:$0x3FBB] =	sst s10  }
0x32: {  	s10 =	sld [smem:$0x3FB9];
	_ =	sdelay $0x3  }
0x33: {  	p0 =	seq.s32 s10, $0x1;
	s10 =	sld [smem:$0x3FBB];
	_ =	sdelay $0x3  }
0x34: {  	[smem:$0x3FBB] =	sst s10  }
0x35: {  	s10 =	sld [smem:$0x3FBA];
	_ =	sdelay $0x3  }
0x36: {  	p1 =	seq.s32 s10, $0x1;
	s10 =	sld [smem:$0x3FBB];
	_ =	sdelay $0x3  }
0x37: {  	[smem:$0x3FBB] =	sst s10  }
0x38: {  	s10 =	sld [smem:$0x3FBC]  }
0x39: {  	_ = 	snop;
	(pc) =	sbr.ind lr, $3  }
0x3a: {  	_ = 	snop  }
0x3b: {  	_ = 	snop  }
0x3c: {  	p2 =	seq.s32 s10, $0x1;
	s10 =	sld [smem:$0x3FBB]  }
0x3d: {  	_ =	shalt  }
0x3e: {  	_ =	shalt  }
0x3f: {  	_ =	shalt  }
0x40: {  	_ =	shalt  }
0x41: {  	_ =	shalt  }
0x42: {  	_ =	shalt  }
0x43: {  	_ =	shalt  }
0x44: {  	_ =	shalt  }
0x45: {  	_ =	shalt  }
0x46: {  	_ =	shalt  }
0x47: {  	_ =	shalt  }
0x48: {  	_ =	shalt  }
0x49: {  	_ =	shalt  }
0x4a: {  	_ =	shalt  }
0x4b: {  	_ =	shalt  }
0x4c: {  	_ =	shalt  }
0x4d: {  	_ =	shalt  }
0x4e: {  	_ =	shalt  }
0x4f: {  	_ =	shalt  }
0x50: {  	_ =	shalt  }
0x51: {  	_ =	shalt  }
0x52: {  	_ =	shalt  }
0x53: {  	_ =	shalt  }
0x54: {  	_ =	shalt  }
0x55: {  	_ =	shalt  }
0x56: {  	_ =	shalt  }
0x57: {  	_ =	shalt  }
0x58: {  	_ =	shalt  }
0x59: {  	_ =	shalt  }
0x5a: {  	_ =	shalt  }
0x5b: {  	_ =	shalt  }
0x5c: {  	_ =	shalt  }
0x5d: {  	_ =	shalt  }
0x5e: {  	_ =	shalt  }
0x5f: {  	_ =	shalt  }
0x60: {  	_ =	shalt  }
0x61: {  	_ =	shalt  }
0x62: {  	_ =	shalt  }
0x63: {  	_ =	shalt  }
0x64: {  	_ =	shalt  }
0x65: {  	_ =	shalt  }
0x66: {  	_ =	shalt  }
0x67: {  	_ =	shalt  }
0x68: {  	_ =	shalt  }
0x69: {  	_ =	shalt  }
0x6a: {  	_ =	shalt  }
0x6b: {  	_ =	shalt  }
0x6c: {  	_ =	shalt  }
0x6d: {  	_ =	shalt  }
0x6e: {  	_ =	shalt  }
0x6f: {  	_ =	shalt  }
0x70: {  	_ =	shalt  }
0x71: {  	_ =	shalt  }
0x72: {  	_ =	shalt  }
0x73: {  	_ =	shalt  }
0x74: {  	_ =	shalt  }
0x75: {  	_ =	shalt  }
0x76: {  	_ =	shalt  }
0x77: {  	_ =	shalt  }
0x78: {  	_ =	shalt  }
0x79: {  	_ =	shalt  }
0x7a: {  	_ =	shalt  }
0x7b: {  	_ =	shalt  }
0x7c: {  	_ =	shalt  }
0x7d: {  	_ =	shalt  }
0x7e: {  	_ =	shalt  }
0x7f: {  	_ =	shalt  }
0x80: {  	_ =	shalt  }
0x81: {  	_ =	shalt  }
0x82: {  	_ =	shalt  }
0x83: {  	_ =	shalt  }
0x84: {  	_ =	shalt  }
0x85: {  	_ =	shalt  }
0x86: {  	_ =	shalt  }
0x87: {  	_ =	shalt  }
.Lfunc_end0:
.L_simem_size_0:
called_computation.1_lowered:
.L_overlay_start_0:
0x88: {  	s2 =	sld [smem:$0x3FD9]  }
0x89: {  	s3 =	sld [smem:$0x3FFE];
	_ =	sdelay $0x1  }
0x8a: {  	s1 =	srdreg.scid  }
0x8b: {  	s0 =	sand.u32 $0x1, s1  }
0x8c: {  	s17 =	sshll.u32 s0, $0xA;
	s2 =	sadd.s32 s3, s2  }
0x8d: {  	s2 =	sadd.s32 s2, s17  }
0x8e: {  	[smem:$0x3FC7] =	sst s2  }
0x8f: {  	_ = 	snop  }
0x90: {  	s18 =	sld [smem:$0x3FD0];
	(tm) =	ssettm $0x1  }
0x91: {  	s19 =	sld [smem:$0x3FFB];
	_ =	sdelay $0x3  }
0x92: {  	_ =	strace s19  }
0x93: {  	s2 =	sld [smem:$0x3FFC];
	_ =	sdelay $0x3  }
0x94: {  	_ =	strace s2  }
0x95: {  	s2 =	sld [smem:$0x3FFD];
	_ =	sdelay $0x3  }
0x96: {  	_ =	strace s2  }
0x97: {  	_ =	strace $0x8FFFFFFF  }
0x98: {  	s20 =	sld [smem:$0x3FDB];
	_ =	sdelay $0x1  }
0x99: {  	s4 =	simm.s32 $_scs_section_size  }
0x9a: {  	s5 =	simm.s32 $_size__tile_overlayer_lowered;
	s6 =	simm.s32 $_tile_overlayer_lowered  }
0x9b: {  	s7 =	simm.s32 $0x1BFF;
	s21 =	sshll.u32 s6, $0x1;
	s4 =	sadd.s32 s4, s20  }
0x9c: {  	s22 =	simm.s32 $0x0;
	s5 =	sshll.u32 s5, $0x1;
	s6 =	sadd.s32 s21, s4  }
0x9d: {  	[timem:s22], [sflag:s7] =	dma.local [hbm:s6], s5  }
0x9e: {  	_ =	swait.ge [sflag:s7], s5  }
0x9f: {  	s5 =	ssub.s32 $0x0, s5;
	[sflag:s7] =	ssyncset.done $0x0  }
0xa0: {  	[sflag:s7] =	ssyncadd.s32 s5;
	_ =	sdelay $0x1  }
0xa1: {  	s23 =	simm.s32 $0x1B8B  }
0xa2: {  	_ =	swait.ge [sflag:s23], $0x1  }
0xa3: {  	[sflag:s23] =	ssyncset.done $0x0  }
0xa4: {  	[sflag:s23] =	ssyncadd.s32 $0xFFFFFFFF  }
0xa5: {  	s5 =	sld [smem:$0x0]  }
0xa6: {  	s6 =	sand.u32 $0xFFFFFFFE, s1  }
0xa7: {  	p0 =	sne.s32 s1, s6  }
0xa8: {  	s6 =	sshll.u32 @p0 s6, $0xE  }
0xa9: {  	s6 =	sadd.s32 @p0 $0x11B8D, s6;
	s7 =	sshll.u32 @p0 s5, $0x11  }
0xaa: {  	s6 =	sor.u32 @p0 s7, s6  }
0xab: {  	[sflag:s6] =	ssyncadd.remote.s32 @p0 $0x1;
	_ =	sdelay $0x1  }
0xac: {  	s6 =	simm.s32 @p0 $0x1B8D  }
0xad: {  	_ =	swait.eq @p0 [sflag:s6], $0x1  }
0xae: {  	[sflag:s6] =	ssyncadd.s32 @p0 $0xFFFFFFFF  }
0xaf: {  	s7 =	sshll.u32 @!p0 s1, $0xE  }
0xb0: {  	s7 =	sor.u32 @!p0 $0x4000, s7;
	s6 =	simm.s32 @!p0 $0x1B8D  }
0xb1: {  	s5 =	sshll.u32 @!p0 s5, $0x11;
	s7 =	sadd.s32 @!p0 $0x11B8D, s7;
	_ =	swait.eq @!p0 [sflag:s6], $0x1  }
0xb2: {  	s5 =	sor.u32 @!p0 s5, s7;
	[sflag:s6] =	ssyncadd.s32 @!p0 $0xFFFFFFFF  }
0xb3: {  	s25 =	simm.s32 $0x1B8E;
	s24 =	sld [smem:$0x3FFE];
	[sflag:s5] =	ssyncadd.remote.s32 @!p0 $0x1  }
0xb4: {  	s26 =	simm.s32 $execute0_lowered;
	[smem:$0x3FD2] =	sst s25  }
0xb5: {  	s6 =	sshll.u32 s26, $0x1;
	_ =	strace $0x80000049;
	[dreg:$0x1] =	wrdreg $0xFFFFFFFF  }
0xb6: {  	s28 =	simm.s32 $_size_execute0_lowered;
	s4 =	sadd.s32 s4, s6;
	[dreg:$0x0] =	wrdreg $0x0  }
0xb7: {  	s6 =	sshll.u32 s28, $0x1;
	[dreg:$0x2] =	wrdreg s4  }
0xb8: {  	[dreg:$0x3] =	wrdreg s6  }
0xb9: {  	[dreg:$0x4] =	wrdreg $0xC0  }
0xba: {  	_ =	task [dreg:s22], $0x5FFFF  }
0xbb: {  	[dreg:$0x1] =	wrdreg $0xFFFFFFFF  }
0xbc: {  	[dreg:$0x0] =	wrdreg $0x60  }
0xbd: {  	[dreg:$0x2] =	wrdreg s24  }
0xbe: {  	[dreg:$0x3] =	wrdreg s18  }
0xbf: {  	[dreg:$0x4] =	wrdreg $0xA  }
0xc0: {  	_ =	task.clear_ibuf [dreg:s22], $0x5FFFF;
	_ =	strace $0x90000049  }
0xc1: {  	s29 =	simm.s32 $0xA;
	_ =	strace $0x8000004B  }
0xc2: {  	_ =	swait.ge [sflag:s29], $0x1  }
0xc3: {  	[sflag:s29] =	ssyncadd.s32 $0xFFFFFFFF  }
0xc4: {  	_ =	strace $0x9000004B  }
0xc5: {  	_ =	sfence  }
0xc6: {  	s30 =	sld [smem:$0x0];
	_ =	sdelay $0x2  }
0xc7: {  	s31 =	sshll.u32 s1, $0xD;
	s1 =	sshrl.u32 s1, $0x2  }
0xc8: {  	s4 =	sand.u32 $0x4000, s31;
	s1 =	sadd.s32 s1, s30  }
0xc9: {  	s0 =	sor.u32 s4, s0;
	s1 =	sshll.u32 s1, $0x11  }
0xca: {  	s0 =	sor.u32 s1, s0  }
0xcb: {  	s0 =	sadd.s32 $0x8F2B, s0  }
0xcc: {  	[sflag:s0] =	ssyncadd.remote.s32 $0x1  }
0xcd: {  	_ =	sfence.sel $0xFFFF  }
0xce: {  	[dreg:$0x0] =	wrdreg $0xFFFFFFFF;
	(pc) =	sbr.abs _section_cstart, $3  }
0xcf: {  	[dreg:$0x1] =	wrdreg $0xFFFFFFFF  }
0xd0: {  	_ =	task.clear_ibuf [dreg:s22], $0x2FFFF;
	_ =	strace $0x9FFFFFFF  }
0xd1: {  	(tm) =	ssettm $0x7FFFFFFF  }
tec
execute0_lowered:
.L_overlay_start_1:
0x0: {  	(tag) =	ssettag $0x1  }
0x1: {  	v0 =	vimm.s32 $0x0  }
0x2: {  	vm0 =	vcmask $0x704;
	v1 =	vimm.s32 $0x76543217;
	vm15 =	vcmask $0xB08  }
0x3: {  	vm4 =	vcmask $0xF0C;
	vm5 =	vcmask $0x1310;
	v2 =	vsel vm0, $0x80, v0  }
0x4: {  	vm6 =	vcmask $0x1714;
	vm1 =	vcmask $0x2304;
	v2 =	vsel vm15, $0x100, v2  }
0x5: {  	s3 =	rddreg [dreg:$0x0];
	vm7 =	vcmask $0x1B18;
	v3 =	vimm.s32 $0x1234560;
	v2 =	vsel vm4, $0x180, v2  }
0x6: {  	s4 =	rddreg [dreg:$0x1];
	s2 =	srdreg.scid;
	vm8 =	vcmask $0x231C;
	v1 =	vunpack.c.l.s4.s8 v1;
	v2 =	vsel vm5, $0x200, v2  }
0x7: {  	s0 =	rddreg [dreg:$0x2];
	s1 =	stileid.u32;
	vm9 =	vcmask $0x2724;
	vm10 =	vcmask $0x2B28;
	s10 =	simm.s32 $0x8000;
	v2 =	vsel vm6, $0x280, v2  }
0x8: {  	vm11 =	vcmask $0x2F2C;
	s11 =	simm.s32 $0x10000;
	s12 =	simm.s32 $0x10680;
	s13 =	simm.s32 $0x10D80;
	v1 =	vunpack.c.0.s8.s32 v1;
	v2 =	vsel vm7, $0x300, v2  }
0x9: {  	vm12 =	vcmask $0x3F24;
	vm13 =	vcmask $0x3330;
	s14 =	simm.s32 $0x3;
	s15 =	simm.s32 $0x0;
	s5 =	sand.u32 $0x1, s2;
	v2 =	vsel vm8, $0x380, v2  }
0xa: {  	s2 =	simm.s32 $0x0;
	s6 =	sshll.u32 s1, $0x7;
	v3 =	vunpack.c.l.s4.s8 v3;
	s7 =	sshll.u32 s5, $0x6;
	v4 =	vnsel vm1, $0x0, v1;
	v1 =	vsel vm9, $0x300, v2  }
0xb: {  	vm14 =	vcmask $0x3734;
	v9 =	vimm.s32 $0x80000000;
	[smem:$0x7FF] =	sst s2;
	s5 =	ssub.s32 $0x2, s5;
	s6 =	sor.u32 s7, s6;
	v1 =	vsel vm10, $0x280, v1  }
.Ltmp0:
0xc: {  	_ =	strace $0x8000004A;
	s8 =	sshrl.u32 s5, $0x1;
	v2 =	vunpack.c.0.s8.s32 v3;
	v3 =	vsel vm11, $0x200, v1;
	v1 =	vlaneseq.u32;
	(pc) =	sbr.rel .LBB2_1-.Ltmp0, $4  }
0xd: {  	vm15 =	vcmask $0x3B38;
	s7 =	sshll.u32 s6, $0x9;
	s6 =	sshrl.u32 s6, $0x3;
	s8 =	ssub.s32 s5, s8;
	v3 =	vsel vm13, $0x180, v3;
	v5 =	vshrl.u32 v1, $0x3  }
0xe: {  	s7 =	sadd.s32 s7, s3;
	s9 =	sadd.s32 s6, s3;
	s3 =	sadd.s32 s4, s6;
	v8 =	vmul.u32 $0xFFFFFFFF, v1;
	v6 =	vsel vm14, $0x100, v3;
	v3 =	vmul.u32 $0x61, v1  }
0xf: {  	s6 =	smax.u32 s8, $0x1;
	s8 =	simm.s32 $0x1;
	s4 =	sadd.s32 $0x100A00, s7;
	v2 =	vsel vm12, v2, v4;
	v4 =	vimm.f32 $-Inf;
	v5 =	vmul.u32 $0x4000, v5  }
0x10: {  	s5 =	sadd.s32 $0x200A00, s9;
	s7 =	simm.s32 $0x10D00;
	s9 =	simm.s32 $0x2;
	v6 =	vsel vm15, $0x80, v6;
	v8 =	vadd.s32 $0xF, v8;
	v7 =	vadd.s32 $0x30, v3  }
.LBB2_42:
0x11: {  	s15 =	sadd.s32 $0x1, s15  }
0x12: {  	p0 =	sne.s32 s15, s6  }
.Ltmp1:
0x13: {  	_ = 	snop;
	(pc) =	sbr.rel @!p0 .LBB2_43-.Ltmp1, $4  }
0x14: {  	[hbm4b:s5+s2] =	stream.linear.scatter [tilespmem:s13], [sflag:$0x3], $0x40, $0x38;
	[tilespmem:$0x10E00] =	vst v63  }
0x15: {  	_ =	swait.ge [sflag:s14], $0x40  }
0x16: {  	[sflag:s14] =	ssyncset.done $0x0  }
0x17: {  	[sflag:s14] =	ssyncadd.s32 $0xFFFFFFC0  }
.LBB2_1:
0x18: {  	[tilespmem:s7], [sflag:$0x1] =	stream.linear.gather [hbm4b:s3+s2], $0x40, $0x38;
	[tilespmem:$0x10E00] =	vst v63  }
.Ltmp2:
0x19: {  	_ = 	snop;
	(pc) =	sbr.rel .LBB2_2-.Ltmp2, $4  }
0x1a: {  	_ =	swait.ge [sflag:s8], $0x40  }
0x1b: {  	[sflag:s8] =	ssyncset.done $0x0  }
0x1c: {  	s16 =	simm.s32 $0x0;
	[sflag:s8] =	ssyncadd.s32 $0xFFFFFFC0  }
0x1d: {  	[tilespmem:s2], [sflag:$0x1] =	stream.linear.gather [hbm4b:s4+s2], $0x8000, $0x38;
	[tilespmem:$0x10E00] =	vst v63  }
.LBB2_41:
0x1e: {  	p0 =	sne.s32 s16, $0x8  }
.Ltmp3:
0x1f: {  	_ = 	snop;
	(pc) =	sbr.rel @!p0 .LBB2_42-.Ltmp3, $4  }
0x20: {  	vm0 =	vgt.s32 v10, $0xFFFFFFFF  }
0x21: {  	s17 =	sshll.u32 s17, $0x3;
	v11 =	vsel vm0, $0xFFFFFFFF, v9  }
0x22: {  	s17 =	sand.u32 $0x3FFFFFF8, s17;
	v10 =	vxor.u32 v10, v11  }
0x23: {  	[tilespmem:s17+$0x10D80] =	vst.msk $0xff, v10  }
.LBB2_2:
0x24: {  	p0 =	seq.s32 s16, $0x7  }
.Ltmp4:
0x25: {  	_ = 	snop;
	(pc) =	sbr.rel @p0 .LBB2_5-.Ltmp4, $2  }
0x26: {  	_ =	sdelay $0x2  }
0x27: {  	s17 =	smov.u32 s16;
	s16 =	sadd.s32 $0x1, s16  }
0x28: {  	s18 =	sand.u32 $0x1, s17  }
0x29: {  	p0 =	seq.s32 s18, $0x0  }
.Ltmp5:
0x2a: {  	_ = 	snop;
	(pc) =	sbr.rel @!p0 .LBB2_4-.Ltmp5, $3  }
0x2b: {  	_ =	sdelay $0x1  }
0x2c: {  	s31 =	sshll.u32 s16, $0xC  }
0x2d: {  	s18 =	sadd.s32 s4, s31  }
0x2e: {  	s19 =	sshll.u32 s17, $0x3  }
0x2f: {  	v10 =	vor.u32 s19, v2  }
0x30: {  	[tilespmem:s10], [sflag:$0x2] =	stream.linear.gather [hbm4b:s18+s2], $0x8000, $0x38;
	[tilespmem:$0x10E00] =	vst v63  }
0x31: {  	_ =	swait.ge [sflag:s8], $0x8000  }
0x32: {  	[sflag:s8] =	ssyncset.done $0x0  }
0x33: {  	s18 =	simm.s32 $0x10040;
	[sflag:s8] =	ssyncadd.s32 $0xFFFF8000  }
0x34: {  	v10 =	vld.idx.msk [tilespmem:v10+s7+$0x0], $0xffff;
	[tilespmem:s18+$0xFFFFFFC0] =	vst v4  }
0x35: {  	[tilespmem:s18+$0x30] =	vst v4  }
0x36: {  	[tilespmem:s18+$0x20] =	vst v4  }
0x37: {  	[tilespmem:s18+$0x10] =	vst v4  }
0x38: {  	[tilespmem:s18+$0x0] =	vst v4  }
0x39: {  	[tilespmem:s18+$0xFFFFFFF0] =	vst v4  }
0x3a: {  	s19 =	simm.s32 $0x0;
	[tilespmem:s18+$0xFFFFFFE0] =	vst v4  }
.LBB2_21:
0x3b: {  	s19 =	sadd.s32 $0x8, s19;
	[tilespmem:s18+$0xFFFFFFD0] =	vst v4;
	s18 =	sadd.s32 $0x80, s18  }
0x3c: {  	[tilespmem:s18+$0xFFFFFFC0] =	vst v4;
	p0 =	slt.u32 s19, $0x58  }
0x3d: {  	[tilespmem:s18+$0x30] =	vst v4  }
.Ltmp6:
0x3e: {  	[tilespmem:s18+$0x20] =	vst v4;
	(pc) =	sbr.rel @p0 .LBB2_21-.Ltmp6, $4  }
0x3f: {  	[tilespmem:s18+$0x10] =	vst v4  }
0x40: {  	[tilespmem:s18+$0x0] =	vst v4  }
0x41: {  	[tilespmem:s18+$0xFFFFFFF0] =	vst v4  }
0x42: {  	[tilespmem:s18+$0xFFFFFFE0] =	vst v4  }
0x43: {  	[tilespmem:s18+$0xFFFFFFD0] =	vst v4;
	s18 =	simm.s32 $0x0;
	s19 =	simm.s32 $0x0  }
.LBB2_23:
0x44: {  	p0 =	sne.s32 s19, $0x40  }
.Ltmp7:
0x45: {  	_ = 	snop;
	(pc) =	sbr.rel @p0 .LBB2_23-.Ltmp7, $3  }
0x46: {  	_ =	sdelay $0x1  }
0x47: {  	s20 =	sshra.s32 s19, $0x2  }
0x48: {  	s19 =	sadd.s32 $0x40, s19;
	[tilespmem:s20+$0x10600] =	vst v4  }
0x49: {  	v15 =	vimm.s32 $0x0;
	s19 =	simm.s32 $0x2;
	s20 =	simm.s32 $0x4;
	s21 =	simm.s32 $0x6;
	v22 =	vadd.s32 s18, v1  }
0x4a: {  	s22 =	simm.s32 $0x7;
	s28 =	simm.s32 $0xB;
	v11 =	vadd.s32 s19, v1;
	v12 =	vadd.s32 s20, v1;
	v13 =	vadd.s32 s21, v1  }
0x4b: {  	s29 =	simm.s32 $0xD;
	vm0 =	vlt.s32 v15, $0x2F;
	v23 =	vadd.s32 s22, v1;
	v61 =	vadd.s32 s28, v1  }
0x4c: {  	v32 =	vadd.s32 s29, v1;
	v14 =	vand.u32 $0x780, v11;
	v11 =	vand.u32 $0x7F, v11  }
0x4d: {  	v16 =	vand.u32 $0x780, v12;
	v12 =	vand.u32 $0x7F, v12;
	v14 =	vshll.u32 v14, $0x3  }
0x4e: {  	s20 =	simm.s32 $0x3;
	v17 =	vand.u32 $0x780, v13;
	v13 =	vand.u32 $0x7F, v13;
	v14 =	vor.u32 v5, v14  }
0x4f: {  	s21 =	simm.s32 $0x5;
	v18 =	vadd.s32 s20, v1;
	v11 =	vor.u32 v11, v14;
	v14 =	vshll.u32 v17, $0x3  }
0x50: {  	s31 =	simm.s32 $0x1;
	v19 =	vadd.s32 s21, v1;
	v24 =	vand.u32 $0x780, v23;
	v14 =	vor.u32 v5, v14  }
0x51: {  	v31 =	vand.u32 $0x780, v61;
	v13 =	vor.u32 v13, v14;
	v14 =	vadd.s32 s31, v1  }
0x52: {  	v16 =	vshll.u32 v16, $0x3;
	v20 =	vand.u32 $0x780, v18;
	v17 =	vand.u32 $0x780, v14  }
0x53: {  	v16 =	vor.u32 v5, v16;
	v11 =	vor.u32 v6, v11;
	v17 =	vshll.u32 v17, $0x3  }
0x54: {  	v12 =	vor.u32 v12, v16;
	v14 =	vand.u32 $0x7F, v14;
	v17 =	vor.u32 v5, v17  }
0x55: {  	v12 =	vor.u32 v6, v12;
	v14 =	vor.u32 v14, v17;
	v17 =	vand.u32 $0x780, v22  }
0x56: {  	v21 =	vand.u32 $0x780, v19;
	v18 =	vand.u32 $0x7F, v18;
	v17 =	vshll.u32 v17, $0x3  }
0x57: {  	v20 =	vshll.u32 v20, $0x3;
	v22 =	vand.u32 $0x7F, v22;
	v17 =	vor.u32 v5, v17  }
0x58: {  	v21 =	vshll.u32 v21, $0x3;
	v20 =	vor.u32 v5, v20;
	v25 =	vld.idx.msk [tilespmem:v11+s2+$0x0], $0xffff;
	v11 =	vor.u32 v22, v17  }
0x59: {  	v16 =	vnsel vm0, $0x2F, v15;
	v18 =	vor.u32 v18, v20;
	v11 =	vor.u32 v6, v11  }
0x5a: {  	v21 =	vor.u32 v5, v21;
	v18 =	vor.u32 v6, v18;
	v13 =	vor.u32 v6, v13;
	v26 =	vld.idx.msk [tilespmem:v12+s2+$0x0], $0xffff  }
0x5b: {  	v14 =	vor.u32 v6, v14;
	v17 =	vand.u32 $0x7F, v19;
	v19 =	vshll.u32 v24, $0x3  }
0x5c: {  	s24 =	simm.s32 $0xC;
	v22 =	vand.u32 $0x7F, v23;
	v19 =	vor.u32 v5, v19;
	v17 =	vor.u32 v17, v21  }
0x5d: {  	s23 =	simm.s32 $0xA;
	s25 =	simm.s32 $0xE;
	v21 =	vadd.s32 s24, v1;
	v19 =	vor.u32 v22, v19;
	v20 =	vor.u32 v6, v17  }
0x5e: {  	vm1 =	vge.f32 v25, v10;
	v17 =	vadd.s32 s23, v1;
	v22 =	vadd.s32 s25, v1;
	v23 =	vld.idx.msk [tilespmem:v11+s2+$0x0], $0xffff  }
0x5f: {  	v24 =	vld.idx.msk [tilespmem:v13+s2+$0x0], $0xffff;
	vm2 =	vge.f32 v26, v10;
	v19 =	vor.u32 v6, v19;
	v13 =	vand.u32 $0x7F, v17  }
0x60: {  	v28 =	vsel vm1, $0x1, v0;
	v11 =	vand.u32 $0x780, v17;
	v17 =	vand.u32 $0x780, v21  }
0x61: {  	v29 =	vsel vm2, $0x1, v0;
	v11 =	vshll.u32 v11, $0x3;
	v17 =	vshll.u32 v17, $0x3  }
0x62: {  	v21 =	vand.u32 $0x7F, v21;
	v11 =	vor.u32 v5, v11;
	v12 =	vor.u32 v5, v17  }
0x63: {  	v11 =	vor.u32 v13, v11;
	v12 =	vor.u32 v21, v12;
	vm3 =	vge.f32 v23, v10  }
0x64: {  	v27 =	vor.u32 v6, v11;
	v11 =	vor.u32 v6, v12;
	v12 =	vsel vm3, $0x1, v0  }
0x65: {  	v17 =	vand.u32 $0x780, v22;
	v21 =	vadd.s32 v3, v16;
	v12 =	vadd.s32 v12, v15  }
0x66: {  	vm0 =	vge.f32 v24, v10;
	v13 =	vshll.u32 v17, $0x3;
	vm4 =	vlt.s32 v12, $0x2F  }
0x67: {  	v17 =	vand.u32 $0x7F, v22;
	v28 =	vadd.s32 v28, v12;
	v12 =	vnsel vm4, $0x2F, v12  }
0x68: {  	v22 =	vsel vm0, $0x1, v0;
	vm12 =	vlt.s32 v28, $0x2F;
	v30 =	vadd.s32 v3, v12  }
0x69: {  	s26 =	simm.s32 $0x9;
	v13 =	vor.u32 v5, v13;
	v29 =	vadd.s32 v29, v28;
	v28 =	vnsel vm12, $0x2F, v28  }
0x6a: {  	v12 =	vadd.s32 v22, v29;
	v22 =	vadd.s32 v3, v28;
	[tilespmem:v21+s11+$0x0] =	vst.idx.msk vm3, v23;
	v21 =	vadd.s32 s26, v1  }
0x6b: {  	v16 =	vadd.s32 v7, v16;
	v17 =	vor.u32 v17, v13;
	v60 =	vld.idx.msk [tilespmem:v14+s2+$0x0], $0xffff;
	v14 =	vand.u32 $0x780, v21  }
0x6c: {  	v17 =	vor.u32 v6, v17;
	vm13 =	vlt.s32 v29, $0x2F;
	v14 =	vshll.u32 v14, $0x3  }
0x6d: {  	v59 =	vnsel vm13, $0x2F, v29;
	v21 =	vand.u32 $0x7F, v21;
	v14 =	vor.u32 v5, v14;
	[tilespmem:v30+s11+$0x0] =	vst.idx.msk vm1, v25  }
0x6e: {  	v23 =	vadd.s32 v3, v59;
	v25 =	vshll.u32 v31, $0x3;
	v21 =	vor.u32 v21, v14;
	v30 =	vld.idx.msk [tilespmem:v18+s2+$0x0], $0xffff  }
0x6f: {  	[tilespmem:v22+s11+$0x0] =	vst.idx.msk vm2, v26;
	v18 =	vand.u32 $0x7F, v61;
	v22 =	vor.u32 v5, v25;
	v25 =	vand.u32 $0x780, v32  }
0x70: {  	s30 =	simm.s32 $0xF;
	v14 =	vld.idx.msk [tilespmem:v20+s2+$0x0], $0xffff;
	v22 =	vor.u32 v18, v22;
	vm1 =	vge.f32 v60, v10;
	v18 =	vshll.u32 v25, $0x3  }
0x71: {  	v20 =	vand.u32 $0x7F, v32;
	v25 =	vadd.s32 s30, v1;
	v18 =	vor.u32 v5, v18  }
0x72: {  	v26 =	vsel vm1, $0x1, v0;
	v20 =	vor.u32 v20, v18;
	v18 =	vand.u32 $0x780, v25  }
0x73: {  	s31 =	simm.s32 $0x8;
	[tilespmem:v23+s11+$0x0] =	vst.idx.msk vm0, v24;
	v25 =	vand.u32 $0x7F, v25;
	v15 =	vadd.s32 v26, v15;
	vm3 =	vge.f32 v30, v10  }
0x74: {  	v62 =	vshll.u32 v18, $0x3;
	v18 =	vld.idx.msk [tilespmem:v19+s2+$0x0], $0xffff;
	v19 =	vadd.s32 s31, v1;
	v23 =	vsel vm3, $0x1, v0  }
0x75: {  	vm2 =	vlt.s32 v15, $0x2F;
	vm0 =	vge.f32 v14, v10;
	v26 =	vadd.s32 v23, v15  }
0x76: {  	v23 =	vand.u32 $0x780, v19;
	v19 =	vand.u32 $0x7F, v19;
	v15 =	vnsel vm2, $0x2F, v15  }
0x77: {  	v23 =	vshll.u32 v23, $0x3;
	v63 =	vadd.s32 v7, v15;
	vm2 =	vlt.s32 v26, $0x2F  }
0x78: {  	v15 =	vor.u32 v5, v23;
	v23 =	vor.u32 v5, v62;
	v24 =	vnsel vm2, $0x2F, v26  }
0x79: {  	v15 =	vor.u32 v19, v15;
	v19 =	vor.u32 v25, v23;
	v23 =	vadd.s32 v7, v24  }
0x7a: {  	v24 =	vor.u32 v6, v15;
	v15 =	vor.u32 v6, v19;
	v19 =	vor.u32 v6, v20;
	v20 =	vld.idx.msk [tilespmem:v27+s2+$0x0], $0xffff  }
0x7b: {  	vm2 =	vge.f32 v18, v10;
	v25 =	vsel vm0, $0x1, v0  }
0x7c: {  	vm14 =	vlt.s32 v12, $0x2F;
	v25 =	vadd.s32 v25, v26;
	v26 =	vsel vm2, $0x1, v0  }
0x7d: {  	v13 =	vnsel vm14, $0x2F, v12;
	[tilespmem:v16+s11+$0x0] =	vst.idx.msk vm1, v60;
	vm15 =	vlt.s32 v25, $0x2F;
	v16 =	vadd.s32 v26, v25  }
0x7e: {  	s18 =	simm.s32 $0x4;
	s19 =	simm.s32 $0x10;
	v22 =	vor.u32 v6, v22;
	[tilespmem:v63+s11+$0x0] =	vst.idx.msk vm3, v30;
	vm1 =	vlt.s32 v16, $0x2F;
	v25 =	vnsel vm15, $0x2F, v25  }
.LBB2_25:
0x7f: {  	s20 =	sadd.s32 $0x2, s19;
	s21 =	sadd.s32 $0x4, s19;
	s22 =	sadd.s32 $0x6, s19;
	v21 =	vor.u32 v6, v21;
	vm3 =	vge.f32 v20, v10;
	v26 =	vld.idx.msk [tilespmem:v17+s2+$0x0], $0xffff;
	v17 =	vadd.s32 v7, v25  }
0x80: {  	s18 =	sadd.s32 $0x4, s18;
	v25 =	vadd.s32 s20, v1;
	v27 =	vadd.s32 s21, v1;
	v28 =	vadd.s32 s22, v1;
	v24 =	vld.idx.msk [tilespmem:v24+s2+$0x0], $0xffff  }
0x81: {  	p0 =	slt.u32 s18, $0x3FC;
	v29 =	vand.u32 $0x780, v25;
	v25 =	vand.u32 $0x7F, v25;
	v30 =	vand.u32 $0x780, v27  }
0x82: {  	v27 =	vand.u32 $0x7F, v27;
	v29 =	vshll.u32 v29, $0x3;
	v30 =	vshll.u32 v30, $0x3;
	v31 =	vld.idx.msk [tilespmem:v11+s2+$0x0], $0xffff  }
0x83: {  	v11 =	vor.u32 v5, v29;
	v29 =	vor.u32 v5, v30;
	v30 =	vand.u32 $0x780, v28;
	[tilespmem:v23+s11+$0x0] =	vst.idx.msk vm0, v14  }
0x84: {  	v11 =	vor.u32 v25, v11;
	v14 =	vor.u32 v27, v29;
	v23 =	vshll.u32 v30, $0x3;
	[tilespmem:v17+s11+$0x0] =	vst.idx.msk vm2, v18  }
0x85: {  	v25 =	vor.u32 v6, v11;
	v11 =	vor.u32 v6, v14;
	v14 =	vor.u32 v5, v23  }
0x86: {  	v17 =	vand.u32 $0x7F, v28;
	vm0 =	vge.f32 v26, v10;
	vm4 =	vge.f32 v24, v10  }
0x87: {  	v13 =	vadd.s32 v3, v13;
	v23 =	vsel vm0, $0x1, v0;
	v18 =	vsel vm4, $0x1, v0  }
0x88: {  	v12 =	vadd.s32 v18, v12;
	v18 =	vsel vm3, $0x1, v0;
	vm2 =	vge.f32 v31, v10  }
0x89: {  	vm5 =	vlt.s32 v12, $0x2F;
	v18 =	vadd.s32 v18, v12;
	v27 =	vsel vm2, $0x1, v0  }
0x8a: {  	v12 =	vnsel vm5, $0x2F, v12;
	vm5 =	vlt.s32 v18, $0x2F;
	v27 =	vadd.s32 v27, v18  }
0x8b: {  	v28 =	vadd.s32 v3, v12;
	v12 =	vnsel vm5, $0x2F, v18;
	vm5 =	vlt.s32 v27, $0x2F  }
0x8c: {  	v18 =	vadd.s32 v3, v12;
	v12 =	vadd.s32 v23, v27;
	[tilespmem:v13+s11+$0x0] =	vst.idx.msk vm4, v24;
	v13 =	vnsel vm5, $0x2F, v27  }
0x8d: {  	s20 =	sadd.s32 $0x1, s19;
	v14 =	vor.u32 v17, v14;
	vm4 =	vlt.s32 v12, $0x2F;
	v23 =	vld.idx.msk [tilespmem:v21+s2+$0x0], $0xffff;
	v24 =	vadd.s32 v3, v13  }
0x8e: {  	s21 =	sadd.s32 $0x5, s19;
	v17 =	vor.u32 v6, v14;
	v13 =	vnsel vm4, $0x2F, v12;
	v21 =	vadd.s32 s20, v1;
	s20 =	sadd.s32 $0x3, s19  }
0x8f: {  	v29 =	vadd.s32 s21, v1;
	v14 =	vand.u32 $0x780, v21;
	v27 =	vadd.s32 s20, v1  }
0x90: {  	v32 =	vand.u32 $0x780, v29;
	v14 =	vshll.u32 v14, $0x3;
	v30 =	vand.u32 $0x780, v27;
	[tilespmem:v28+s11+$0x0] =	vst.idx.msk vm3, v20  }
0x91: {  	v20 =	vand.u32 $0x7F, v21;
	v14 =	vor.u32 v5, v14;
	v28 =	vshll.u32 v30, $0x3;
	v22 =	vld.idx.msk [tilespmem:v22+s2+$0x0], $0xffff;
	[tilespmem:v18+s11+$0x0] =	vst.idx.msk vm2, v31  }
0x92: {  	v21 =	vor.u32 v20, v14;
	v18 =	vand.u32 $0x7F, v27;
	v20 =	vor.u32 v5, v28;
	v14 =	vld.idx.msk [tilespmem:v19+s2+$0x0], $0xffff  }
0x93: {  	v27 =	vor.u32 v18, v20;
	vm2 =	vge.f32 v23, v10;
	v18 =	vnsel vm1, $0x2F, v16  }
0x94: {  	s20 =	sadd.s32 $0x7, s19;
	v19 =	vshll.u32 v32, $0x3;
	v20 =	vadd.s32 v7, v18;
	v18 =	vsel vm2, $0x1, v0  }
0x95: {  	v28 =	vand.u32 $0x7F, v29;
	v29 =	vadd.s32 s20, v1;
	v19 =	vor.u32 v5, v19  }
0x96: {  	v19 =	vor.u32 v28, v19;
	v28 =	vand.u32 $0x780, v29  }
0x97: {  	v29 =	vand.u32 $0x7F, v29;
	v28 =	vshll.u32 v28, $0x3;
	vm1 =	vge.f32 v22, v10;
	[tilespmem:v24+s11+$0x0] =	vst.idx.msk vm0, v26  }
0x98: {  	v16 =	vadd.s32 v18, v16;
	v24 =	vsel vm1, $0x1, v0;
	vm0 =	vge.f32 v14, v10;
	v18 =	vld.idx.msk [tilespmem:v15+s2+$0x0], $0xffff  }
0x99: {  	v15 =	vadd.s32 s19, v1;
	v26 =	vadd.s32 v24, v16;
	[tilespmem:v20+s11+$0x0] =	vst.idx.msk vm2, v23;
	vm2 =	vlt.s32 v16, $0x2F  }
0x9a: {  	v20 =	vand.u32 $0x780, v15;
	v15 =	vand.u32 $0x7F, v15;
	v16 =	vnsel vm2, $0x2F, v16  }
0x9b: {  	v20 =	vshll.u32 v20, $0x3;
	vm2 =	vlt.s32 v26, $0x2F;
	v16 =	vadd.s32 v7, v16  }
0x9c: {  	v24 =	vor.u32 v5, v28;
	v23 =	vor.u32 v5, v20;
	v20 =	vld.idx.msk [tilespmem:v25+s2+$0x0], $0xffff;
	v25 =	vnsel vm2, $0x2F, v26  }
.Ltmp8:
0x9d: {  	v28 =	vor.u32 v29, v24;
	v15 =	vor.u32 v15, v23;
	v23 =	vadd.s32 v7, v25;
	(pc) =	sbr.rel @p0 .LBB2_25-.Ltmp8, $4  }
0x9e: {  	v24 =	vor.u32 v6, v15;
	v25 =	vsel vm0, $0x1, v0;
	vm2 =	vge.f32 v18, v10  }
0x9f: {  	v15 =	vor.u32 v6, v28;
	v25 =	vadd.s32 v25, v26;
	v26 =	vsel vm2, $0x1, v0  }
0xa0: {  	v19 =	vor.u32 v6, v19;
	vm3 =	vlt.s32 v25, $0x2F;
	[tilespmem:v16+s11+$0x0] =	vst.idx.msk vm1, v22;
	v16 =	vadd.s32 v26, v25  }
0xa1: {  	s19 =	sadd.s32 $0x8, s19;
	v22 =	vor.u32 v6, v27;
	v25 =	vnsel vm3, $0x2F, v25;
	vm1 =	vlt.s32 v16, $0x2F  }
0xa2: {  	_ =	sdelay $0x3  }
0xa3: {  	v24 =	vld.idx.msk [tilespmem:v24+s2+$0x0], $0xffff;
	_ =	sdelay $0x4  }
0xa4: {  	v11 =	vld.idx.msk [tilespmem:v11+s2+$0x0], $0xffff;
	vm3 =	vge.f32 v24, v10  }
0xa5: {  	vm4 =	vge.f32 v20, v10;
	v26 =	vsel vm3, $0x1, v0  }
0xa6: {  	v63 =	vsel vm4, $0x1, v0;
	v12 =	vadd.s32 v26, v12  }
0xa7: {  	v21 =	vor.u32 v6, v21;
	vm5 =	vlt.s32 v12, $0x2F;
	v26 =	vadd.s32 v63, v12  }
0xa8: {  	v17 =	vld.idx.msk [tilespmem:v17+s2+$0x0], $0xffff;
	v13 =	vadd.s32 v3, v13;
	v12 =	vnsel vm5, $0x2F, v12;
	vm15 =	vlt.s32 v26, $0x2F  }
0xa9: {  	vm6 =	vge.f32 v11, v10;
	v12 =	vadd.s32 v3, v12;
	v27 =	vnsel vm15, $0x2F, v26  }
0xaa: {  	v28 =	vsel vm6, $0x1, v0;
	v27 =	vadd.s32 v3, v27  }
0xab: {  	v26 =	vadd.s32 v28, v26  }
0xac: {  	vm8 =	vlt.s32 v26, $0x2F  }
0xad: {  	[tilespmem:v13+s11+$0x0] =	vst.idx.msk vm3, v24;
	vm3 =	vge.f32 v17, v10;
	v13 =	vnsel vm8, $0x2F, v26  }
0xae: {  	v13 =	vadd.s32 v3, v13;
	[tilespmem:v12+s11+$0x0] =	vst.idx.msk vm4, v20;
	v12 =	vld.idx.msk [tilespmem:v21+s2+$0x0], $0xffff  }
0xaf: {  	v20 =	vld.idx.msk [tilespmem:v22+s2+$0x0], $0xffff;
	[tilespmem:v27+s11+$0x0] =	vst.idx.msk vm6, v11  }
0xb0: {  	v11 =	vld.idx.msk [tilespmem:v19+s2+$0x0], $0xffff;
	_ =	sdelay $0x2  }
0xb1: {  	v21 =	vnsel vm1, $0x2F, v16;
	v19 =	vadd.s32 v7, v25;
	[tilespmem:v13+s11+$0x0] =	vst.idx.msk vm3, v17;
	vm9 =	vge.f32 v12, v10  }
0xb2: {  	v13 =	vadd.s32 v7, v21;
	v15 =	vld.idx.msk [tilespmem:v15+s2+$0x0], $0xffff;
	v17 =	vsel vm9, $0x1, v0;
	vm10 =	vge.f32 v20, v10  }
0xb3: {  	v16 =	vadd.s32 v17, v16;
	v17 =	vsel vm10, $0x1, v0;
	vm11 =	vge.f32 v11, v10  }
0xb4: {  	vm12 =	vlt.s32 v16, $0x2F;
	v17 =	vadd.s32 v17, v16;
	v21 =	vsel vm11, $0x1, v0  }
0xb5: {  	v16 =	vnsel vm12, $0x2F, v16;
	vm13 =	vlt.s32 v17, $0x2F;
	v21 =	vadd.s32 v21, v17  }
0xb6: {  	v16 =	vadd.s32 v7, v16;
	v17 =	vnsel vm13, $0x2F, v17;
	vm14 =	vlt.s32 v21, $0x2F  }
0xb7: {  	vm15 =	vge.f32 v15, v10;
	v17 =	vadd.s32 v7, v17;
	v22 =	vnsel vm14, $0x2F, v21  }
0xb8: {  	[tilespmem:v23+s11+$0x0] =	vst.idx.msk vm0, v14;
	v14 =	vadd.s32 v7, v22  }
0xb9: {  	[tilespmem:v19+s11+$0x0] =	vst.idx.msk vm2, v18  }
0xba: {  	[tilespmem:v13+s11+$0x0] =	vst.idx.msk vm9, v12  }
0xbb: {  	[tilespmem:v16+s11+$0x0] =	vst.idx.msk vm10, v20  }
0xbc: {  	[tilespmem:v17+s11+$0x0] =	vst.idx.msk vm11, v11  }
0xbd: {  	s20 =	simm.s32 $0x10040;
	[tilespmem:v14+s11+$0x0] =	vst.idx.msk vm15, v15  }
0xbe: {  	v20 =	vld [tilespmem:s20+$0x30]  }
0xbf: {  	v19 =	vld [tilespmem:s20+$0xFFFFFFD0]  }
0xc0: {  	p0 =	por $0x1, $0x1;
	v18 =	vld [tilespmem:s20+$0xFFFFFFE0]  }
.Ltmp9:
0xc1: {  	v17 =	vld [tilespmem:s20+$0xFFFFFFF0];
	(pc) =	sbr.rel @!p0 .LBB2_28-.Ltmp9, $4  }
0xc2: {  	v12 =	vsel vm15, $0x1, v0;
	v15 =	vld [tilespmem:s20+$0x0]  }
0xc3: {  	v12 =	vadd.s32 v12, v21;
	v11 =	vsel vm3, $0x1, v0;
	v13 =	vld [tilespmem:s20+$0x10];
	v16 =	vshra.s32 v20, $0x1F  }
0xc4: {  	v11 =	vadd.s32 v11, v26;
	v14 =	vld [tilespmem:s20+$0x20];
	v21 =	vshra.s32 v19, $0x1F;
	v23 =	vor.u32 $0x80000000, v16  }
0xc5: {  	s18 =	simm.s32 $0x106C0;
	s19 =	simm.s32 $0x0;
	v22 =	vshra.s32 v18, $0x1F;
	v16 =	vld [tilespmem:s20+$0xFFFFFFC0];
	v21 =	vor.u32 $0x80000000, v21;
	s20 =	simm.s32 $0x100C0;
	v20 =	vxor.u32 v20, v23  }
.LBB2_27:
0xc6: {  	v23 =	vld [tilespmem:s20+$0x30];
	s19 =	sadd.s32 $0x8, s19;
	v21 =	vxor.u32 v19, v21;
	v22 =	vor.u32 $0x80000000, v22;
	v24 =	vshra.s32 v17, $0x1F;
	[tilespmem:s18+$0x30] =	vst v20  }
0xc7: {  	v19 =	vld [tilespmem:s20+$0xFFFFFFD0];
	p0 =	slt.u32 s19, $0x58;
	[tilespmem:s18+$0xFFFFFFD0] =	vst v21;
	v20 =	vxor.u32 v18, v22;
	v21 =	vor.u32 $0x80000000, v24;
	v22 =	vshra.s32 v15, $0x1F  }
0xc8: {  	v18 =	vld [tilespmem:s20+$0xFFFFFFE0];
	[tilespmem:s18+$0xFFFFFFE0] =	vst v20;
	v20 =	vxor.u32 v17, v21;
	v21 =	vor.u32 $0x80000000, v22;
	v22 =	vshra.s32 v13, $0x1F  }
.Ltmp10:
0xc9: {  	v17 =	vld [tilespmem:s20+$0xFFFFFFF0];
	[tilespmem:s18+$0xFFFFFFF0] =	vst v20;
	v20 =	vxor.u32 v15, v21;
	v21 =	vor.u32 $0x80000000, v22;
	v22 =	vshra.s32 v14, $0x1F;
	(pc) =	sbr.rel @p0 .LBB2_27-.Ltmp10, $4  }
0xca: {  	v15 =	vld [tilespmem:s20+$0x0];
	v24 =	vshra.s32 v16, $0x1F;
	[tilespmem:s18+$0x0] =	vst v20;
	v20 =	vxor.u32 v13, v21;
	v21 =	vor.u32 $0x80000000, v22  }
0xcb: {  	v13 =	vld [tilespmem:s20+$0x10];
	v22 =	vshra.s32 v23, $0x1F;
	v24 =	vor.u32 $0x80000000, v24;
	[tilespmem:s18+$0x10] =	vst v20;
	v20 =	vxor.u32 v14, v21  }
0xcc: {  	v21 =	vshra.s32 v19, $0x1F;
	v14 =	vld [tilespmem:s20+$0x20];
	v25 =	vor.u32 $0x80000000, v22;
	v24 =	vxor.u32 v16, v24;
	[tilespmem:s18+$0x20] =	vst v20  }
0xcd: {  	v16 =	vld [tilespmem:s20+$0xFFFFFFC0];
	v21 =	vor.u32 $0x80000000, v21;
	v22 =	vshra.s32 v18, $0x1F;
	v20 =	vxor.u32 v23, v25;
	s20 =	sadd.s32 $0x80, s20;
	[tilespmem:s18+$0xFFFFFFC0] =	vst v24;
	s18 =	sadd.s32 $0x80, s18  }
.LBB2_28:
0xce: {  	v19 =	vxor.u32 v19, v21;
	v53 =	vor.u32 $0x80000000, v22;
	v54 =	vshra.s32 v17, $0x1F;
	[tilespmem:s18+$0x30] =	vst v20  }
0xcf: {  	[tilespmem:s18+$0xFFFFFFD0] =	vst v19;
	v18 =	vxor.u32 v18, v53;
	v55 =	vor.u32 $0x80000000, v54;
	v56 =	vshra.s32 v15, $0x1F  }
0xd0: {  	[tilespmem:s18+$0xFFFFFFE0] =	vst v18;
	v57 =	vxor.u32 v17, v55;
	v58 =	vor.u32 $0x80000000, v56;
	v59 =	vshra.s32 v13, $0x1F  }
0xd1: {  	[tilespmem:s18+$0xFFFFFFF0] =	vst v57;
	v15 =	vxor.u32 v15, v58;
	v60 =	vor.u32 $0x80000000, v59;
	v61 =	vshra.s32 v14, $0x1F  }
0xd2: {  	v62 =	vshra.s32 v16, $0x1F;
	[tilespmem:s18+$0x0] =	vst v15;
	v13 =	vxor.u32 v13, v60;
	v15 =	vor.u32 $0x80000000, v61  }
0xd3: {  	v63 =	vor.u32 $0x80000000, v62;
	[tilespmem:s18+$0x10] =	vst v13;
	v13 =	vxor.u32 v14, v15  }
0xd4: {  	v14 =	vxor.u32 v16, v63;
	[tilespmem:s18+$0x20] =	vst v13  }
0xd5: {  	s19 =	simm.s32 $0x0;
	[tilespmem:s18+$0xFFFFFFC0] =	vst v14  }
.LBB2_29:
0xd6: {  	s18 =	sshra.s32 s19, $0x2  }
0xd7: {  	v13 =	vld [tilespmem:s18+$0x10600];
	_ =	sdelay $0x2  }
0xd8: {  	p0 =	sne.s32 s19, $0x40  }
.Ltmp11:
0xd9: {  	_ = 	snop;
	(pc) =	sbr.rel @p0 .LBB2_29-.Ltmp11, $4  }
0xda: {  	v14 =	vshra.s32 v13, $0x1F  }
0xdb: {  	v14 =	vor.u32 $0x80000000, v14  }
0xdc: {  	v13 =	vxor.u32 v13, v14  }
0xdd: {  	s19 =	sadd.s32 $0x40, s19;
	[tilespmem:s18+$0x10C80] =	vst v13  }
0xde: {  	v11 =	vxor.u32 $0x80000000, v11  }
0xdf: {  	(xrf0) =	vmax.scan.msk.u32 $0xffff, v11;
	v11 =	vxor.u32 $0x80000000, v12  }
0xe0: {  	(xrf0) =	vmax.scan.msk.u32 $0xffff, v11;
	_ =	sdelay $0x4  }
0xe1: {  	v11, _, _ =	vpop (xrf0)  }
0xe2: {  	(v2sf) =	vpush v11, $0xF;
	v11, _, _ =	vpop (xrf0)  }
0xe3: {  	(v2sf) =	vpush v11, $0xF;
	_ =	sdelay $0xd  }
0xe4: {  	s18 =	spop (v2sf)  }
0xe5: {  	s19 =	spop (v2sf)  }
0xe6: {  	s20 =	sxor.u32 $0x80000000, s18;
	s18 =	sxor.u32 $0x80000000, s19  }
0xe7: {  	p0 =	sgt.s32 s20, s18  }
0xe8: {  	s18 =	smov.u32 @p0 s20  }
0xe9: {  	p0 =	sgt.s32 s18, $0x30  }
.Ltmp12:
0xea: {  	_ = 	snop;
	(pc) =	sbr.rel @p0 .LBB2_31-.Ltmp12, $4  }
0xeb: {  	_ = 	snop  }
0xec: {  	v11 =	vshra.s32 v10, $0x1F  }
0xed: {  	v11 =	vor.u32 $0x80000000, v11  }
0xee: {  	v10 =	vxor.u32 v10, v11;
	v11 =	vimm.s32 $0xFF7FFFFF;
	s19 =	simm.s32 $0x0  }
.Ltmp13:
0xef: {  	s19 =	sshra.s32 s18, $0x1F;
	(pc) =	sbr.rel .LBB2_36-.Ltmp13, $4  }
0xf0: {  	s19 =	sshrl.u32 s19, $0x1E  }
0xf1: {  	s19 =	sadd.s32 s19, s18  }
0xf2: {  	s21 =	simm.s32 $0x0;
	s19 =	sand.u32 $0xFFFFFFFC, s19  }
0xf3: {  	v11 =	vimm.s32 $0xFF7FFFFF;
	s20 =	ssub.s32 s19, s18;
	p0 =	slt.s32 s19, $0x1;
	p1 =	sge.s32 s19, s18  }
.LBB2_40:
0xf4: {  	s21 =	sadd.s32 $0x1, s21  }
0xf5: {  	p2 =	seq.s32 s21, $0x20  }
.Ltmp14:
0xf6: {  	v14 =	vperm.xlane v13, v8;
	(pc) =	sbr.rel @p2 .LBB2_41-.Ltmp14, $4  }
0xf7: {  	_ = 	snop  }
0xf8: {  	v13 =	vadd.s32 v13, v14  }
0xf9: {  	v63 =	vadd.s32 $0xFFFFFFFF, v12;
	vm0 =	vgt.s32 v13, $0x1F  }
0xfa: {  	v10 =	vsel vm0, v12, v10;
	v11 =	vsel vm0, v11, v63  }
.LBB2_36:
.Ltmp15:
0xfb: {  	(pc) =	sbr.rel @p0 .LBB2_37-.Ltmp15, $4  }
0xfc: {  	v12 =	vsub.s32 v11, v10  }
0xfd: {  	v12 =	vadd.s32 $0x1, v12  }
0xfe: {  	v12 =	vshrl.u32 v12, $0x1  }
0xff: {  	v12 =	vadd.s32 v10, v12  }
0x100: {  	s22 =	simm.s32 $0x0  }
0x101: {  	v14 =	vadd.s32 s22, v3  }
0x102: {  	s30 =	simm.s32 $0x1;
	v15 =	vadd.s32 s22, v7  }
0x103: {  	v17 =	vadd.s32 s30, v3  }
0x104: {  	p3 =	sgt.s32 s19, $0x4;
	v18 =	vadd.s32 s30, v7  }
.Ltmp16:
0x105: {  	_ = 	snop;
	(pc) =	sbr.rel @!p3 .LBB2_45-.Ltmp16, $4  }
0x106: {  	v19 =	vld.idx.msk [tilespmem:v14+s12+$0x0], $0xffff  }
0x107: {  	s31 =	simm.s32 $0x2;
	v16 =	vld.idx.msk [tilespmem:v15+s12+$0x0], $0xffff  }
0x108: {  	v13 =	vimm.s32 $0x0;
	s23 =	simm.s32 $0x3;
	v23 =	vadd.s32 s31, v7;
	v14 =	vld.idx.msk [tilespmem:v17+s12+$0x0], $0xffff  }
0x109: {  	p2 =	por $0x0, $0x0;
	v24 =	vadd.s32 s23, v3;
	v22 =	vadd.s32 s23, v7;
	v21 =	vadd.s32 s31, v3;
	s22 =	simm.s32 $0x4;
	v20 =	vld.idx.msk [tilespmem:v18+s12+$0x0], $0xffff  }
0x10a: {  	_ =	sdelay $0x3  }
0x10b: {  	v21 =	vld.idx.msk [tilespmem:v21+s12+$0x0], $0xffff  }
0x10c: {  	v25 =	vadd.s32 s22, v3;
	v26 =	vadd.s32 s22, v7;
	s31 =	simm.s32 $0x5;
	v23 =	vld.idx.msk [tilespmem:v23+s12+$0x0], $0xffff;
	vm0 =	vge.u32 v19, v12  }
0x10d: {  	v28 =	vadd.s32 s31, v3;
	v19 =	vsel vm0, $0x1, v0;
	vm9 =	vge.u32 v16, v12  }
0x10e: {  	v16 =	vadd.s32 v19, v13;
	v19 =	vsel vm9, $0x1, v0;
	vm10 =	vge.u32 v14, v12  }
0x10f: {  	v14 =	vadd.s32 v19, v16;
	v16 =	vsel vm10, $0x1, v0;
	vm11 =	vge.u32 v20, v12  }
0x110: {  	v24 =	vld.idx.msk [tilespmem:v24+s12+$0x0], $0xffff;
	v14 =	vadd.s32 v16, v14;
	v16 =	vsel vm11, $0x1, v0;
	vm12 =	vge.u32 v21, v12  }
0x111: {  	v22 =	vld.idx.msk [tilespmem:v22+s12+$0x0], $0xffff;
	vm13 =	vge.u32 v23, v12;
	v14 =	vadd.s32 v16, v14;
	v20 =	vsel vm12, $0x1, v0  }
0x112: {  	s23 =	simm.s32 $0x6;
	p3 =	sgt.s32 s19, $0x8;
	v27 =	vadd.s32 s31, v7;
	v21 =	vsel vm13, $0x1, v0;
	v20 =	vadd.s32 v20, v14  }
.Ltmp17:
0x113: {  	v23 =	vadd.s32 v21, v20;
	v21 =	vadd.s32 s23, v3;
	(pc) =	sbr.rel @!p3 .LBB2_47-.Ltmp17, $4  }
0x114: {  	s24 =	simm.s32 $0x7;
	v18 =	vadd.s32 s23, v7;
	v19 =	vld.idx.msk [tilespmem:v25+s12+$0x0], $0xffff  }
0x115: {  	v17 =	vadd.s32 s24, v3;
	vm14 =	vge.u32 v24, v12;
	v16 =	vld.idx.msk [tilespmem:v26+s12+$0x0], $0xffff  }
0x116: {  	v15 =	vadd.s32 s24, v7;
	vm15 =	vge.u32 v22, v12;
	v24 =	vsel vm14, $0x1, v0;
	v14 =	vld.idx.msk [tilespmem:v28+s12+$0x0], $0xffff  }
0x117: {  	s22 =	simm.s32 $0x8;
	p2 =	por $0x1, $0x1;
	v26 =	vsel vm15, $0x1, v0;
	v20 =	vld.idx.msk [tilespmem:v27+s12+$0x0], $0xffff;
	v25 =	vadd.s32 v24, v23  }
.LBB2_48:
0x118: {  	v22 =	vadd.s32 s22, v3;
	v23 =	vadd.s32 s22, v7;
	s23 =	sadd.s32 $0x2, s22;
	s24 =	sadd.s32 $0x3, s22;
	v24 =	vld.idx.msk [tilespmem:v21+s12+$0x0], $0xffff;
	v25 =	vadd.s32 v26, v25  }
0x119: {  	s25 =	sadd.s32 $0x1, s22;
	v26 =	vadd.s32 s24, v3;
	v27 =	vadd.s32 s24, v7;
	v28 =	vld.idx.msk [tilespmem:v18+s12+$0x0], $0xffff;
	v18 =	vadd.s32 s23, v7  }
0x11a: {  	s22 =	sadd.s32 $0x4, s22;
	v29 =	vadd.s32 s25, v7;
	v21 =	vadd.s32 s23, v3;
	vm0 =	vge.u32 v19, v12;
	v30 =	vld.idx.msk [tilespmem:v17+s12+$0x0], $0xffff;
	v17 =	vmovc v26  }
0x11b: {  	p3 =	slt.s32 s22, s19;
	v26 =	vadd.s32 s25, v3;
	v19 =	vsel vm0, $0x1, v0;
	vm0 =	vge.u32 v16, v12;
	v31 =	vld.idx.msk [tilespmem:v15+s12+$0x0], $0xffff;
	v15 =	vmovc v27  }
0x11c: {  	v16 =	vadd.s32 v19, v25;
	v19 =	vsel vm0, $0x1, v0;
	vm0 =	vge.u32 v14, v12  }
0x11d: {  	v14 =	vadd.s32 v19, v16;
	v16 =	vsel vm0, $0x1, v0;
	vm0 =	vge.u32 v20, v12  }
.Ltmp18:
0x11e: {  	v14 =	vadd.s32 v16, v14;
	v16 =	vsel vm0, $0x1, v0;
	vm0 =	vge.u32 v24, v12;
	(pc) =	sbr.rel @p3 .LBB2_48-.Ltmp18, $4  }
0x11f: {  	v14 =	vadd.s32 v16, v14;
	v20 =	vsel vm0, $0x1, v0;
	vm0 =	vge.u32 v28, v12;
	v19 =	vld.idx.msk [tilespmem:v22+s12+$0x0], $0xffff  }
0x120: {  	v20 =	vadd.s32 v20, v14;
	v22 =	vsel vm0, $0x1, v0;
	vm0 =	vge.u32 v30, v12;
	v16 =	vld.idx.msk [tilespmem:v23+s12+$0x0], $0xffff  }
0x121: {  	v22 =	vadd.s32 v22, v20;
	v23 =	vsel vm0, $0x1, v0;
	vm0 =	vge.u32 v31, v12;
	v14 =	vld.idx.msk [tilespmem:v26+s12+$0x0], $0xffff  }
0x122: {  	v25 =	vadd.s32 v23, v22;
	v26 =	vsel vm0, $0x1, v0;
	v20 =	vld.idx.msk [tilespmem:v29+s12+$0x0], $0xffff  }
0x123: {  	v23 =	vmov v18;
	v24 =	vmov v17;
	v22 =	vmov v15  }
.LBB2_50:
0x124: {  	_ =	sdelay $0x3  }
0x125: {  	v15 =	vld.idx.msk [tilespmem:v21+s12+$0x0], $0xffff  }
0x126: {  	v17 =	vadd.s32 @p2 v26, v25;
	v18 =	vld.idx.msk [tilespmem:v23+s12+$0x0], $0xffff;
	vm0 =	vge.u32 v19, v12  }
0x127: {  	v60 =	vld.idx.msk [tilespmem:v24+s12+$0x0], $0xffff;
	v61 =	vsel vm0, $0x1, v0;
	vm9 =	vge.u32 v16, v12;
	v13 =	vpsel p2, v17, v13  }
0x128: {  	v62 =	vld.idx.msk [tilespmem:v22+s12+$0x0], $0xffff;
	v13 =	vadd.s32 v61, v13;
	v63 =	vsel vm9, $0x1, v0;
	vm10 =	vge.u32 v14, v12  }
0x129: {  	v13 =	vadd.s32 v63, v13;
	v14 =	vsel vm10, $0x1, v0;
	vm11 =	vge.u32 v20, v12  }
0x12a: {  	v13 =	vadd.s32 v14, v13;
	v14 =	vsel vm11, $0x1, v0;
	vm12 =	vge.u32 v15, v12  }
.Ltmp19:
0x12b: {  	v13 =	vadd.s32 v14, v13;
	vm13 =	vge.u32 v18, v12;
	v14 =	vsel vm12, $0x1, v0;
	(pc) =	sbr.rel .LBB2_38-.Ltmp19, $4  }
0x12c: {  	vm14 =	vge.u32 v60, v12;
	v13 =	vadd.s32 v14, v13;
	v14 =	vsel vm13, $0x1, v0  }
0x12d: {  	vm15 =	vge.u32 v62, v12;
	v13 =	vadd.s32 v14, v13;
	v14 =	vsel vm14, $0x1, v0  }
0x12e: {  	v13 =	vadd.s32 v14, v13;
	v14 =	vsel vm15, $0x1, v0  }
0x12f: {  	v13 =	vadd.s32 v14, v13  }
.LBB2_37:
0x130: {  	v13 =	vimm.s32 $0x0  }
.LBB2_38:
.Ltmp20:
0x131: {  	(pc) =	sbr.rel @p1 .LBB2_40-.Ltmp20, $2  }
0x132: {  	_ =	sdelay $0x2  }
0x133: {  	s22 =	smov.u32 s20  }
.LBB2_39:
0x134: {  	s23 =	sadd.s32 s22, s18  }
0x135: {  	v14 =	vadd.s32 s23, v3  }
0x136: {  	v15 =	vadd.s32 s23, v7;
	_ =	sdelay $0x3  }
0x137: {  	v14 =	vld.idx.msk [tilespmem:v14+s12+$0x0], $0xffff  }
0x138: {  	v15 =	vld.idx.msk [tilespmem:v15+s12+$0x0], $0xffff  }
0x139: {  	s22 =	sadd.s32 $0x1, s22  }
0x13a: {  	p2 =	seq.s32 s22, $0x0  }
.Ltmp21:
0x13b: {  	_ = 	snop;
	(pc) =	sbr.rel @!p2 .LBB2_39-.Ltmp21, $4  }
0x13c: {  	vm0 =	vge.u32 v14, v12  }
0x13d: {  	vm15 =	vge.u32 v15, v12;
	v14 =	vsel vm0, $0x1, v0  }
0x13e: {  	v13 =	vadd.s32 v14, v13;
	v14 =	vsel vm15, $0x1, v0  }
0x13f: {  	v13 =	vadd.s32 v14, v13  }
.Ltmp22:
0x140: {  	_ = 	snop;
	(pc) =	sbr.rel .LBB2_40-.Ltmp22, $1  }
0x141: {  	_ =	sdelay $0x3  }
.LBB2_45:
.Ltmp23:
0x142: {  	(pc) =	sbr.rel .LBB2_50-.Ltmp23, $2  }
0x143: {  	_ =	sdelay $0x2  }
0x144: {  	_ = 	snop  }
.LBB2_47:
.Ltmp24:
0x145: {  	(pc) =	sbr.rel .LBB2_50-.Ltmp24, $2  }
0x146: {  	_ =	sdelay $0x2  }
0x147: {  	v23 =	vmov v18;
	v24 =	vmov v17;
	v22 =	vmov v15  }
.LBB2_4:
0x148: {  	[tilespmem:s2], [sflag:$0x1] =	stream.linear.gather [hbm4b:s18+s2], $0x8000, $0x38;
	[tilespmem:$0x10E00] =	vst v63  }
.LBB2_5:
0x149: {  	s18 =	sshll.u32 s17, $0x3  }
0x14a: {  	v10 =	vor.u32 s18, v2;
	_ =	sdelay $0x1  }
0x14b: {  	_ =	swait.ge [sflag:s9], $0x8000  }
0x14c: {  	[sflag:s9] =	ssyncset.done $0x0  }
0x14d: {  	s18 =	simm.s32 $0x10040;
	[sflag:s9] =	ssyncadd.s32 $0xFFFF8000  }
0x14e: {  	v10 =	vld.idx.msk [tilespmem:v10+s7+$0x0], $0xffff;
	[tilespmem:s18+$0xFFFFFFC0] =	vst v4  }
0x14f: {  	[tilespmem:s18+$0x30] =	vst v4  }
0x150: {  	[tilespmem:s18+$0x20] =	vst v4  }
0x151: {  	[tilespmem:s18+$0x10] =	vst v4  }
0x152: {  	[tilespmem:s18+$0x0] =	vst v4  }
0x153: {  	[tilespmem:s18+$0xFFFFFFF0] =	vst v4  }
0x154: {  	s19 =	simm.s32 $0x0;
	[tilespmem:s18+$0xFFFFFFE0] =	vst v4  }
.LBB2_6:
0x155: {  	s19 =	sadd.s32 $0x8, s19;
	[tilespmem:s18+$0xFFFFFFD0] =	vst v4;
	s18 =	sadd.s32 $0x80, s18  }
0x156: {  	[tilespmem:s18+$0xFFFFFFC0] =	vst v4;
	p0 =	slt.u32 s19, $0x58  }
0x157: {  	[tilespmem:s18+$0x30] =	vst v4  }
.Ltmp25:
0x158: {  	[tilespmem:s18+$0x20] =	vst v4;
	(pc) =	sbr.rel @p0 .LBB2_6-.Ltmp25, $4  }
0x159: {  	[tilespmem:s18+$0x10] =	vst v4  }
0x15a: {  	[tilespmem:s18+$0x0] =	vst v4  }
0x15b: {  	[tilespmem:s18+$0xFFFFFFF0] =	vst v4  }
0x15c: {  	[tilespmem:s18+$0xFFFFFFE0] =	vst v4  }
0x15d: {  	[tilespmem:s18+$0xFFFFFFD0] =	vst v4;
	s18 =	simm.s32 $0x0;
	s19 =	simm.s32 $0x0  }
.LBB2_8:
0x15e: {  	p0 =	sne.s32 s19, $0x40  }
.Ltmp26:
0x15f: {  	_ = 	snop;
	(pc) =	sbr.rel @p0 .LBB2_8-.Ltmp26, $3  }
0x160: {  	_ =	sdelay $0x1  }
0x161: {  	s20 =	sshra.s32 s19, $0x2  }
0x162: {  	s19 =	sadd.s32 $0x40, s19;
	[tilespmem:s20+$0x10600] =	vst v4  }
0x163: {  	v15 =	vimm.s32 $0x0;
	s19 =	simm.s32 $0x2;
	s20 =	simm.s32 $0x4;
	s21 =	simm.s32 $0x6;
	v22 =	vadd.s32 s18, v1  }
0x164: {  	s22 =	simm.s32 $0x7;
	s28 =	simm.s32 $0xB;
	v11 =	vadd.s32 s19, v1;
	v12 =	vadd.s32 s20, v1;
	v13 =	vadd.s32 s21, v1  }
0x165: {  	s29 =	simm.s32 $0xD;
	vm0 =	vlt.s32 v15, $0x2F;
	v23 =	vadd.s32 s22, v1;
	v61 =	vadd.s32 s28, v1  }
0x166: {  	v32 =	vadd.s32 s29, v1;
	v14 =	vand.u32 $0x780, v11;
	v11 =	vand.u32 $0x7F, v11  }
0x167: {  	v16 =	vand.u32 $0x780, v12;
	v12 =	vand.u32 $0x7F, v12;
	v14 =	vshll.u32 v14, $0x3  }
0x168: {  	s20 =	simm.s32 $0x3;
	v17 =	vand.u32 $0x780, v13;
	v13 =	vand.u32 $0x7F, v13;
	v14 =	vor.u32 v5, v14  }
0x169: {  	s21 =	simm.s32 $0x5;
	v18 =	vadd.s32 s20, v1;
	v11 =	vor.u32 v11, v14;
	v14 =	vshll.u32 v17, $0x3  }
0x16a: {  	s31 =	simm.s32 $0x1;
	v19 =	vadd.s32 s21, v1;
	v24 =	vand.u32 $0x780, v23;
	v14 =	vor.u32 v5, v14  }
0x16b: {  	v31 =	vand.u32 $0x780, v61;
	v13 =	vor.u32 v13, v14;
	v14 =	vadd.s32 s31, v1  }
0x16c: {  	v16 =	vshll.u32 v16, $0x3;
	v20 =	vand.u32 $0x780, v18;
	v17 =	vand.u32 $0x780, v14  }
0x16d: {  	v16 =	vor.u32 v5, v16;
	v11 =	vor.u32 v6, v11;
	v17 =	vshll.u32 v17, $0x3  }
0x16e: {  	v12 =	vor.u32 v12, v16;
	v14 =	vand.u32 $0x7F, v14;
	v17 =	vor.u32 v5, v17  }
0x16f: {  	v12 =	vor.u32 v6, v12;
	v14 =	vor.u32 v14, v17;
	v17 =	vand.u32 $0x780, v22  }
0x170: {  	v21 =	vand.u32 $0x780, v19;
	v18 =	vand.u32 $0x7F, v18;
	v17 =	vshll.u32 v17, $0x3  }
0x171: {  	v20 =	vshll.u32 v20, $0x3;
	v22 =	vand.u32 $0x7F, v22;
	v17 =	vor.u32 v5, v17  }
0x172: {  	v21 =	vshll.u32 v21, $0x3;
	v20 =	vor.u32 v5, v20;
	v25 =	vld.idx.msk [tilespmem:v11+s10+$0x0], $0xffff;
	v11 =	vor.u32 v22, v17  }
0x173: {  	v16 =	vnsel vm0, $0x2F, v15;
	v18 =	vor.u32 v18, v20;
	v11 =	vor.u32 v6, v11  }
0x174: {  	v21 =	vor.u32 v5, v21;
	v18 =	vor.u32 v6, v18;
	v13 =	vor.u32 v6, v13;
	v26 =	vld.idx.msk [tilespmem:v12+s10+$0x0], $0xffff  }
0x175: {  	v14 =	vor.u32 v6, v14;
	v17 =	vand.u32 $0x7F, v19;
	v19 =	vshll.u32 v24, $0x3  }
0x176: {  	s24 =	simm.s32 $0xC;
	v22 =	vand.u32 $0x7F, v23;
	v19 =	vor.u32 v5, v19;
	v17 =	vor.u32 v17, v21  }
0x177: {  	s23 =	simm.s32 $0xA;
	s25 =	simm.s32 $0xE;
	v21 =	vadd.s32 s24, v1;
	v19 =	vor.u32 v22, v19;
	v20 =	vor.u32 v6, v17  }
0x178: {  	vm1 =	vge.f32 v25, v10;
	v17 =	vadd.s32 s23, v1;
	v22 =	vadd.s32 s25, v1;
	v23 =	vld.idx.msk [tilespmem:v11+s10+$0x0], $0xffff  }
0x179: {  	v24 =	vld.idx.msk [tilespmem:v13+s10+$0x0], $0xffff;
	vm2 =	vge.f32 v26, v10;
	v19 =	vor.u32 v6, v19;
	v13 =	vand.u32 $0x7F, v17  }
0x17a: {  	v28 =	vsel vm1, $0x1, v0;
	v11 =	vand.u32 $0x780, v17;
	v17 =	vand.u32 $0x780, v21  }
0x17b: {  	v29 =	vsel vm2, $0x1, v0;
	v11 =	vshll.u32 v11, $0x3;
	v17 =	vshll.u32 v17, $0x3  }
0x17c: {  	v21 =	vand.u32 $0x7F, v21;
	v11 =	vor.u32 v5, v11;
	v12 =	vor.u32 v5, v17  }
0x17d: {  	v11 =	vor.u32 v13, v11;
	v12 =	vor.u32 v21, v12;
	vm3 =	vge.f32 v23, v10  }
0x17e: {  	v27 =	vor.u32 v6, v11;
	v11 =	vor.u32 v6, v12;
	v12 =	vsel vm3, $0x1, v0  }
0x17f: {  	v17 =	vand.u32 $0x780, v22;
	v21 =	vadd.s32 v3, v16;
	v12 =	vadd.s32 v12, v15  }
0x180: {  	vm0 =	vge.f32 v24, v10;
	v13 =	vshll.u32 v17, $0x3;
	vm4 =	vlt.s32 v12, $0x2F  }
0x181: {  	v17 =	vand.u32 $0x7F, v22;
	v28 =	vadd.s32 v28, v12;
	v12 =	vnsel vm4, $0x2F, v12  }
0x182: {  	v22 =	vsel vm0, $0x1, v0;
	vm12 =	vlt.s32 v28, $0x2F;
	v30 =	vadd.s32 v3, v12  }
0x183: {  	s26 =	simm.s32 $0x9;
	v13 =	vor.u32 v5, v13;
	v29 =	vadd.s32 v29, v28;
	v28 =	vnsel vm12, $0x2F, v28  }
0x184: {  	v12 =	vadd.s32 v22, v29;
	v22 =	vadd.s32 v3, v28;
	[tilespmem:v21+s11+$0x0] =	vst.idx.msk vm3, v23;
	v21 =	vadd.s32 s26, v1  }
0x185: {  	v16 =	vadd.s32 v7, v16;
	v17 =	vor.u32 v17, v13;
	v60 =	vld.idx.msk [tilespmem:v14+s10+$0x0], $0xffff;
	v14 =	vand.u32 $0x780, v21  }
0x186: {  	v17 =	vor.u32 v6, v17;
	vm13 =	vlt.s32 v29, $0x2F;
	v14 =	vshll.u32 v14, $0x3  }
0x187: {  	v59 =	vnsel vm13, $0x2F, v29;
	v21 =	vand.u32 $0x7F, v21;
	v14 =	vor.u32 v5, v14;
	[tilespmem:v30+s11+$0x0] =	vst.idx.msk vm1, v25  }
0x188: {  	v23 =	vadd.s32 v3, v59;
	v25 =	vshll.u32 v31, $0x3;
	v21 =	vor.u32 v21, v14;
	v30 =	vld.idx.msk [tilespmem:v18+s10+$0x0], $0xffff  }
0x189: {  	[tilespmem:v22+s11+$0x0] =	vst.idx.msk vm2, v26;
	v18 =	vand.u32 $0x7F, v61;
	v22 =	vor.u32 v5, v25;
	v25 =	vand.u32 $0x780, v32  }
0x18a: {  	s30 =	simm.s32 $0xF;
	v14 =	vld.idx.msk [tilespmem:v20+s10+$0x0], $0xffff;
	v22 =	vor.u32 v18, v22;
	vm1 =	vge.f32 v60, v10;
	v18 =	vshll.u32 v25, $0x3  }
0x18b: {  	v20 =	vand.u32 $0x7F, v32;
	v25 =	vadd.s32 s30, v1;
	v18 =	vor.u32 v5, v18  }
0x18c: {  	v26 =	vsel vm1, $0x1, v0;
	v20 =	vor.u32 v20, v18;
	v18 =	vand.u32 $0x780, v25  }
0x18d: {  	s31 =	simm.s32 $0x8;
	[tilespmem:v23+s11+$0x0] =	vst.idx.msk vm0, v24;
	v25 =	vand.u32 $0x7F, v25;
	v15 =	vadd.s32 v26, v15;
	vm3 =	vge.f32 v30, v10  }
0x18e: {  	v62 =	vshll.u32 v18, $0x3;
	v18 =	vld.idx.msk [tilespmem:v19+s10+$0x0], $0xffff;
	v19 =	vadd.s32 s31, v1;
	v23 =	vsel vm3, $0x1, v0  }
0x18f: {  	vm2 =	vlt.s32 v15, $0x2F;
	vm0 =	vge.f32 v14, v10;
	v26 =	vadd.s32 v23, v15  }
0x190: {  	v23 =	vand.u32 $0x780, v19;
	v19 =	vand.u32 $0x7F, v19;
	v15 =	vnsel vm2, $0x2F, v15  }
0x191: {  	v23 =	vshll.u32 v23, $0x3;
	v63 =	vadd.s32 v7, v15;
	vm2 =	vlt.s32 v26, $0x2F  }
0x192: {  	v15 =	vor.u32 v5, v23;
	v23 =	vor.u32 v5, v62;
	v24 =	vnsel vm2, $0x2F, v26  }
0x193: {  	v15 =	vor.u32 v19, v15;
	v19 =	vor.u32 v25, v23;
	v23 =	vadd.s32 v7, v24  }
0x194: {  	v24 =	vor.u32 v6, v15;
	v15 =	vor.u32 v6, v19;
	v19 =	vor.u32 v6, v20;
	v20 =	vld.idx.msk [tilespmem:v27+s10+$0x0], $0xffff  }
0x195: {  	vm2 =	vge.f32 v18, v10;
	v25 =	vsel vm0, $0x1, v0  }
0x196: {  	vm14 =	vlt.s32 v12, $0x2F;
	v25 =	vadd.s32 v25, v26;
	v26 =	vsel vm2, $0x1, v0  }
0x197: {  	v13 =	vnsel vm14, $0x2F, v12;
	[tilespmem:v16+s11+$0x0] =	vst.idx.msk vm1, v60;
	vm15 =	vlt.s32 v25, $0x2F;
	v16 =	vadd.s32 v26, v25  }
0x198: {  	s18 =	simm.s32 $0x4;
	s19 =	simm.s32 $0x10;
	v22 =	vor.u32 v6, v22;
	[tilespmem:v63+s11+$0x0] =	vst.idx.msk vm3, v30;
	vm1 =	vlt.s32 v16, $0x2F;
	v25 =	vnsel vm15, $0x2F, v25  }
.LBB2_10:
0x199: {  	s20 =	sadd.s32 $0x2, s19;
	s21 =	sadd.s32 $0x4, s19;
	s22 =	sadd.s32 $0x6, s19;
	v21 =	vor.u32 v6, v21;
	vm3 =	vge.f32 v20, v10;
	v26 =	vld.idx.msk [tilespmem:v17+s10+$0x0], $0xffff;
	v17 =	vadd.s32 v7, v25  }
0x19a: {  	s18 =	sadd.s32 $0x4, s18;
	v25 =	vadd.s32 s20, v1;
	v27 =	vadd.s32 s21, v1;
	v28 =	vadd.s32 s22, v1;
	v24 =	vld.idx.msk [tilespmem:v24+s10+$0x0], $0xffff  }
0x19b: {  	p0 =	slt.u32 s18, $0x3FC;
	v29 =	vand.u32 $0x780, v25;
	v25 =	vand.u32 $0x7F, v25;
	v30 =	vand.u32 $0x780, v27  }
0x19c: {  	v27 =	vand.u32 $0x7F, v27;
	v29 =	vshll.u32 v29, $0x3;
	v30 =	vshll.u32 v30, $0x3;
	v31 =	vld.idx.msk [tilespmem:v11+s10+$0x0], $0xffff  }
0x19d: {  	v11 =	vor.u32 v5, v29;
	v29 =	vor.u32 v5, v30;
	v30 =	vand.u32 $0x780, v28;
	[tilespmem:v23+s11+$0x0] =	vst.idx.msk vm0, v14  }
0x19e: {  	v11 =	vor.u32 v25, v11;
	v14 =	vor.u32 v27, v29;
	v23 =	vshll.u32 v30, $0x3;
	[tilespmem:v17+s11+$0x0] =	vst.idx.msk vm2, v18  }
0x19f: {  	v25 =	vor.u32 v6, v11;
	v11 =	vor.u32 v6, v14;
	v14 =	vor.u32 v5, v23  }
0x1a0: {  	v17 =	vand.u32 $0x7F, v28;
	vm0 =	vge.f32 v26, v10;
	vm4 =	vge.f32 v24, v10  }
0x1a1: {  	v13 =	vadd.s32 v3, v13;
	v23 =	vsel vm0, $0x1, v0;
	v18 =	vsel vm4, $0x1, v0  }
0x1a2: {  	v12 =	vadd.s32 v18, v12;
	v18 =	vsel vm3, $0x1, v0;
	vm2 =	vge.f32 v31, v10  }
0x1a3: {  	vm5 =	vlt.s32 v12, $0x2F;
	v18 =	vadd.s32 v18, v12;
	v27 =	vsel vm2, $0x1, v0  }
0x1a4: {  	v12 =	vnsel vm5, $0x2F, v12;
	vm5 =	vlt.s32 v18, $0x2F;
	v27 =	vadd.s32 v27, v18  }
0x1a5: {  	v28 =	vadd.s32 v3, v12;
	v12 =	vnsel vm5, $0x2F, v18;
	vm5 =	vlt.s32 v27, $0x2F  }
0x1a6: {  	v18 =	vadd.s32 v3, v12;
	v12 =	vadd.s32 v23, v27;
	[tilespmem:v13+s11+$0x0] =	vst.idx.msk vm4, v24;
	v13 =	vnsel vm5, $0x2F, v27  }
0x1a7: {  	s20 =	sadd.s32 $0x1, s19;
	v14 =	vor.u32 v17, v14;
	vm4 =	vlt.s32 v12, $0x2F;
	v23 =	vld.idx.msk [tilespmem:v21+s10+$0x0], $0xffff;
	v24 =	vadd.s32 v3, v13  }
0x1a8: {  	s21 =	sadd.s32 $0x5, s19;
	v17 =	vor.u32 v6, v14;
	v13 =	vnsel vm4, $0x2F, v12;
	v21 =	vadd.s32 s20, v1;
	s20 =	sadd.s32 $0x3, s19  }
0x1a9: {  	v29 =	vadd.s32 s21, v1;
	v14 =	vand.u32 $0x780, v21;
	v27 =	vadd.s32 s20, v1  }
0x1aa: {  	v32 =	vand.u32 $0x780, v29;
	v14 =	vshll.u32 v14, $0x3;
	v30 =	vand.u32 $0x780, v27;
	[tilespmem:v28+s11+$0x0] =	vst.idx.msk vm3, v20  }
0x1ab: {  	v20 =	vand.u32 $0x7F, v21;
	v14 =	vor.u32 v5, v14;
	v28 =	vshll.u32 v30, $0x3;
	v22 =	vld.idx.msk [tilespmem:v22+s10+$0x0], $0xffff;
	[tilespmem:v18+s11+$0x0] =	vst.idx.msk vm2, v31  }
0x1ac: {  	v21 =	vor.u32 v20, v14;
	v18 =	vand.u32 $0x7F, v27;
	v20 =	vor.u32 v5, v28;
	v14 =	vld.idx.msk [tilespmem:v19+s10+$0x0], $0xffff  }
0x1ad: {  	v27 =	vor.u32 v18, v20;
	vm2 =	vge.f32 v23, v10;
	v18 =	vnsel vm1, $0x2F, v16  }
0x1ae: {  	s20 =	sadd.s32 $0x7, s19;
	v19 =	vshll.u32 v32, $0x3;
	v20 =	vadd.s32 v7, v18;
	v18 =	vsel vm2, $0x1, v0  }
0x1af: {  	v28 =	vand.u32 $0x7F, v29;
	v29 =	vadd.s32 s20, v1;
	v19 =	vor.u32 v5, v19  }
0x1b0: {  	v19 =	vor.u32 v28, v19;
	v28 =	vand.u32 $0x780, v29  }
0x1b1: {  	v29 =	vand.u32 $0x7F, v29;
	v28 =	vshll.u32 v28, $0x3;
	vm1 =	vge.f32 v22, v10;
	[tilespmem:v24+s11+$0x0] =	vst.idx.msk vm0, v26  }
0x1b2: {  	v16 =	vadd.s32 v18, v16;
	v24 =	vsel vm1, $0x1, v0;
	vm0 =	vge.f32 v14, v10;
	v18 =	vld.idx.msk [tilespmem:v15+s10+$0x0], $0xffff  }
0x1b3: {  	v15 =	vadd.s32 s19, v1;
	v26 =	vadd.s32 v24, v16;
	[tilespmem:v20+s11+$0x0] =	vst.idx.msk vm2, v23;
	vm2 =	vlt.s32 v16, $0x2F  }
0x1b4: {  	v20 =	vand.u32 $0x780, v15;
	v15 =	vand.u32 $0x7F, v15;
	v16 =	vnsel vm2, $0x2F, v16  }
0x1b5: {  	v20 =	vshll.u32 v20, $0x3;
	vm2 =	vlt.s32 v26, $0x2F;
	v16 =	vadd.s32 v7, v16  }
0x1b6: {  	v24 =	vor.u32 v5, v28;
	v23 =	vor.u32 v5, v20;
	v20 =	vld.idx.msk [tilespmem:v25+s10+$0x0], $0xffff;
	v25 =	vnsel vm2, $0x2F, v26  }
.Ltmp27:
0x1b7: {  	v28 =	vor.u32 v29, v24;
	v15 =	vor.u32 v15, v23;
	v23 =	vadd.s32 v7, v25;
	(pc) =	sbr.rel @p0 .LBB2_10-.Ltmp27, $4  }
0x1b8: {  	v24 =	vor.u32 v6, v15;
	v25 =	vsel vm0, $0x1, v0;
	vm2 =	vge.f32 v18, v10  }
0x1b9: {  	v15 =	vor.u32 v6, v28;
	v25 =	vadd.s32 v25, v26;
	v26 =	vsel vm2, $0x1, v0  }
0x1ba: {  	v19 =	vor.u32 v6, v19;
	vm3 =	vlt.s32 v25, $0x2F;
	[tilespmem:v16+s11+$0x0] =	vst.idx.msk vm1, v22;
	v16 =	vadd.s32 v26, v25  }
0x1bb: {  	s19 =	sadd.s32 $0x8, s19;
	v22 =	vor.u32 v6, v27;
	v25 =	vnsel vm3, $0x2F, v25;
	vm1 =	vlt.s32 v16, $0x2F  }
0x1bc: {  	_ =	sdelay $0x3  }
0x1bd: {  	v24 =	vld.idx.msk [tilespmem:v24+s10+$0x0], $0xffff;
	_ =	sdelay $0x4  }
0x1be: {  	v11 =	vld.idx.msk [tilespmem:v11+s10+$0x0], $0xffff;
	vm3 =	vge.f32 v24, v10  }
0x1bf: {  	vm4 =	vge.f32 v20, v10;
	v26 =	vsel vm3, $0x1, v0  }
0x1c0: {  	v63 =	vsel vm4, $0x1, v0;
	v12 =	vadd.s32 v26, v12  }
0x1c1: {  	v21 =	vor.u32 v6, v21;
	vm5 =	vlt.s32 v12, $0x2F;
	v26 =	vadd.s32 v63, v12  }
0x1c2: {  	v17 =	vld.idx.msk [tilespmem:v17+s10+$0x0], $0xffff;
	v13 =	vadd.s32 v3, v13;
	v12 =	vnsel vm5, $0x2F, v12;
	vm15 =	vlt.s32 v26, $0x2F  }
0x1c3: {  	vm6 =	vge.f32 v11, v10;
	v12 =	vadd.s32 v3, v12;
	v27 =	vnsel vm15, $0x2F, v26  }
0x1c4: {  	v28 =	vsel vm6, $0x1, v0;
	v27 =	vadd.s32 v3, v27  }
0x1c5: {  	v26 =	vadd.s32 v28, v26  }
0x1c6: {  	vm8 =	vlt.s32 v26, $0x2F  }
0x1c7: {  	[tilespmem:v13+s11+$0x0] =	vst.idx.msk vm3, v24;
	vm3 =	vge.f32 v17, v10;
	v13 =	vnsel vm8, $0x2F, v26  }
0x1c8: {  	v13 =	vadd.s32 v3, v13;
	[tilespmem:v12+s11+$0x0] =	vst.idx.msk vm4, v20;
	v12 =	vld.idx.msk [tilespmem:v21+s10+$0x0], $0xffff  }
0x1c9: {  	v20 =	vld.idx.msk [tilespmem:v22+s10+$0x0], $0xffff;
	[tilespmem:v27+s11+$0x0] =	vst.idx.msk vm6, v11  }
0x1ca: {  	v11 =	vld.idx.msk [tilespmem:v19+s10+$0x0], $0xffff;
	_ =	sdelay $0x2  }
0x1cb: {  	v21 =	vnsel vm1, $0x2F, v16;
	v19 =	vadd.s32 v7, v25;
	[tilespmem:v13+s11+$0x0] =	vst.idx.msk vm3, v17;
	vm9 =	vge.f32 v12, v10  }
0x1cc: {  	v13 =	vadd.s32 v7, v21;
	v15 =	vld.idx.msk [tilespmem:v15+s10+$0x0], $0xffff;
	v17 =	vsel vm9, $0x1, v0;
	vm10 =	vge.f32 v20, v10  }
0x1cd: {  	v16 =	vadd.s32 v17, v16;
	v17 =	vsel vm10, $0x1, v0;
	vm11 =	vge.f32 v11, v10  }
0x1ce: {  	vm12 =	vlt.s32 v16, $0x2F;
	v17 =	vadd.s32 v17, v16;
	v21 =	vsel vm11, $0x1, v0  }
0x1cf: {  	v16 =	vnsel vm12, $0x2F, v16;
	vm13 =	vlt.s32 v17, $0x2F;
	v21 =	vadd.s32 v21, v17  }
0x1d0: {  	v16 =	vadd.s32 v7, v16;
	v17 =	vnsel vm13, $0x2F, v17;
	vm14 =	vlt.s32 v21, $0x2F  }
0x1d1: {  	vm15 =	vge.f32 v15, v10;
	v17 =	vadd.s32 v7, v17;
	v22 =	vnsel vm14, $0x2F, v21  }
0x1d2: {  	[tilespmem:v23+s11+$0x0] =	vst.idx.msk vm0, v14;
	v14 =	vadd.s32 v7, v22  }
0x1d3: {  	[tilespmem:v19+s11+$0x0] =	vst.idx.msk vm2, v18  }
0x1d4: {  	[tilespmem:v13+s11+$0x0] =	vst.idx.msk vm9, v12  }
0x1d5: {  	[tilespmem:v16+s11+$0x0] =	vst.idx.msk vm10, v20  }
0x1d6: {  	[tilespmem:v17+s11+$0x0] =	vst.idx.msk vm11, v11  }
0x1d7: {  	s20 =	simm.s32 $0x10040;
	[tilespmem:v14+s11+$0x0] =	vst.idx.msk vm15, v15  }
0x1d8: {  	v20 =	vld [tilespmem:s20+$0x30]  }
0x1d9: {  	v19 =	vld [tilespmem:s20+$0xFFFFFFD0]  }
0x1da: {  	p0 =	por $0x1, $0x1;
	v18 =	vld [tilespmem:s20+$0xFFFFFFE0]  }
.Ltmp28:
0x1db: {  	v17 =	vld [tilespmem:s20+$0xFFFFFFF0];
	(pc) =	sbr.rel @!p0 .LBB2_13-.Ltmp28, $4  }
0x1dc: {  	v12 =	vsel vm15, $0x1, v0;
	v15 =	vld [tilespmem:s20+$0x0]  }
0x1dd: {  	v12 =	vadd.s32 v12, v21;
	v11 =	vsel vm3, $0x1, v0;
	v13 =	vld [tilespmem:s20+$0x10];
	v16 =	vshra.s32 v20, $0x1F  }
0x1de: {  	v11 =	vadd.s32 v11, v26;
	v14 =	vld [tilespmem:s20+$0x20];
	v21 =	vshra.s32 v19, $0x1F;
	v23 =	vor.u32 $0x80000000, v16  }
0x1df: {  	s18 =	simm.s32 $0x106C0;
	s19 =	simm.s32 $0x0;
	v22 =	vshra.s32 v18, $0x1F;
	v16 =	vld [tilespmem:s20+$0xFFFFFFC0];
	v21 =	vor.u32 $0x80000000, v21;
	s20 =	simm.s32 $0x100C0;
	v20 =	vxor.u32 v20, v23  }
.LBB2_12:
0x1e0: {  	v23 =	vld [tilespmem:s20+$0x30];
	s19 =	sadd.s32 $0x8, s19;
	v21 =	vxor.u32 v19, v21;
	v22 =	vor.u32 $0x80000000, v22;
	v24 =	vshra.s32 v17, $0x1F;
	[tilespmem:s18+$0x30] =	vst v20  }
0x1e1: {  	v19 =	vld [tilespmem:s20+$0xFFFFFFD0];
	p0 =	slt.u32 s19, $0x58;
	[tilespmem:s18+$0xFFFFFFD0] =	vst v21;
	v20 =	vxor.u32 v18, v22;
	v21 =	vor.u32 $0x80000000, v24;
	v22 =	vshra.s32 v15, $0x1F  }
0x1e2: {  	v18 =	vld [tilespmem:s20+$0xFFFFFFE0];
	[tilespmem:s18+$0xFFFFFFE0] =	vst v20;
	v20 =	vxor.u32 v17, v21;
	v21 =	vor.u32 $0x80000000, v22;
	v22 =	vshra.s32 v13, $0x1F  }
.Ltmp29:
0x1e3: {  	v17 =	vld [tilespmem:s20+$0xFFFFFFF0];
	[tilespmem:s18+$0xFFFFFFF0] =	vst v20;
	v20 =	vxor.u32 v15, v21;
	v21 =	vor.u32 $0x80000000, v22;
	v22 =	vshra.s32 v14, $0x1F;
	(pc) =	sbr.rel @p0 .LBB2_12-.Ltmp29, $4  }
0x1e4: {  	v15 =	vld [tilespmem:s20+$0x0];
	v24 =	vshra.s32 v16, $0x1F;
	[tilespmem:s18+$0x0] =	vst v20;
	v20 =	vxor.u32 v13, v21;
	v21 =	vor.u32 $0x80000000, v22  }
0x1e5: {  	v13 =	vld [tilespmem:s20+$0x10];
	v22 =	vshra.s32 v23, $0x1F;
	v24 =	vor.u32 $0x80000000, v24;
	[tilespmem:s18+$0x10] =	vst v20;
	v20 =	vxor.u32 v14, v21  }
0x1e6: {  	v21 =	vshra.s32 v19, $0x1F;
	v14 =	vld [tilespmem:s20+$0x20];
	v25 =	vor.u32 $0x80000000, v22;
	v24 =	vxor.u32 v16, v24;
	[tilespmem:s18+$0x20] =	vst v20  }
0x1e7: {  	v16 =	vld [tilespmem:s20+$0xFFFFFFC0];
	v21 =	vor.u32 $0x80000000, v21;
	v22 =	vshra.s32 v18, $0x1F;
	v20 =	vxor.u32 v23, v25;
	s20 =	sadd.s32 $0x80, s20;
	[tilespmem:s18+$0xFFFFFFC0] =	vst v24;
	s18 =	sadd.s32 $0x80, s18  }
.LBB2_13:
0x1e8: {  	v19 =	vxor.u32 v19, v21;
	v53 =	vor.u32 $0x80000000, v22;
	v54 =	vshra.s32 v17, $0x1F;
	[tilespmem:s18+$0x30] =	vst v20  }
0x1e9: {  	[tilespmem:s18+$0xFFFFFFD0] =	vst v19;
	v18 =	vxor.u32 v18, v53;
	v55 =	vor.u32 $0x80000000, v54;
	v56 =	vshra.s32 v15, $0x1F  }
0x1ea: {  	[tilespmem:s18+$0xFFFFFFE0] =	vst v18;
	v57 =	vxor.u32 v17, v55;
	v58 =	vor.u32 $0x80000000, v56;
	v59 =	vshra.s32 v13, $0x1F  }
0x1eb: {  	[tilespmem:s18+$0xFFFFFFF0] =	vst v57;
	v15 =	vxor.u32 v15, v58;
	v60 =	vor.u32 $0x80000000, v59;
	v61 =	vshra.s32 v14, $0x1F  }
0x1ec: {  	v62 =	vshra.s32 v16, $0x1F;
	[tilespmem:s18+$0x0] =	vst v15;
	v13 =	vxor.u32 v13, v60;
	v15 =	vor.u32 $0x80000000, v61  }
0x1ed: {  	v63 =	vor.u32 $0x80000000, v62;
	[tilespmem:s18+$0x10] =	vst v13;
	v13 =	vxor.u32 v14, v15  }
0x1ee: {  	v14 =	vxor.u32 v16, v63;
	[tilespmem:s18+$0x20] =	vst v13  }
0x1ef: {  	s19 =	simm.s32 $0x0;
	[tilespmem:s18+$0xFFFFFFC0] =	vst v14  }
.LBB2_14:
0x1f0: {  	s18 =	sshra.s32 s19, $0x2  }
0x1f1: {  	v13 =	vld [tilespmem:s18+$0x10600];
	_ =	sdelay $0x2  }
0x1f2: {  	p0 =	sne.s32 s19, $0x40  }
.Ltmp30:
0x1f3: {  	_ = 	snop;
	(pc) =	sbr.rel @p0 .LBB2_14-.Ltmp30, $4  }
0x1f4: {  	v14 =	vshra.s32 v13, $0x1F  }
0x1f5: {  	v14 =	vor.u32 $0x80000000, v14  }
0x1f6: {  	v13 =	vxor.u32 v13, v14  }
0x1f7: {  	s19 =	sadd.s32 $0x40, s19;
	[tilespmem:s18+$0x10C80] =	vst v13  }
0x1f8: {  	v11 =	vxor.u32 $0x80000000, v11  }
0x1f9: {  	(xrf0) =	vmax.scan.msk.u32 $0xffff, v11;
	v11 =	vxor.u32 $0x80000000, v12  }
0x1fa: {  	(xrf0) =	vmax.scan.msk.u32 $0xffff, v11;
	_ =	sdelay $0x4  }
0x1fb: {  	v11, _, _ =	vpop (xrf0)  }
0x1fc: {  	(v2sf) =	vpush v11, $0xF;
	v11, _, _ =	vpop (xrf0)  }
0x1fd: {  	(v2sf) =	vpush v11, $0xF;
	_ =	sdelay $0xd  }
0x1fe: {  	s18 =	spop (v2sf)  }
0x1ff: {  	s19 =	spop (v2sf)  }
0x200: {  	s20 =	sxor.u32 $0x80000000, s18;
	s18 =	sxor.u32 $0x80000000, s19  }
0x201: {  	p0 =	sgt.s32 s20, s18  }
0x202: {  	s18 =	smov.u32 @p0 s20  }
0x203: {  	p0 =	sgt.s32 s18, $0x30  }
.Ltmp31:
0x204: {  	_ = 	snop;
	(pc) =	sbr.rel @p0 .LBB2_16-.Ltmp31, $4  }
0x205: {  	_ = 	snop  }
0x206: {  	v11 =	vshra.s32 v10, $0x1F  }
0x207: {  	v11 =	vor.u32 $0x80000000, v11  }
0x208: {  	v10 =	vxor.u32 v10, v11;
	v11 =	vimm.s32 $0xFF7FFFFF;
	s19 =	simm.s32 $0x0  }
.Ltmp32:
0x209: {  	s19 =	sshra.s32 s18, $0x1F;
	(pc) =	sbr.rel .LBB2_52-.Ltmp32, $4  }
0x20a: {  	s19 =	sshrl.u32 s19, $0x1E  }
0x20b: {  	s19 =	sadd.s32 s19, s18  }
0x20c: {  	s21 =	simm.s32 $0x0;
	s19 =	sand.u32 $0xFFFFFFFC, s19  }
0x20d: {  	v11 =	vimm.s32 $0xFF7FFFFF;
	s20 =	ssub.s32 s19, s18;
	p0 =	slt.s32 s19, $0x1;
	p1 =	sge.s32 s19, s18  }
.LBB2_56:
0x20e: {  	s21 =	sadd.s32 $0x1, s21  }
0x20f: {  	p2 =	seq.s32 s21, $0x20  }
.Ltmp33:
0x210: {  	v14 =	vperm.xlane v13, v8;
	(pc) =	sbr.rel @p2 .LBB2_41-.Ltmp33, $4  }
0x211: {  	_ = 	snop  }
0x212: {  	v13 =	vadd.s32 v13, v14  }
0x213: {  	v63 =	vadd.s32 $0xFFFFFFFF, v12;
	vm0 =	vgt.s32 v13, $0x1F  }
0x214: {  	v10 =	vsel vm0, v12, v10;
	v11 =	vsel vm0, v11, v63  }
.LBB2_52:
.Ltmp34:
0x215: {  	(pc) =	sbr.rel @p0 .LBB2_53-.Ltmp34, $4  }
0x216: {  	v12 =	vsub.s32 v11, v10  }
0x217: {  	v12 =	vadd.s32 $0x1, v12  }
0x218: {  	v12 =	vshrl.u32 v12, $0x1  }
0x219: {  	v12 =	vadd.s32 v10, v12  }
0x21a: {  	s22 =	simm.s32 $0x0  }
0x21b: {  	v14 =	vadd.s32 s22, v3  }
0x21c: {  	s30 =	simm.s32 $0x1;
	v15 =	vadd.s32 s22, v7  }
0x21d: {  	v17 =	vadd.s32 s30, v3  }
0x21e: {  	p3 =	sgt.s32 s19, $0x4;
	v18 =	vadd.s32 s30, v7  }
.Ltmp35:
0x21f: {  	_ = 	snop;
	(pc) =	sbr.rel @!p3 .LBB2_58-.Ltmp35, $4  }
0x220: {  	v19 =	vld.idx.msk [tilespmem:v14+s12+$0x0], $0xffff  }
0x221: {  	s31 =	simm.s32 $0x2;
	v16 =	vld.idx.msk [tilespmem:v15+s12+$0x0], $0xffff  }
0x222: {  	v13 =	vimm.s32 $0x0;
	s23 =	simm.s32 $0x3;
	v23 =	vadd.s32 s31, v7;
	v14 =	vld.idx.msk [tilespmem:v17+s12+$0x0], $0xffff  }
0x223: {  	p2 =	por $0x0, $0x0;
	v24 =	vadd.s32 s23, v3;
	v22 =	vadd.s32 s23, v7;
	v21 =	vadd.s32 s31, v3;
	s22 =	simm.s32 $0x4;
	v20 =	vld.idx.msk [tilespmem:v18+s12+$0x0], $0xffff  }
0x224: {  	_ =	sdelay $0x3  }
0x225: {  	v21 =	vld.idx.msk [tilespmem:v21+s12+$0x0], $0xffff  }
0x226: {  	v25 =	vadd.s32 s22, v3;
	v26 =	vadd.s32 s22, v7;
	s31 =	simm.s32 $0x5;
	v23 =	vld.idx.msk [tilespmem:v23+s12+$0x0], $0xffff;
	vm0 =	vge.u32 v19, v12  }
0x227: {  	v28 =	vadd.s32 s31, v3;
	v19 =	vsel vm0, $0x1, v0;
	vm9 =	vge.u32 v16, v12  }
0x228: {  	v16 =	vadd.s32 v19, v13;
	v19 =	vsel vm9, $0x1, v0;
	vm10 =	vge.u32 v14, v12  }
0x229: {  	v14 =	vadd.s32 v19, v16;
	v16 =	vsel vm10, $0x1, v0;
	vm11 =	vge.u32 v20, v12  }
0x22a: {  	v24 =	vld.idx.msk [tilespmem:v24+s12+$0x0], $0xffff;
	v14 =	vadd.s32 v16, v14;
	v16 =	vsel vm11, $0x1, v0;
	vm12 =	vge.u32 v21, v12  }
0x22b: {  	v22 =	vld.idx.msk [tilespmem:v22+s12+$0x0], $0xffff;
	vm13 =	vge.u32 v23, v12;
	v14 =	vadd.s32 v16, v14;
	v20 =	vsel vm12, $0x1, v0  }
0x22c: {  	s23 =	simm.s32 $0x6;
	p3 =	sgt.s32 s19, $0x8;
	v27 =	vadd.s32 s31, v7;
	v21 =	vsel vm13, $0x1, v0;
	v20 =	vadd.s32 v20, v14  }
.Ltmp36:
0x22d: {  	v23 =	vadd.s32 v21, v20;
	v21 =	vadd.s32 s23, v3;
	(pc) =	sbr.rel @!p3 .LBB2_60-.Ltmp36, $4  }
0x22e: {  	s24 =	simm.s32 $0x7;
	v18 =	vadd.s32 s23, v7;
	v19 =	vld.idx.msk [tilespmem:v25+s12+$0x0], $0xffff  }
0x22f: {  	v17 =	vadd.s32 s24, v3;
	vm14 =	vge.u32 v24, v12;
	v16 =	vld.idx.msk [tilespmem:v26+s12+$0x0], $0xffff  }
0x230: {  	v15 =	vadd.s32 s24, v7;
	vm15 =	vge.u32 v22, v12;
	v24 =	vsel vm14, $0x1, v0;
	v14 =	vld.idx.msk [tilespmem:v28+s12+$0x0], $0xffff  }
0x231: {  	s22 =	simm.s32 $0x8;
	p2 =	por $0x1, $0x1;
	v26 =	vsel vm15, $0x1, v0;
	v20 =	vld.idx.msk [tilespmem:v27+s12+$0x0], $0xffff;
	v25 =	vadd.s32 v24, v23  }
.LBB2_61:
0x232: {  	v22 =	vadd.s32 s22, v3;
	v23 =	vadd.s32 s22, v7;
	s23 =	sadd.s32 $0x2, s22;
	s24 =	sadd.s32 $0x3, s22;
	v24 =	vld.idx.msk [tilespmem:v21+s12+$0x0], $0xffff;
	v25 =	vadd.s32 v26, v25  }
0x233: {  	s25 =	sadd.s32 $0x1, s22;
	v26 =	vadd.s32 s24, v3;
	v27 =	vadd.s32 s24, v7;
	v28 =	vld.idx.msk [tilespmem:v18+s12+$0x0], $0xffff;
	v18 =	vadd.s32 s23, v7  }
0x234: {  	s22 =	sadd.s32 $0x4, s22;
	v29 =	vadd.s32 s25, v7;
	v21 =	vadd.s32 s23, v3;
	vm0 =	vge.u32 v19, v12;
	v30 =	vld.idx.msk [tilespmem:v17+s12+$0x0], $0xffff;
	v17 =	vmovc v26  }
0x235: {  	p3 =	slt.s32 s22, s19;
	v26 =	vadd.s32 s25, v3;
	v19 =	vsel vm0, $0x1, v0;
	vm0 =	vge.u32 v16, v12;
	v31 =	vld.idx.msk [tilespmem:v15+s12+$0x0], $0xffff;
	v15 =	vmovc v27  }
0x236: {  	v16 =	vadd.s32 v19, v25;
	v19 =	vsel vm0, $0x1, v0;
	vm0 =	vge.u32 v14, v12  }
0x237: {  	v14 =	vadd.s32 v19, v16;
	v16 =	vsel vm0, $0x1, v0;
	vm0 =	vge.u32 v20, v12  }
.Ltmp37:
0x238: {  	v14 =	vadd.s32 v16, v14;
	v16 =	vsel vm0, $0x1, v0;
	vm0 =	vge.u32 v24, v12;
	(pc) =	sbr.rel @p3 .LBB2_61-.Ltmp37, $4  }
0x239: {  	v14 =	vadd.s32 v16, v14;
	v20 =	vsel vm0, $0x1, v0;
	vm0 =	vge.u32 v28, v12;
	v19 =	vld.idx.msk [tilespmem:v22+s12+$0x0], $0xffff  }
0x23a: {  	v20 =	vadd.s32 v20, v14;
	v22 =	vsel vm0, $0x1, v0;
	vm0 =	vge.u32 v30, v12;
	v16 =	vld.idx.msk [tilespmem:v23+s12+$0x0], $0xffff  }
0x23b: {  	v22 =	vadd.s32 v22, v20;
	v23 =	vsel vm0, $0x1, v0;
	vm0 =	vge.u32 v31, v12;
	v14 =	vld.idx.msk [tilespmem:v26+s12+$0x0], $0xffff  }
0x23c: {  	v25 =	vadd.s32 v23, v22;
	v26 =	vsel vm0, $0x1, v0;
	v20 =	vld.idx.msk [tilespmem:v29+s12+$0x0], $0xffff  }
0x23d: {  	v23 =	vmov v18;
	v24 =	vmov v17;
	v22 =	vmov v15  }
.LBB2_63:
0x23e: {  	_ =	sdelay $0x3  }
0x23f: {  	v15 =	vld.idx.msk [tilespmem:v21+s12+$0x0], $0xffff  }
0x240: {  	v17 =	vadd.s32 @p2 v26, v25;
	v18 =	vld.idx.msk [tilespmem:v23+s12+$0x0], $0xffff;
	vm0 =	vge.u32 v19, v12  }
0x241: {  	v60 =	vld.idx.msk [tilespmem:v24+s12+$0x0], $0xffff;
	v61 =	vsel vm0, $0x1, v0;
	vm9 =	vge.u32 v16, v12;
	v13 =	vpsel p2, v17, v13  }
0x242: {  	v62 =	vld.idx.msk [tilespmem:v22+s12+$0x0], $0xffff;
	v13 =	vadd.s32 v61, v13;
	v63 =	vsel vm9, $0x1, v0;
	vm10 =	vge.u32 v14, v12  }
0x243: {  	v13 =	vadd.s32 v63, v13;
	v14 =	vsel vm10, $0x1, v0;
	vm11 =	vge.u32 v20, v12  }
0x244: {  	v13 =	vadd.s32 v14, v13;
	v14 =	vsel vm11, $0x1, v0;
	vm12 =	vge.u32 v15, v12  }
.Ltmp38:
0x245: {  	v13 =	vadd.s32 v14, v13;
	vm13 =	vge.u32 v18, v12;
	v14 =	vsel vm12, $0x1, v0;
	(pc) =	sbr.rel .LBB2_54-.Ltmp38, $4  }
0x246: {  	vm14 =	vge.u32 v60, v12;
	v13 =	vadd.s32 v14, v13;
	v14 =	vsel vm13, $0x1, v0  }
0x247: {  	vm15 =	vge.u32 v62, v12;
	v13 =	vadd.s32 v14, v13;
	v14 =	vsel vm14, $0x1, v0  }
0x248: {  	v13 =	vadd.s32 v14, v13;
	v14 =	vsel vm15, $0x1, v0  }
0x249: {  	v13 =	vadd.s32 v14, v13  }
.LBB2_53:
0x24a: {  	v13 =	vimm.s32 $0x0  }
.LBB2_54:
.Ltmp39:
0x24b: {  	(pc) =	sbr.rel @p1 .LBB2_56-.Ltmp39, $2  }
0x24c: {  	_ =	sdelay $0x2  }
0x24d: {  	s22 =	smov.u32 s20  }
.LBB2_55:
0x24e: {  	s23 =	sadd.s32 s22, s18  }
0x24f: {  	v14 =	vadd.s32 s23, v3  }
0x250: {  	v15 =	vadd.s32 s23, v7;
	_ =	sdelay $0x3  }
0x251: {  	v14 =	vld.idx.msk [tilespmem:v14+s12+$0x0], $0xffff  }
0x252: {  	v15 =	vld.idx.msk [tilespmem:v15+s12+$0x0], $0xffff  }
0x253: {  	s22 =	sadd.s32 $0x1, s22  }
0x254: {  	p2 =	seq.s32 s22, $0x0  }
.Ltmp40:
0x255: {  	_ = 	snop;
	(pc) =	sbr.rel @!p2 .LBB2_55-.Ltmp40, $4  }
0x256: {  	vm0 =	vge.u32 v14, v12  }
0x257: {  	vm15 =	vge.u32 v15, v12;
	v14 =	vsel vm0, $0x1, v0  }
0x258: {  	v13 =	vadd.s32 v14, v13;
	v14 =	vsel vm15, $0x1, v0  }
0x259: {  	v13 =	vadd.s32 v14, v13  }
.Ltmp41:
0x25a: {  	_ = 	snop;
	(pc) =	sbr.rel .LBB2_56-.Ltmp41, $1  }
0x25b: {  	_ =	sdelay $0x3  }
.LBB2_58:
.Ltmp42:
0x25c: {  	(pc) =	sbr.rel .LBB2_63-.Ltmp42, $2  }
0x25d: {  	_ =	sdelay $0x2  }
0x25e: {  	_ = 	snop  }
.LBB2_60:
.Ltmp43:
0x25f: {  	(pc) =	sbr.rel .LBB2_63-.Ltmp43, $2  }
0x260: {  	_ =	sdelay $0x2  }
0x261: {  	v23 =	vmov v18;
	v24 =	vmov v17;
	v22 =	vmov v15  }
.LBB2_16:
0x262: {  	s18 =	simm.s32 $0x0  }
.LBB2_17:
0x263: {  	v12 =	vsub.s32 v11, v10;
	v13 =	vadd.s32 s19, v1  }
0x264: {  	s20 =	simm.s32 $0x2;
	s21 =	simm.s32 $0x3;
	s22 =	simm.s32 $0x1;
	v12 =	vadd.s32 $0x1, v12;
	v14 =	vand.u32 $0x7F, v13;
	v13 =	vand.u32 $0x780, v13  }
0x265: {  	s30 =	simm.s32 $0x7;
	v15 =	vadd.s32 s20, v1;
	v16 =	vadd.s32 s21, v1;
	v17 =	vadd.s32 s22, v1  }
0x266: {  	v21 =	vadd.s32 s30, v1;
	v12 =	vshrl.u32 v12, $0x1;
	v18 =	vand.u32 $0x7F, v15  }
0x267: {  	v19 =	vand.u32 $0x7F, v16;
	v20 =	vand.u32 $0x7F, v17;
	v15 =	vand.u32 $0x780, v15  }
0x268: {  	v16 =	vand.u32 $0x780, v16;
	v13 =	vshll.u32 v13, $0x3;
	v17 =	vand.u32 $0x780, v17  }
0x269: {  	v16 =	vshll.u32 v16, $0x3;
	v13 =	vor.u32 v5, v13;
	v17 =	vshll.u32 v17, $0x3  }
0x26a: {  	v15 =	vshll.u32 v15, $0x3;
	v13 =	vor.u32 v14, v13;
	v14 =	vor.u32 v5, v16  }
0x26b: {  	v15 =	vor.u32 v5, v15;
	v14 =	vor.u32 v19, v14;
	v16 =	vor.u32 v6, v13  }
0x26c: {  	v13 =	vor.u32 v5, v17;
	v15 =	vor.u32 v18, v15;
	v14 =	vor.u32 v6, v14  }
0x26d: {  	v24 =	vand.u32 $0x7F, v21;
	v17 =	vor.u32 v20, v13;
	v15 =	vor.u32 v6, v15  }
0x26e: {  	s28 =	simm.s32 $0x4;
	v21 =	vand.u32 $0x780, v21;
	v12 =	vadd.s32 v10, v12;
	v17 =	vor.u32 v6, v17  }
0x26f: {  	s29 =	simm.s32 $0x6;
	v21 =	vshll.u32 v21, $0x3;
	v18 =	vadd.s32 s28, v1;
	v13 =	vimm.s32 $0x0  }
0x270: {  	s31 =	simm.s32 $0x5;
	v19 =	vand.u32 $0x7F, v18;
	v18 =	vand.u32 $0x780, v18;
	v20 =	vadd.s32 s29, v1;
	v22 =	vld.idx.msk [tilespmem:v16+s10+$0x0], $0xffff  }
0x271: {  	v23 =	vand.u32 $0x7F, v20;
	v20 =	vand.u32 $0x780, v20;
	v16 =	vadd.s32 s31, v1;
	v14 =	vld.idx.msk [tilespmem:v14+s10+$0x0], $0xffff  }
0x272: {  	v26 =	vshll.u32 v18, $0x3;
	v25 =	vand.u32 $0x7F, v16;
	v15 =	vld.idx.msk [tilespmem:v15+s10+$0x0], $0xffff;
	v16 =	vand.u32 $0x780, v16  }
0x273: {  	v20 =	vshll.u32 v20, $0x3;
	v18 =	vld.idx.msk [tilespmem:v17+s10+$0x0], $0xffff;
	v17 =	vor.u32 v5, v26;
	v16 =	vshll.u32 v16, $0x3  }
0x274: {  	v17 =	vor.u32 v19, v17;
	v19 =	vor.u32 v5, v20;
	v20 =	vor.u32 v5, v21  }
0x275: {  	v16 =	vor.u32 v5, v16;
	v19 =	vor.u32 v23, v19;
	v21 =	vor.u32 v24, v20  }
0x276: {  	v17 =	vor.u32 v6, v17;
	v20 =	vor.u32 v25, v16;
	v16 =	vor.u32 v6, v21  }
0x277: {  	v21 =	vshra.s32 v22, $0x1F;
	v25 =	vshra.s32 v15, $0x1F;
	v23 =	vshra.s32 v14, $0x1F  }
0x278: {  	v24 =	vor.u32 $0x80000000, v21;
	v26 =	vshra.s32 v18, $0x1F;
	v21 =	vor.u32 $0x80000000, v23  }
0x279: {  	s20 =	simm.s32 $0x8;
	v23 =	vxor.u32 v22, v24;
	v22 =	vor.u32 $0x80000000, v25;
	v24 =	vor.u32 $0x80000000, v26  }
.LBB2_18:
0x27a: {  	p0 =	slt.u32 s20, $0x7FC;
	vm0 =	vge.u32 v23, v12;
	v18 =	vxor.u32 v18, v24;
	v14 =	vxor.u32 v14, v21  }
0x27b: {  	v15 =	vxor.u32 v15, v22;
	v21 =	vsel vm0, $0x1, v0;
	vm0 =	vge.u32 v18, v12  }
0x27c: {  	v13 =	vadd.s32 v21, v13;
	v18 =	vsel vm0, $0x1, v0;
	vm0 =	vge.u32 v15, v12  }
0x27d: {  	v13 =	vadd.s32 v18, v13;
	v15 =	vsel vm0, $0x1, v0;
	vm0 =	vge.u32 v14, v12  }
0x27e: {  	v18 =	vor.u32 v6, v19;
	v13 =	vadd.s32 v15, v13;
	v14 =	vsel vm0, $0x1, v0  }
0x27f: {  	v19 =	vor.u32 v6, v20;
	v15 =	vadd.s32 s20, v1;
	v13 =	vadd.s32 v14, v13  }
0x280: {  	s21 =	sadd.s32 $0x2, s20;
	s22 =	sadd.s32 $0x3, s20;
	v20 =	vand.u32 $0x7F, v15  }
0x281: {  	s23 =	sadd.s32 $0x1, s20;
	v22 =	vadd.s32 s22, v1;
	v21 =	vand.u32 $0x780, v15;
	v15 =	vadd.s32 s21, v1;
	v23 =	vld.idx.msk [tilespmem:v17+s10+$0x0], $0xffff  }
0x282: {  	v25 =	vand.u32 $0x7F, v22;
	v24 =	vand.u32 $0x7F, v15;
	v17 =	vadd.s32 s23, v1;
	v14 =	vld.idx.msk [tilespmem:v16+s10+$0x0], $0xffff  }
0x283: {  	v22 =	vand.u32 $0x780, v22;
	v26 =	vand.u32 $0x780, v15;
	v16 =	vand.u32 $0x7F, v17;
	v15 =	vld.idx.msk [tilespmem:v18+s10+$0x0], $0xffff  }
0x284: {  	v22 =	vshll.u32 v22, $0x3;
	v21 =	vshll.u32 v21, $0x3;
	v17 =	vand.u32 $0x780, v17;
	v18 =	vld.idx.msk [tilespmem:v19+s10+$0x0], $0xffff  }
0x285: {  	v17 =	vshll.u32 v17, $0x3;
	v19 =	vor.u32 v5, v21;
	v21 =	vshll.u32 v26, $0x3  }
0x286: {  	v20 =	vor.u32 v20, v19;
	v19 =	vor.u32 v5, v21;
	v21 =	vor.u32 v5, v22  }
.Ltmp44:
0x287: {  	v22 =	vor.u32 v5, v17;
	v19 =	vor.u32 v24, v19;
	v21 =	vor.u32 v25, v21;
	(pc) =	sbr.rel @p0 .LBB2_18-.Ltmp44, $4  }
0x288: {  	v17 =	vor.u32 v6, v20;
	v20 =	vor.u32 v16, v22;
	v16 =	vor.u32 v6, v21  }
0x289: {  	v21 =	vshra.s32 v23, $0x1F;
	v24 =	vshra.s32 v14, $0x1F;
	v22 =	vshra.s32 v15, $0x1F  }
0x28a: {  	v25 =	vor.u32 $0x80000000, v21;
	v21 =	vor.u32 $0x80000000, v24;
	v26 =	vshra.s32 v18, $0x1F  }
0x28b: {  	s20 =	sadd.s32 $0x4, s20;
	v23 =	vxor.u32 v23, v25;
	v22 =	vor.u32 $0x80000000, v22;
	v24 =	vor.u32 $0x80000000, v26  }
0x28c: {  	_ = 	snop  }
0x28d: {  	v20 =	vor.u32 v6, v20  }
0x28e: {  	v19 =	vor.u32 v6, v19;
	_ =	sdelay $0x1  }
0x28f: {  	v17 =	vld.idx.msk [tilespmem:v17+s10+$0x0], $0xffff  }
0x290: {  	vm0 =	vge.u32 v23, v12;
	v18 =	vxor.u32 v18, v24;
	v14 =	vxor.u32 v14, v21;
	v16 =	vld.idx.msk [tilespmem:v16+s10+$0x0], $0xffff  }
0x291: {  	v15 =	vxor.u32 v15, v22;
	v47 =	vsel vm0, $0x1, v0;
	vm8 =	vge.u32 v18, v12;
	v50 =	vld.idx.msk [tilespmem:v20+s10+$0x0], $0xffff  }
0x292: {  	vm9 =	vge.u32 v15, v12;
	v13 =	vadd.s32 v47, v13;
	v49 =	vsel vm8, $0x1, v0;
	v48 =	vld.idx.msk [tilespmem:v19+s10+$0x0], $0xffff  }
0x293: {  	vm10 =	vge.u32 v14, v12;
	v51 =	vsel vm9, $0x1, v0;
	v13 =	vadd.s32 v49, v13  }
0x294: {  	v14 =	vsel vm10, $0x1, v0;
	v13 =	vadd.s32 v51, v13;
	v52 =	vshra.s32 v17, $0x1F  }
0x295: {  	v13 =	vadd.s32 v14, v13;
	v54 =	vshra.s32 v16, $0x1F;
	v14 =	vor.u32 $0x80000000, v52  }
0x296: {  	v20 =	vor.u32 $0x80000000, v54;
	v14 =	vxor.u32 v17, v14;
	v55 =	vshra.s32 v50, $0x1F  }
0x297: {  	v58 =	vxor.u32 v16, v20;
	v53 =	vshra.s32 v48, $0x1F;
	v56 =	vor.u32 $0x80000000, v55  }
0x298: {  	vm11 =	vge.u32 v14, v12;
	v19 =	vor.u32 $0x80000000, v53;
	v57 =	vxor.u32 v50, v56  }
0x299: {  	v59 =	vsel vm11, $0x1, v0;
	v60 =	vxor.u32 v48, v19;
	vm12 =	vge.u32 v57, v12  }
0x29a: {  	v13 =	vadd.s32 v59, v13;
	vm13 =	vge.u32 v60, v12;
	v61 =	vsel vm12, $0x1, v0  }
0x29b: {  	vm14 =	vge.u32 v58, v12;
	v14 =	vsel vm13, $0x1, v0;
	v13 =	vadd.s32 v61, v13  }
0x29c: {  	s18 =	sadd.s32 $0x1, s18;
	v62 =	vsel vm14, $0x1, v0;
	v13 =	vadd.s32 v14, v13  }
0x29d: {  	p0 =	sne.s32 s18, $0x20;
	v13 =	vadd.s32 v62, v13  }
.Ltmp45:
0x29e: {  	v14 =	vperm.xlane v13, v8;
	(pc) =	sbr.rel @p0 .LBB2_17-.Ltmp45, $4  }
.Ltmp46:
0x29f: {  	_ = 	snop;
	(pc) =	sbr.rel @!p0 .LBB2_41-.Ltmp46, $4  }
0x2a0: {  	v13 =	vadd.s32 v13, v14  }
0x2a1: {  	v63 =	vadd.s32 $0xFFFFFFFF, v12;
	vm15 =	vgt.s32 v13, $0x1F  }
0x2a2: {  	v10 =	vsel vm15, v12, v10;
	v11 =	vsel vm15, v11, v63  }
0x2a3: {  	_ = 	snop  }
.LBB2_31:
0x2a4: {  	s18 =	simm.s32 $0x0  }
.LBB2_32:
0x2a5: {  	v12 =	vsub.s32 v11, v10;
	v13 =	vadd.s32 s19, v1  }
0x2a6: {  	s20 =	simm.s32 $0x2;
	s21 =	simm.s32 $0x3;
	s22 =	simm.s32 $0x1;
	v12 =	vadd.s32 $0x1, v12;
	v14 =	vand.u32 $0x7F, v13;
	v13 =	vand.u32 $0x780, v13  }
0x2a7: {  	s30 =	simm.s32 $0x7;
	v15 =	vadd.s32 s20, v1;
	v16 =	vadd.s32 s21, v1;
	v17 =	vadd.s32 s22, v1  }
0x2a8: {  	v21 =	vadd.s32 s30, v1;
	v12 =	vshrl.u32 v12, $0x1;
	v18 =	vand.u32 $0x7F, v15  }
0x2a9: {  	v19 =	vand.u32 $0x7F, v16;
	v20 =	vand.u32 $0x7F, v17;
	v15 =	vand.u32 $0x780, v15  }
0x2aa: {  	v16 =	vand.u32 $0x780, v16;
	v13 =	vshll.u32 v13, $0x3;
	v17 =	vand.u32 $0x780, v17  }
0x2ab: {  	v16 =	vshll.u32 v16, $0x3;
	v13 =	vor.u32 v5, v13;
	v17 =	vshll.u32 v17, $0x3  }
0x2ac: {  	v15 =	vshll.u32 v15, $0x3;
	v13 =	vor.u32 v14, v13;
	v14 =	vor.u32 v5, v16  }
0x2ad: {  	v15 =	vor.u32 v5, v15;
	v14 =	vor.u32 v19, v14;
	v16 =	vor.u32 v6, v13  }
0x2ae: {  	v13 =	vor.u32 v5, v17;
	v15 =	vor.u32 v18, v15;
	v14 =	vor.u32 v6, v14  }
0x2af: {  	v24 =	vand.u32 $0x7F, v21;
	v17 =	vor.u32 v20, v13;
	v15 =	vor.u32 v6, v15  }
0x2b0: {  	s28 =	simm.s32 $0x4;
	v21 =	vand.u32 $0x780, v21;
	v12 =	vadd.s32 v10, v12;
	v17 =	vor.u32 v6, v17  }
0x2b1: {  	s29 =	simm.s32 $0x6;
	v21 =	vshll.u32 v21, $0x3;
	v18 =	vadd.s32 s28, v1;
	v13 =	vimm.s32 $0x0  }
0x2b2: {  	s31 =	simm.s32 $0x5;
	v19 =	vand.u32 $0x7F, v18;
	v18 =	vand.u32 $0x780, v18;
	v20 =	vadd.s32 s29, v1;
	v22 =	vld.idx.msk [tilespmem:v16+s2+$0x0], $0xffff  }
0x2b3: {  	v23 =	vand.u32 $0x7F, v20;
	v20 =	vand.u32 $0x780, v20;
	v16 =	vadd.s32 s31, v1;
	v14 =	vld.idx.msk [tilespmem:v14+s2+$0x0], $0xffff  }
0x2b4: {  	v26 =	vshll.u32 v18, $0x3;
	v25 =	vand.u32 $0x7F, v16;
	v15 =	vld.idx.msk [tilespmem:v15+s2+$0x0], $0xffff;
	v16 =	vand.u32 $0x780, v16  }
0x2b5: {  	v20 =	vshll.u32 v20, $0x3;
	v18 =	vld.idx.msk [tilespmem:v17+s2+$0x0], $0xffff;
	v17 =	vor.u32 v5, v26;
	v16 =	vshll.u32 v16, $0x3  }
0x2b6: {  	v17 =	vor.u32 v19, v17;
	v19 =	vor.u32 v5, v20;
	v20 =	vor.u32 v5, v21  }
0x2b7: {  	v16 =	vor.u32 v5, v16;
	v19 =	vor.u32 v23, v19;
	v21 =	vor.u32 v24, v20  }
0x2b8: {  	v17 =	vor.u32 v6, v17;
	v20 =	vor.u32 v25, v16;
	v16 =	vor.u32 v6, v21  }
0x2b9: {  	v21 =	vshra.s32 v22, $0x1F;
	v25 =	vshra.s32 v15, $0x1F;
	v23 =	vshra.s32 v14, $0x1F  }
0x2ba: {  	v24 =	vor.u32 $0x80000000, v21;
	v26 =	vshra.s32 v18, $0x1F;
	v21 =	vor.u32 $0x80000000, v23  }
0x2bb: {  	s20 =	simm.s32 $0x8;
	v23 =	vxor.u32 v22, v24;
	v22 =	vor.u32 $0x80000000, v25;
	v24 =	vor.u32 $0x80000000, v26  }
.LBB2_33:
0x2bc: {  	p0 =	slt.u32 s20, $0x7FC;
	vm0 =	vge.u32 v23, v12;
	v18 =	vxor.u32 v18, v24;
	v14 =	vxor.u32 v14, v21  }
0x2bd: {  	v15 =	vxor.u32 v15, v22;
	v21 =	vsel vm0, $0x1, v0;
	vm0 =	vge.u32 v18, v12  }
0x2be: {  	v13 =	vadd.s32 v21, v13;
	v18 =	vsel vm0, $0x1, v0;
	vm0 =	vge.u32 v15, v12  }
0x2bf: {  	v13 =	vadd.s32 v18, v13;
	v15 =	vsel vm0, $0x1, v0;
	vm0 =	vge.u32 v14, v12  }
0x2c0: {  	v18 =	vor.u32 v6, v19;
	v13 =	vadd.s32 v15, v13;
	v14 =	vsel vm0, $0x1, v0  }
0x2c1: {  	v19 =	vor.u32 v6, v20;
	v15 =	vadd.s32 s20, v1;
	v13 =	vadd.s32 v14, v13  }
0x2c2: {  	s21 =	sadd.s32 $0x2, s20;
	s22 =	sadd.s32 $0x3, s20;
	v20 =	vand.u32 $0x7F, v15  }
0x2c3: {  	s23 =	sadd.s32 $0x1, s20;
	v22 =	vadd.s32 s22, v1;
	v21 =	vand.u32 $0x780, v15;
	v15 =	vadd.s32 s21, v1;
	v23 =	vld.idx.msk [tilespmem:v17+s2+$0x0], $0xffff  }
0x2c4: {  	v25 =	vand.u32 $0x7F, v22;
	v24 =	vand.u32 $0x7F, v15;
	v17 =	vadd.s32 s23, v1;
	v14 =	vld.idx.msk [tilespmem:v16+s2+$0x0], $0xffff  }
0x2c5: {  	v22 =	vand.u32 $0x780, v22;
	v26 =	vand.u32 $0x780, v15;
	v16 =	vand.u32 $0x7F, v17;
	v15 =	vld.idx.msk [tilespmem:v18+s2+$0x0], $0xffff  }
0x2c6: {  	v22 =	vshll.u32 v22, $0x3;
	v21 =	vshll.u32 v21, $0x3;
	v17 =	vand.u32 $0x780, v17;
	v18 =	vld.idx.msk [tilespmem:v19+s2+$0x0], $0xffff  }
0x2c7: {  	v17 =	vshll.u32 v17, $0x3;
	v19 =	vor.u32 v5, v21;
	v21 =	vshll.u32 v26, $0x3  }
0x2c8: {  	v20 =	vor.u32 v20, v19;
	v19 =	vor.u32 v5, v21;
	v21 =	vor.u32 v5, v22  }
.Ltmp47:
0x2c9: {  	v22 =	vor.u32 v5, v17;
	v19 =	vor.u32 v24, v19;
	v21 =	vor.u32 v25, v21;
	(pc) =	sbr.rel @p0 .LBB2_33-.Ltmp47, $4  }
0x2ca: {  	v17 =	vor.u32 v6, v20;
	v20 =	vor.u32 v16, v22;
	v16 =	vor.u32 v6, v21  }
0x2cb: {  	v21 =	vshra.s32 v23, $0x1F;
	v24 =	vshra.s32 v14, $0x1F;
	v22 =	vshra.s32 v15, $0x1F  }
0x2cc: {  	v25 =	vor.u32 $0x80000000, v21;
	v21 =	vor.u32 $0x80000000, v24;
	v26 =	vshra.s32 v18, $0x1F  }
0x2cd: {  	s20 =	sadd.s32 $0x4, s20;
	v23 =	vxor.u32 v23, v25;
	v22 =	vor.u32 $0x80000000, v22;
	v24 =	vor.u32 $0x80000000, v26  }
0x2ce: {  	_ = 	snop  }
0x2cf: {  	v20 =	vor.u32 v6, v20  }
0x2d0: {  	v19 =	vor.u32 v6, v19;
	_ =	sdelay $0x1  }
0x2d1: {  	v17 =	vld.idx.msk [tilespmem:v17+s2+$0x0], $0xffff  }
0x2d2: {  	vm0 =	vge.u32 v23, v12;
	v18 =	vxor.u32 v18, v24;
	v14 =	vxor.u32 v14, v21;
	v16 =	vld.idx.msk [tilespmem:v16+s2+$0x0], $0xffff  }
0x2d3: {  	v15 =	vxor.u32 v15, v22;
	v47 =	vsel vm0, $0x1, v0;
	vm8 =	vge.u32 v18, v12;
	v50 =	vld.idx.msk [tilespmem:v20+s2+$0x0], $0xffff  }
0x2d4: {  	vm9 =	vge.u32 v15, v12;
	v13 =	vadd.s32 v47, v13;
	v49 =	vsel vm8, $0x1, v0;
	v48 =	vld.idx.msk [tilespmem:v19+s2+$0x0], $0xffff  }
0x2d5: {  	vm10 =	vge.u32 v14, v12;
	v51 =	vsel vm9, $0x1, v0;
	v13 =	vadd.s32 v49, v13  }
0x2d6: {  	v14 =	vsel vm10, $0x1, v0;
	v13 =	vadd.s32 v51, v13;
	v52 =	vshra.s32 v17, $0x1F  }
0x2d7: {  	v13 =	vadd.s32 v14, v13;
	v54 =	vshra.s32 v16, $0x1F;
	v14 =	vor.u32 $0x80000000, v52  }
0x2d8: {  	v20 =	vor.u32 $0x80000000, v54;
	v14 =	vxor.u32 v17, v14;
	v55 =	vshra.s32 v50, $0x1F  }
0x2d9: {  	v58 =	vxor.u32 v16, v20;
	v53 =	vshra.s32 v48, $0x1F;
	v56 =	vor.u32 $0x80000000, v55  }
0x2da: {  	vm11 =	vge.u32 v14, v12;
	v19 =	vor.u32 $0x80000000, v53;
	v57 =	vxor.u32 v50, v56  }
0x2db: {  	v59 =	vsel vm11, $0x1, v0;
	v60 =	vxor.u32 v48, v19;
	vm12 =	vge.u32 v57, v12  }
0x2dc: {  	v13 =	vadd.s32 v59, v13;
	vm13 =	vge.u32 v60, v12;
	v61 =	vsel vm12, $0x1, v0  }
0x2dd: {  	vm14 =	vge.u32 v58, v12;
	v14 =	vsel vm13, $0x1, v0;
	v13 =	vadd.s32 v61, v13  }
0x2de: {  	s18 =	sadd.s32 $0x1, s18;
	v62 =	vsel vm14, $0x1, v0;
	v13 =	vadd.s32 v14, v13  }
0x2df: {  	p0 =	seq.s32 s18, $0x20;
	v13 =	vadd.s32 v62, v13  }
.Ltmp48:
0x2e0: {  	v14 =	vperm.xlane v13, v8;
	(pc) =	sbr.rel @!p0 .LBB2_32-.Ltmp48, $4  }
.Ltmp49:
0x2e1: {  	_ = 	snop;
	(pc) =	sbr.rel @p0 .LBB2_41-.Ltmp49, $4  }
0x2e2: {  	v13 =	vadd.s32 v13, v14  }
0x2e3: {  	v63 =	vadd.s32 $0xFFFFFFFF, v12;
	vm15 =	vgt.s32 v13, $0x1F  }
0x2e4: {  	v10 =	vsel vm15, v12, v10;
	v11 =	vsel vm15, v11, v63  }
0x2e5: {  	_ = 	snop  }
.LBB2_43:
0x2e6: {  	_ =	sfence.sel $0x180000  }
0x2e7: {  	[bflag:$0x0] =	sbarrier.arrive $0xFFFF  }
0x2e8: {  	p0 =	sne.s32 s1, $0x0;
	_ =	strace $0x9000004A  }
0x2e9: {  	s0 =	sadd.s32 @!p0 $0x100000, s0;
	[bflag:$0x2] =	sbarrier.arrive $0xFFFF  }
0x2ea: {  	[sflag:s0] =	ssyncadd.tile.s32 @!p0 $0x1;
	_ =	shalt  }
.Lfunc_end2:
_tile_overlayer_lowered:
.L_overlay_start_2:
0x2eb: {  	(tag) =	ssettag $0x2  }
0x2ec: {  	s0 =	rddreg [dreg:$0x0];
	s2 =	stileid.u32  }
0x2ed: {  	s1 =	rddreg [dreg:$0x1];
	p0 =	sne.s32 s2, $0x0  }
0x2ee: {  	s3 =	rddreg [dreg:$0x2];
	[bflag:$0x3] =	sbarrier.arrive $0xFFFF;
	s2 =	simm.s32 @!p0 $0x1C03  }
0x2ef: {  	[timem:s3], [sflag:s2] =	dma.local @!p0 [hbm:s0], s1  }
0x2f0: {  	s0 =	simm.s32 @!p0 $0x3  }
0x2f1: {  	_ =	swait.ge @!p0 [sflag:s0], s1  }
0x2f2: {  	s1 =	ssub.s32 @!p0 $0x0, s1;
	[sflag:s0] =	ssyncset.done @!p0 $0x0  }
0x2f3: {  	[sflag:s0] =	ssyncadd.s32 @!p0 s1  }
0x2f4: {  	[bflag:$0x3] =	sbarrier.arrive $0xFFFF  }
0x2f5: {  	_ =	shalt  }

// kernel: kernel.8.cloned.1.call-start
scs
__scs_entry_jumppad:
0x0: {  	(pc) =	sbr.rel $0x88, $3  }
0x1: {  	(tag) =	ssettag $0x0;
	lr =	simm.s32 $0x1  }
0x2: {  	[smem:$0x3FA0] =	sst lr;
	_ =	strace $0xD0000000  }
0x3: {  	_ = 	snop  }
0x4: {  	_ = 	snop  }
0x5: {  	_ = 	snop  }
0x6: {  	_ = 	snop  }
0x7: {  	_ = 	snop  }
__scs_overlays_trampoline_lowered:
0x8: {  	[smem:$0x3FAF] =	sst s0  }
0x9: {  	[smem:$0x3FB0] =	sst s1  }
0xa: {  	[smem:$0x3FB1] =	sst s2  }
0xb: {  	[smem:$0x3FB2] =	sst s3  }
0xc: {  	[smem:$0x3FB3] =	sst s4  }
0xd: {  	[smem:$0x3FB4] =	sst s5  }
0xe: {  	[smem:$0x3FB5] =	sst s6  }
0xf: {  	[smem:$0x3FB6] =	sst s7  }
0x10: {  	[smem:$0x3FB7] =	sst s8  }
0x11: {  	[smem:$0x3FB8] =	sst s9;
	s0 =	simm.s32 @!p0 $0x0  }
0x12: {  	s1 =	sld [smem:$0x3F9E];
	s0 =	simm.s32 @p0 $0x1  }
0x13: {  	[smem:$0x3FB9] =	sst s0;
	s0 =	simm.s32 @!p1 $0x0  }
0x14: {  	s2 =	sld [smem:$0x3F9D];
	s0 =	simm.s32 @p1 $0x1  }
0x15: {  	[smem:$0x3FBA] =	sst s0;
	s0 =	simm.s32 @!p2 $0x0  }
0x16: {  	s3 =	sld [smem:$0x3FDB];
	s0 =	simm.s32 @p2 $0x1  }
0x17: {  	s4 =	simm.s32 $0x1BF5;
	[smem:$0x3FBC] =	sst s0  }
0x18: {  	s0 =	sld [smem:$0x3F9F];
	_ =	swait.ge [sflag:s4], $0x0  }
0x19: {  	s7 =	sld [smem:$0x3FA0]  }
0x1a: {  	s8 =	sadd.s32 $0xFFFFE003, lr  }
0x1b: {  	s9 =	sadd.s32 $0xFFFFFEF7, lr;
	s5 =	simm.s32 $0xFFFFFFFF;
	p2 =	slt.u32 s8, $0xFFFFF086  }
0x1c: {  	p1 =	slt.u32 s9, $0xF7A;
	s5 =	simm.s32 @!p2 $0x0  }
0x1d: {  	s5 =	simm.s32 @p1 $0x1;
	p0 =	seq.s32 s7, s2  }
0x1e: {  	s7 =	smul.u32 @!p0 $0xF7A, s2;
	p2 =	seq.s32 @!p0 s5, $0x0  }
0x1f: {  	s9 =	smul.u32 $0xF7A, s1;
	s8 =	simm.s32 @!p0 $0x1BF5;
	p2 =	por !p2, p0  }
0x20: {  	[sflag:s8] =	ssyncset.s32 @!p0 $0xFFFFF086;
	s6 =	sadd.s32 @!p0 s3, s7;
	s7 =	simm.s32 @!p0 $0x108  }
0x21: {  	s3 =	sadd.s32 s3, s9;
	s6 =	sadd.s32 @!p0 $0x88, s6;
	s7 =	simm.s32 @p2 $0x1082  }
0x22: {  	[simem:s7], [sflag:s8] =	dma.local @!p0 [hbm:s6], $0xF7A  }
0x23: {  	s9 =	sor.u32 $0xD0000000, s2;
	s6 =	simm.s32 $0x108;
	_ =	swait.ge @!p0 [sflag:s8], $0x0  }
0x24: {  	s3 =	sadd.s32 $0x88, s3;
	s6 =	simm.s32 @!p1 $0x1082;
	[sflag:s4] =	ssyncset.s32 $0xFFFFF086  }
0x25: {  	[simem:s6], [sflag:s4] =	dma.local [hbm:s3], $0xF7A  }
0x26: {  	[smem:$0x3FA0] =	sst s1;
	(tag) =	ssettag s2;
	_ =	strace s9  }
0x27: {  	s1 =	sld [smem:$0x3FB0]  }
0x28: {  	s2 =	sld [smem:$0x3FB1]  }
0x29: {  	s4 =	sld [smem:$0x3FB3]  }
0x2a: {  	p0 =	seq.s32 s5, $0x0;
	s5 =	sld [smem:$0x3FB4]  }
0x2b: {  	s6 =	sld [smem:$0x3FB5]  }
0x2c: {  	s7 =	sld [smem:$0x3FB6]  }
0x2d: {  	s3 =	simm.s32 $0x108;
	s8 =	sld [smem:$0x3FB7]  }
0x2e: {  	s3 =	simm.s32 @!p0 $0x1082;
	s9 =	sld [smem:$0x3FB8]  }
0x2f: {  	lr =	sadd.s32 s0, s3;
	s0 =	sld [smem:$0x3FAF]  }
0x30: {  	s3 =	sld [smem:$0x3FB2]  }
0x31: {  	[smem:$0x3FBB] =	sst s10  }
0x32: {  	s10 =	sld [smem:$0x3FB9];
	_ =	sdelay $0x3  }
0x33: {  	p0 =	seq.s32 s10, $0x1;
	s10 =	sld [smem:$0x3FBB];
	_ =	sdelay $0x3  }
0x34: {  	[smem:$0x3FBB] =	sst s10  }
0x35: {  	s10 =	sld [smem:$0x3FBA];
	_ =	sdelay $0x3  }
0x36: {  	p1 =	seq.s32 s10, $0x1;
	s10 =	sld [smem:$0x3FBB];
	_ =	sdelay $0x3  }
0x37: {  	[smem:$0x3FBB] =	sst s10  }
0x38: {  	s10 =	sld [smem:$0x3FBC]  }
0x39: {  	_ = 	snop;
	(pc) =	sbr.ind lr, $3  }
0x3a: {  	_ = 	snop  }
0x3b: {  	_ = 	snop  }
0x3c: {  	p2 =	seq.s32 s10, $0x1;
	s10 =	sld [smem:$0x3FBB]  }
0x3d: {  	_ =	shalt  }
0x3e: {  	_ =	shalt  }
0x3f: {  	_ =	shalt  }
0x40: {  	_ =	shalt  }
0x41: {  	_ =	shalt  }
0x42: {  	_ =	shalt  }
0x43: {  	_ =	shalt  }
0x44: {  	_ =	shalt  }
0x45: {  	_ =	shalt  }
0x46: {  	_ =	shalt  }
0x47: {  	_ =	shalt  }
0x48: {  	_ =	shalt  }
0x49: {  	_ =	shalt  }
0x4a: {  	_ =	shalt  }
0x4b: {  	_ =	shalt  }
0x4c: {  	_ =	shalt  }
0x4d: {  	_ =	shalt  }
0x4e: {  	_ =	shalt  }
0x4f: {  	_ =	shalt  }
0x50: {  	_ =	shalt  }
0x51: {  	_ =	shalt  }
0x52: {  	_ =	shalt  }
0x53: {  	_ =	shalt  }
0x54: {  	_ =	shalt  }
0x55: {  	_ =	shalt  }
0x56: {  	_ =	shalt  }
0x57: {  	_ =	shalt  }
0x58: {  	_ =	shalt  }
0x59: {  	_ =	shalt  }
0x5a: {  	_ =	shalt  }
0x5b: {  	_ =	shalt  }
0x5c: {  	_ =	shalt  }
0x5d: {  	_ =	shalt  }
0x5e: {  	_ =	shalt  }
0x5f: {  	_ =	shalt  }
0x60: {  	_ =	shalt  }
0x61: {  	_ =	shalt  }
0x62: {  	_ =	shalt  }
0x63: {  	_ =	shalt  }
0x64: {  	_ =	shalt  }
0x65: {  	_ =	shalt  }
0x66: {  	_ =	shalt  }
0x67: {  	_ =	shalt  }
0x68: {  	_ =	shalt  }
0x69: {  	_ =	shalt  }
0x6a: {  	_ =	shalt  }
0x6b: {  	_ =	shalt  }
0x6c: {  	_ =	shalt  }
0x6d: {  	_ =	shalt  }
0x6e: {  	_ =	shalt  }
0x6f: {  	_ =	shalt  }
0x70: {  	_ =	shalt  }
0x71: {  	_ =	shalt  }
0x72: {  	_ =	shalt  }
0x73: {  	_ =	shalt  }
0x74: {  	_ =	shalt  }
0x75: {  	_ =	shalt  }
0x76: {  	_ =	shalt  }
0x77: {  	_ =	shalt  }
0x78: {  	_ =	shalt  }
0x79: {  	_ =	shalt  }
0x7a: {  	_ =	shalt  }
0x7b: {  	_ =	shalt  }
0x7c: {  	_ =	shalt  }
0x7d: {  	_ =	shalt  }
0x7e: {  	_ =	shalt  }
0x7f: {  	_ =	shalt  }
0x80: {  	_ =	shalt  }
0x81: {  	_ =	shalt  }
0x82: {  	_ =	shalt  }
0x83: {  	_ =	shalt  }
0x84: {  	_ =	shalt  }
0x85: {  	_ =	shalt  }
0x86: {  	_ =	shalt  }
0x87: {  	_ =	shalt  }
.Lfunc_end0:
.L_simem_size_0:
called_computation_lowered:
.L_overlay_start_0:
0x88: {  	s2 =	sld [smem:$0x3FD9]  }
0x89: {  	s3 =	sld [smem:$0x3FFE];
	_ =	sdelay $0x1  }
0x8a: {  	s1 =	srdreg.scid  }
0x8b: {  	s0 =	sand.u32 $0x1, s1  }
0x8c: {  	s16 =	sshll.u32 s0, $0xA;
	s2 =	sadd.s32 s3, s2  }
0x8d: {  	s2 =	sadd.s32 s2, s16  }
0x8e: {  	[smem:$0x3FC7] =	sst s2  }
0x8f: {  	_ = 	snop  }
0x90: {  	(tm) =	ssettm $0x1  }
0x91: {  	s17 =	sld [smem:$0x3FFB];
	_ =	sdelay $0x3  }
0x92: {  	_ =	strace s17  }
0x93: {  	s2 =	sld [smem:$0x3FFC];
	_ =	sdelay $0x3  }
0x94: {  	_ =	strace s2  }
0x95: {  	s2 =	sld [smem:$0x3FFD];
	_ =	sdelay $0x3  }
0x96: {  	_ =	strace s2  }
0x97: {  	_ =	strace $0x8FFFFFFF  }
0x98: {  	s18 =	sld [smem:$0x3FDB];
	_ =	sdelay $0x1  }
0x99: {  	s19 =	simm.s32 $_scs_section_size  }
0x9a: {  	s4 =	simm.s32 $_size__tile_overlayer_lowered;
	s5 =	simm.s32 $_tile_overlayer_lowered  }
0x9b: {  	s22 =	simm.s32 $0x1BFF;
	s21 =	sshll.u32 s5, $0x1;
	s2 =	sadd.s32 s19, s18  }
0x9c: {  	s6 =	simm.s32 $0x0;
	s20 =	sshll.u32 s4, $0x1;
	s4 =	sadd.s32 s21, s2  }
0x9d: {  	[timem:s6], [sflag:s22] =	dma.local [hbm:s4], s20  }
0x9e: {  	_ =	swait.ge [sflag:s22], s20  }
0x9f: {  	s3 =	ssub.s32 $0x0, s20;
	[sflag:s22] =	ssyncset.done $0x0  }
0xa0: {  	[sflag:s22] =	ssyncadd.s32 s3;
	_ =	sdelay $0x1  }
0xa1: {  	s23 =	simm.s32 $0x1B8B  }
0xa2: {  	_ =	swait.ge [sflag:s23], $0x1  }
0xa3: {  	[sflag:s23] =	ssyncset.done $0x0  }
0xa4: {  	s25 =	simm.s32 $0x1B8E;
	s24 =	sld [smem:$0x3FFE];
	[sflag:s23] =	ssyncadd.s32 $0xFFFFFFFF  }
0xa5: {  	s26 =	simm.s32 $execute0_lowered;
	[smem:$0x3FD2] =	sst s25  }
0xa6: {  	s4 =	sshll.u32 s26, $0x1;
	_ =	strace $0x80000046;
	[dreg:$0x1] =	wrdreg $0xFFFFFFFF  }
0xa7: {  	s28 =	simm.s32 $_size_execute0_lowered;
	s2 =	sadd.s32 s2, s4;
	[dreg:$0x0] =	wrdreg $0x0  }
0xa8: {  	s4 =	sshll.u32 s28, $0x1;
	[dreg:$0x2] =	wrdreg s2  }
0xa9: {  	[dreg:$0x3] =	wrdreg s4  }
0xaa: {  	[dreg:$0x4] =	wrdreg $0xC0  }
0xab: {  	_ =	task [dreg:s6], $0x5FFFF  }
0xac: {  	[dreg:$0x1] =	wrdreg $0xFFFFFFFF  }
0xad: {  	[dreg:$0x0] =	wrdreg $0x60  }
0xae: {  	[dreg:$0x2] =	wrdreg s24  }
0xaf: {  	[dreg:$0x3] =	wrdreg $0x9  }
0xb0: {  	_ =	task.clear_ibuf [dreg:s6], $0x4FFFF;
	_ =	strace $0x90000046  }
0xb1: {  	s29 =	simm.s32 $0x9;
	_ =	strace $0x80000048  }
0xb2: {  	_ =	swait.ge [sflag:s29], $0x1  }
0xb3: {  	[sflag:s29] =	ssyncadd.s32 $0xFFFFFFFF  }
0xb4: {  	_ =	strace $0x90000048  }
0xb5: {  	_ =	sfence  }
0xb6: {  	s30 =	sld [smem:$0x0];
	_ =	sdelay $0x2  }
0xb7: {  	s31 =	sshll.u32 s1, $0xD;
	s1 =	sshrl.u32 s1, $0x2  }
0xb8: {  	s3 =	sand.u32 $0x4000, s31;
	s1 =	sadd.s32 s1, s30  }
0xb9: {  	s0 =	sor.u32 s3, s0;
	s1 =	sshll.u32 s1, $0x11  }
0xba: {  	s0 =	sor.u32 s1, s0  }
0xbb: {  	s0 =	sadd.s32 $0x8F2B, s0  }
0xbc: {  	[sflag:s0] =	ssyncadd.remote.s32 $0x1  }
0xbd: {  	_ =	sfence.sel $0xFFFF  }
0xbe: {  	[dreg:$0x0] =	wrdreg $0xFFFFFFFF;
	(pc) =	sbr.abs _section_cstart, $3  }
0xbf: {  	[dreg:$0x1] =	wrdreg $0xFFFFFFFF  }
0xc0: {  	_ =	task.clear_ibuf [dreg:s6], $0x2FFFF;
	_ =	strace $0x9FFFFFFF  }
0xc1: {  	(tm) =	ssettm $0x7FFFFFFF  }
tec
execute0_lowered:
.L_overlay_start_1:
0x0: {  	(tag) =	ssettag $0x1  }
0x1: {  	v0 =	vimm.s32 $0x0  }
0x2: {  	vm0 =	vcmask $0x704;
	v1 =	vimm.s32 $0x76543217;
	vm15 =	vcmask $0xB08  }
0x3: {  	vm4 =	vcmask $0xF0C;
	vm5 =	vcmask $0x1310;
	v2 =	vsel vm0, $0x80, v0  }
0x4: {  	vm6 =	vcmask $0x1714;
	vm1 =	vcmask $0x2304;
	v2 =	vsel vm15, $0x100, v2  }
0x5: {  	vm7 =	vcmask $0x1B18;
	v3 =	vimm.s32 $0x1234560;
	v2 =	vsel vm4, $0x180, v2  }
0x6: {  	s3 =	rddreg [dreg:$0x0];
	s2 =	srdreg.scid;
	vm8 =	vcmask $0x231C;
	v1 =	vunpack.c.l.s4.s8 v1;
	v2 =	vsel vm5, $0x200, v2  }
0x7: {  	s0 =	rddreg [dreg:$0x1];
	s1 =	stileid.u32;
	vm9 =	vcmask $0x2724;
	vm10 =	vcmask $0x2B28;
	s8 =	simm.s32 $0x1;
	v2 =	vsel vm6, $0x280, v2  }
0x8: {  	vm11 =	vcmask $0x2F2C;
	s9 =	simm.s32 $0x2;
	s10 =	simm.s32 $0x8000;
	s11 =	simm.s32 $0x10000;
	v1 =	vunpack.c.0.s8.s32 v1;
	v2 =	vsel vm7, $0x300, v2  }
0x9: {  	vm12 =	vcmask $0x3F24;
	vm13 =	vcmask $0x3330;
	s12 =	simm.s32 $0x10680;
	s13 =	simm.s32 $0x10D80;
	s14 =	simm.s32 $0x3;
	v2 =	vsel vm8, $0x380, v2  }
0xa: {  	s15 =	simm.s32 $0x0;
	s4 =	sand.u32 $0x1, s2;
	s2 =	simm.s32 $0x0;
	v3 =	vunpack.c.l.s4.s8 v3;
	v4 =	vnsel vm1, $0x0, v1;
	v1 =	vsel vm9, $0x300, v2  }
0xb: {  	vm14 =	vcmask $0x3734;
	v9 =	vimm.s32 $0x80000000;
	s5 =	sshll.u32 s1, $0x7;
	s6 =	sshll.u32 s4, $0x6;
	[smem:$0x7FF] =	sst s2;
	v1 =	vsel vm10, $0x280, v1  }
.Ltmp0:
0xc: {  	s4 =	ssub.s32 $0x2, s4;
	s5 =	sor.u32 s6, s5;
	v2 =	vunpack.c.0.s8.s32 v3;
	v3 =	vsel vm11, $0x200, v1;
	v1 =	vlaneseq.u32;
	(pc) =	sbr.rel .LBB2_1-.Ltmp0, $4  }
0xd: {  	vm15 =	vcmask $0x3B38;
	_ =	strace $0x80000047;
	s6 =	sshrl.u32 s5, $0x3;
	s5 =	sshll.u32 s5, $0x9;
	v3 =	vsel vm13, $0x180, v3;
	v5 =	vshrl.u32 v1, $0x3  }
0xe: {  	s7 =	sshrl.u32 s4, $0x1;
	s6 =	sadd.s32 s6, s3;
	s5 =	sadd.s32 s5, s3;
	v8 =	vmul.u32 $0xFFFFFFFF, v1;
	v6 =	vsel vm14, $0x100, v3;
	v3 =	vmul.u32 $0x61, v1  }
0xf: {  	s7 =	ssub.s32 s4, s7;
	s3 =	sadd.s32 $0x100600, s6;
	s4 =	sadd.s32 $0x600, s5;
	v2 =	vsel vm12, v2, v4;
	v4 =	vimm.f32 $-Inf;
	v5 =	vmul.u32 $0x4000, v5  }
0x10: {  	s5 =	sadd.s32 $0x100800, s6;
	s6 =	smax.u32 s7, $0x1;
	s7 =	simm.s32 $0x10D00;
	v6 =	vsel vm15, $0x80, v6;
	v8 =	vadd.s32 $0xF, v8;
	v7 =	vadd.s32 $0x30, v3  }
.LBB2_42:
0x11: {  	s15 =	sadd.s32 $0x1, s15  }
0x12: {  	p0 =	sne.s32 s15, s6  }
.Ltmp1:
0x13: {  	_ = 	snop;
	(pc) =	sbr.rel @!p0 .LBB2_43-.Ltmp1, $4  }
0x14: {  	[hbm4b:s5+s2] =	stream.linear.scatter [tilespmem:s13], [sflag:$0x3], $0x40, $0x38;
	[tilespmem:$0x10E00] =	vst v63  }
0x15: {  	_ =	swait.ge [sflag:s14], $0x40  }
0x16: {  	[sflag:s14] =	ssyncset.done $0x0  }
0x17: {  	[sflag:s14] =	ssyncadd.s32 $0xFFFFFFC0  }
.LBB2_1:
0x18: {  	[tilespmem:s7], [sflag:$0x1] =	stream.linear.gather [hbm4b:s3+s2], $0x40, $0x38;
	[tilespmem:$0x10E00] =	vst v63  }
.Ltmp2:
0x19: {  	_ = 	snop;
	(pc) =	sbr.rel .LBB2_2-.Ltmp2, $4  }
0x1a: {  	_ =	swait.ge [sflag:s8], $0x40  }
0x1b: {  	[sflag:s8] =	ssyncset.done $0x0  }
0x1c: {  	s16 =	simm.s32 $0x0;
	[sflag:s8] =	ssyncadd.s32 $0xFFFFFFC0  }
0x1d: {  	[tilespmem:s2], [sflag:$0x1] =	stream.linear.gather [hbm4b:s4+s2], $0x8000, $0x38;
	[tilespmem:$0x10E00] =	vst v63  }
.LBB2_41:
0x1e: {  	p0 =	sne.s32 s16, $0x8  }
.Ltmp3:
0x1f: {  	_ = 	snop;
	(pc) =	sbr.rel @!p0 .LBB2_42-.Ltmp3, $4  }
0x20: {  	vm0 =	vgt.s32 v10, $0xFFFFFFFF  }
0x21: {  	s17 =	sshll.u32 s17, $0x3;
	v11 =	vsel vm0, $0xFFFFFFFF, v9  }
0x22: {  	s17 =	sand.u32 $0x3FFFFFF8, s17;
	v10 =	vxor.u32 v10, v11  }
0x23: {  	[tilespmem:s17+$0x10D80] =	vst.msk $0xff, v10  }
.LBB2_2:
0x24: {  	p0 =	seq.s32 s16, $0x7  }
.Ltmp4:
0x25: {  	_ = 	snop;
	(pc) =	sbr.rel @p0 .LBB2_5-.Ltmp4, $2  }
0x26: {  	_ =	sdelay $0x2  }
0x27: {  	s17 =	smov.u32 s16;
	s16 =	sadd.s32 $0x1, s16  }
0x28: {  	s18 =	sand.u32 $0x1, s17  }
0x29: {  	p0 =	seq.s32 s18, $0x0  }
.Ltmp5:
0x2a: {  	_ = 	snop;
	(pc) =	sbr.rel @!p0 .LBB2_4-.Ltmp5, $3  }
0x2b: {  	_ =	sdelay $0x1  }
0x2c: {  	s31 =	sshll.u32 s16, $0xC  }
0x2d: {  	s18 =	sadd.s32 s4, s31  }
0x2e: {  	s19 =	sshll.u32 s17, $0x3  }
0x2f: {  	v10 =	vor.u32 s19, v2  }
0x30: {  	[tilespmem:s10], [sflag:$0x2] =	stream.linear.gather [hbm4b:s18+s2], $0x8000, $0x38;
	[tilespmem:$0x10E00] =	vst v63  }
0x31: {  	_ =	swait.ge [sflag:s8], $0x8000  }
0x32: {  	[sflag:s8] =	ssyncset.done $0x0  }
0x33: {  	s18 =	simm.s32 $0x10040;
	[sflag:s8] =	ssyncadd.s32 $0xFFFF8000  }
0x34: {  	v10 =	vld.idx.msk [tilespmem:v10+s7+$0x0], $0xffff;
	[tilespmem:s18+$0xFFFFFFC0] =	vst v4  }
0x35: {  	[tilespmem:s18+$0x30] =	vst v4  }
0x36: {  	[tilespmem:s18+$0x20] =	vst v4  }
0x37: {  	[tilespmem:s18+$0x10] =	vst v4  }
0x38: {  	[tilespmem:s18+$0x0] =	vst v4  }
0x39: {  	[tilespmem:s18+$0xFFFFFFF0] =	vst v4  }
0x3a: {  	s19 =	simm.s32 $0x0;
	[tilespmem:s18+$0xFFFFFFE0] =	vst v4  }
.LBB2_21:
0x3b: {  	s19 =	sadd.s32 $0x8, s19;
	[tilespmem:s18+$0xFFFFFFD0] =	vst v4;
	s18 =	sadd.s32 $0x80, s18  }
0x3c: {  	[tilespmem:s18+$0xFFFFFFC0] =	vst v4;
	p0 =	slt.u32 s19, $0x58  }
0x3d: {  	[tilespmem:s18+$0x30] =	vst v4  }
.Ltmp6:
0x3e: {  	[tilespmem:s18+$0x20] =	vst v4;
	(pc) =	sbr.rel @p0 .LBB2_21-.Ltmp6, $4  }
0x3f: {  	[tilespmem:s18+$0x10] =	vst v4  }
0x40: {  	[tilespmem:s18+$0x0] =	vst v4  }
0x41: {  	[tilespmem:s18+$0xFFFFFFF0] =	vst v4  }
0x42: {  	[tilespmem:s18+$0xFFFFFFE0] =	vst v4  }
0x43: {  	[tilespmem:s18+$0xFFFFFFD0] =	vst v4;
	s18 =	simm.s32 $0x0;
	s19 =	simm.s32 $0x0  }
.LBB2_23:
0x44: {  	p0 =	sne.s32 s19, $0x40  }
.Ltmp7:
0x45: {  	_ = 	snop;
	(pc) =	sbr.rel @p0 .LBB2_23-.Ltmp7, $3  }
0x46: {  	_ =	sdelay $0x1  }
0x47: {  	s20 =	sshra.s32 s19, $0x2  }
0x48: {  	s19 =	sadd.s32 $0x40, s19;
	[tilespmem:s20+$0x10600] =	vst v4  }
0x49: {  	v15 =	vimm.s32 $0x0;
	s19 =	simm.s32 $0x2;
	s20 =	simm.s32 $0x4;
	s21 =	simm.s32 $0x6;
	v22 =	vadd.s32 s18, v1  }
0x4a: {  	s22 =	simm.s32 $0x7;
	s28 =	simm.s32 $0xB;
	v11 =	vadd.s32 s19, v1;
	v12 =	vadd.s32 s20, v1;
	v13 =	vadd.s32 s21, v1  }
0x4b: {  	s29 =	simm.s32 $0xD;
	vm0 =	vlt.s32 v15, $0x2F;
	v23 =	vadd.s32 s22, v1;
	v61 =	vadd.s32 s28, v1  }
0x4c: {  	v32 =	vadd.s32 s29, v1;
	v14 =	vand.u32 $0x780, v11;
	v11 =	vand.u32 $0x7F, v11  }
0x4d: {  	v16 =	vand.u32 $0x780, v12;
	v12 =	vand.u32 $0x7F, v12;
	v14 =	vshll.u32 v14, $0x3  }
0x4e: {  	s20 =	simm.s32 $0x3;
	v17 =	vand.u32 $0x780, v13;
	v13 =	vand.u32 $0x7F, v13;
	v14 =	vor.u32 v5, v14  }
0x4f: {  	s21 =	simm.s32 $0x5;
	v18 =	vadd.s32 s20, v1;
	v11 =	vor.u32 v11, v14;
	v14 =	vshll.u32 v17, $0x3  }
0x50: {  	s31 =	simm.s32 $0x1;
	v19 =	vadd.s32 s21, v1;
	v24 =	vand.u32 $0x780, v23;
	v14 =	vor.u32 v5, v14  }
0x51: {  	v31 =	vand.u32 $0x780, v61;
	v13 =	vor.u32 v13, v14;
	v14 =	vadd.s32 s31, v1  }
0x52: {  	v16 =	vshll.u32 v16, $0x3;
	v20 =	vand.u32 $0x780, v18;
	v17 =	vand.u32 $0x780, v14  }
0x53: {  	v16 =	vor.u32 v5, v16;
	v11 =	vor.u32 v6, v11;
	v17 =	vshll.u32 v17, $0x3  }
0x54: {  	v12 =	vor.u32 v12, v16;
	v14 =	vand.u32 $0x7F, v14;
	v17 =	vor.u32 v5, v17  }
0x55: {  	v12 =	vor.u32 v6, v12;
	v14 =	vor.u32 v14, v17;
	v17 =	vand.u32 $0x780, v22  }
0x56: {  	v21 =	vand.u32 $0x780, v19;
	v18 =	vand.u32 $0x7F, v18;
	v17 =	vshll.u32 v17, $0x3  }
0x57: {  	v20 =	vshll.u32 v20, $0x3;
	v22 =	vand.u32 $0x7F, v22;
	v17 =	vor.u32 v5, v17  }
0x58: {  	v21 =	vshll.u32 v21, $0x3;
	v20 =	vor.u32 v5, v20;
	v25 =	vld.idx.msk [tilespmem:v11+s2+$0x0], $0xffff;
	v11 =	vor.u32 v22, v17  }
0x59: {  	v16 =	vnsel vm0, $0x2F, v15;
	v18 =	vor.u32 v18, v20;
	v11 =	vor.u32 v6, v11  }
0x5a: {  	v21 =	vor.u32 v5, v21;
	v18 =	vor.u32 v6, v18;
	v13 =	vor.u32 v6, v13;
	v26 =	vld.idx.msk [tilespmem:v12+s2+$0x0], $0xffff  }
0x5b: {  	v14 =	vor.u32 v6, v14;
	v17 =	vand.u32 $0x7F, v19;
	v19 =	vshll.u32 v24, $0x3  }
0x5c: {  	s24 =	simm.s32 $0xC;
	v22 =	vand.u32 $0x7F, v23;
	v19 =	vor.u32 v5, v19;
	v17 =	vor.u32 v17, v21  }
0x5d: {  	s23 =	simm.s32 $0xA;
	s25 =	simm.s32 $0xE;
	v21 =	vadd.s32 s24, v1;
	v19 =	vor.u32 v22, v19;
	v20 =	vor.u32 v6, v17  }
0x5e: {  	vm1 =	vge.f32 v25, v10;
	v17 =	vadd.s32 s23, v1;
	v22 =	vadd.s32 s25, v1;
	v23 =	vld.idx.msk [tilespmem:v11+s2+$0x0], $0xffff  }
0x5f: {  	v24 =	vld.idx.msk [tilespmem:v13+s2+$0x0], $0xffff;
	vm2 =	vge.f32 v26, v10;
	v19 =	vor.u32 v6, v19;
	v13 =	vand.u32 $0x7F, v17  }
0x60: {  	v28 =	vsel vm1, $0x1, v0;
	v11 =	vand.u32 $0x780, v17;
	v17 =	vand.u32 $0x780, v21  }
0x61: {  	v29 =	vsel vm2, $0x1, v0;
	v11 =	vshll.u32 v11, $0x3;
	v17 =	vshll.u32 v17, $0x3  }
0x62: {  	v21 =	vand.u32 $0x7F, v21;
	v11 =	vor.u32 v5, v11;
	v12 =	vor.u32 v5, v17  }
0x63: {  	v11 =	vor.u32 v13, v11;
	v12 =	vor.u32 v21, v12;
	vm3 =	vge.f32 v23, v10  }
0x64: {  	v27 =	vor.u32 v6, v11;
	v11 =	vor.u32 v6, v12;
	v12 =	vsel vm3, $0x1, v0  }
0x65: {  	v17 =	vand.u32 $0x780, v22;
	v21 =	vadd.s32 v3, v16;
	v12 =	vadd.s32 v12, v15  }
0x66: {  	vm0 =	vge.f32 v24, v10;
	v13 =	vshll.u32 v17, $0x3;
	vm4 =	vlt.s32 v12, $0x2F  }
0x67: {  	v17 =	vand.u32 $0x7F, v22;
	v28 =	vadd.s32 v28, v12;
	v12 =	vnsel vm4, $0x2F, v12  }
0x68: {  	v22 =	vsel vm0, $0x1, v0;
	vm12 =	vlt.s32 v28, $0x2F;
	v30 =	vadd.s32 v3, v12  }
0x69: {  	s26 =	simm.s32 $0x9;
	v13 =	vor.u32 v5, v13;
	v29 =	vadd.s32 v29, v28;
	v28 =	vnsel vm12, $0x2F, v28  }
0x6a: {  	v12 =	vadd.s32 v22, v29;
	v22 =	vadd.s32 v3, v28;
	[tilespmem:v21+s11+$0x0] =	vst.idx.msk vm3, v23;
	v21 =	vadd.s32 s26, v1  }
0x6b: {  	v16 =	vadd.s32 v7, v16;
	v17 =	vor.u32 v17, v13;
	v60 =	vld.idx.msk [tilespmem:v14+s2+$0x0], $0xffff;
	v14 =	vand.u32 $0x780, v21  }
0x6c: {  	v17 =	vor.u32 v6, v17;
	vm13 =	vlt.s32 v29, $0x2F;
	v14 =	vshll.u32 v14, $0x3  }
0x6d: {  	v59 =	vnsel vm13, $0x2F, v29;
	v21 =	vand.u32 $0x7F, v21;
	v14 =	vor.u32 v5, v14;
	[tilespmem:v30+s11+$0x0] =	vst.idx.msk vm1, v25  }
0x6e: {  	v23 =	vadd.s32 v3, v59;
	v25 =	vshll.u32 v31, $0x3;
	v21 =	vor.u32 v21, v14;
	v30 =	vld.idx.msk [tilespmem:v18+s2+$0x0], $0xffff  }
0x6f: {  	[tilespmem:v22+s11+$0x0] =	vst.idx.msk vm2, v26;
	v18 =	vand.u32 $0x7F, v61;
	v22 =	vor.u32 v5, v25;
	v25 =	vand.u32 $0x780, v32  }
0x70: {  	s30 =	simm.s32 $0xF;
	v14 =	vld.idx.msk [tilespmem:v20+s2+$0x0], $0xffff;
	v22 =	vor.u32 v18, v22;
	vm1 =	vge.f32 v60, v10;
	v18 =	vshll.u32 v25, $0x3  }
0x71: {  	v20 =	vand.u32 $0x7F, v32;
	v25 =	vadd.s32 s30, v1;
	v18 =	vor.u32 v5, v18  }
0x72: {  	v26 =	vsel vm1, $0x1, v0;
	v20 =	vor.u32 v20, v18;
	v18 =	vand.u32 $0x780, v25  }
0x73: {  	s31 =	simm.s32 $0x8;
	[tilespmem:v23+s11+$0x0] =	vst.idx.msk vm0, v24;
	v25 =	vand.u32 $0x7F, v25;
	v15 =	vadd.s32 v26, v15;
	vm3 =	vge.f32 v30, v10  }
0x74: {  	v62 =	vshll.u32 v18, $0x3;
	v18 =	vld.idx.msk [tilespmem:v19+s2+$0x0], $0xffff;
	v19 =	vadd.s32 s31, v1;
	v23 =	vsel vm3, $0x1, v0  }
0x75: {  	vm2 =	vlt.s32 v15, $0x2F;
	vm0 =	vge.f32 v14, v10;
	v26 =	vadd.s32 v23, v15  }
0x76: {  	v23 =	vand.u32 $0x780, v19;
	v19 =	vand.u32 $0x7F, v19;
	v15 =	vnsel vm2, $0x2F, v15  }
0x77: {  	v23 =	vshll.u32 v23, $0x3;
	v63 =	vadd.s32 v7, v15;
	vm2 =	vlt.s32 v26, $0x2F  }
0x78: {  	v15 =	vor.u32 v5, v23;
	v23 =	vor.u32 v5, v62;
	v24 =	vnsel vm2, $0x2F, v26  }
0x79: {  	v15 =	vor.u32 v19, v15;
	v19 =	vor.u32 v25, v23;
	v23 =	vadd.s32 v7, v24  }
0x7a: {  	v24 =	vor.u32 v6, v15;
	v15 =	vor.u32 v6, v19;
	v19 =	vor.u32 v6, v20;
	v20 =	vld.idx.msk [tilespmem:v27+s2+$0x0], $0xffff  }
0x7b: {  	vm2 =	vge.f32 v18, v10;
	v25 =	vsel vm0, $0x1, v0  }
0x7c: {  	vm14 =	vlt.s32 v12, $0x2F;
	v25 =	vadd.s32 v25, v26;
	v26 =	vsel vm2, $0x1, v0  }
0x7d: {  	v13 =	vnsel vm14, $0x2F, v12;
	[tilespmem:v16+s11+$0x0] =	vst.idx.msk vm1, v60;
	vm15 =	vlt.s32 v25, $0x2F;
	v16 =	vadd.s32 v26, v25  }
0x7e: {  	s18 =	simm.s32 $0x4;
	s19 =	simm.s32 $0x10;
	v22 =	vor.u32 v6, v22;
	[tilespmem:v63+s11+$0x0] =	vst.idx.msk vm3, v30;
	vm1 =	vlt.s32 v16, $0x2F;
	v25 =	vnsel vm15, $0x2F, v25  }
.LBB2_25:
0x7f: {  	s20 =	sadd.s32 $0x2, s19;
	s21 =	sadd.s32 $0x4, s19;
	s22 =	sadd.s32 $0x6, s19;
	v21 =	vor.u32 v6, v21;
	vm3 =	vge.f32 v20, v10;
	v26 =	vld.idx.msk [tilespmem:v17+s2+$0x0], $0xffff;
	v17 =	vadd.s32 v7, v25  }
0x80: {  	s18 =	sadd.s32 $0x4, s18;
	v25 =	vadd.s32 s20, v1;
	v27 =	vadd.s32 s21, v1;
	v28 =	vadd.s32 s22, v1;
	v24 =	vld.idx.msk [tilespmem:v24+s2+$0x0], $0xffff  }
0x81: {  	p0 =	slt.u32 s18, $0x3FC;
	v29 =	vand.u32 $0x780, v25;
	v25 =	vand.u32 $0x7F, v25;
	v30 =	vand.u32 $0x780, v27  }
0x82: {  	v27 =	vand.u32 $0x7F, v27;
	v29 =	vshll.u32 v29, $0x3;
	v30 =	vshll.u32 v30, $0x3;
	v31 =	vld.idx.msk [tilespmem:v11+s2+$0x0], $0xffff  }
0x83: {  	v11 =	vor.u32 v5, v29;
	v29 =	vor.u32 v5, v30;
	v30 =	vand.u32 $0x780, v28;
	[tilespmem:v23+s11+$0x0] =	vst.idx.msk vm0, v14  }
0x84: {  	v11 =	vor.u32 v25, v11;
	v14 =	vor.u32 v27, v29;
	v23 =	vshll.u32 v30, $0x3;
	[tilespmem:v17+s11+$0x0] =	vst.idx.msk vm2, v18  }
0x85: {  	v25 =	vor.u32 v6, v11;
	v11 =	vor.u32 v6, v14;
	v14 =	vor.u32 v5, v23  }
0x86: {  	v17 =	vand.u32 $0x7F, v28;
	vm0 =	vge.f32 v26, v10;
	vm4 =	vge.f32 v24, v10  }
0x87: {  	v13 =	vadd.s32 v3, v13;
	v23 =	vsel vm0, $0x1, v0;
	v18 =	vsel vm4, $0x1, v0  }
0x88: {  	v12 =	vadd.s32 v18, v12;
	v18 =	vsel vm3, $0x1, v0;
	vm2 =	vge.f32 v31, v10  }
0x89: {  	vm5 =	vlt.s32 v12, $0x2F;
	v18 =	vadd.s32 v18, v12;
	v27 =	vsel vm2, $0x1, v0  }
0x8a: {  	v12 =	vnsel vm5, $0x2F, v12;
	vm5 =	vlt.s32 v18, $0x2F;
	v27 =	vadd.s32 v27, v18  }
0x8b: {  	v28 =	vadd.s32 v3, v12;
	v12 =	vnsel vm5, $0x2F, v18;
	vm5 =	vlt.s32 v27, $0x2F  }
0x8c: {  	v18 =	vadd.s32 v3, v12;
	v12 =	vadd.s32 v23, v27;
	[tilespmem:v13+s11+$0x0] =	vst.idx.msk vm4, v24;
	v13 =	vnsel vm5, $0x2F, v27  }
0x8d: {  	s20 =	sadd.s32 $0x1, s19;
	v14 =	vor.u32 v17, v14;
	vm4 =	vlt.s32 v12, $0x2F;
	v23 =	vld.idx.msk [tilespmem:v21+s2+$0x0], $0xffff;
	v24 =	vadd.s32 v3, v13  }
0x8e: {  	s21 =	sadd.s32 $0x5, s19;
	v17 =	vor.u32 v6, v14;
	v13 =	vnsel vm4, $0x2F, v12;
	v21 =	vadd.s32 s20, v1;
	s20 =	sadd.s32 $0x3, s19  }
0x8f: {  	v29 =	vadd.s32 s21, v1;
	v14 =	vand.u32 $0x780, v21;
	v27 =	vadd.s32 s20, v1  }
0x90: {  	v32 =	vand.u32 $0x780, v29;
	v14 =	vshll.u32 v14, $0x3;
	v30 =	vand.u32 $0x780, v27;
	[tilespmem:v28+s11+$0x0] =	vst.idx.msk vm3, v20  }
0x91: {  	v20 =	vand.u32 $0x7F, v21;
	v14 =	vor.u32 v5, v14;
	v28 =	vshll.u32 v30, $0x3;
	v22 =	vld.idx.msk [tilespmem:v22+s2+$0x0], $0xffff;
	[tilespmem:v18+s11+$0x0] =	vst.idx.msk vm2, v31  }
0x92: {  	v21 =	vor.u32 v20, v14;
	v18 =	vand.u32 $0x7F, v27;
	v20 =	vor.u32 v5, v28;
	v14 =	vld.idx.msk [tilespmem:v19+s2+$0x0], $0xffff  }
0x93: {  	v27 =	vor.u32 v18, v20;
	vm2 =	vge.f32 v23, v10;
	v18 =	vnsel vm1, $0x2F, v16  }
0x94: {  	s20 =	sadd.s32 $0x7, s19;
	v19 =	vshll.u32 v32, $0x3;
	v20 =	vadd.s32 v7, v18;
	v18 =	vsel vm2, $0x1, v0  }
0x95: {  	v28 =	vand.u32 $0x7F, v29;
	v29 =	vadd.s32 s20, v1;
	v19 =	vor.u32 v5, v19  }
0x96: {  	v19 =	vor.u32 v28, v19;
	v28 =	vand.u32 $0x780, v29  }
0x97: {  	v29 =	vand.u32 $0x7F, v29;
	v28 =	vshll.u32 v28, $0x3;
	vm1 =	vge.f32 v22, v10;
	[tilespmem:v24+s11+$0x0] =	vst.idx.msk vm0, v26  }
0x98: {  	v16 =	vadd.s32 v18, v16;
	v24 =	vsel vm1, $0x1, v0;
	vm0 =	vge.f32 v14, v10;
	v18 =	vld.idx.msk [tilespmem:v15+s2+$0x0], $0xffff  }
0x99: {  	v15 =	vadd.s32 s19, v1;
	v26 =	vadd.s32 v24, v16;
	[tilespmem:v20+s11+$0x0] =	vst.idx.msk vm2, v23;
	vm2 =	vlt.s32 v16, $0x2F  }
0x9a: {  	v20 =	vand.u32 $0x780, v15;
	v15 =	vand.u32 $0x7F, v15;
	v16 =	vnsel vm2, $0x2F, v16  }
0x9b: {  	v20 =	vshll.u32 v20, $0x3;
	vm2 =	vlt.s32 v26, $0x2F;
	v16 =	vadd.s32 v7, v16  }
0x9c: {  	v24 =	vor.u32 v5, v28;
	v23 =	vor.u32 v5, v20;
	v20 =	vld.idx.msk [tilespmem:v25+s2+$0x0], $0xffff;
	v25 =	vnsel vm2, $0x2F, v26  }
.Ltmp8:
0x9d: {  	v28 =	vor.u32 v29, v24;
	v15 =	vor.u32 v15, v23;
	v23 =	vadd.s32 v7, v25;
	(pc) =	sbr.rel @p0 .LBB2_25-.Ltmp8, $4  }
0x9e: {  	v24 =	vor.u32 v6, v15;
	v25 =	vsel vm0, $0x1, v0;
	vm2 =	vge.f32 v18, v10  }
0x9f: {  	v15 =	vor.u32 v6, v28;
	v25 =	vadd.s32 v25, v26;
	v26 =	vsel vm2, $0x1, v0  }
0xa0: {  	v19 =	vor.u32 v6, v19;
	vm3 =	vlt.s32 v25, $0x2F;
	[tilespmem:v16+s11+$0x0] =	vst.idx.msk vm1, v22;
	v16 =	vadd.s32 v26, v25  }
0xa1: {  	s19 =	sadd.s32 $0x8, s19;
	v22 =	vor.u32 v6, v27;
	v25 =	vnsel vm3, $0x2F, v25;
	vm1 =	vlt.s32 v16, $0x2F  }
0xa2: {  	_ =	sdelay $0x3  }
0xa3: {  	v24 =	vld.idx.msk [tilespmem:v24+s2+$0x0], $0xffff;
	_ =	sdelay $0x4  }
0xa4: {  	v11 =	vld.idx.msk [tilespmem:v11+s2+$0x0], $0xffff;
	vm3 =	vge.f32 v24, v10  }
0xa5: {  	vm4 =	vge.f32 v20, v10;
	v26 =	vsel vm3, $0x1, v0  }
0xa6: {  	v63 =	vsel vm4, $0x1, v0;
	v12 =	vadd.s32 v26, v12  }
0xa7: {  	v21 =	vor.u32 v6, v21;
	vm5 =	vlt.s32 v12, $0x2F;
	v26 =	vadd.s32 v63, v12  }
0xa8: {  	v17 =	vld.idx.msk [tilespmem:v17+s2+$0x0], $0xffff;
	v13 =	vadd.s32 v3, v13;
	v12 =	vnsel vm5, $0x2F, v12;
	vm15 =	vlt.s32 v26, $0x2F  }
0xa9: {  	vm6 =	vge.f32 v11, v10;
	v12 =	vadd.s32 v3, v12;
	v27 =	vnsel vm15, $0x2F, v26  }
0xaa: {  	v28 =	vsel vm6, $0x1, v0;
	v27 =	vadd.s32 v3, v27  }
0xab: {  	v26 =	vadd.s32 v28, v26  }
0xac: {  	vm8 =	vlt.s32 v26, $0x2F  }
0xad: {  	[tilespmem:v13+s11+$0x0] =	vst.idx.msk vm3, v24;
	vm3 =	vge.f32 v17, v10;
	v13 =	vnsel vm8, $0x2F, v26  }
0xae: {  	v13 =	vadd.s32 v3, v13;
	[tilespmem:v12+s11+$0x0] =	vst.idx.msk vm4, v20;
	v12 =	vld.idx.msk [tilespmem:v21+s2+$0x0], $0xffff  }
0xaf: {  	v20 =	vld.idx.msk [tilespmem:v22+s2+$0x0], $0xffff;
	[tilespmem:v27+s11+$0x0] =	vst.idx.msk vm6, v11  }
0xb0: {  	v11 =	vld.idx.msk [tilespmem:v19+s2+$0x0], $0xffff;
	_ =	sdelay $0x2  }
0xb1: {  	v21 =	vnsel vm1, $0x2F, v16;
	v19 =	vadd.s32 v7, v25;
	[tilespmem:v13+s11+$0x0] =	vst.idx.msk vm3, v17;
	vm9 =	vge.f32 v12, v10  }
0xb2: {  	v13 =	vadd.s32 v7, v21;
	v15 =	vld.idx.msk [tilespmem:v15+s2+$0x0], $0xffff;
	v17 =	vsel vm9, $0x1, v0;
	vm10 =	vge.f32 v20, v10  }
0xb3: {  	v16 =	vadd.s32 v17, v16;
	v17 =	vsel vm10, $0x1, v0;
	vm11 =	vge.f32 v11, v10  }
0xb4: {  	vm12 =	vlt.s32 v16, $0x2F;
	v17 =	vadd.s32 v17, v16;
	v21 =	vsel vm11, $0x1, v0  }
0xb5: {  	v16 =	vnsel vm12, $0x2F, v16;
	vm13 =	vlt.s32 v17, $0x2F;
	v21 =	vadd.s32 v21, v17  }
0xb6: {  	v16 =	vadd.s32 v7, v16;
	v17 =	vnsel vm13, $0x2F, v17;
	vm14 =	vlt.s32 v21, $0x2F  }
0xb7: {  	vm15 =	vge.f32 v15, v10;
	v17 =	vadd.s32 v7, v17;
	v22 =	vnsel vm14, $0x2F, v21  }
0xb8: {  	[tilespmem:v23+s11+$0x0] =	vst.idx.msk vm0, v14;
	v14 =	vadd.s32 v7, v22  }
0xb9: {  	[tilespmem:v19+s11+$0x0] =	vst.idx.msk vm2, v18  }
0xba: {  	[tilespmem:v13+s11+$0x0] =	vst.idx.msk vm9, v12  }
0xbb: {  	[tilespmem:v16+s11+$0x0] =	vst.idx.msk vm10, v20  }
0xbc: {  	[tilespmem:v17+s11+$0x0] =	vst.idx.msk vm11, v11  }
0xbd: {  	s20 =	simm.s32 $0x10040;
	[tilespmem:v14+s11+$0x0] =	vst.idx.msk vm15, v15  }
0xbe: {  	v20 =	vld [tilespmem:s20+$0x30]  }
0xbf: {  	v19 =	vld [tilespmem:s20+$0xFFFFFFD0]  }
0xc0: {  	p0 =	por $0x1, $0x1;
	v18 =	vld [tilespmem:s20+$0xFFFFFFE0]  }
.Ltmp9:
0xc1: {  	v17 =	vld [tilespmem:s20+$0xFFFFFFF0];
	(pc) =	sbr.rel @!p0 .LBB2_28-.Ltmp9, $4  }
0xc2: {  	v12 =	vsel vm15, $0x1, v0;
	v15 =	vld [tilespmem:s20+$0x0]  }
0xc3: {  	v12 =	vadd.s32 v12, v21;
	v11 =	vsel vm3, $0x1, v0;
	v13 =	vld [tilespmem:s20+$0x10];
	v16 =	vshra.s32 v20, $0x1F  }
0xc4: {  	v11 =	vadd.s32 v11, v26;
	v14 =	vld [tilespmem:s20+$0x20];
	v21 =	vshra.s32 v19, $0x1F;
	v23 =	vor.u32 $0x80000000, v16  }
0xc5: {  	s18 =	simm.s32 $0x106C0;
	s19 =	simm.s32 $0x0;
	v22 =	vshra.s32 v18, $0x1F;
	v16 =	vld [tilespmem:s20+$0xFFFFFFC0];
	v21 =	vor.u32 $0x80000000, v21;
	s20 =	simm.s32 $0x100C0;
	v20 =	vxor.u32 v20, v23  }
.LBB2_27:
0xc6: {  	v23 =	vld [tilespmem:s20+$0x30];
	s19 =	sadd.s32 $0x8, s19;
	v21 =	vxor.u32 v19, v21;
	v22 =	vor.u32 $0x80000000, v22;
	v24 =	vshra.s32 v17, $0x1F;
	[tilespmem:s18+$0x30] =	vst v20  }
0xc7: {  	v19 =	vld [tilespmem:s20+$0xFFFFFFD0];
	p0 =	slt.u32 s19, $0x58;
	[tilespmem:s18+$0xFFFFFFD0] =	vst v21;
	v20 =	vxor.u32 v18, v22;
	v21 =	vor.u32 $0x80000000, v24;
	v22 =	vshra.s32 v15, $0x1F  }
0xc8: {  	v18 =	vld [tilespmem:s20+$0xFFFFFFE0];
	[tilespmem:s18+$0xFFFFFFE0] =	vst v20;
	v20 =	vxor.u32 v17, v21;
	v21 =	vor.u32 $0x80000000, v22;
	v22 =	vshra.s32 v13, $0x1F  }
.Ltmp10:
0xc9: {  	v17 =	vld [tilespmem:s20+$0xFFFFFFF0];
	[tilespmem:s18+$0xFFFFFFF0] =	vst v20;
	v20 =	vxor.u32 v15, v21;
	v21 =	vor.u32 $0x80000000, v22;
	v22 =	vshra.s32 v14, $0x1F;
	(pc) =	sbr.rel @p0 .LBB2_27-.Ltmp10, $4  }
0xca: {  	v15 =	vld [tilespmem:s20+$0x0];
	v24 =	vshra.s32 v16, $0x1F;
	[tilespmem:s18+$0x0] =	vst v20;
	v20 =	vxor.u32 v13, v21;
	v21 =	vor.u32 $0x80000000, v22  }
0xcb: {  	v13 =	vld [tilespmem:s20+$0x10];
	v22 =	vshra.s32 v23, $0x1F;
	v24 =	vor.u32 $0x80000000, v24;
	[tilespmem:s18+$0x10] =	vst v20;
	v20 =	vxor.u32 v14, v21  }
0xcc: {  	v21 =	vshra.s32 v19, $0x1F;
	v14 =	vld [tilespmem:s20+$0x20];
	v25 =	vor.u32 $0x80000000, v22;
	v24 =	vxor.u32 v16, v24;
	[tilespmem:s18+$0x20] =	vst v20  }
0xcd: {  	v16 =	vld [tilespmem:s20+$0xFFFFFFC0];
	v21 =	vor.u32 $0x80000000, v21;
	v22 =	vshra.s32 v18, $0x1F;
	v20 =	vxor.u32 v23, v25;
	s20 =	sadd.s32 $0x80, s20;
	[tilespmem:s18+$0xFFFFFFC0] =	vst v24;
	s18 =	sadd.s32 $0x80, s18  }
.LBB2_28:
0xce: {  	v19 =	vxor.u32 v19, v21;
	v53 =	vor.u32 $0x80000000, v22;
	v54 =	vshra.s32 v17, $0x1F;
	[tilespmem:s18+$0x30] =	vst v20  }
0xcf: {  	[tilespmem:s18+$0xFFFFFFD0] =	vst v19;
	v18 =	vxor.u32 v18, v53;
	v55 =	vor.u32 $0x80000000, v54;
	v56 =	vshra.s32 v15, $0x1F  }
0xd0: {  	[tilespmem:s18+$0xFFFFFFE0] =	vst v18;
	v57 =	vxor.u32 v17, v55;
	v58 =	vor.u32 $0x80000000, v56;
	v59 =	vshra.s32 v13, $0x1F  }
0xd1: {  	[tilespmem:s18+$0xFFFFFFF0] =	vst v57;
	v15 =	vxor.u32 v15, v58;
	v60 =	vor.u32 $0x80000000, v59;
	v61 =	vshra.s32 v14, $0x1F  }
0xd2: {  	v62 =	vshra.s32 v16, $0x1F;
	[tilespmem:s18+$0x0] =	vst v15;
	v13 =	vxor.u32 v13, v60;
	v15 =	vor.u32 $0x80000000, v61  }
0xd3: {  	v63 =	vor.u32 $0x80000000, v62;
	[tilespmem:s18+$0x10] =	vst v13;
	v13 =	vxor.u32 v14, v15  }
0xd4: {  	v14 =	vxor.u32 v16, v63;
	[tilespmem:s18+$0x20] =	vst v13  }
0xd5: {  	s19 =	simm.s32 $0x0;
	[tilespmem:s18+$0xFFFFFFC0] =	vst v14  }
.LBB2_29:
0xd6: {  	s18 =	sshra.s32 s19, $0x2  }
0xd7: {  	v13 =	vld [tilespmem:s18+$0x10600];
	_ =	sdelay $0x2  }
0xd8: {  	p0 =	sne.s32 s19, $0x40  }
.Ltmp11:
0xd9: {  	_ = 	snop;
	(pc) =	sbr.rel @p0 .LBB2_29-.Ltmp11, $4  }
0xda: {  	v14 =	vshra.s32 v13, $0x1F  }
0xdb: {  	v14 =	vor.u32 $0x80000000, v14  }
0xdc: {  	v13 =	vxor.u32 v13, v14  }
0xdd: {  	s19 =	sadd.s32 $0x40, s19;
	[tilespmem:s18+$0x10C80] =	vst v13  }
0xde: {  	v11 =	vxor.u32 $0x80000000, v11  }
0xdf: {  	(xrf0) =	vmax.scan.msk.u32 $0xffff, v11;
	v11 =	vxor.u32 $0x80000000, v12  }
0xe0: {  	(xrf0) =	vmax.scan.msk.u32 $0xffff, v11;
	_ =	sdelay $0x4  }
0xe1: {  	v11, _, _ =	vpop (xrf0)  }
0xe2: {  	(v2sf) =	vpush v11, $0xF;
	v11, _, _ =	vpop (xrf0)  }
0xe3: {  	(v2sf) =	vpush v11, $0xF;
	_ =	sdelay $0xd  }
0xe4: {  	s18 =	spop (v2sf)  }
0xe5: {  	s19 =	spop (v2sf)  }
0xe6: {  	s20 =	sxor.u32 $0x80000000, s18;
	s18 =	sxor.u32 $0x80000000, s19  }
0xe7: {  	p0 =	sgt.s32 s20, s18  }
0xe8: {  	s18 =	smov.u32 @p0 s20  }
0xe9: {  	p0 =	sgt.s32 s18, $0x30  }
.Ltmp12:
0xea: {  	_ = 	snop;
	(pc) =	sbr.rel @p0 .LBB2_31-.Ltmp12, $4  }
0xeb: {  	_ = 	snop  }
0xec: {  	v11 =	vshra.s32 v10, $0x1F  }
0xed: {  	v11 =	vor.u32 $0x80000000, v11  }
0xee: {  	v10 =	vxor.u32 v10, v11;
	v11 =	vimm.s32 $0xFF7FFFFF;
	s19 =	simm.s32 $0x0  }
.Ltmp13:
0xef: {  	s19 =	sshra.s32 s18, $0x1F;
	(pc) =	sbr.rel .LBB2_36-.Ltmp13, $4  }
0xf0: {  	s19 =	sshrl.u32 s19, $0x1E  }
0xf1: {  	s19 =	sadd.s32 s19, s18  }
0xf2: {  	s21 =	simm.s32 $0x0;
	s19 =	sand.u32 $0xFFFFFFFC, s19  }
0xf3: {  	v11 =	vimm.s32 $0xFF7FFFFF;
	s20 =	ssub.s32 s19, s18;
	p0 =	slt.s32 s19, $0x1;
	p1 =	sge.s32 s19, s18  }
.LBB2_40:
0xf4: {  	s21 =	sadd.s32 $0x1, s21  }
0xf5: {  	p2 =	seq.s32 s21, $0x20  }
.Ltmp14:
0xf6: {  	v14 =	vperm.xlane v13, v8;
	(pc) =	sbr.rel @p2 .LBB2_41-.Ltmp14, $4  }
0xf7: {  	_ = 	snop  }
0xf8: {  	v13 =	vadd.s32 v13, v14  }
0xf9: {  	v63 =	vadd.s32 $0xFFFFFFFF, v12;
	vm0 =	vgt.s32 v13, $0x1F  }
0xfa: {  	v10 =	vsel vm0, v12, v10;
	v11 =	vsel vm0, v11, v63  }
.LBB2_36:
.Ltmp15:
0xfb: {  	(pc) =	sbr.rel @p0 .LBB2_37-.Ltmp15, $4  }
0xfc: {  	v12 =	vsub.s32 v11, v10  }
0xfd: {  	v12 =	vadd.s32 $0x1, v12  }
0xfe: {  	v12 =	vshrl.u32 v12, $0x1  }
0xff: {  	v12 =	vadd.s32 v10, v12  }
0x100: {  	s22 =	simm.s32 $0x0  }
0x101: {  	v14 =	vadd.s32 s22, v3  }
0x102: {  	s30 =	simm.s32 $0x1;
	v15 =	vadd.s32 s22, v7  }
0x103: {  	v17 =	vadd.s32 s30, v3  }
0x104: {  	p3 =	sgt.s32 s19, $0x4;
	v18 =	vadd.s32 s30, v7  }
.Ltmp16:
0x105: {  	_ = 	snop;
	(pc) =	sbr.rel @!p3 .LBB2_45-.Ltmp16, $4  }
0x106: {  	v19 =	vld.idx.msk [tilespmem:v14+s12+$0x0], $0xffff  }
0x107: {  	s31 =	simm.s32 $0x2;
	v16 =	vld.idx.msk [tilespmem:v15+s12+$0x0], $0xffff  }
0x108: {  	v13 =	vimm.s32 $0x0;
	s23 =	simm.s32 $0x3;
	v23 =	vadd.s32 s31, v7;
	v14 =	vld.idx.msk [tilespmem:v17+s12+$0x0], $0xffff  }
0x109: {  	p2 =	por $0x0, $0x0;
	v24 =	vadd.s32 s23, v3;
	v22 =	vadd.s32 s23, v7;
	v21 =	vadd.s32 s31, v3;
	s22 =	simm.s32 $0x4;
	v20 =	vld.idx.msk [tilespmem:v18+s12+$0x0], $0xffff  }
0x10a: {  	_ =	sdelay $0x3  }
0x10b: {  	v21 =	vld.idx.msk [tilespmem:v21+s12+$0x0], $0xffff  }
0x10c: {  	v25 =	vadd.s32 s22, v3;
	v26 =	vadd.s32 s22, v7;
	s31 =	simm.s32 $0x5;
	v23 =	vld.idx.msk [tilespmem:v23+s12+$0x0], $0xffff;
	vm0 =	vge.u32 v19, v12  }
0x10d: {  	v28 =	vadd.s32 s31, v3;
	v19 =	vsel vm0, $0x1, v0;
	vm9 =	vge.u32 v16, v12  }
0x10e: {  	v16 =	vadd.s32 v19, v13;
	v19 =	vsel vm9, $0x1, v0;
	vm10 =	vge.u32 v14, v12  }
0x10f: {  	v14 =	vadd.s32 v19, v16;
	v16 =	vsel vm10, $0x1, v0;
	vm11 =	vge.u32 v20, v12  }
0x110: {  	v24 =	vld.idx.msk [tilespmem:v24+s12+$0x0], $0xffff;
	v14 =	vadd.s32 v16, v14;
	v16 =	vsel vm11, $0x1, v0;
	vm12 =	vge.u32 v21, v12  }
0x111: {  	v22 =	vld.idx.msk [tilespmem:v22+s12+$0x0], $0xffff;
	vm13 =	vge.u32 v23, v12;
	v14 =	vadd.s32 v16, v14;
	v20 =	vsel vm12, $0x1, v0  }
0x112: {  	s23 =	simm.s32 $0x6;
	p3 =	sgt.s32 s19, $0x8;
	v27 =	vadd.s32 s31, v7;
	v21 =	vsel vm13, $0x1, v0;
	v20 =	vadd.s32 v20, v14  }
.Ltmp17:
0x113: {  	v23 =	vadd.s32 v21, v20;
	v21 =	vadd.s32 s23, v3;
	(pc) =	sbr.rel @!p3 .LBB2_47-.Ltmp17, $4  }
0x114: {  	s24 =	simm.s32 $0x7;
	v18 =	vadd.s32 s23, v7;
	v19 =	vld.idx.msk [tilespmem:v25+s12+$0x0], $0xffff  }
0x115: {  	v17 =	vadd.s32 s24, v3;
	vm14 =	vge.u32 v24, v12;
	v16 =	vld.idx.msk [tilespmem:v26+s12+$0x0], $0xffff  }
0x116: {  	v15 =	vadd.s32 s24, v7;
	vm15 =	vge.u32 v22, v12;
	v24 =	vsel vm14, $0x1, v0;
	v14 =	vld.idx.msk [tilespmem:v28+s12+$0x0], $0xffff  }
0x117: {  	s22 =	simm.s32 $0x8;
	p2 =	por $0x1, $0x1;
	v26 =	vsel vm15, $0x1, v0;
	v20 =	vld.idx.msk [tilespmem:v27+s12+$0x0], $0xffff;
	v25 =	vadd.s32 v24, v23  }
.LBB2_48:
0x118: {  	v22 =	vadd.s32 s22, v3;
	v23 =	vadd.s32 s22, v7;
	s23 =	sadd.s32 $0x2, s22;
	s24 =	sadd.s32 $0x3, s22;
	v24 =	vld.idx.msk [tilespmem:v21+s12+$0x0], $0xffff;
	v25 =	vadd.s32 v26, v25  }
0x119: {  	s25 =	sadd.s32 $0x1, s22;
	v26 =	vadd.s32 s24, v3;
	v27 =	vadd.s32 s24, v7;
	v28 =	vld.idx.msk [tilespmem:v18+s12+$0x0], $0xffff;
	v18 =	vadd.s32 s23, v7  }
0x11a: {  	s22 =	sadd.s32 $0x4, s22;
	v29 =	vadd.s32 s25, v7;
	v21 =	vadd.s32 s23, v3;
	vm0 =	vge.u32 v19, v12;
	v30 =	vld.idx.msk [tilespmem:v17+s12+$0x0], $0xffff;
	v17 =	vmovc v26  }
0x11b: {  	p3 =	slt.s32 s22, s19;
	v26 =	vadd.s32 s25, v3;
	v19 =	vsel vm0, $0x1, v0;
	vm0 =	vge.u32 v16, v12;
	v31 =	vld.idx.msk [tilespmem:v15+s12+$0x0], $0xffff;
	v15 =	vmovc v27  }
0x11c: {  	v16 =	vadd.s32 v19, v25;
	v19 =	vsel vm0, $0x1, v0;
	vm0 =	vge.u32 v14, v12  }
0x11d: {  	v14 =	vadd.s32 v19, v16;
	v16 =	vsel vm0, $0x1, v0;
	vm0 =	vge.u32 v20, v12  }
.Ltmp18:
0x11e: {  	v14 =	vadd.s32 v16, v14;
	v16 =	vsel vm0, $0x1, v0;
	vm0 =	vge.u32 v24, v12;
	(pc) =	sbr.rel @p3 .LBB2_48-.Ltmp18, $4  }
0x11f: {  	v14 =	vadd.s32 v16, v14;
	v20 =	vsel vm0, $0x1, v0;
	vm0 =	vge.u32 v28, v12;
	v19 =	vld.idx.msk [tilespmem:v22+s12+$0x0], $0xffff  }
0x120: {  	v20 =	vadd.s32 v20, v14;
	v22 =	vsel vm0, $0x1, v0;
	vm0 =	vge.u32 v30, v12;
	v16 =	vld.idx.msk [tilespmem:v23+s12+$0x0], $0xffff  }
0x121: {  	v22 =	vadd.s32 v22, v20;
	v23 =	vsel vm0, $0x1, v0;
	vm0 =	vge.u32 v31, v12;
	v14 =	vld.idx.msk [tilespmem:v26+s12+$0x0], $0xffff  }
0x122: {  	v25 =	vadd.s32 v23, v22;
	v26 =	vsel vm0, $0x1, v0;
	v20 =	vld.idx.msk [tilespmem:v29+s12+$0x0], $0xffff  }
0x123: {  	v23 =	vmov v18;
	v24 =	vmov v17;
	v22 =	vmov v15  }
.LBB2_50:
0x124: {  	_ =	sdelay $0x3  }
0x125: {  	v15 =	vld.idx.msk [tilespmem:v21+s12+$0x0], $0xffff  }
0x126: {  	v17 =	vadd.s32 @p2 v26, v25;
	v18 =	vld.idx.msk [tilespmem:v23+s12+$0x0], $0xffff;
	vm0 =	vge.u32 v19, v12  }
0x127: {  	v60 =	vld.idx.msk [tilespmem:v24+s12+$0x0], $0xffff;
	v61 =	vsel vm0, $0x1, v0;
	vm9 =	vge.u32 v16, v12;
	v13 =	vpsel p2, v17, v13  }
0x128: {  	v62 =	vld.idx.msk [tilespmem:v22+s12+$0x0], $0xffff;
	v13 =	vadd.s32 v61, v13;
	v63 =	vsel vm9, $0x1, v0;
	vm10 =	vge.u32 v14, v12  }
0x129: {  	v13 =	vadd.s32 v63, v13;
	v14 =	vsel vm10, $0x1, v0;
	vm11 =	vge.u32 v20, v12  }
0x12a: {  	v13 =	vadd.s32 v14, v13;
	v14 =	vsel vm11, $0x1, v0;
	vm12 =	vge.u32 v15, v12  }
.Ltmp19:
0x12b: {  	v13 =	vadd.s32 v14, v13;
	vm13 =	vge.u32 v18, v12;
	v14 =	vsel vm12, $0x1, v0;
	(pc) =	sbr.rel .LBB2_38-.Ltmp19, $4  }
0x12c: {  	vm14 =	vge.u32 v60, v12;
	v13 =	vadd.s32 v14, v13;
	v14 =	vsel vm13, $0x1, v0  }
0x12d: {  	vm15 =	vge.u32 v62, v12;
	v13 =	vadd.s32 v14, v13;
	v14 =	vsel vm14, $0x1, v0  }
0x12e: {  	v13 =	vadd.s32 v14, v13;
	v14 =	vsel vm15, $0x1, v0  }
0x12f: {  	v13 =	vadd.s32 v14, v13  }
.LBB2_37:
0x130: {  	v13 =	vimm.s32 $0x0  }
.LBB2_38:
.Ltmp20:
0x131: {  	(pc) =	sbr.rel @p1 .LBB2_40-.Ltmp20, $2  }
0x132: {  	_ =	sdelay $0x2  }
0x133: {  	s22 =	smov.u32 s20  }
.LBB2_39:
0x134: {  	s23 =	sadd.s32 s22, s18  }
0x135: {  	v14 =	vadd.s32 s23, v3  }
0x136: {  	v15 =	vadd.s32 s23, v7;
	_ =	sdelay $0x3  }
0x137: {  	v14 =	vld.idx.msk [tilespmem:v14+s12+$0x0], $0xffff  }
0x138: {  	v15 =	vld.idx.msk [tilespmem:v15+s12+$0x0], $0xffff  }
0x139: {  	s22 =	sadd.s32 $0x1, s22  }
0x13a: {  	p2 =	seq.s32 s22, $0x0  }
.Ltmp21:
0x13b: {  	_ = 	snop;
	(pc) =	sbr.rel @!p2 .LBB2_39-.Ltmp21, $4  }
0x13c: {  	vm0 =	vge.u32 v14, v12  }
0x13d: {  	vm15 =	vge.u32 v15, v12;
	v14 =	vsel vm0, $0x1, v0  }
0x13e: {  	v13 =	vadd.s32 v14, v13;
	v14 =	vsel vm15, $0x1, v0  }
0x13f: {  	v13 =	vadd.s32 v14, v13  }
.Ltmp22:
0x140: {  	_ = 	snop;
	(pc) =	sbr.rel .LBB2_40-.Ltmp22, $1  }
0x141: {  	_ =	sdelay $0x3  }
.LBB2_45:
.Ltmp23:
0x142: {  	(pc) =	sbr.rel .LBB2_50-.Ltmp23, $2  }
0x143: {  	_ =	sdelay $0x2  }
0x144: {  	_ = 	snop  }
.LBB2_47:
.Ltmp24:
0x145: {  	(pc) =	sbr.rel .LBB2_50-.Ltmp24, $2  }
0x146: {  	_ =	sdelay $0x2  }
0x147: {  	v23 =	vmov v18;
	v24 =	vmov v17;
	v22 =	vmov v15  }
.LBB2_4:
0x148: {  	[tilespmem:s2], [sflag:$0x1] =	stream.linear.gather [hbm4b:s18+s2], $0x8000, $0x38;
	[tilespmem:$0x10E00] =	vst v63  }
.LBB2_5:
0x149: {  	s18 =	sshll.u32 s17, $0x3  }
0x14a: {  	v10 =	vor.u32 s18, v2;
	_ =	sdelay $0x1  }
0x14b: {  	_ =	swait.ge [sflag:s9], $0x8000  }
0x14c: {  	[sflag:s9] =	ssyncset.done $0x0  }
0x14d: {  	s18 =	simm.s32 $0x10040;
	[sflag:s9] =	ssyncadd.s32 $0xFFFF8000  }
0x14e: {  	v10 =	vld.idx.msk [tilespmem:v10+s7+$0x0], $0xffff;
	[tilespmem:s18+$0xFFFFFFC0] =	vst v4  }
0x14f: {  	[tilespmem:s18+$0x30] =	vst v4  }
0x150: {  	[tilespmem:s18+$0x20] =	vst v4  }
0x151: {  	[tilespmem:s18+$0x10] =	vst v4  }
0x152: {  	[tilespmem:s18+$0x0] =	vst v4  }
0x153: {  	[tilespmem:s18+$0xFFFFFFF0] =	vst v4  }
0x154: {  	s19 =	simm.s32 $0x0;
	[tilespmem:s18+$0xFFFFFFE0] =	vst v4  }
.LBB2_6:
0x155: {  	s19 =	sadd.s32 $0x8, s19;
	[tilespmem:s18+$0xFFFFFFD0] =	vst v4;
	s18 =	sadd.s32 $0x80, s18  }
0x156: {  	[tilespmem:s18+$0xFFFFFFC0] =	vst v4;
	p0 =	slt.u32 s19, $0x58  }
0x157: {  	[tilespmem:s18+$0x30] =	vst v4  }
.Ltmp25:
0x158: {  	[tilespmem:s18+$0x20] =	vst v4;
	(pc) =	sbr.rel @p0 .LBB2_6-.Ltmp25, $4  }
0x159: {  	[tilespmem:s18+$0x10] =	vst v4  }
0x15a: {  	[tilespmem:s18+$0x0] =	vst v4  }
0x15b: {  	[tilespmem:s18+$0xFFFFFFF0] =	vst v4  }
0x15c: {  	[tilespmem:s18+$0xFFFFFFE0] =	vst v4  }
0x15d: {  	[tilespmem:s18+$0xFFFFFFD0] =	vst v4;
	s18 =	simm.s32 $0x0;
	s19 =	simm.s32 $0x0  }
.LBB2_8:
0x15e: {  	p0 =	sne.s32 s19, $0x40  }
.Ltmp26:
0x15f: {  	_ = 	snop;
	(pc) =	sbr.rel @p0 .LBB2_8-.Ltmp26, $3  }
0x160: {  	_ =	sdelay $0x1  }
0x161: {  	s20 =	sshra.s32 s19, $0x2  }
0x162: {  	s19 =	sadd.s32 $0x40, s19;
	[tilespmem:s20+$0x10600] =	vst v4  }
0x163: {  	v15 =	vimm.s32 $0x0;
	s19 =	simm.s32 $0x2;
	s20 =	simm.s32 $0x4;
	s21 =	simm.s32 $0x6;
	v22 =	vadd.s32 s18, v1  }
0x164: {  	s22 =	simm.s32 $0x7;
	s28 =	simm.s32 $0xB;
	v11 =	vadd.s32 s19, v1;
	v12 =	vadd.s32 s20, v1;
	v13 =	vadd.s32 s21, v1  }
0x165: {  	s29 =	simm.s32 $0xD;
	vm0 =	vlt.s32 v15, $0x2F;
	v23 =	vadd.s32 s22, v1;
	v61 =	vadd.s32 s28, v1  }
0x166: {  	v32 =	vadd.s32 s29, v1;
	v14 =	vand.u32 $0x780, v11;
	v11 =	vand.u32 $0x7F, v11  }
0x167: {  	v16 =	vand.u32 $0x780, v12;
	v12 =	vand.u32 $0x7F, v12;
	v14 =	vshll.u32 v14, $0x3  }
0x168: {  	s20 =	simm.s32 $0x3;
	v17 =	vand.u32 $0x780, v13;
	v13 =	vand.u32 $0x7F, v13;
	v14 =	vor.u32 v5, v14  }
0x169: {  	s21 =	simm.s32 $0x5;
	v18 =	vadd.s32 s20, v1;
	v11 =	vor.u32 v11, v14;
	v14 =	vshll.u32 v17, $0x3  }
0x16a: {  	s31 =	simm.s32 $0x1;
	v19 =	vadd.s32 s21, v1;
	v24 =	vand.u32 $0x780, v23;
	v14 =	vor.u32 v5, v14  }
0x16b: {  	v31 =	vand.u32 $0x780, v61;
	v13 =	vor.u32 v13, v14;
	v14 =	vadd.s32 s31, v1  }
0x16c: {  	v16 =	vshll.u32 v16, $0x3;
	v20 =	vand.u32 $0x780, v18;
	v17 =	vand.u32 $0x780, v14  }
0x16d: {  	v16 =	vor.u32 v5, v16;
	v11 =	vor.u32 v6, v11;
	v17 =	vshll.u32 v17, $0x3  }
0x16e: {  	v12 =	vor.u32 v12, v16;
	v14 =	vand.u32 $0x7F, v14;
	v17 =	vor.u32 v5, v17  }
0x16f: {  	v12 =	vor.u32 v6, v12;
	v14 =	vor.u32 v14, v17;
	v17 =	vand.u32 $0x780, v22  }
0x170: {  	v21 =	vand.u32 $0x780, v19;
	v18 =	vand.u32 $0x7F, v18;
	v17 =	vshll.u32 v17, $0x3  }
0x171: {  	v20 =	vshll.u32 v20, $0x3;
	v22 =	vand.u32 $0x7F, v22;
	v17 =	vor.u32 v5, v17  }
0x172: {  	v21 =	vshll.u32 v21, $0x3;
	v20 =	vor.u32 v5, v20;
	v25 =	vld.idx.msk [tilespmem:v11+s10+$0x0], $0xffff;
	v11 =	vor.u32 v22, v17  }
0x173: {  	v16 =	vnsel vm0, $0x2F, v15;
	v18 =	vor.u32 v18, v20;
	v11 =	vor.u32 v6, v11  }
0x174: {  	v21 =	vor.u32 v5, v21;
	v18 =	vor.u32 v6, v18;
	v13 =	vor.u32 v6, v13;
	v26 =	vld.idx.msk [tilespmem:v12+s10+$0x0], $0xffff  }
0x175: {  	v14 =	vor.u32 v6, v14;
	v17 =	vand.u32 $0x7F, v19;
	v19 =	vshll.u32 v24, $0x3  }
0x176: {  	s24 =	simm.s32 $0xC;
	v22 =	vand.u32 $0x7F, v23;
	v19 =	vor.u32 v5, v19;
	v17 =	vor.u32 v17, v21  }
0x177: {  	s23 =	simm.s32 $0xA;
	s25 =	simm.s32 $0xE;
	v21 =	vadd.s32 s24, v1;
	v19 =	vor.u32 v22, v19;
	v20 =	vor.u32 v6, v17  }
0x178: {  	vm1 =	vge.f32 v25, v10;
	v17 =	vadd.s32 s23, v1;
	v22 =	vadd.s32 s25, v1;
	v23 =	vld.idx.msk [tilespmem:v11+s10+$0x0], $0xffff  }
0x179: {  	v24 =	vld.idx.msk [tilespmem:v13+s10+$0x0], $0xffff;
	vm2 =	vge.f32 v26, v10;
	v19 =	vor.u32 v6, v19;
	v13 =	vand.u32 $0x7F, v17  }
0x17a: {  	v28 =	vsel vm1, $0x1, v0;
	v11 =	vand.u32 $0x780, v17;
	v17 =	vand.u32 $0x780, v21  }
0x17b: {  	v29 =	vsel vm2, $0x1, v0;
	v11 =	vshll.u32 v11, $0x3;
	v17 =	vshll.u32 v17, $0x3  }
0x17c: {  	v21 =	vand.u32 $0x7F, v21;
	v11 =	vor.u32 v5, v11;
	v12 =	vor.u32 v5, v17  }
0x17d: {  	v11 =	vor.u32 v13, v11;
	v12 =	vor.u32 v21, v12;
	vm3 =	vge.f32 v23, v10  }
0x17e: {  	v27 =	vor.u32 v6, v11;
	v11 =	vor.u32 v6, v12;
	v12 =	vsel vm3, $0x1, v0  }
0x17f: {  	v17 =	vand.u32 $0x780, v22;
	v21 =	vadd.s32 v3, v16;
	v12 =	vadd.s32 v12, v15  }
0x180: {  	vm0 =	vge.f32 v24, v10;
	v13 =	vshll.u32 v17, $0x3;
	vm4 =	vlt.s32 v12, $0x2F  }
0x181: {  	v17 =	vand.u32 $0x7F, v22;
	v28 =	vadd.s32 v28, v12;
	v12 =	vnsel vm4, $0x2F, v12  }
0x182: {  	v22 =	vsel vm0, $0x1, v0;
	vm12 =	vlt.s32 v28, $0x2F;
	v30 =	vadd.s32 v3, v12  }
0x183: {  	s26 =	simm.s32 $0x9;
	v13 =	vor.u32 v5, v13;
	v29 =	vadd.s32 v29, v28;
	v28 =	vnsel vm12, $0x2F, v28  }
0x184: {  	v12 =	vadd.s32 v22, v29;
	v22 =	vadd.s32 v3, v28;
	[tilespmem:v21+s11+$0x0] =	vst.idx.msk vm3, v23;
	v21 =	vadd.s32 s26, v1  }
0x185: {  	v16 =	vadd.s32 v7, v16;
	v17 =	vor.u32 v17, v13;
	v60 =	vld.idx.msk [tilespmem:v14+s10+$0x0], $0xffff;
	v14 =	vand.u32 $0x780, v21  }
0x186: {  	v17 =	vor.u32 v6, v17;
	vm13 =	vlt.s32 v29, $0x2F;
	v14 =	vshll.u32 v14, $0x3  }
0x187: {  	v59 =	vnsel vm13, $0x2F, v29;
	v21 =	vand.u32 $0x7F, v21;
	v14 =	vor.u32 v5, v14;
	[tilespmem:v30+s11+$0x0] =	vst.idx.msk vm1, v25  }
0x188: {  	v23 =	vadd.s32 v3, v59;
	v25 =	vshll.u32 v31, $0x3;
	v21 =	vor.u32 v21, v14;
	v30 =	vld.idx.msk [tilespmem:v18+s10+$0x0], $0xffff  }
0x189: {  	[tilespmem:v22+s11+$0x0] =	vst.idx.msk vm2, v26;
	v18 =	vand.u32 $0x7F, v61;
	v22 =	vor.u32 v5, v25;
	v25 =	vand.u32 $0x780, v32  }
0x18a: {  	s30 =	simm.s32 $0xF;
	v14 =	vld.idx.msk [tilespmem:v20+s10+$0x0], $0xffff;
	v22 =	vor.u32 v18, v22;
	vm1 =	vge.f32 v60, v10;
	v18 =	vshll.u32 v25, $0x3  }
0x18b: {  	v20 =	vand.u32 $0x7F, v32;
	v25 =	vadd.s32 s30, v1;
	v18 =	vor.u32 v5, v18  }
0x18c: {  	v26 =	vsel vm1, $0x1, v0;
	v20 =	vor.u32 v20, v18;
	v18 =	vand.u32 $0x780, v25  }
0x18d: {  	s31 =	simm.s32 $0x8;
	[tilespmem:v23+s11+$0x0] =	vst.idx.msk vm0, v24;
	v25 =	vand.u32 $0x7F, v25;
	v15 =	vadd.s32 v26, v15;
	vm3 =	vge.f32 v30, v10  }
0x18e: {  	v62 =	vshll.u32 v18, $0x3;
	v18 =	vld.idx.msk [tilespmem:v19+s10+$0x0], $0xffff;
	v19 =	vadd.s32 s31, v1;
	v23 =	vsel vm3, $0x1, v0  }
0x18f: {  	vm2 =	vlt.s32 v15, $0x2F;
	vm0 =	vge.f32 v14, v10;
	v26 =	vadd.s32 v23, v15  }
0x190: {  	v23 =	vand.u32 $0x780, v19;
	v19 =	vand.u32 $0x7F, v19;
	v15 =	vnsel vm2, $0x2F, v15  }
0x191: {  	v23 =	vshll.u32 v23, $0x3;
	v63 =	vadd.s32 v7, v15;
	vm2 =	vlt.s32 v26, $0x2F  }
0x192: {  	v15 =	vor.u32 v5, v23;
	v23 =	vor.u32 v5, v62;
	v24 =	vnsel vm2, $0x2F, v26  }
0x193: {  	v15 =	vor.u32 v19, v15;
	v19 =	vor.u32 v25, v23;
	v23 =	vadd.s32 v7, v24  }
0x194: {  	v24 =	vor.u32 v6, v15;
	v15 =	vor.u32 v6, v19;
	v19 =	vor.u32 v6, v20;
	v20 =	vld.idx.msk [tilespmem:v27+s10+$0x0], $0xffff  }
0x195: {  	vm2 =	vge.f32 v18, v10;
	v25 =	vsel vm0, $0x1, v0  }
0x196: {  	vm14 =	vlt.s32 v12, $0x2F;
	v25 =	vadd.s32 v25, v26;
	v26 =	vsel vm2, $0x1, v0  }
0x197: {  	v13 =	vnsel vm14, $0x2F, v12;
	[tilespmem:v16+s11+$0x0] =	vst.idx.msk vm1, v60;
	vm15 =	vlt.s32 v25, $0x2F;
	v16 =	vadd.s32 v26, v25  }
0x198: {  	s18 =	simm.s32 $0x4;
	s19 =	simm.s32 $0x10;
	v22 =	vor.u32 v6, v22;
	[tilespmem:v63+s11+$0x0] =	vst.idx.msk vm3, v30;
	vm1 =	vlt.s32 v16, $0x2F;
	v25 =	vnsel vm15, $0x2F, v25  }
.LBB2_10:
0x199: {  	s20 =	sadd.s32 $0x2, s19;
	s21 =	sadd.s32 $0x4, s19;
	s22 =	sadd.s32 $0x6, s19;
	v21 =	vor.u32 v6, v21;
	vm3 =	vge.f32 v20, v10;
	v26 =	vld.idx.msk [tilespmem:v17+s10+$0x0], $0xffff;
	v17 =	vadd.s32 v7, v25  }
0x19a: {  	s18 =	sadd.s32 $0x4, s18;
	v25 =	vadd.s32 s20, v1;
	v27 =	vadd.s32 s21, v1;
	v28 =	vadd.s32 s22, v1;
	v24 =	vld.idx.msk [tilespmem:v24+s10+$0x0], $0xffff  }
0x19b: {  	p0 =	slt.u32 s18, $0x3FC;
	v29 =	vand.u32 $0x780, v25;
	v25 =	vand.u32 $0x7F, v25;
	v30 =	vand.u32 $0x780, v27  }
0x19c: {  	v27 =	vand.u32 $0x7F, v27;
	v29 =	vshll.u32 v29, $0x3;
	v30 =	vshll.u32 v30, $0x3;
	v31 =	vld.idx.msk [tilespmem:v11+s10+$0x0], $0xffff  }
0x19d: {  	v11 =	vor.u32 v5, v29;
	v29 =	vor.u32 v5, v30;
	v30 =	vand.u32 $0x780, v28;
	[tilespmem:v23+s11+$0x0] =	vst.idx.msk vm0, v14  }
0x19e: {  	v11 =	vor.u32 v25, v11;
	v14 =	vor.u32 v27, v29;
	v23 =	vshll.u32 v30, $0x3;
	[tilespmem:v17+s11+$0x0] =	vst.idx.msk vm2, v18  }
0x19f: {  	v25 =	vor.u32 v6, v11;
	v11 =	vor.u32 v6, v14;
	v14 =	vor.u32 v5, v23  }
0x1a0: {  	v17 =	vand.u32 $0x7F, v28;
	vm0 =	vge.f32 v26, v10;
	vm4 =	vge.f32 v24, v10  }
0x1a1: {  	v13 =	vadd.s32 v3, v13;
	v23 =	vsel vm0, $0x1, v0;
	v18 =	vsel vm4, $0x1, v0  }
0x1a2: {  	v12 =	vadd.s32 v18, v12;
	v18 =	vsel vm3, $0x1, v0;
	vm2 =	vge.f32 v31, v10  }
0x1a3: {  	vm5 =	vlt.s32 v12, $0x2F;
	v18 =	vadd.s32 v18, v12;
	v27 =	vsel vm2, $0x1, v0  }
0x1a4: {  	v12 =	vnsel vm5, $0x2F, v12;
	vm5 =	vlt.s32 v18, $0x2F;
	v27 =	vadd.s32 v27, v18  }
0x1a5: {  	v28 =	vadd.s32 v3, v12;
	v12 =	vnsel vm5, $0x2F, v18;
	vm5 =	vlt.s32 v27, $0x2F  }
0x1a6: {  	v18 =	vadd.s32 v3, v12;
	v12 =	vadd.s32 v23, v27;
	[tilespmem:v13+s11+$0x0] =	vst.idx.msk vm4, v24;
	v13 =	vnsel vm5, $0x2F, v27  }
0x1a7: {  	s20 =	sadd.s32 $0x1, s19;
	v14 =	vor.u32 v17, v14;
	vm4 =	vlt.s32 v12, $0x2F;
	v23 =	vld.idx.msk [tilespmem:v21+s10+$0x0], $0xffff;
	v24 =	vadd.s32 v3, v13  }
0x1a8: {  	s21 =	sadd.s32 $0x5, s19;
	v17 =	vor.u32 v6, v14;
	v13 =	vnsel vm4, $0x2F, v12;
	v21 =	vadd.s32 s20, v1;
	s20 =	sadd.s32 $0x3, s19  }
0x1a9: {  	v29 =	vadd.s32 s21, v1;
	v14 =	vand.u32 $0x780, v21;
	v27 =	vadd.s32 s20, v1  }
0x1aa: {  	v32 =	vand.u32 $0x780, v29;
	v14 =	vshll.u32 v14, $0x3;
	v30 =	vand.u32 $0x780, v27;
	[tilespmem:v28+s11+$0x0] =	vst.idx.msk vm3, v20  }
0x1ab: {  	v20 =	vand.u32 $0x7F, v21;
	v14 =	vor.u32 v5, v14;
	v28 =	vshll.u32 v30, $0x3;
	v22 =	vld.idx.msk [tilespmem:v22+s10+$0x0], $0xffff;
	[tilespmem:v18+s11+$0x0] =	vst.idx.msk vm2, v31  }
0x1ac: {  	v21 =	vor.u32 v20, v14;
	v18 =	vand.u32 $0x7F, v27;
	v20 =	vor.u32 v5, v28;
	v14 =	vld.idx.msk [tilespmem:v19+s10+$0x0], $0xffff  }
0x1ad: {  	v27 =	vor.u32 v18, v20;
	vm2 =	vge.f32 v23, v10;
	v18 =	vnsel vm1, $0x2F, v16  }
0x1ae: {  	s20 =	sadd.s32 $0x7, s19;
	v19 =	vshll.u32 v32, $0x3;
	v20 =	vadd.s32 v7, v18;
	v18 =	vsel vm2, $0x1, v0  }
0x1af: {  	v28 =	vand.u32 $0x7F, v29;
	v29 =	vadd.s32 s20, v1;
	v19 =	vor.u32 v5, v19  }
0x1b0: {  	v19 =	vor.u32 v28, v19;
	v28 =	vand.u32 $0x780, v29  }
0x1b1: {  	v29 =	vand.u32 $0x7F, v29;
	v28 =	vshll.u32 v28, $0x3;
	vm1 =	vge.f32 v22, v10;
	[tilespmem:v24+s11+$0x0] =	vst.idx.msk vm0, v26  }
0x1b2: {  	v16 =	vadd.s32 v18, v16;
	v24 =	vsel vm1, $0x1, v0;
	vm0 =	vge.f32 v14, v10;
	v18 =	vld.idx.msk [tilespmem:v15+s10+$0x0], $0xffff  }
0x1b3: {  	v15 =	vadd.s32 s19, v1;
	v26 =	vadd.s32 v24, v16;
	[tilespmem:v20+s11+$0x0] =	vst.idx.msk vm2, v23;
	vm2 =	vlt.s32 v16, $0x2F  }
0x1b4: {  	v20 =	vand.u32 $0x780, v15;
	v15 =	vand.u32 $0x7F, v15;
	v16 =	vnsel vm2, $0x2F, v16  }
0x1b5: {  	v20 =	vshll.u32 v20, $0x3;
	vm2 =	vlt.s32 v26, $0x2F;
	v16 =	vadd.s32 v7, v16  }
0x1b6: {  	v24 =	vor.u32 v5, v28;
	v23 =	vor.u32 v5, v20;
	v20 =	vld.idx.msk [tilespmem:v25+s10+$0x0], $0xffff;
	v25 =	vnsel vm2, $0x2F, v26  }
.Ltmp27:
0x1b7: {  	v28 =	vor.u32 v29, v24;
	v15 =	vor.u32 v15, v23;
	v23 =	vadd.s32 v7, v25;
	(pc) =	sbr.rel @p0 .LBB2_10-.Ltmp27, $4  }
0x1b8: {  	v24 =	vor.u32 v6, v15;
	v25 =	vsel vm0, $0x1, v0;
	vm2 =	vge.f32 v18, v10  }
0x1b9: {  	v15 =	vor.u32 v6, v28;
	v25 =	vadd.s32 v25, v26;
	v26 =	vsel vm2, $0x1, v0  }
0x1ba: {  	v19 =	vor.u32 v6, v19;
	vm3 =	vlt.s32 v25, $0x2F;
	[tilespmem:v16+s11+$0x0] =	vst.idx.msk vm1, v22;
	v16 =	vadd.s32 v26, v25  }
0x1bb: {  	s19 =	sadd.s32 $0x8, s19;
	v22 =	vor.u32 v6, v27;
	v25 =	vnsel vm3, $0x2F, v25;
	vm1 =	vlt.s32 v16, $0x2F  }
0x1bc: {  	_ =	sdelay $0x3  }
0x1bd: {  	v24 =	vld.idx.msk [tilespmem:v24+s10+$0x0], $0xffff;
	_ =	sdelay $0x4  }
0x1be: {  	v11 =	vld.idx.msk [tilespmem:v11+s10+$0x0], $0xffff;
	vm3 =	vge.f32 v24, v10  }
0x1bf: {  	vm4 =	vge.f32 v20, v10;
	v26 =	vsel vm3, $0x1, v0  }
0x1c0: {  	v63 =	vsel vm4, $0x1, v0;
	v12 =	vadd.s32 v26, v12  }
0x1c1: {  	v21 =	vor.u32 v6, v21;
	vm5 =	vlt.s32 v12, $0x2F;
	v26 =	vadd.s32 v63, v12  }
0x1c2: {  	v17 =	vld.idx.msk [tilespmem:v17+s10+$0x0], $0xffff;
	v13 =	vadd.s32 v3, v13;
	v12 =	vnsel vm5, $0x2F, v12;
	vm15 =	vlt.s32 v26, $0x2F  }
0x1c3: {  	vm6 =	vge.f32 v11, v10;
	v12 =	vadd.s32 v3, v12;
	v27 =	vnsel vm15, $0x2F, v26  }
0x1c4: {  	v28 =	vsel vm6, $0x1, v0;
	v27 =	vadd.s32 v3, v27  }
0x1c5: {  	v26 =	vadd.s32 v28, v26  }
0x1c6: {  	vm8 =	vlt.s32 v26, $0x2F  }
0x1c7: {  	[tilespmem:v13+s11+$0x0] =	vst.idx.msk vm3, v24;
	vm3 =	vge.f32 v17, v10;
	v13 =	vnsel vm8, $0x2F, v26  }
0x1c8: {  	v13 =	vadd.s32 v3, v13;
	[tilespmem:v12+s11+$0x0] =	vst.idx.msk vm4, v20;
	v12 =	vld.idx.msk [tilespmem:v21+s10+$0x0], $0xffff  }
0x1c9: {  	v20 =	vld.idx.msk [tilespmem:v22+s10+$0x0], $0xffff;
	[tilespmem:v27+s11+$0x0] =	vst.idx.msk vm6, v11  }
0x1ca: {  	v11 =	vld.idx.msk [tilespmem:v19+s10+$0x0], $0xffff;
	_ =	sdelay $0x2  }
0x1cb: {  	v21 =	vnsel vm1, $0x2F, v16;
	v19 =	vadd.s32 v7, v25;
	[tilespmem:v13+s11+$0x0] =	vst.idx.msk vm3, v17;
	vm9 =	vge.f32 v12, v10  }
0x1cc: {  	v13 =	vadd.s32 v7, v21;
	v15 =	vld.idx.msk [tilespmem:v15+s10+$0x0], $0xffff;
	v17 =	vsel vm9, $0x1, v0;
	vm10 =	vge.f32 v20, v10  }
0x1cd: {  	v16 =	vadd.s32 v17, v16;
	v17 =	vsel vm10, $0x1, v0;
	vm11 =	vge.f32 v11, v10  }
0x1ce: {  	vm12 =	vlt.s32 v16, $0x2F;
	v17 =	vadd.s32 v17, v16;
	v21 =	vsel vm11, $0x1, v0  }
0x1cf: {  	v16 =	vnsel vm12, $0x2F, v16;
	vm13 =	vlt.s32 v17, $0x2F;
	v21 =	vadd.s32 v21, v17  }
0x1d0: {  	v16 =	vadd.s32 v7, v16;
	v17 =	vnsel vm13, $0x2F, v17;
	vm14 =	vlt.s32 v21, $0x2F  }
0x1d1: {  	vm15 =	vge.f32 v15, v10;
	v17 =	vadd.s32 v7, v17;
	v22 =	vnsel vm14, $0x2F, v21  }
0x1d2: {  	[tilespmem:v23+s11+$0x0] =	vst.idx.msk vm0, v14;
	v14 =	vadd.s32 v7, v22  }
0x1d3: {  	[tilespmem:v19+s11+$0x0] =	vst.idx.msk vm2, v18  }
0x1d4: {  	[tilespmem:v13+s11+$0x0] =	vst.idx.msk vm9, v12  }
0x1d5: {  	[tilespmem:v16+s11+$0x0] =	vst.idx.msk vm10, v20  }
0x1d6: {  	[tilespmem:v17+s11+$0x0] =	vst.idx.msk vm11, v11  }
0x1d7: {  	s20 =	simm.s32 $0x10040;
	[tilespmem:v14+s11+$0x0] =	vst.idx.msk vm15, v15  }
0x1d8: {  	v20 =	vld [tilespmem:s20+$0x30]  }
0x1d9: {  	v19 =	vld [tilespmem:s20+$0xFFFFFFD0]  }
0x1da: {  	p0 =	por $0x1, $0x1;
	v18 =	vld [tilespmem:s20+$0xFFFFFFE0]  }
.Ltmp28:
0x1db: {  	v17 =	vld [tilespmem:s20+$0xFFFFFFF0];
	(pc) =	sbr.rel @!p0 .LBB2_13-.Ltmp28, $4  }
0x1dc: {  	v12 =	vsel vm15, $0x1, v0;
	v15 =	vld [tilespmem:s20+$0x0]  }
0x1dd: {  	v12 =	vadd.s32 v12, v21;
	v11 =	vsel vm3, $0x1, v0;
	v13 =	vld [tilespmem:s20+$0x10];
	v16 =	vshra.s32 v20, $0x1F  }
0x1de: {  	v11 =	vadd.s32 v11, v26;
	v14 =	vld [tilespmem:s20+$0x20];
	v21 =	vshra.s32 v19, $0x1F;
	v23 =	vor.u32 $0x80000000, v16  }
0x1df: {  	s18 =	simm.s32 $0x106C0;
	s19 =	simm.s32 $0x0;
	v22 =	vshra.s32 v18, $0x1F;
	v16 =	vld [tilespmem:s20+$0xFFFFFFC0];
	v21 =	vor.u32 $0x80000000, v21;
	s20 =	simm.s32 $0x100C0;
	v20 =	vxor.u32 v20, v23  }
.LBB2_12:
0x1e0: {  	v23 =	vld [tilespmem:s20+$0x30];
	s19 =	sadd.s32 $0x8, s19;
	v21 =	vxor.u32 v19, v21;
	v22 =	vor.u32 $0x80000000, v22;
	v24 =	vshra.s32 v17, $0x1F;
	[tilespmem:s18+$0x30] =	vst v20  }
0x1e1: {  	v19 =	vld [tilespmem:s20+$0xFFFFFFD0];
	p0 =	slt.u32 s19, $0x58;
	[tilespmem:s18+$0xFFFFFFD0] =	vst v21;
	v20 =	vxor.u32 v18, v22;
	v21 =	vor.u32 $0x80000000, v24;
	v22 =	vshra.s32 v15, $0x1F  }
0x1e2: {  	v18 =	vld [tilespmem:s20+$0xFFFFFFE0];
	[tilespmem:s18+$0xFFFFFFE0] =	vst v20;
	v20 =	vxor.u32 v17, v21;
	v21 =	vor.u32 $0x80000000, v22;
	v22 =	vshra.s32 v13, $0x1F  }
.Ltmp29:
0x1e3: {  	v17 =	vld [tilespmem:s20+$0xFFFFFFF0];
	[tilespmem:s18+$0xFFFFFFF0] =	vst v20;
	v20 =	vxor.u32 v15, v21;
	v21 =	vor.u32 $0x80000000, v22;
	v22 =	vshra.s32 v14, $0x1F;
	(pc) =	sbr.rel @p0 .LBB2_12-.Ltmp29, $4  }
0x1e4: {  	v15 =	vld [tilespmem:s20+$0x0];
	v24 =	vshra.s32 v16, $0x1F;
	[tilespmem:s18+$0x0] =	vst v20;
	v20 =	vxor.u32 v13, v21;
	v21 =	vor.u32 $0x80000000, v22  }
0x1e5: {  	v13 =	vld [tilespmem:s20+$0x10];
	v22 =	vshra.s32 v23, $0x1F;
	v24 =	vor.u32 $0x80000000, v24;
	[tilespmem:s18+$0x10] =	vst v20;
	v20 =	vxor.u32 v14, v21  }
0x1e6: {  	v21 =	vshra.s32 v19, $0x1F;
	v14 =	vld [tilespmem:s20+$0x20];
	v25 =	vor.u32 $0x80000000, v22;
	v24 =	vxor.u32 v16, v24;
	[tilespmem:s18+$0x20] =	vst v20  }
0x1e7: {  	v16 =	vld [tilespmem:s20+$0xFFFFFFC0];
	v21 =	vor.u32 $0x80000000, v21;
	v22 =	vshra.s32 v18, $0x1F;
	v20 =	vxor.u32 v23, v25;
	s20 =	sadd.s32 $0x80, s20;
	[tilespmem:s18+$0xFFFFFFC0] =	vst v24;
	s18 =	sadd.s32 $0x80, s18  }
.LBB2_13:
0x1e8: {  	v19 =	vxor.u32 v19, v21;
	v53 =	vor.u32 $0x80000000, v22;
	v54 =	vshra.s32 v17, $0x1F;
	[tilespmem:s18+$0x30] =	vst v20  }
0x1e9: {  	[tilespmem:s18+$0xFFFFFFD0] =	vst v19;
	v18 =	vxor.u32 v18, v53;
	v55 =	vor.u32 $0x80000000, v54;
	v56 =	vshra.s32 v15, $0x1F  }
0x1ea: {  	[tilespmem:s18+$0xFFFFFFE0] =	vst v18;
	v57 =	vxor.u32 v17, v55;
	v58 =	vor.u32 $0x80000000, v56;
	v59 =	vshra.s32 v13, $0x1F  }
0x1eb: {  	[tilespmem:s18+$0xFFFFFFF0] =	vst v57;
	v15 =	vxor.u32 v15, v58;
	v60 =	vor.u32 $0x80000000, v59;
	v61 =	vshra.s32 v14, $0x1F  }
0x1ec: {  	v62 =	vshra.s32 v16, $0x1F;
	[tilespmem:s18+$0x0] =	vst v15;
	v13 =	vxor.u32 v13, v60;
	v15 =	vor.u32 $0x80000000, v61  }
0x1ed: {  	v63 =	vor.u32 $0x80000000, v62;
	[tilespmem:s18+$0x10] =	vst v13;
	v13 =	vxor.u32 v14, v15  }
0x1ee: {  	v14 =	vxor.u32 v16, v63;
	[tilespmem:s18+$0x20] =	vst v13  }
0x1ef: {  	s19 =	simm.s32 $0x0;
	[tilespmem:s18+$0xFFFFFFC0] =	vst v14  }
.LBB2_14:
0x1f0: {  	s18 =	sshra.s32 s19, $0x2  }
0x1f1: {  	v13 =	vld [tilespmem:s18+$0x10600];
	_ =	sdelay $0x2  }
0x1f2: {  	p0 =	sne.s32 s19, $0x40  }
.Ltmp30:
0x1f3: {  	_ = 	snop;
	(pc) =	sbr.rel @p0 .LBB2_14-.Ltmp30, $4  }
0x1f4: {  	v14 =	vshra.s32 v13, $0x1F  }
0x1f5: {  	v14 =	vor.u32 $0x80000000, v14  }
0x1f6: {  	v13 =	vxor.u32 v13, v14  }
0x1f7: {  	s19 =	sadd.s32 $0x40, s19;
	[tilespmem:s18+$0x10C80] =	vst v13  }
0x1f8: {  	v11 =	vxor.u32 $0x80000000, v11  }
0x1f9: {  	(xrf0) =	vmax.scan.msk.u32 $0xffff, v11;
	v11 =	vxor.u32 $0x80000000, v12  }
0x1fa: {  	(xrf0) =	vmax.scan.msk.u32 $0xffff, v11;
	_ =	sdelay $0x4  }
0x1fb: {  	v11, _, _ =	vpop (xrf0)  }
0x1fc: {  	(v2sf) =	vpush v11, $0xF;
	v11, _, _ =	vpop (xrf0)  }
0x1fd: {  	(v2sf) =	vpush v11, $0xF;
	_ =	sdelay $0xd  }
0x1fe: {  	s18 =	spop (v2sf)  }
0x1ff: {  	s19 =	spop (v2sf)  }
0x200: {  	s20 =	sxor.u32 $0x80000000, s18;
	s18 =	sxor.u32 $0x80000000, s19  }
0x201: {  	p0 =	sgt.s32 s20, s18  }
0x202: {  	s18 =	smov.u32 @p0 s20  }
0x203: {  	p0 =	sgt.s32 s18, $0x30  }
.Ltmp31:
0x204: {  	_ = 	snop;
	(pc) =	sbr.rel @p0 .LBB2_16-.Ltmp31, $4  }
0x205: {  	_ = 	snop  }
0x206: {  	v11 =	vshra.s32 v10, $0x1F  }
0x207: {  	v11 =	vor.u32 $0x80000000, v11  }
0x208: {  	v10 =	vxor.u32 v10, v11;
	v11 =	vimm.s32 $0xFF7FFFFF;
	s19 =	simm.s32 $0x0  }
.Ltmp32:
0x209: {  	s19 =	sshra.s32 s18, $0x1F;
	(pc) =	sbr.rel .LBB2_52-.Ltmp32, $4  }
0x20a: {  	s19 =	sshrl.u32 s19, $0x1E  }
0x20b: {  	s19 =	sadd.s32 s19, s18  }
0x20c: {  	s21 =	simm.s32 $0x0;
	s19 =	sand.u32 $0xFFFFFFFC, s19  }
0x20d: {  	v11 =	vimm.s32 $0xFF7FFFFF;
	s20 =	ssub.s32 s19, s18;
	p0 =	slt.s32 s19, $0x1;
	p1 =	sge.s32 s19, s18  }
.LBB2_56:
0x20e: {  	s21 =	sadd.s32 $0x1, s21  }
0x20f: {  	p2 =	seq.s32 s21, $0x20  }
.Ltmp33:
0x210: {  	v14 =	vperm.xlane v13, v8;
	(pc) =	sbr.rel @p2 .LBB2_41-.Ltmp33, $4  }
0x211: {  	_ = 	snop  }
0x212: {  	v13 =	vadd.s32 v13, v14  }
0x213: {  	v63 =	vadd.s32 $0xFFFFFFFF, v12;
	vm0 =	vgt.s32 v13, $0x1F  }
0x214: {  	v10 =	vsel vm0, v12, v10;
	v11 =	vsel vm0, v11, v63  }
.LBB2_52:
.Ltmp34:
0x215: {  	(pc) =	sbr.rel @p0 .LBB2_53-.Ltmp34, $4  }
0x216: {  	v12 =	vsub.s32 v11, v10  }
0x217: {  	v12 =	vadd.s32 $0x1, v12  }
0x218: {  	v12 =	vshrl.u32 v12, $0x1  }
0x219: {  	v12 =	vadd.s32 v10, v12  }
0x21a: {  	s22 =	simm.s32 $0x0  }
0x21b: {  	v14 =	vadd.s32 s22, v3  }
0x21c: {  	s30 =	simm.s32 $0x1;
	v15 =	vadd.s32 s22, v7  }
0x21d: {  	v17 =	vadd.s32 s30, v3  }
0x21e: {  	p3 =	sgt.s32 s19, $0x4;
	v18 =	vadd.s32 s30, v7  }
.Ltmp35:
0x21f: {  	_ = 	snop;
	(pc) =	sbr.rel @!p3 .LBB2_58-.Ltmp35, $4  }
0x220: {  	v19 =	vld.idx.msk [tilespmem:v14+s12+$0x0], $0xffff  }
0x221: {  	s31 =	simm.s32 $0x2;
	v16 =	vld.idx.msk [tilespmem:v15+s12+$0x0], $0xffff  }
0x222: {  	v13 =	vimm.s32 $0x0;
	s23 =	simm.s32 $0x3;
	v23 =	vadd.s32 s31, v7;
	v14 =	vld.idx.msk [tilespmem:v17+s12+$0x0], $0xffff  }
0x223: {  	p2 =	por $0x0, $0x0;
	v24 =	vadd.s32 s23, v3;
	v22 =	vadd.s32 s23, v7;
	v21 =	vadd.s32 s31, v3;
	s22 =	simm.s32 $0x4;
	v20 =	vld.idx.msk [tilespmem:v18+s12+$0x0], $0xffff  }
0x224: {  	_ =	sdelay $0x3  }
0x225: {  	v21 =	vld.idx.msk [tilespmem:v21+s12+$0x0], $0xffff  }
0x226: {  	v25 =	vadd.s32 s22, v3;
	v26 =	vadd.s32 s22, v7;
	s31 =	simm.s32 $0x5;
	v23 =	vld.idx.msk [tilespmem:v23+s12+$0x0], $0xffff;
	vm0 =	vge.u32 v19, v12  }
0x227: {  	v28 =	vadd.s32 s31, v3;
	v19 =	vsel vm0, $0x1, v0;
	vm9 =	vge.u32 v16, v12  }
0x228: {  	v16 =	vadd.s32 v19, v13;
	v19 =	vsel vm9, $0x1, v0;
	vm10 =	vge.u32 v14, v12  }
0x229: {  	v14 =	vadd.s32 v19, v16;
	v16 =	vsel vm10, $0x1, v0;
	vm11 =	vge.u32 v20, v12  }
0x22a: {  	v24 =	vld.idx.msk [tilespmem:v24+s12+$0x0], $0xffff;
	v14 =	vadd.s32 v16, v14;
	v16 =	vsel vm11, $0x1, v0;
	vm12 =	vge.u32 v21, v12  }
0x22b: {  	v22 =	vld.idx.msk [tilespmem:v22+s12+$0x0], $0xffff;
	vm13 =	vge.u32 v23, v12;
	v14 =	vadd.s32 v16, v14;
	v20 =	vsel vm12, $0x1, v0  }
0x22c: {  	s23 =	simm.s32 $0x6;
	p3 =	sgt.s32 s19, $0x8;
	v27 =	vadd.s32 s31, v7;
	v21 =	vsel vm13, $0x1, v0;
	v20 =	vadd.s32 v20, v14  }
.Ltmp36:
0x22d: {  	v23 =	vadd.s32 v21, v20;
	v21 =	vadd.s32 s23, v3;
	(pc) =	sbr.rel @!p3 .LBB2_60-.Ltmp36, $4  }
0x22e: {  	s24 =	simm.s32 $0x7;
	v18 =	vadd.s32 s23, v7;
	v19 =	vld.idx.msk [tilespmem:v25+s12+$0x0], $0xffff  }
0x22f: {  	v17 =	vadd.s32 s24, v3;
	vm14 =	vge.u32 v24, v12;
	v16 =	vld.idx.msk [tilespmem:v26+s12+$0x0], $0xffff  }
0x230: {  	v15 =	vadd.s32 s24, v7;
	vm15 =	vge.u32 v22, v12;
	v24 =	vsel vm14, $0x1, v0;
	v14 =	vld.idx.msk [tilespmem:v28+s12+$0x0], $0xffff  }
0x231: {  	s22 =	simm.s32 $0x8;
	p2 =	por $0x1, $0x1;
	v26 =	vsel vm15, $0x1, v0;
	v20 =	vld.idx.msk [tilespmem:v27+s12+$0x0], $0xffff;
	v25 =	vadd.s32 v24, v23  }
.LBB2_61:
0x232: {  	v22 =	vadd.s32 s22, v3;
	v23 =	vadd.s32 s22, v7;
	s23 =	sadd.s32 $0x2, s22;
	s24 =	sadd.s32 $0x3, s22;
	v24 =	vld.idx.msk [tilespmem:v21+s12+$0x0], $0xffff;
	v25 =	vadd.s32 v26, v25  }
0x233: {  	s25 =	sadd.s32 $0x1, s22;
	v26 =	vadd.s32 s24, v3;
	v27 =	vadd.s32 s24, v7;
	v28 =	vld.idx.msk [tilespmem:v18+s12+$0x0], $0xffff;
	v18 =	vadd.s32 s23, v7  }
0x234: {  	s22 =	sadd.s32 $0x4, s22;
	v29 =	vadd.s32 s25, v7;
	v21 =	vadd.s32 s23, v3;
	vm0 =	vge.u32 v19, v12;
	v30 =	vld.idx.msk [tilespmem:v17+s12+$0x0], $0xffff;
	v17 =	vmovc v26  }
0x235: {  	p3 =	slt.s32 s22, s19;
	v26 =	vadd.s32 s25, v3;
	v19 =	vsel vm0, $0x1, v0;
	vm0 =	vge.u32 v16, v12;
	v31 =	vld.idx.msk [tilespmem:v15+s12+$0x0], $0xffff;
	v15 =	vmovc v27  }
0x236: {  	v16 =	vadd.s32 v19, v25;
	v19 =	vsel vm0, $0x1, v0;
	vm0 =	vge.u32 v14, v12  }
0x237: {  	v14 =	vadd.s32 v19, v16;
	v16 =	vsel vm0, $0x1, v0;
	vm0 =	vge.u32 v20, v12  }
.Ltmp37:
0x238: {  	v14 =	vadd.s32 v16, v14;
	v16 =	vsel vm0, $0x1, v0;
	vm0 =	vge.u32 v24, v12;
	(pc) =	sbr.rel @p3 .LBB2_61-.Ltmp37, $4  }
0x239: {  	v14 =	vadd.s32 v16, v14;
	v20 =	vsel vm0, $0x1, v0;
	vm0 =	vge.u32 v28, v12;
	v19 =	vld.idx.msk [tilespmem:v22+s12+$0x0], $0xffff  }
0x23a: {  	v20 =	vadd.s32 v20, v14;
	v22 =	vsel vm0, $0x1, v0;
	vm0 =	vge.u32 v30, v12;
	v16 =	vld.idx.msk [tilespmem:v23+s12+$0x0], $0xffff  }
0x23b: {  	v22 =	vadd.s32 v22, v20;
	v23 =	vsel vm0, $0x1, v0;
	vm0 =	vge.u32 v31, v12;
	v14 =	vld.idx.msk [tilespmem:v26+s12+$0x0], $0xffff  }
0x23c: {  	v25 =	vadd.s32 v23, v22;
	v26 =	vsel vm0, $0x1, v0;
	v20 =	vld.idx.msk [tilespmem:v29+s12+$0x0], $0xffff  }
0x23d: {  	v23 =	vmov v18;
	v24 =	vmov v17;
	v22 =	vmov v15  }
.LBB2_63:
0x23e: {  	_ =	sdelay $0x3  }
0x23f: {  	v15 =	vld.idx.msk [tilespmem:v21+s12+$0x0], $0xffff  }
0x240: {  	v17 =	vadd.s32 @p2 v26, v25;
	v18 =	vld.idx.msk [tilespmem:v23+s12+$0x0], $0xffff;
	vm0 =	vge.u32 v19, v12  }
0x241: {  	v60 =	vld.idx.msk [tilespmem:v24+s12+$0x0], $0xffff;
	v61 =	vsel vm0, $0x1, v0;
	vm9 =	vge.u32 v16, v12;
	v13 =	vpsel p2, v17, v13  }
0x242: {  	v62 =	vld.idx.msk [tilespmem:v22+s12+$0x0], $0xffff;
	v13 =	vadd.s32 v61, v13;
	v63 =	vsel vm9, $0x1, v0;
	vm10 =	vge.u32 v14, v12  }
0x243: {  	v13 =	vadd.s32 v63, v13;
	v14 =	vsel vm10, $0x1, v0;
	vm11 =	vge.u32 v20, v12  }
0x244: {  	v13 =	vadd.s32 v14, v13;
	v14 =	vsel vm11, $0x1, v0;
	vm12 =	vge.u32 v15, v12  }
.Ltmp38:
0x245: {  	v13 =	vadd.s32 v14, v13;
	vm13 =	vge.u32 v18, v12;
	v14 =	vsel vm12, $0x1, v0;
	(pc) =	sbr.rel .LBB2_54-.Ltmp38, $4  }
0x246: {  	vm14 =	vge.u32 v60, v12;
	v13 =	vadd.s32 v14, v13;
	v14 =	vsel vm13, $0x1, v0  }
0x247: {  	vm15 =	vge.u32 v62, v12;
	v13 =	vadd.s32 v14, v13;
	v14 =	vsel vm14, $0x1, v0  }
0x248: {  	v13 =	vadd.s32 v14, v13;
	v14 =	vsel vm15, $0x1, v0  }
0x249: {  	v13 =	vadd.s32 v14, v13  }
.LBB2_53:
0x24a: {  	v13 =	vimm.s32 $0x0  }
.LBB2_54:
.Ltmp39:
0x24b: {  	(pc) =	sbr.rel @p1 .LBB2_56-.Ltmp39, $2  }
0x24c: {  	_ =	sdelay $0x2  }
0x24d: {  	s22 =	smov.u32 s20  }
.LBB2_55:
0x24e: {  	s23 =	sadd.s32 s22, s18  }
0x24f: {  	v14 =	vadd.s32 s23, v3  }
0x250: {  	v15 =	vadd.s32 s23, v7;
	_ =	sdelay $0x3  }
0x251: {  	v14 =	vld.idx.msk [tilespmem:v14+s12+$0x0], $0xffff  }
0x252: {  	v15 =	vld.idx.msk [tilespmem:v15+s12+$0x0], $0xffff  }
0x253: {  	s22 =	sadd.s32 $0x1, s22  }
0x254: {  	p2 =	seq.s32 s22, $0x0  }
.Ltmp40:
0x255: {  	_ = 	snop;
	(pc) =	sbr.rel @!p2 .LBB2_55-.Ltmp40, $4  }
0x256: {  	vm0 =	vge.u32 v14, v12  }
0x257: {  	vm15 =	vge.u32 v15, v12;
	v14 =	vsel vm0, $0x1, v0  }
0x258: {  	v13 =	vadd.s32 v14, v13;
	v14 =	vsel vm15, $0x1, v0  }
0x259: {  	v13 =	vadd.s32 v14, v13  }
.Ltmp41:
0x25a: {  	_ = 	snop;
	(pc) =	sbr.rel .LBB2_56-.Ltmp41, $1  }
0x25b: {  	_ =	sdelay $0x3  }
.LBB2_58:
.Ltmp42:
0x25c: {  	(pc) =	sbr.rel .LBB2_63-.Ltmp42, $2  }
0x25d: {  	_ =	sdelay $0x2  }
0x25e: {  	_ = 	snop  }
.LBB2_60:
.Ltmp43:
0x25f: {  	(pc) =	sbr.rel .LBB2_63-.Ltmp43, $2  }
0x260: {  	_ =	sdelay $0x2  }
0x261: {  	v23 =	vmov v18;
	v24 =	vmov v17;
	v22 =	vmov v15  }
.LBB2_16:
0x262: {  	s18 =	simm.s32 $0x0  }
.LBB2_17:
0x263: {  	v12 =	vsub.s32 v11, v10;
	v13 =	vadd.s32 s19, v1  }
0x264: {  	s20 =	simm.s32 $0x2;
	s21 =	simm.s32 $0x3;
	s22 =	simm.s32 $0x1;
	v12 =	vadd.s32 $0x1, v12;
	v14 =	vand.u32 $0x7F, v13;
	v13 =	vand.u32 $0x780, v13  }
0x265: {  	s30 =	simm.s32 $0x7;
	v15 =	vadd.s32 s20, v1;
	v16 =	vadd.s32 s21, v1;
	v17 =	vadd.s32 s22, v1  }
0x266: {  	v21 =	vadd.s32 s30, v1;
	v12 =	vshrl.u32 v12, $0x1;
	v18 =	vand.u32 $0x7F, v15  }
0x267: {  	v19 =	vand.u32 $0x7F, v16;
	v20 =	vand.u32 $0x7F, v17;
	v15 =	vand.u32 $0x780, v15  }
0x268: {  	v16 =	vand.u32 $0x780, v16;
	v13 =	vshll.u32 v13, $0x3;
	v17 =	vand.u32 $0x780, v17  }
0x269: {  	v16 =	vshll.u32 v16, $0x3;
	v13 =	vor.u32 v5, v13;
	v17 =	vshll.u32 v17, $0x3  }
0x26a: {  	v15 =	vshll.u32 v15, $0x3;
	v13 =	vor.u32 v14, v13;
	v14 =	vor.u32 v5, v16  }
0x26b: {  	v15 =	vor.u32 v5, v15;
	v14 =	vor.u32 v19, v14;
	v16 =	vor.u32 v6, v13  }
0x26c: {  	v13 =	vor.u32 v5, v17;
	v15 =	vor.u32 v18, v15;
	v14 =	vor.u32 v6, v14  }
0x26d: {  	v24 =	vand.u32 $0x7F, v21;
	v17 =	vor.u32 v20, v13;
	v15 =	vor.u32 v6, v15  }
0x26e: {  	s28 =	simm.s32 $0x4;
	v21 =	vand.u32 $0x780, v21;
	v12 =	vadd.s32 v10, v12;
	v17 =	vor.u32 v6, v17  }
0x26f: {  	s29 =	simm.s32 $0x6;
	v21 =	vshll.u32 v21, $0x3;
	v18 =	vadd.s32 s28, v1;
	v13 =	vimm.s32 $0x0  }
0x270: {  	s31 =	simm.s32 $0x5;
	v19 =	vand.u32 $0x7F, v18;
	v18 =	vand.u32 $0x780, v18;
	v20 =	vadd.s32 s29, v1;
	v22 =	vld.idx.msk [tilespmem:v16+s10+$0x0], $0xffff  }
0x271: {  	v23 =	vand.u32 $0x7F, v20;
	v20 =	vand.u32 $0x780, v20;
	v16 =	vadd.s32 s31, v1;
	v14 =	vld.idx.msk [tilespmem:v14+s10+$0x0], $0xffff  }
0x272: {  	v26 =	vshll.u32 v18, $0x3;
	v25 =	vand.u32 $0x7F, v16;
	v15 =	vld.idx.msk [tilespmem:v15+s10+$0x0], $0xffff;
	v16 =	vand.u32 $0x780, v16  }
0x273: {  	v20 =	vshll.u32 v20, $0x3;
	v18 =	vld.idx.msk [tilespmem:v17+s10+$0x0], $0xffff;
	v17 =	vor.u32 v5, v26;
	v16 =	vshll.u32 v16, $0x3  }
0x274: {  	v17 =	vor.u32 v19, v17;
	v19 =	vor.u32 v5, v20;
	v20 =	vor.u32 v5, v21  }
0x275: {  	v16 =	vor.u32 v5, v16;
	v19 =	vor.u32 v23, v19;
	v21 =	vor.u32 v24, v20  }
0x276: {  	v17 =	vor.u32 v6, v17;
	v20 =	vor.u32 v25, v16;
	v16 =	vor.u32 v6, v21  }
0x277: {  	v21 =	vshra.s32 v22, $0x1F;
	v25 =	vshra.s32 v15, $0x1F;
	v23 =	vshra.s32 v14, $0x1F  }
0x278: {  	v24 =	vor.u32 $0x80000000, v21;
	v26 =	vshra.s32 v18, $0x1F;
	v21 =	vor.u32 $0x80000000, v23  }
0x279: {  	s20 =	simm.s32 $0x8;
	v23 =	vxor.u32 v22, v24;
	v22 =	vor.u32 $0x80000000, v25;
	v24 =	vor.u32 $0x80000000, v26  }
.LBB2_18:
0x27a: {  	p0 =	slt.u32 s20, $0x7FC;
	vm0 =	vge.u32 v23, v12;
	v18 =	vxor.u32 v18, v24;
	v14 =	vxor.u32 v14, v21  }
0x27b: {  	v15 =	vxor.u32 v15, v22;
	v21 =	vsel vm0, $0x1, v0;
	vm0 =	vge.u32 v18, v12  }
0x27c: {  	v13 =	vadd.s32 v21, v13;
	v18 =	vsel vm0, $0x1, v0;
	vm0 =	vge.u32 v15, v12  }
0x27d: {  	v13 =	vadd.s32 v18, v13;
	v15 =	vsel vm0, $0x1, v0;
	vm0 =	vge.u32 v14, v12  }
0x27e: {  	v18 =	vor.u32 v6, v19;
	v13 =	vadd.s32 v15, v13;
	v14 =	vsel vm0, $0x1, v0  }
0x27f: {  	v19 =	vor.u32 v6, v20;
	v15 =	vadd.s32 s20, v1;
	v13 =	vadd.s32 v14, v13  }
0x280: {  	s21 =	sadd.s32 $0x2, s20;
	s22 =	sadd.s32 $0x3, s20;
	v20 =	vand.u32 $0x7F, v15  }
0x281: {  	s23 =	sadd.s32 $0x1, s20;
	v22 =	vadd.s32 s22, v1;
	v21 =	vand.u32 $0x780, v15;
	v15 =	vadd.s32 s21, v1;
	v23 =	vld.idx.msk [tilespmem:v17+s10+$0x0], $0xffff  }
0x282: {  	v25 =	vand.u32 $0x7F, v22;
	v24 =	vand.u32 $0x7F, v15;
	v17 =	vadd.s32 s23, v1;
	v14 =	vld.idx.msk [tilespmem:v16+s10+$0x0], $0xffff  }
0x283: {  	v22 =	vand.u32 $0x780, v22;
	v26 =	vand.u32 $0x780, v15;
	v16 =	vand.u32 $0x7F, v17;
	v15 =	vld.idx.msk [tilespmem:v18+s10+$0x0], $0xffff  }
0x284: {  	v22 =	vshll.u32 v22, $0x3;
	v21 =	vshll.u32 v21, $0x3;
	v17 =	vand.u32 $0x780, v17;
	v18 =	vld.idx.msk [tilespmem:v19+s10+$0x0], $0xffff  }
0x285: {  	v17 =	vshll.u32 v17, $0x3;
	v19 =	vor.u32 v5, v21;
	v21 =	vshll.u32 v26, $0x3  }
0x286: {  	v20 =	vor.u32 v20, v19;
	v19 =	vor.u32 v5, v21;
	v21 =	vor.u32 v5, v22  }
.Ltmp44:
0x287: {  	v22 =	vor.u32 v5, v17;
	v19 =	vor.u32 v24, v19;
	v21 =	vor.u32 v25, v21;
	(pc) =	sbr.rel @p0 .LBB2_18-.Ltmp44, $4  }
0x288: {  	v17 =	vor.u32 v6, v20;
	v20 =	vor.u32 v16, v22;
	v16 =	vor.u32 v6, v21  }
0x289: {  	v21 =	vshra.s32 v23, $0x1F;
	v24 =	vshra.s32 v14, $0x1F;
	v22 =	vshra.s32 v15, $0x1F  }
0x28a: {  	v25 =	vor.u32 $0x80000000, v21;
	v21 =	vor.u32 $0x80000000, v24;
	v26 =	vshra.s32 v18, $0x1F  }
0x28b: {  	s20 =	sadd.s32 $0x4, s20;
	v23 =	vxor.u32 v23, v25;
	v22 =	vor.u32 $0x80000000, v22;
	v24 =	vor.u32 $0x80000000, v26  }
0x28c: {  	_ = 	snop  }
0x28d: {  	v20 =	vor.u32 v6, v20  }
0x28e: {  	v19 =	vor.u32 v6, v19;
	_ =	sdelay $0x1  }
0x28f: {  	v17 =	vld.idx.msk [tilespmem:v17+s10+$0x0], $0xffff  }
0x290: {  	vm0 =	vge.u32 v23, v12;
	v18 =	vxor.u32 v18, v24;
	v14 =	vxor.u32 v14, v21;
	v16 =	vld.idx.msk [tilespmem:v16+s10+$0x0], $0xffff  }
0x291: {  	v15 =	vxor.u32 v15, v22;
	v47 =	vsel vm0, $0x1, v0;
	vm8 =	vge.u32 v18, v12;
	v50 =	vld.idx.msk [tilespmem:v20+s10+$0x0], $0xffff  }
0x292: {  	vm9 =	vge.u32 v15, v12;
	v13 =	vadd.s32 v47, v13;
	v49 =	vsel vm8, $0x1, v0;
	v48 =	vld.idx.msk [tilespmem:v19+s10+$0x0], $0xffff  }
0x293: {  	vm10 =	vge.u32 v14, v12;
	v51 =	vsel vm9, $0x1, v0;
	v13 =	vadd.s32 v49, v13  }
0x294: {  	v14 =	vsel vm10, $0x1, v0;
	v13 =	vadd.s32 v51, v13;
	v52 =	vshra.s32 v17, $0x1F  }
0x295: {  	v13 =	vadd.s32 v14, v13;
	v54 =	vshra.s32 v16, $0x1F;
	v14 =	vor.u32 $0x80000000, v52  }
0x296: {  	v20 =	vor.u32 $0x80000000, v54;
	v14 =	vxor.u32 v17, v14;
	v55 =	vshra.s32 v50, $0x1F  }
0x297: {  	v58 =	vxor.u32 v16, v20;
	v53 =	vshra.s32 v48, $0x1F;
	v56 =	vor.u32 $0x80000000, v55  }
0x298: {  	vm11 =	vge.u32 v14, v12;
	v19 =	vor.u32 $0x80000000, v53;
	v57 =	vxor.u32 v50, v56  }
0x299: {  	v59 =	vsel vm11, $0x1, v0;
	v60 =	vxor.u32 v48, v19;
	vm12 =	vge.u32 v57, v12  }
0x29a: {  	v13 =	vadd.s32 v59, v13;
	vm13 =	vge.u32 v60, v12;
	v61 =	vsel vm12, $0x1, v0  }
0x29b: {  	vm14 =	vge.u32 v58, v12;
	v14 =	vsel vm13, $0x1, v0;
	v13 =	vadd.s32 v61, v13  }
0x29c: {  	s18 =	sadd.s32 $0x1, s18;
	v62 =	vsel vm14, $0x1, v0;
	v13 =	vadd.s32 v14, v13  }
0x29d: {  	p0 =	sne.s32 s18, $0x20;
	v13 =	vadd.s32 v62, v13  }
.Ltmp45:
0x29e: {  	v14 =	vperm.xlane v13, v8;
	(pc) =	sbr.rel @p0 .LBB2_17-.Ltmp45, $4  }
.Ltmp46:
0x29f: {  	_ = 	snop;
	(pc) =	sbr.rel @!p0 .LBB2_41-.Ltmp46, $4  }
0x2a0: {  	v13 =	vadd.s32 v13, v14  }
0x2a1: {  	v63 =	vadd.s32 $0xFFFFFFFF, v12;
	vm15 =	vgt.s32 v13, $0x1F  }
0x2a2: {  	v10 =	vsel vm15, v12, v10;
	v11 =	vsel vm15, v11, v63  }
0x2a3: {  	_ = 	snop  }
.LBB2_31:
0x2a4: {  	s18 =	simm.s32 $0x0  }
.LBB2_32:
0x2a5: {  	v12 =	vsub.s32 v11, v10;
	v13 =	vadd.s32 s19, v1  }
0x2a6: {  	s20 =	simm.s32 $0x2;
	s21 =	simm.s32 $0x3;
	s22 =	simm.s32 $0x1;
	v12 =	vadd.s32 $0x1, v12;
	v14 =	vand.u32 $0x7F, v13;
	v13 =	vand.u32 $0x780, v13  }
0x2a7: {  	s30 =	simm.s32 $0x7;
	v15 =	vadd.s32 s20, v1;
	v16 =	vadd.s32 s21, v1;
	v17 =	vadd.s32 s22, v1  }
0x2a8: {  	v21 =	vadd.s32 s30, v1;
	v12 =	vshrl.u32 v12, $0x1;
	v18 =	vand.u32 $0x7F, v15  }
0x2a9: {  	v19 =	vand.u32 $0x7F, v16;
	v20 =	vand.u32 $0x7F, v17;
	v15 =	vand.u32 $0x780, v15  }
0x2aa: {  	v16 =	vand.u32 $0x780, v16;
	v13 =	vshll.u32 v13, $0x3;
	v17 =	vand.u32 $0x780, v17  }
0x2ab: {  	v16 =	vshll.u32 v16, $0x3;
	v13 =	vor.u32 v5, v13;
	v17 =	vshll.u32 v17, $0x3  }
0x2ac: {  	v15 =	vshll.u32 v15, $0x3;
	v13 =	vor.u32 v14, v13;
	v14 =	vor.u32 v5, v16  }
0x2ad: {  	v15 =	vor.u32 v5, v15;
	v14 =	vor.u32 v19, v14;
	v16 =	vor.u32 v6, v13  }
0x2ae: {  	v13 =	vor.u32 v5, v17;
	v15 =	vor.u32 v18, v15;
	v14 =	vor.u32 v6, v14  }
0x2af: {  	v24 =	vand.u32 $0x7F, v21;
	v17 =	vor.u32 v20, v13;
	v15 =	vor.u32 v6, v15  }
0x2b0: {  	s28 =	simm.s32 $0x4;
	v21 =	vand.u32 $0x780, v21;
	v12 =	vadd.s32 v10, v12;
	v17 =	vor.u32 v6, v17  }
0x2b1: {  	s29 =	simm.s32 $0x6;
	v21 =	vshll.u32 v21, $0x3;
	v18 =	vadd.s32 s28, v1;
	v13 =	vimm.s32 $0x0  }
0x2b2: {  	s31 =	simm.s32 $0x5;
	v19 =	vand.u32 $0x7F, v18;
	v18 =	vand.u32 $0x780, v18;
	v20 =	vadd.s32 s29, v1;
	v22 =	vld.idx.msk [tilespmem:v16+s2+$0x0], $0xffff  }
0x2b3: {  	v23 =	vand.u32 $0x7F, v20;
	v20 =	vand.u32 $0x780, v20;
	v16 =	vadd.s32 s31, v1;
	v14 =	vld.idx.msk [tilespmem:v14+s2+$0x0], $0xffff  }
0x2b4: {  	v26 =	vshll.u32 v18, $0x3;
	v25 =	vand.u32 $0x7F, v16;
	v15 =	vld.idx.msk [tilespmem:v15+s2+$0x0], $0xffff;
	v16 =	vand.u32 $0x780, v16  }
0x2b5: {  	v20 =	vshll.u32 v20, $0x3;
	v18 =	vld.idx.msk [tilespmem:v17+s2+$0x0], $0xffff;
	v17 =	vor.u32 v5, v26;
	v16 =	vshll.u32 v16, $0x3  }
0x2b6: {  	v17 =	vor.u32 v19, v17;
	v19 =	vor.u32 v5, v20;
	v20 =	vor.u32 v5, v21  }
0x2b7: {  	v16 =	vor.u32 v5, v16;
	v19 =	vor.u32 v23, v19;
	v21 =	vor.u32 v24, v20  }
0x2b8: {  	v17 =	vor.u32 v6, v17;
	v20 =	vor.u32 v25, v16;
	v16 =	vor.u32 v6, v21  }
0x2b9: {  	v21 =	vshra.s32 v22, $0x1F;
	v25 =	vshra.s32 v15, $0x1F;
	v23 =	vshra.s32 v14, $0x1F  }
0x2ba: {  	v24 =	vor.u32 $0x80000000, v21;
	v26 =	vshra.s32 v18, $0x1F;
	v21 =	vor.u32 $0x80000000, v23  }
0x2bb: {  	s20 =	simm.s32 $0x8;
	v23 =	vxor.u32 v22, v24;
	v22 =	vor.u32 $0x80000000, v25;
	v24 =	vor.u32 $0x80000000, v26  }
.LBB2_33:
0x2bc: {  	p0 =	slt.u32 s20, $0x7FC;
	vm0 =	vge.u32 v23, v12;
	v18 =	vxor.u32 v18, v24;
	v14 =	vxor.u32 v14, v21  }
0x2bd: {  	v15 =	vxor.u32 v15, v22;
	v21 =	vsel vm0, $0x1, v0;
	vm0 =	vge.u32 v18, v12  }
0x2be: {  	v13 =	vadd.s32 v21, v13;
	v18 =	vsel vm0, $0x1, v0;
	vm0 =	vge.u32 v15, v12  }
0x2bf: {  	v13 =	vadd.s32 v18, v13;
	v15 =	vsel vm0, $0x1, v0;
	vm0 =	vge.u32 v14, v12  }
0x2c0: {  	v18 =	vor.u32 v6, v19;
	v13 =	vadd.s32 v15, v13;
	v14 =	vsel vm0, $0x1, v0  }
0x2c1: {  	v19 =	vor.u32 v6, v20;
	v15 =	vadd.s32 s20, v1;
	v13 =	vadd.s32 v14, v13  }
0x2c2: {  	s21 =	sadd.s32 $0x2, s20;
	s22 =	sadd.s32 $0x3, s20;
	v20 =	vand.u32 $0x7F, v15  }
0x2c3: {  	s23 =	sadd.s32 $0x1, s20;
	v22 =	vadd.s32 s22, v1;
	v21 =	vand.u32 $0x780, v15;
	v15 =	vadd.s32 s21, v1;
	v23 =	vld.idx.msk [tilespmem:v17+s2+$0x0], $0xffff  }
0x2c4: {  	v25 =	vand.u32 $0x7F, v22;
	v24 =	vand.u32 $0x7F, v15;
	v17 =	vadd.s32 s23, v1;
	v14 =	vld.idx.msk [tilespmem:v16+s2+$0x0], $0xffff  }
0x2c5: {  	v22 =	vand.u32 $0x780, v22;
	v26 =	vand.u32 $0x780, v15;
	v16 =	vand.u32 $0x7F, v17;
	v15 =	vld.idx.msk [tilespmem:v18+s2+$0x0], $0xffff  }
0x2c6: {  	v22 =	vshll.u32 v22, $0x3;
	v21 =	vshll.u32 v21, $0x3;
	v17 =	vand.u32 $0x780, v17;
	v18 =	vld.idx.msk [tilespmem:v19+s2+$0x0], $0xffff  }
0x2c7: {  	v17 =	vshll.u32 v17, $0x3;
	v19 =	vor.u32 v5, v21;
	v21 =	vshll.u32 v26, $0x3  }
0x2c8: {  	v20 =	vor.u32 v20, v19;
	v19 =	vor.u32 v5, v21;
	v21 =	vor.u32 v5, v22  }
.Ltmp47:
0x2c9: {  	v22 =	vor.u32 v5, v17;
	v19 =	vor.u32 v24, v19;
	v21 =	vor.u32 v25, v21;
	(pc) =	sbr.rel @p0 .LBB2_33-.Ltmp47, $4  }
0x2ca: {  	v17 =	vor.u32 v6, v20;
	v20 =	vor.u32 v16, v22;
	v16 =	vor.u32 v6, v21  }
0x2cb: {  	v21 =	vshra.s32 v23, $0x1F;
	v24 =	vshra.s32 v14, $0x1F;
	v22 =	vshra.s32 v15, $0x1F  }
0x2cc: {  	v25 =	vor.u32 $0x80000000, v21;
	v21 =	vor.u32 $0x80000000, v24;
	v26 =	vshra.s32 v18, $0x1F  }
0x2cd: {  	s20 =	sadd.s32 $0x4, s20;
	v23 =	vxor.u32 v23, v25;
	v22 =	vor.u32 $0x80000000, v22;
	v24 =	vor.u32 $0x80000000, v26  }
0x2ce: {  	_ = 	snop  }
0x2cf: {  	v20 =	vor.u32 v6, v20  }
0x2d0: {  	v19 =	vor.u32 v6, v19;
	_ =	sdelay $0x1  }
0x2d1: {  	v17 =	vld.idx.msk [tilespmem:v17+s2+$0x0], $0xffff  }
0x2d2: {  	vm0 =	vge.u32 v23, v12;
	v18 =	vxor.u32 v18, v24;
	v14 =	vxor.u32 v14, v21;
	v16 =	vld.idx.msk [tilespmem:v16+s2+$0x0], $0xffff  }
0x2d3: {  	v15 =	vxor.u32 v15, v22;
	v47 =	vsel vm0, $0x1, v0;
	vm8 =	vge.u32 v18, v12;
	v50 =	vld.idx.msk [tilespmem:v20+s2+$0x0], $0xffff  }
0x2d4: {  	vm9 =	vge.u32 v15, v12;
	v13 =	vadd.s32 v47, v13;
	v49 =	vsel vm8, $0x1, v0;
	v48 =	vld.idx.msk [tilespmem:v19+s2+$0x0], $0xffff  }
0x2d5: {  	vm10 =	vge.u32 v14, v12;
	v51 =	vsel vm9, $0x1, v0;
	v13 =	vadd.s32 v49, v13  }
0x2d6: {  	v14 =	vsel vm10, $0x1, v0;
	v13 =	vadd.s32 v51, v13;
	v52 =	vshra.s32 v17, $0x1F  }
0x2d7: {  	v13 =	vadd.s32 v14, v13;
	v54 =	vshra.s32 v16, $0x1F;
	v14 =	vor.u32 $0x80000000, v52  }
0x2d8: {  	v20 =	vor.u32 $0x80000000, v54;
	v14 =	vxor.u32 v17, v14;
	v55 =	vshra.s32 v50, $0x1F  }
0x2d9: {  	v58 =	vxor.u32 v16, v20;
	v53 =	vshra.s32 v48, $0x1F;
	v56 =	vor.u32 $0x80000000, v55  }
0x2da: {  	vm11 =	vge.u32 v14, v12;
	v19 =	vor.u32 $0x80000000, v53;
	v57 =	vxor.u32 v50, v56  }
0x2db: {  	v59 =	vsel vm11, $0x1, v0;
	v60 =	vxor.u32 v48, v19;
	vm12 =	vge.u32 v57, v12  }
0x2dc: {  	v13 =	vadd.s32 v59, v13;
	vm13 =	vge.u32 v60, v12;
	v61 =	vsel vm12, $0x1, v0  }
0x2dd: {  	vm14 =	vge.u32 v58, v12;
	v14 =	vsel vm13, $0x1, v0;
	v13 =	vadd.s32 v61, v13  }
0x2de: {  	s18 =	sadd.s32 $0x1, s18;
	v62 =	vsel vm14, $0x1, v0;
	v13 =	vadd.s32 v14, v13  }
0x2df: {  	p0 =	seq.s32 s18, $0x20;
	v13 =	vadd.s32 v62, v13  }
.Ltmp48:
0x2e0: {  	v14 =	vperm.xlane v13, v8;
	(pc) =	sbr.rel @!p0 .LBB2_32-.Ltmp48, $4  }
.Ltmp49:
0x2e1: {  	_ = 	snop;
	(pc) =	sbr.rel @p0 .LBB2_41-.Ltmp49, $4  }
0x2e2: {  	v13 =	vadd.s32 v13, v14  }
0x2e3: {  	v63 =	vadd.s32 $0xFFFFFFFF, v12;
	vm15 =	vgt.s32 v13, $0x1F  }
0x2e4: {  	v10 =	vsel vm15, v12, v10;
	v11 =	vsel vm15, v11, v63  }
0x2e5: {  	_ = 	snop  }
.LBB2_43:
0x2e6: {  	_ =	sfence.sel $0x180000  }
0x2e7: {  	[bflag:$0x0] =	sbarrier.arrive $0xFFFF  }
0x2e8: {  	p0 =	sne.s32 s1, $0x0;
	_ =	strace $0x90000047  }
0x2e9: {  	s0 =	sadd.s32 @!p0 $0x100000, s0;
	[bflag:$0x2] =	sbarrier.arrive $0xFFFF  }
0x2ea: {  	[sflag:s0] =	ssyncadd.tile.s32 @!p0 $0x1;
	_ =	shalt  }
.Lfunc_end2:
_tile_overlayer_lowered:
.L_overlay_start_2:
0x2eb: {  	(tag) =	ssettag $0x2  }
0x2ec: {  	s0 =	rddreg [dreg:$0x0];
	s2 =	stileid.u32  }
0x2ed: {  	s1 =	rddreg [dreg:$0x1];
	p0 =	sne.s32 s2, $0x0  }
0x2ee: {  	s3 =	rddreg [dreg:$0x2];
	[bflag:$0x3] =	sbarrier.arrive $0xFFFF;
	s2 =	simm.s32 @!p0 $0x1C03  }
0x2ef: {  	[timem:s3], [sflag:s2] =	dma.local @!p0 [hbm:s0], s1  }
0x2f0: {  	s0 =	simm.s32 @!p0 $0x3  }
0x2f1: {  	_ =	swait.ge @!p0 [sflag:s0], s1  }
0x2f2: {  	s1 =	ssub.s32 @!p0 $0x0, s1;
	[sflag:s0] =	ssyncset.done @!p0 $0x0  }
0x2f3: {  	[sflag:s0] =	ssyncadd.s32 @!p0 s1  }
0x2f4: {  	[bflag:$0x3] =	sbarrier.arrive $0xFFFF  }
0x2f5: {  	_ =	shalt  }

</sc_bundles>
